<compile_context>
chip_gen: v7x
topology: tpu7x:2x2x1
jax: 0.10.2.dev20260603
libtpu: 0.0.44.dev20260713+nightly
codegen_flags: <defaults>
</compile_context>

<pallas_src>
import jax
import jax.numpy as jnp
from jax import lax
from jax.experimental import pallas as pl
from jax.experimental.pallas import tpu as pltpu
from jax.experimental.pallas import tpu_sc as plsc

N = 10000
D = 128
NUM_EDGES = 320000

NC = 2
NS = 16
NW = NC * NS

CHUNK = 128
CHUNKS = 80
HALF = CHUNKS // 2
E_PAD = NW * CHUNKS * CHUNK
N_PAD = 10240
STRIPE = N_PAD // NS
DEG_W = 16

_MESH = plsc.VectorSubcoreMesh(core_axis_name="c", subcore_axis_name="s")


def _zero_vmem(ref, nwords):
    cols = ref.shape[-1]
    per_row = cols // 16

    def body(i, _):
        r = lax.div(i, per_row)
        c = lax.rem(i, per_row) * 16
        ref[r, pl.ds(c, 16)] = jnp.zeros((16,), jnp.float32)
        return 0

    lax.fori_loop(0, nwords // 16, body, 0)


def _zero_vmem_bf16(ref, total):
    cols = ref.shape[-1]
    per_row = cols // 32

    def body(i, _):
        r = lax.div(i, per_row)
        c = lax.rem(i, per_row) * 32
        ref[r, pl.ds(c, 32)] = jnp.zeros((32,), jnp.bfloat16)
        return 0

    lax.fori_loop(0, total // 32, body, 0)


def _fill_ones(ref):
    rows, cols = ref.shape
    per_row = cols // 16

    def body(i, _):
        r = lax.div(i, per_row)
        c = lax.rem(i, per_row) * 16
        ref[r, pl.ds(c, 16)] = jnp.ones((16,), jnp.float32)
        return 0

    lax.fori_loop(0, rows * per_row, body, 0)


def _unpack_lo(pk, j, buf, b):
    def f(k, _):
        v = pk[j, pl.ds(k * 16, 16)]
        buf[b, pl.ds(k * 16, 16)] = jnp.bitwise_and(v, 0xFFFF)
        return 0
    lax.fori_loop(0, CHUNK // 16, f, 0)


def _unpack_hi(pk, j, buf, b):
    def f(k, _):
        v = pk[j, pl.ds(k * 16, 16)]
        buf[b, pl.ds(k * 16, 16)] = jnp.right_shift(v, 16)
        return 0
    lax.fori_loop(0, CHUNK // 16, f, 0)


def _make_agg():
    out_type = jax.ShapeDtypeStruct((NC, N_PAD, D), jnp.bfloat16)
    scratch = [
        pltpu.VMEM((CHUNKS, CHUNK), jnp.int32),
        pltpu.VMEM((2, CHUNK), jnp.int32),
        pltpu.VMEM((2, CHUNK), jnp.int32),
        pltpu.VMEM((2, CHUNK, D), jnp.bfloat16),
        pltpu.VMEM_SHARED((N_PAD, D), jnp.bfloat16),
        pltpu.SemaphoreType.DMA,
        pltpu.SemaphoreType.DMA,
    ]

    def body(t_hbm, pk_hbm, out_hbm, pk, sbuf, dbuf, rows, acc,
             gsem0, gsem1):
        cid = lax.axis_index("c")
        sid = lax.axis_index("s")
        w = cid * NS + sid

        pltpu.sync_copy(pk_hbm.at[w], pk)

        _zero_vmem_bf16(rows.at[0], CHUNK * D)
        for k in range(STRIPE // CHUNK):
            pltpu.sync_copy(rows.at[0], acc.at[pl.ds(sid * STRIPE + k * CHUNK, CHUNK)])
        plsc.subcore_barrier()

        _unpack_lo(pk, 0, sbuf, 0)
        pltpu.async_copy(t_hbm.at[sbuf.at[0]], rows.at[0], gsem0)

        def step(i, _):
            j0 = 2 * i
            j1 = j0 + 1
            _unpack_lo(pk, j1, sbuf, 1)
            pltpu.async_copy(t_hbm.at[sbuf.at[1]], rows.at[1], gsem1)
            pltpu.make_async_copy(t_hbm.at[sbuf.at[0]], rows.at[0], gsem0).wait()
            _unpack_hi(pk, j0, dbuf, 0)
            pltpu.sync_copy(rows.at[0], acc.at[dbuf.at[0]], add=True)

            @pl.when(i + 1 < HALF)
            def _():
                _unpack_lo(pk, j0 + 2, sbuf, 0)
                pltpu.async_copy(t_hbm.at[sbuf.at[0]], rows.at[0], gsem0)

            pltpu.make_async_copy(t_hbm.at[sbuf.at[1]], rows.at[1], gsem1).wait()
            _unpack_hi(pk, j1, dbuf, 1)
            pltpu.sync_copy(rows.at[1], acc.at[dbuf.at[1]], add=True)
            return 0

        lax.fori_loop(0, HALF, step, 0)
        plsc.subcore_barrier()

        pltpu.sync_copy(acc.at[pl.ds(sid * STRIPE, STRIPE)],
                        out_hbm.at[cid, pl.ds(sid * STRIPE, STRIPE)])

    return pl.kernel(body, out_type=out_type, mesh=_MESH,
                     scratch_types=tuple(scratch),
                     compiler_params=pltpu.CompilerParams(
                         use_tc_tiling_on_sc=False))


def _make_deg():
    out_type = jax.ShapeDtypeStruct((NC, N_PAD, DEG_W), jnp.float32)
    scratch = [
        pltpu.VMEM((CHUNKS, CHUNK), jnp.int32),
        pltpu.VMEM((1, CHUNK), jnp.int32),
        pltpu.VMEM((CHUNK, DEG_W), jnp.float32),
        pltpu.VMEM((STRIPE, DEG_W), jnp.float32),
        pltpu.VMEM_SHARED((N_PAD, DEG_W), jnp.float32),
    ]

    def body(pk_hbm, deg_hbm, pk, dbuf, ones_v, degz, dacc):
        cid = lax.axis_index("c")
        sid = lax.axis_index("s")
        w = cid * NS + sid

        pltpu.sync_copy(pk_hbm.at[w], pk)
        _fill_ones(ones_v)
        _zero_vmem(degz, STRIPE * DEG_W)
        pltpu.sync_copy(degz, dacc.at[pl.ds(sid * STRIPE, STRIPE)])
        plsc.subcore_barrier()

        def step(j, _):
            _unpack_hi(pk, j, dbuf, 0)
            pltpu.sync_copy(ones_v, dacc.at[dbuf.at[0]], add=True)
            return 0

        lax.fori_loop(0, CHUNKS, step, 0)
        plsc.subcore_barrier()
        pltpu.sync_copy(dacc.at[pl.ds(sid * STRIPE, STRIPE)],
                        deg_hbm.at[cid, pl.ds(sid * STRIPE, STRIPE)])

    return pl.kernel(body, out_type=out_type, mesh=_MESH,
                     scratch_types=tuple(scratch),
                     compiler_params=pltpu.CompilerParams(
                         use_tc_tiling_on_sc=False))


_agg = _make_agg()
_deg = _make_deg()

_BLK = 1000
_GRID = N // _BLK


def _mm_body(x_ref, w_ref, o_ref):
    o_ref[...] = jnp.dot(x_ref[...], w_ref[...],
                         preferred_element_type=jnp.float32
                         ).astype(jnp.bfloat16)


def _tc_matmul(x, w):
    return pl.pallas_call(
        _mm_body,
        grid=(_GRID,),
        in_specs=[pl.BlockSpec((_BLK, D), lambda i: (i, 0)),
                  pl.BlockSpec((D, D), lambda i: (0, 0))],
        out_specs=pl.BlockSpec((_BLK, D), lambda i: (i, 0)),
        out_shape=jax.ShapeDtypeStruct((N, D), jnp.bfloat16),
    )(x, w)


def _neigh(p_ref, dg_ref):
    deg = jnp.maximum(dg_ref[0] + dg_ref[1], 1.0)
    inv = 1.0 / deg[:, 0:1]
    return (p_ref[0].astype(jnp.float32) + p_ref[1].astype(jnp.float32)) * inv


def _p_specs():
    return [pl.BlockSpec((NC, _BLK, D), lambda i: (0, i, 0)),
            pl.BlockSpec((NC, _BLK, DEG_W), lambda i: (0, i, 0))]


def _combine_body(h_ref, p_ref, dg_ref, ws_ref, b_ref, wn_ref, ho_ref, to_ref):
    h = (jnp.dot(h_ref[...], ws_ref[...], preferred_element_type=jnp.float32)
         + _neigh(p_ref, dg_ref) + b_ref[...])
    ho_ref[...] = h
    to_ref[...] = jnp.dot(h, wn_ref[...], preferred_element_type=jnp.float32
                          ).astype(jnp.bfloat16)


def _tc_combine(h, p, dg, ws, b, wn):
    return pl.pallas_call(
        _combine_body,
        grid=(_GRID,),
        in_specs=[pl.BlockSpec((_BLK, D), lambda i: (i, 0))] + _p_specs() +
                 [pl.BlockSpec((D, D), lambda i: (0, 0)),
                  pl.BlockSpec((1, D), lambda i: (0, 0)),
                  pl.BlockSpec((D, D), lambda i: (0, 0))],
        out_specs=[pl.BlockSpec((_BLK, D), lambda i: (i, 0)),
                   pl.BlockSpec((_BLK, D), lambda i: (i, 0))],
        out_shape=[jax.ShapeDtypeStruct((N, D), jnp.float32),
                   jax.ShapeDtypeStruct((N, D), jnp.bfloat16)],
    )(h, p, dg, ws, b.reshape(1, D), wn)


def _final_body(h_ref, p_ref, dg_ref, ws_ref, b_ref, ho_ref):
    h = (jnp.dot(h_ref[...], ws_ref[...], preferred_element_type=jnp.float32)
         + _neigh(p_ref, dg_ref) + b_ref[...])
    ho_ref[...] = jnp.maximum(h, 0.0)


def _tc_final(h, p, dg, ws, b):
    return pl.pallas_call(
        _final_body,
        grid=(_GRID,),
        in_specs=[pl.BlockSpec((_BLK, D), lambda i: (i, 0))] + _p_specs() +
                 [pl.BlockSpec((D, D), lambda i: (0, 0)),
                  pl.BlockSpec((1, D), lambda i: (0, 0))],
        out_specs=pl.BlockSpec((_BLK, D), lambda i: (i, 0)),
        out_shape=jax.ShapeDtypeStruct((N, D), jnp.float32),
    )(h, p, dg, ws, b.reshape(1, D))


def kernel(x, edge_index, W_self1, W_neigh1, b1, W_self2, W_neigh2, b2,
           W_self3, W_neigh3, b3):
    src = edge_index[0]
    dst = edge_index[1]
    pad = E_PAD - NUM_EDGES
    ar = jnp.arange(pad, dtype=jnp.int32)
    dummy_dst = N + (ar % (N_PAD - N))
    dummy_src = (ar * 13) % N
    src_p = jnp.concatenate([src, dummy_src])
    dst_p = jnp.concatenate([dst, dummy_dst])
    pk = ((dst_p << 16) | src_p).reshape(NW, CHUNKS, CHUNK)

    dg = _deg(pk)

    t1 = _tc_matmul(x, W_neigh1)
    h1, t2 = _tc_combine(x, _agg(t1, pk), dg, W_self1, b1, W_neigh2)
    h2, t3 = _tc_combine(h1, _agg(t2, pk), dg, W_self2, b2, W_neigh3)
    return _tc_final(h2, _agg(t3, pk), dg, W_self3, b3)

# --- scband reference (transcript-rebuilt; emitter-appended) ---
"""Pipeline reference for scband-sage-26809185861708 (READ-ONLY COPY).

The authoritative reference and input builder live on the scoring server;
editing this copy changes nothing except your own understanding.
"""

import jax, jax.numpy as jnp
import numpy as np

N = 10000
E = 320000
D_IN = 128
D_HID = 128
D_OUT = 128


def setup_inputs(seed: int = 0) -> dict:
    key = jax.random.key(seed)
    ks = jax.random.split(key, 12)
    x = jax.random.normal(ks[0], (N, D_IN), dtype=jnp.float32)
    edge_index = jax.random.randint(ks[1], (2, E), 0, N, dtype=jnp.int32)
    def lin(k, fan_in, fan_out):
        return jax.random.normal(k, (fan_in, fan_out), dtype=jnp.float32) * (1.0 / np.sqrt(fan_in))
    W_self1 = lin(ks[2], D_IN, D_HID)
    W_neigh1 = lin(ks[3], D_IN, D_HID)
    b1 = jnp.zeros((D_HID,), dtype=jnp.float32)
    W_self2 = lin(ks[4], D_HID, D_HID)
    W_neigh2 = lin(ks[5], D_HID, D_HID)
    b2 = jnp.zeros((D_HID,), dtype=jnp.float32)
    W_self3 = lin(ks[6], D_HID, D_OUT)
    W_neigh3 = lin(ks[7], D_HID, D_OUT)
    b3 = jnp.zeros((D_OUT,), dtype=jnp.float32)
    return {"x": x, "edge_index": edge_index,
            "W_self1": W_self1, "W_neigh1": W_neigh1, "b1": b1,
            "W_self2": W_self2, "W_neigh2": W_neigh2, "b2": b2,
            "W_self3": W_self3, "W_neigh3": W_neigh3, "b3": b3}


def _sage_conv(h, edge_index, W_self, W_neigh, b):
    # DGL SAGEConv with 'mean' aggregator: fc_self(h) + fc_neigh(mean_neighbors(h))
    src = edge_index[0]
    dst = edge_index[1]
    msgs = jnp.take(h, src, axis=0)
    agg = jax.ops.segment_sum(msgs, dst, num_segments=N)
    deg = jax.ops.segment_sum(jnp.ones((msgs.shape[0], 1), dtype=h.dtype), dst, num_segments=N)
    h_neigh = agg / jnp.maximum(deg, 1.0)
    return h @ W_self + h_neigh @ W_neigh + b


def reference(x, edge_index, W_self1, W_neigh1, b1, W_self2, W_neigh2, b2, W_self3, W_neigh3, b3):
    h = _sage_conv(x, edge_index, W_self1, W_neigh1, b1)
    h = _sage_conv(h, edge_index, W_self2, W_neigh2, b2)
    h = _sage_conv(h, edge_index, W_self3, W_neigh3, b3)
    h = jax.nn.relu(h)
    # Dropout is identity in deterministic/eval reference
    return h

if __name__ == "__main__":
    import jax
    _d = setup_inputs()
    print(jax.jit(kernel)(*tuple(_d.values())))

</pallas_src>

<mosaic_0001>
#map = affine_map<(d0, d1) -> (0, 0)>
#map1 = affine_map<(d0, d1) -> (0, 0, 0)>
module attributes {stable_mosaic.version = 14 : i64} {
  func.func @body(%arg0: i32, %arg1: i32, %arg2: memref<10000x128xbf16, #tpu.memory_space<hbm>>, %arg3: memref<32x80x128xi32, #tpu.memory_space<hbm>>, %arg4: memref<2x10240x128xbf16, #tpu.memory_space<hbm>>, %arg5: memref<80x128xi32, #tpu.memory_space<vmem>>, %arg6: memref<2x128xi32, #tpu.memory_space<vmem>>, %arg7: memref<2x128xi32, #tpu.memory_space<vmem>>, %arg8: memref<2x128x128xbf16, #tpu.memory_space<vmem>>, %arg9: memref<10240x128xbf16, #tpu.memory_space<vmem_shared>>, %arg10: memref<!tpu.dma_semaphore, #tpu.memory_space<semaphore_mem>>, %arg11: memref<!tpu.dma_semaphore, #tpu.memory_space<semaphore_mem>>) attributes {dimension_semantics = [#tpu.dimension_semantics<core_parallel>, #tpu.dimension_semantics<subcore_parallel>], iteration_bounds = array<i64: 2, 16>, scalar_prefetch = 0 : i64, scratch_operands = 7 : i64, tpu.core_type = #tpu.core_type<sc_vector_subcore>, window_params = [{transform_indices = #map}, {transform_indices = #map1}, {transform_indices = #map1}]} {
    %mul3A = arith.constant 16 : i32
    %mul3A_0 = arith.muli %arg0, %mul3A : i32
    %add3A = arith.addi %mul3A_0, %arg1 : i32
    "tpu.region"() ({
      %run_scoped3A_62 = tpu.sem_alloc : memref<!tpu.dma_semaphore, #tpu.memory_space<semaphore_mem>>
      %dma_start3A_63 = arith.constant 0 : i32
      %dma_start3A_64 = arith.constant 0 : i32
      %dma_start3A_65 = tpu.memref_slice %arg3[%add3A, %dma_start3A_63, %dma_start3A_64] : memref<32x80x128xi32, #tpu.memory_space<hbm>> -> memref<1x80x128xi32, #tpu.memory_space<hbm>>
      %dma_start3A_66 = tpu.memref_squeeze %dma_start3A_65 : memref<1x80x128xi32, #tpu.memory_space<hbm>> -> memref<80x128xi32, #tpu.memory_space<hbm>>
      %dma_start3A_67 = arith.constant 0 : i32
      %dma_start3A_68 = arith.constant 0 : i32
      %dma_start3A_69 = tpu.memref_slice %arg3[%add3A, %dma_start3A_67, %dma_start3A_68] : memref<32x80x128xi32, #tpu.memory_space<hbm>> -> memref<1x80x128xi32, #tpu.memory_space<hbm>>
      %dma_start3A_70 = tpu.memref_squeeze %dma_start3A_69 : memref<1x80x128xi32, #tpu.memory_space<hbm>> -> memref<80x128xi32, #tpu.memory_space<hbm>>
      tpu.enqueue_dma source(%dma_start3A_70 : memref<80x128xi32, #tpu.memory_space<hbm>>) target(%arg5 : memref<80x128xi32, #tpu.memory_space<vmem>>) target_semaphore(%run_scoped3A_62 : memref<!tpu.dma_semaphore, #tpu.memory_space<semaphore_mem>>)
      %dma_wait3A = arith.constant 0 : i32
      %dma_wait3A_71 = arith.constant 0 : i32
      %dma_wait3A_72 = tpu.memref_slice %arg3[%add3A, %dma_wait3A, %dma_wait3A_71] : memref<32x80x128xi32, #tpu.memory_space<hbm>> -> memref<1x80x128xi32, #tpu.memory_space<hbm>>
      %dma_wait3A_73 = tpu.memref_squeeze %dma_wait3A_72 : memref<1x80x128xi32, #tpu.memory_space<hbm>> -> memref<80x128xi32, #tpu.memory_space<hbm>>
      %dma_wait3A_74 = arith.constant 0 : i32
      %dma_wait3A_75 = arith.constant 0 : i32
      %dma_wait3A_76 = tpu.memref_slice %arg3[%add3A, %dma_wait3A_74, %dma_wait3A_75] : memref<32x80x128xi32, #tpu.memory_space<hbm>> -> memref<1x80x128xi32, #tpu.memory_space<hbm>>
      %dma_wait3A_77 = tpu.memref_squeeze %dma_wait3A_76 : memref<1x80x128xi32, #tpu.memory_space<hbm>> -> memref<80x128xi32, #tpu.memory_space<hbm>>
      tpu.wait_dma2 semaphore(%run_scoped3A_62 : memref<!tpu.dma_semaphore, #tpu.memory_space<semaphore_mem>>) src(%dma_wait3A_77 : memref<80x128xi32, #tpu.memory_space<hbm>>) dst(%arg5 : memref<80x128xi32, #tpu.memory_space<vmem>>)
      tpu.yield
    }) : () -> ()
    %scan3A = arith.constant 0 : i32
    %scan3A_1 = arith.constant 0 : i32
    %scan3A_2 = arith.constant 0 : i32
    %scan3A_3 = arith.constant 512 : i32
    %scan3A_4 = arith.addi %scan3A_2, %scan3A_3 : i32
    %scan3A_5 = arith.constant 1 : i32
    %scan3A_6 = scf.for %scan3A_62 = %scan3A_2 to %scan3A_4 step %scan3A_5 iter_args(%scan3A_63 = %scan3A_1) -> (i32)  : i32 {
      %div3A = arith.constant 4 : i32
      %div3A_64 = arith.divsi %scan3A_62, %div3A : i32
      %rem3A = arith.constant 4 : i32
      %rem3A_65 = arith.remsi %scan3A_62, %rem3A : i32
      %mul3A_66 = arith.constant 32 : i32
      %mul3A_67 = arith.muli %rem3A_65, %mul3A_66 : i32
      %broadcast_in_dim3A = arith.constant 0.000000e+00 : bf16
      %broadcast_in_dim3A_68 = vector.broadcast %broadcast_in_dim3A : bf16 to vector<32xbf16>
      %swap3A = arith.constant 0 : i32
      %swap3A_69 = arith.constant 0 : i32
      %swap3A_70 = tpu.memref_slice %arg8[%scan3A, %swap3A, %swap3A_69] : memref<2x128x128xbf16, #tpu.memory_space<vmem>> -> memref<1x128x128xbf16, #tpu.memory_space<vmem>>
      %swap3A_71 = tpu.memref_squeeze %swap3A_70 : memref<1x128x128xbf16, #tpu.memory_space<vmem>> -> memref<128x128xbf16, #tpu.memory_space<vmem>>
      %swap3A_72 = arith.index_cast %div3A_64 : i32 to index
      %swap3A_73 = arith.index_cast %mul3A_67 : i32 to index
      %swap3A_74 = tpu.vector_load %swap3A_71[%swap3A_72, %swap3A_73] {strides = array<i32>} : memref<128x128xbf16, #tpu.memory_space<vmem>>, vector<1x32xbf16>,
      %swap3A_75 = vector.shape_cast %swap3A_74 : vector<1x32xbf16> to vector<32xbf16>
      %swap3A_76 = vector.shape_cast %broadcast_in_dim3A_68 : vector<32xbf16> to vector<1x32xbf16>
      tpu.vector_store %swap3A_71[%swap3A_72, %swap3A_73], %swap3A_76 {strides = array<i32>} : memref<128x128xbf16, #tpu.memory_space<vmem>>, vector<1x32xbf16>,
      %scan3A_77 = arith.constant 0 : i32
      scf.yield %scan3A_77 : i32
    }
    %scan3A_7 = arith.constant 512 : i32
    %mul3A_8 = arith.constant 640 : i32
    %mul3A_9 = arith.muli %arg1, %mul3A_8 : i32
    %add3A_10 = arith.constant 0 : i32
    %add3A_11 = arith.addi %mul3A_9, %add3A_10 : i32
    %run_scoped3A = arith.constant 0 : i32
    "tpu.region"() ({
      %run_scoped3A_62 = tpu.sem_alloc : memref<!tpu.dma_semaphore, #tpu.memory_space<semaphore_mem>>
      %dma_start3A_63 = arith.constant 0 : i32
      %dma_start3A_64 = arith.constant 0 : i32
      %dma_start3A_65 = tpu.memref_slice %arg8[%run_scoped3A, %dma_start3A_63, %dma_start3A_64] : memref<2x128x128xbf16, #tpu.memory_space<vmem>> -> memref<1x128x128xbf16, #tpu.memory_space<vmem>>
      %dma_start3A_66 = tpu.memref_squeeze %dma_start3A_65 : memref<1x128x128xbf16, #tpu.memory_space<vmem>> -> memref<128x128xbf16, #tpu.memory_space<vmem>>
      %dma_start3A_67 = arith.constant 0 : i32
      %dma_start3A_68 = tpu.memref_slice %arg9[%add3A_11, %dma_start3A_67] : memref<10240x128xbf16, #tpu.memory_space<vmem_shared>> -> memref<128x128xbf16, #tpu.memory_space<vmem_shared>>
      %dma_start3A_69 = arith.constant 0 : i32
      %dma_start3A_70 = tpu.memref_slice %arg9[%add3A_11, %dma_start3A_69] : memref<10240x128xbf16, #tpu.memory_space<vmem_shared>> -> memref<128x128xbf16, #tpu.memory_space<vmem_shared>>
      %dma_start3A_71 = arith.constant 0 : i32
      %dma_start3A_72 = arith.constant 0 : i32
      %dma_start3A_73 = tpu.memref_slice %arg8[%run_scoped3A, %dma_start3A_71, %dma_start3A_72] : memref<2x128x128xbf16, #tpu.memory_space<vmem>> -> memref<1x128x128xbf16, #tpu.memory_space<vmem>>
      %dma_start3A_74 = tpu.memref_squeeze %dma_start3A_73 : memref<1x128x128xbf16, #tpu.memory_space<vmem>> -> memref<128x128xbf16, #tpu.memory_space<vmem>>
      tpu.enqueue_dma source(%dma_start3A_74 : memref<128x128xbf16, #tpu.memory_space<vmem>>) target(%dma_start3A_70 : memref<128x128xbf16, #tpu.memory_space<vmem_shared>>) target_semaphore(%run_scoped3A_62 : memref<!tpu.dma_semaphore, #tpu.memory_space<semaphore_mem>>)
      %dma_wait3A = arith.constant 0 : i32
      %dma_wait3A_75 = arith.constant 0 : i32
      %dma_wait3A_76 = tpu.memref_slice %arg8[%run_scoped3A, %dma_wait3A, %dma_wait3A_75] : memref<2x128x128xbf16, #tpu.memory_space<vmem>> -> memref<1x128x128xbf16, #tpu.memory_space<vmem>>
      %dma_wait3A_77 = tpu.memref_squeeze %dma_wait3A_76 : memref<1x128x128xbf16, #tpu.memory_space<vmem>> -> memref<128x128xbf16, #tpu.memory_space<vmem>>
      %dma_wait3A_78 = arith.constant 0 : i32
      %dma_wait3A_79 = tpu.memref_slice %arg9[%add3A_11, %dma_wait3A_78] : memref<10240x128xbf16, #tpu.memory_space<vmem_shared>> -> memref<128x128xbf16, #tpu.memory_space<vmem_shared>>
      %dma_wait3A_80 = arith.constant 0 : i32
      %dma_wait3A_81 = tpu.memref_slice %arg9[%add3A_11, %dma_wait3A_80] : memref<10240x128xbf16, #tpu.memory_space<vmem_shared>> -> memref<128x128xbf16, #tpu.memory_space<vmem_shared>>
      %dma_wait3A_82 = arith.constant 0 : i32
      %dma_wait3A_83 = arith.constant 0 : i32
      %dma_wait3A_84 = tpu.memref_slice %arg8[%run_scoped3A, %dma_wait3A_82, %dma_wait3A_83] : memref<2x128x128xbf16, #tpu.memory_space<vmem>> -> memref<1x128x128xbf16, #tpu.memory_space<vmem>>
      %dma_wait3A_85 = tpu.memref_squeeze %dma_wait3A_84 : memref<1x128x128xbf16, #tpu.memory_space<vmem>> -> memref<128x128xbf16, #tpu.memory_space<vmem>>
      tpu.wait_dma2 semaphore(%run_scoped3A_62 : memref<!tpu.dma_semaphore, #tpu.memory_space<semaphore_mem>>) src(%dma_wait3A_85 : memref<128x128xbf16, #tpu.memory_space<vmem>>) dst(%dma_wait3A_81 : memref<128x128xbf16, #tpu.memory_space<vmem_shared>>)
      tpu.yield
    }) : () -> ()
    %mul3A_12 = arith.constant 640 : i32
    %mul3A_13 = arith.muli %arg1, %mul3A_12 : i32
    %add3A_14 = arith.constant 128 : i32
    %add3A_15 = arith.addi %mul3A_13, %add3A_14 : i32
    %run_scoped3A_16 = arith.constant 0 : i32
    "tpu.region"() ({
      %run_scoped3A_62 = tpu.sem_alloc : memref<!tpu.dma_semaphore, #tpu.memory_space<semaphore_mem>>
      %dma_start3A_63 = arith.constant 0 : i32
      %dma_start3A_64 = arith.constant 0 : i32
      %dma_start3A_65 = tpu.memref_slice %arg8[%run_scoped3A_16, %dma_start3A_63, %dma_start3A_64] : memref<2x128x128xbf16, #tpu.memory_space<vmem>> -> memref<1x128x128xbf16, #tpu.memory_space<vmem>>
      %dma_start3A_66 = tpu.memref_squeeze %dma_start3A_65 : memref<1x128x128xbf16, #tpu.memory_space<vmem>> -> memref<128x128xbf16, #tpu.memory_space<vmem>>
      %dma_start3A_67 = arith.constant 0 : i32
      %dma_start3A_68 = tpu.memref_slice %arg9[%add3A_15, %dma_start3A_67] : memref<10240x128xbf16, #tpu.memory_space<vmem_shared>> -> memref<128x128xbf16, #tpu.memory_space<vmem_shared>>
      %dma_start3A_69 = arith.constant 0 : i32
      %dma_start3A_70 = tpu.memref_slice %arg9[%add3A_15, %dma_start3A_69] : memref<10240x128xbf16, #tpu.memory_space<vmem_shared>> -> memref<128x128xbf16, #tpu.memory_space<vmem_shared>>
      %dma_start3A_71 = arith.constant 0 : i32
      %dma_start3A_72 = arith.constant 0 : i32
      %dma_start3A_73 = tpu.memref_slice %arg8[%run_scoped3A_16, %dma_start3A_71, %dma_start3A_72] : memref<2x128x128xbf16, #tpu.memory_space<vmem>> -> memref<1x128x128xbf16, #tpu.memory_space<vmem>>
      %dma_start3A_74 = tpu.memref_squeeze %dma_start3A_73 : memref<1x128x128xbf16, #tpu.memory_space<vmem>> -> memref<128x128xbf16, #tpu.memory_space<vmem>>
      tpu.enqueue_dma source(%dma_start3A_74 : memref<128x128xbf16, #tpu.memory_space<vmem>>) target(%dma_start3A_70 : memref<128x128xbf16, #tpu.memory_space<vmem_shared>>) target_semaphore(%run_scoped3A_62 : memref<!tpu.dma_semaphore, #tpu.memory_space<semaphore_mem>>)
      %dma_wait3A = arith.constant 0 : i32
      %dma_wait3A_75 = arith.constant 0 : i32
      %dma_wait3A_76 = tpu.memref_slice %arg8[%run_scoped3A_16, %dma_wait3A, %dma_wait3A_75] : memref<2x128x128xbf16, #tpu.memory_space<vmem>> -> memref<1x128x128xbf16, #tpu.memory_space<vmem>>
      %dma_wait3A_77 = tpu.memref_squeeze %dma_wait3A_76 : memref<1x128x128xbf16, #tpu.memory_space<vmem>> -> memref<128x128xbf16, #tpu.memory_space<vmem>>
      %dma_wait3A_78 = arith.constant 0 : i32
      %dma_wait3A_79 = tpu.memref_slice %arg9[%add3A_15, %dma_wait3A_78] : memref<10240x128xbf16, #tpu.memory_space<vmem_shared>> -> memref<128x128xbf16, #tpu.memory_space<vmem_shared>>
      %dma_wait3A_80 = arith.constant 0 : i32
      %dma_wait3A_81 = tpu.memref_slice %arg9[%add3A_15, %dma_wait3A_80] : memref<10240x128xbf16, #tpu.memory_space<vmem_shared>> -> memref<128x128xbf16, #tpu.memory_space<vmem_shared>>
      %dma_wait3A_82 = arith.constant 0 : i32
      %dma_wait3A_83 = arith.constant 0 : i32
      %dma_wait3A_84 = tpu.memref_slice %arg8[%run_scoped3A_16, %dma_wait3A_82, %dma_wait3A_83] : memref<2x128x128xbf16, #tpu.memory_space<vmem>> -> memref<1x128x128xbf16, #tpu.memory_space<vmem>>
      %dma_wait3A_85 = tpu.memref_squeeze %dma_wait3A_84 : memref<1x128x128xbf16, #tpu.memory_space<vmem>> -> memref<128x128xbf16, #tpu.memory_space<vmem>>
      tpu.wait_dma2 semaphore(%run_scoped3A_62 : memref<!tpu.dma_semaphore, #tpu.memory_space<semaphore_mem>>) src(%dma_wait3A_85 : memref<128x128xbf16, #tpu.memory_space<vmem>>) dst(%dma_wait3A_81 : memref<128x128xbf16, #tpu.memory_space<vmem_shared>>)
      tpu.yield
    }) : () -> ()
    %mul3A_17 = arith.constant 640 : i32
    %mul3A_18 = arith.muli %arg1, %mul3A_17 : i32
    %add3A_19 = arith.constant 256 : i32
    %add3A_20 = arith.addi %mul3A_18, %add3A_19 : i32
    %run_scoped3A_21 = arith.constant 0 : i32
    "tpu.region"() ({
      %run_scoped3A_62 = tpu.sem_alloc : memref<!tpu.dma_semaphore, #tpu.memory_space<semaphore_mem>>
      %dma_start3A_63 = arith.constant 0 : i32
      %dma_start3A_64 = arith.constant 0 : i32
      %dma_start3A_65 = tpu.memref_slice %arg8[%run_scoped3A_21, %dma_start3A_63, %dma_start3A_64] : memref<2x128x128xbf16, #tpu.memory_space<vmem>> -> memref<1x128x128xbf16, #tpu.memory_space<vmem>>
      %dma_start3A_66 = tpu.memref_squeeze %dma_start3A_65 : memref<1x128x128xbf16, #tpu.memory_space<vmem>> -> memref<128x128xbf16, #tpu.memory_space<vmem>>
      %dma_start3A_67 = arith.constant 0 : i32
      %dma_start3A_68 = tpu.memref_slice %arg9[%add3A_20, %dma_start3A_67] : memref<10240x128xbf16, #tpu.memory_space<vmem_shared>> -> memref<128x128xbf16, #tpu.memory_space<vmem_shared>>
      %dma_start3A_69 = arith.constant 0 : i32
      %dma_start3A_70 = tpu.memref_slice %arg9[%add3A_20, %dma_start3A_69] : memref<10240x128xbf16, #tpu.memory_space<vmem_shared>> -> memref<128x128xbf16, #tpu.memory_space<vmem_shared>>
      %dma_start3A_71 = arith.constant 0 : i32
      %dma_start3A_72 = arith.constant 0 : i32
      %dma_start3A_73 = tpu.memref_slice %arg8[%run_scoped3A_21, %dma_start3A_71, %dma_start3A_72] : memref<2x128x128xbf16, #tpu.memory_space<vmem>> -> memref<1x128x128xbf16, #tpu.memory_space<vmem>>
      %dma_start3A_74 = tpu.memref_squeeze %dma_start3A_73 : memref<1x128x128xbf16, #tpu.memory_space<vmem>> -> memref<128x128xbf16, #tpu.memory_space<vmem>>
      tpu.enqueue_dma source(%dma_start3A_74 : memref<128x128xbf16, #tpu.memory_space<vmem>>) target(%dma_start3A_70 : memref<128x128xbf16, #tpu.memory_space<vmem_shared>>) target_semaphore(%run_scoped3A_62 : memref<!tpu.dma_semaphore, #tpu.memory_space<semaphore_mem>>)
      %dma_wait3A = arith.constant 0 : i32
      %dma_wait3A_75 = arith.constant 0 : i32
      %dma_wait3A_76 = tpu.memref_slice %arg8[%run_scoped3A_21, %dma_wait3A, %dma_wait3A_75] : memref<2x128x128xbf16, #tpu.memory_space<vmem>> -> memref<1x128x128xbf16, #tpu.memory_space<vmem>>
      %dma_wait3A_77 = tpu.memref_squeeze %dma_wait3A_76 : memref<1x128x128xbf16, #tpu.memory_space<vmem>> -> memref<128x128xbf16, #tpu.memory_space<vmem>>
      %dma_wait3A_78 = arith.constant 0 : i32
      %dma_wait3A_79 = tpu.memref_slice %arg9[%add3A_20, %dma_wait3A_78] : memref<10240x128xbf16, #tpu.memory_space<vmem_shared>> -> memref<128x128xbf16, #tpu.memory_space<vmem_shared>>
      %dma_wait3A_80 = arith.constant 0 : i32
      %dma_wait3A_81 = tpu.memref_slice %arg9[%add3A_20, %dma_wait3A_80] : memref<10240x128xbf16, #tpu.memory_space<vmem_shared>> -> memref<128x128xbf16, #tpu.memory_space<vmem_shared>>
      %dma_wait3A_82 = arith.constant 0 : i32
      %dma_wait3A_83 = arith.constant 0 : i32
      %dma_wait3A_84 = tpu.memref_slice %arg8[%run_scoped3A_21, %dma_wait3A_82, %dma_wait3A_83] : memref<2x128x128xbf16, #tpu.memory_space<vmem>> -> memref<1x128x128xbf16, #tpu.memory_space<vmem>>
      %dma_wait3A_85 = tpu.memref_squeeze %dma_wait3A_84 : memref<1x128x128xbf16, #tpu.memory_space<vmem>> -> memref<128x128xbf16, #tpu.memory_space<vmem>>
      tpu.wait_dma2 semaphore(%run_scoped3A_62 : memref<!tpu.dma_semaphore, #tpu.memory_space<semaphore_mem>>) src(%dma_wait3A_85 : memref<128x128xbf16, #tpu.memory_space<vmem>>) dst(%dma_wait3A_81 : memref<128x128xbf16, #tpu.memory_space<vmem_shared>>)
      tpu.yield
    }) : () -> ()
    %mul3A_22 = arith.constant 640 : i32
    %mul3A_23 = arith.muli %arg1, %mul3A_22 : i32
    %add3A_24 = arith.constant 384 : i32
    %add3A_25 = arith.addi %mul3A_23, %add3A_24 : i32
    %run_scoped3A_26 = arith.constant 0 : i32
    "tpu.region"() ({
      %run_scoped3A_62 = tpu.sem_alloc : memref<!tpu.dma_semaphore, #tpu.memory_space<semaphore_mem>>
      %dma_start3A_63 = arith.constant 0 : i32
      %dma_start3A_64 = arith.constant 0 : i32
      %dma_start3A_65 = tpu.memref_slice %arg8[%run_scoped3A_26, %dma_start3A_63, %dma_start3A_64] : memref<2x128x128xbf16, #tpu.memory_space<vmem>> -> memref<1x128x128xbf16, #tpu.memory_space<vmem>>
      %dma_start3A_66 = tpu.memref_squeeze %dma_start3A_65 : memref<1x128x128xbf16, #tpu.memory_space<vmem>> -> memref<128x128xbf16, #tpu.memory_space<vmem>>
      %dma_start3A_67 = arith.constant 0 : i32
      %dma_start3A_68 = tpu.memref_slice %arg9[%add3A_25, %dma_start3A_67] : memref<10240x128xbf16, #tpu.memory_space<vmem_shared>> -> memref<128x128xbf16, #tpu.memory_space<vmem_shared>>
      %dma_start3A_69 = arith.constant 0 : i32
      %dma_start3A_70 = tpu.memref_slice %arg9[%add3A_25, %dma_start3A_69] : memref<10240x128xbf16, #tpu.memory_space<vmem_shared>> -> memref<128x128xbf16, #tpu.memory_space<vmem_shared>>
      %dma_start3A_71 = arith.constant 0 : i32
      %dma_start3A_72 = arith.constant 0 : i32
      %dma_start3A_73 = tpu.memref_slice %arg8[%run_scoped3A_26, %dma_start3A_71, %dma_start3A_72] : memref<2x128x128xbf16, #tpu.memory_space<vmem>> -> memref<1x128x128xbf16, #tpu.memory_space<vmem>>
      %dma_start3A_74 = tpu.memref_squeeze %dma_start3A_73 : memref<1x128x128xbf16, #tpu.memory_space<vmem>> -> memref<128x128xbf16, #tpu.memory_space<vmem>>
      tpu.enqueue_dma source(%dma_start3A_74 : memref<128x128xbf16, #tpu.memory_space<vmem>>) target(%dma_start3A_70 : memref<128x128xbf16, #tpu.memory_space<vmem_shared>>) target_semaphore(%run_scoped3A_62 : memref<!tpu.dma_semaphore, #tpu.memory_space<semaphore_mem>>)
      %dma_wait3A = arith.constant 0 : i32
      %dma_wait3A_75 = arith.constant 0 : i32
      %dma_wait3A_76 = tpu.memref_slice %arg8[%run_scoped3A_26, %dma_wait3A, %dma_wait3A_75] : memref<2x128x128xbf16, #tpu.memory_space<vmem>> -> memref<1x128x128xbf16, #tpu.memory_space<vmem>>
      %dma_wait3A_77 = tpu.memref_squeeze %dma_wait3A_76 : memref<1x128x128xbf16, #tpu.memory_space<vmem>> -> memref<128x128xbf16, #tpu.memory_space<vmem>>
      %dma_wait3A_78 = arith.constant 0 : i32
      %dma_wait3A_79 = tpu.memref_slice %arg9[%add3A_25, %dma_wait3A_78] : memref<10240x128xbf16, #tpu.memory_space<vmem_shared>> -> memref<128x128xbf16, #tpu.memory_space<vmem_shared>>
      %dma_wait3A_80 = arith.constant 0 : i32
      %dma_wait3A_81 = tpu.memref_slice %arg9[%add3A_25, %dma_wait3A_80] : memref<10240x128xbf16, #tpu.memory_space<vmem_shared>> -> memref<128x128xbf16, #tpu.memory_space<vmem_shared>>
      %dma_wait3A_82 = arith.constant 0 : i32
      %dma_wait3A_83 = arith.constant 0 : i32
      %dma_wait3A_84 = tpu.memref_slice %arg8[%run_scoped3A_26, %dma_wait3A_82, %dma_wait3A_83] : memref<2x128x128xbf16, #tpu.memory_space<vmem>> -> memref<1x128x128xbf16, #tpu.memory_space<vmem>>
      %dma_wait3A_85 = tpu.memref_squeeze %dma_wait3A_84 : memref<1x128x128xbf16, #tpu.memory_space<vmem>> -> memref<128x128xbf16, #tpu.memory_space<vmem>>
      tpu.wait_dma2 semaphore(%run_scoped3A_62 : memref<!tpu.dma_semaphore, #tpu.memory_space<semaphore_mem>>) src(%dma_wait3A_85 : memref<128x128xbf16, #tpu.memory_space<vmem>>) dst(%dma_wait3A_81 : memref<128x128xbf16, #tpu.memory_space<vmem_shared>>)
      tpu.yield
    }) : () -> ()
    %mul3A_27 = arith.constant 640 : i32
    %mul3A_28 = arith.muli %arg1, %mul3A_27 : i32
    %add3A_29 = arith.constant 512 : i32
    %add3A_30 = arith.addi %mul3A_28, %add3A_29 : i32
    %run_scoped3A_31 = arith.constant 0 : i32
    "tpu.region"() ({
      %run_scoped3A_62 = tpu.sem_alloc : memref<!tpu.dma_semaphore, #tpu.memory_space<semaphore_mem>>
      %dma_start3A_63 = arith.constant 0 : i32
      %dma_start3A_64 = arith.constant 0 : i32
      %dma_start3A_65 = tpu.memref_slice %arg8[%run_scoped3A_31, %dma_start3A_63, %dma_start3A_64] : memref<2x128x128xbf16, #tpu.memory_space<vmem>> -> memref<1x128x128xbf16, #tpu.memory_space<vmem>>
      %dma_start3A_66 = tpu.memref_squeeze %dma_start3A_65 : memref<1x128x128xbf16, #tpu.memory_space<vmem>> -> memref<128x128xbf16, #tpu.memory_space<vmem>>
      %dma_start3A_67 = arith.constant 0 : i32
      %dma_start3A_68 = tpu.memref_slice %arg9[%add3A_30, %dma_start3A_67] : memref<10240x128xbf16, #tpu.memory_space<vmem_shared>> -> memref<128x128xbf16, #tpu.memory_space<vmem_shared>>
      %dma_start3A_69 = arith.constant 0 : i32
      %dma_start3A_70 = tpu.memref_slice %arg9[%add3A_30, %dma_start3A_69] : memref<10240x128xbf16, #tpu.memory_space<vmem_shared>> -> memref<128x128xbf16, #tpu.memory_space<vmem_shared>>
      %dma_start3A_71 = arith.constant 0 : i32
      %dma_start3A_72 = arith.constant 0 : i32
      %dma_start3A_73 = tpu.memref_slice %arg8[%run_scoped3A_31, %dma_start3A_71, %dma_start3A_72] : memref<2x128x128xbf16, #tpu.memory_space<vmem>> -> memref<1x128x128xbf16, #tpu.memory_space<vmem>>
      %dma_start3A_74 = tpu.memref_squeeze %dma_start3A_73 : memref<1x128x128xbf16, #tpu.memory_space<vmem>> -> memref<128x128xbf16, #tpu.memory_space<vmem>>
      tpu.enqueue_dma source(%dma_start3A_74 : memref<128x128xbf16, #tpu.memory_space<vmem>>) target(%dma_start3A_70 : memref<128x128xbf16, #tpu.memory_space<vmem_shared>>) target_semaphore(%run_scoped3A_62 : memref<!tpu.dma_semaphore, #tpu.memory_space<semaphore_mem>>)
      %dma_wait3A = arith.constant 0 : i32
      %dma_wait3A_75 = arith.constant 0 : i32
      %dma_wait3A_76 = tpu.memref_slice %arg8[%run_scoped3A_31, %dma_wait3A, %dma_wait3A_75] : memref<2x128x128xbf16, #tpu.memory_space<vmem>> -> memref<1x128x128xbf16, #tpu.memory_space<vmem>>
      %dma_wait3A_77 = tpu.memref_squeeze %dma_wait3A_76 : memref<1x128x128xbf16, #tpu.memory_space<vmem>> -> memref<128x128xbf16, #tpu.memory_space<vmem>>
      %dma_wait3A_78 = arith.constant 0 : i32
      %dma_wait3A_79 = tpu.memref_slice %arg9[%add3A_30, %dma_wait3A_78] : memref<10240x128xbf16, #tpu.memory_space<vmem_shared>> -> memref<128x128xbf16, #tpu.memory_space<vmem_shared>>
      %dma_wait3A_80 = arith.constant 0 : i32
      %dma_wait3A_81 = tpu.memref_slice %arg9[%add3A_30, %dma_wait3A_80] : memref<10240x128xbf16, #tpu.memory_space<vmem_shared>> -> memref<128x128xbf16, #tpu.memory_space<vmem_shared>>
      %dma_wait3A_82 = arith.constant 0 : i32
      %dma_wait3A_83 = arith.constant 0 : i32
      %dma_wait3A_84 = tpu.memref_slice %arg8[%run_scoped3A_31, %dma_wait3A_82, %dma_wait3A_83] : memref<2x128x128xbf16, #tpu.memory_space<vmem>> -> memref<1x128x128xbf16, #tpu.memory_space<vmem>>
      %dma_wait3A_85 = tpu.memref_squeeze %dma_wait3A_84 : memref<1x128x128xbf16, #tpu.memory_space<vmem>> -> memref<128x128xbf16, #tpu.memory_space<vmem>>
      tpu.wait_dma2 semaphore(%run_scoped3A_62 : memref<!tpu.dma_semaphore, #tpu.memory_space<semaphore_mem>>) src(%dma_wait3A_85 : memref<128x128xbf16, #tpu.memory_space<vmem>>) dst(%dma_wait3A_81 : memref<128x128xbf16, #tpu.memory_space<vmem_shared>>)
      tpu.yield
    }) : () -> ()
    %barrier3A = arith.constant 0 : index
    tpu.barrier barrier_id(%barrier3A)
    %scan3A_32 = arith.constant 0 : i32
    %scan3A_33 = arith.constant 0 : i32
    %scan3A_34 = arith.constant 8 : i32
    %scan3A_35 = arith.addi %scan3A_33, %scan3A_34 : i32
    %scan3A_36 = arith.constant 1 : i32
    %scan3A_37 = scf.for %scan3A_62 = %scan3A_33 to %scan3A_35 step %scan3A_36 iter_args(%scan3A_63 = %scan3A_32) -> (i32)  : i32 {
      %mul3A_64 = arith.constant 16 : i32
      %mul3A_65 = arith.muli %scan3A_62, %mul3A_64 : i32
      %get3A = arith.constant 0 : i32
      %get3A_66 = arith.index_cast %get3A : i32 to index
      %get3A_67 = arith.index_cast %mul3A_65 : i32 to index
      %get3A_68 = tpu.vector_load %arg5[%get3A_66, %get3A_67] {strides = array<i32>} : memref<80x128xi32, #tpu.memory_space<vmem>>, vector<1x16xi32>,
      %get3A_69 = vector.shape_cast %get3A_68 : vector<1x16xi32> to vector<16xi32>
      %and3A = arith.constant 65535 : i32
      %and3A_70 = vector.broadcast %and3A : i32 to vector<16xi32>
      %and3A_71 = arith.andi %get3A_69, %and3A_70 : vector<16xi32>
      %mul3A_72 = arith.constant 16 : i32
      %mul3A_73 = arith.muli %scan3A_62, %mul3A_72 : i32
      %swap3A = arith.constant 0 : i32
      %swap3A_74 = arith.index_cast %swap3A : i32 to index
      %swap3A_75 = arith.index_cast %mul3A_73 : i32 to index
      %swap3A_76 = tpu.vector_load %arg6[%swap3A_74, %swap3A_75] {strides = array<i32>} : memref<2x128xi32, #tpu.memory_space<vmem>>, vector<1x16xi32>,
      %swap3A_77 = vector.shape_cast %swap3A_76 : vector<1x16xi32> to vector<16xi32>
      %swap3A_78 = vector.shape_cast %and3A_71 : vector<16xi32> to vector<1x16xi32>
      tpu.vector_store %arg6[%swap3A_74, %swap3A_75], %swap3A_78 {strides = array<i32>} : memref<2x128xi32, #tpu.memory_space<vmem>>, vector<1x16xi32>,
      %scan3A_79 = arith.constant 0 : i32
      scf.yield %scan3A_79 : i32
    }
    %scan3A_38 = arith.constant 8 : i32
    %dma_start3A = arith.constant 0 : i32
    %dma_start3A_39 = arith.constant 0 : i32
    %dma_start3A_40 = arith.constant 0 : i32
    %dma_start3A_41 = arith.constant 0 : i32
    %dma_start3A_42 = tpu.memref_slice %arg8[%dma_start3A_39, %dma_start3A_40, %dma_start3A_41] : memref<2x128x128xbf16, #tpu.memory_space<vmem>> -> memref<1x128x128xbf16, #tpu.memory_space<vmem>>
    %dma_start3A_43 = tpu.memref_squeeze %dma_start3A_42 : memref<1x128x128xbf16, #tpu.memory_space<vmem>> -> memref<128x128xbf16, #tpu.memory_space<vmem>>
    %dma_start3A_44 = arith.constant 0 : i32
    %dma_start3A_45 = tpu.memref_slice %arg6[%dma_start3A, %dma_start3A_44] : memref<2x128xi32, #tpu.memory_space<vmem>> -> memref<1x128xi32, #tpu.memory_space<vmem>>
    %dma_start3A_46 = tpu.memref_squeeze %dma_start3A_45 : memref<1x128xi32, #tpu.memory_space<vmem>> -> memref<128xi32, #tpu.memory_space<vmem>>
    %dma_start3A_47 = arith.constant 0 : i32
    %dma_start3A_48 = arith.constant 0 : i32
    %dma_start3A_49 = tpu.memref_slice %arg2[%dma_start3A_47, %dma_start3A_48] : memref<10000x128xbf16, #tpu.memory_space<hbm>> -> memref<10000x128xbf16, #tpu.memory_space<hbm>>
    tpu.enqueue_indirect_dma source(%dma_start3A_49 : memref<10000x128xbf16, #tpu.memory_space<hbm>>) target(%dma_start3A_43 : memref<128x128xbf16, #tpu.memory_space<vmem>>) offsets(%dma_start3A_46 : memref<128xi32, #tpu.memory_space<vmem>>) semaphore(%arg10 : memref<!tpu.dma_semaphore, #tpu.memory_space<semaphore_mem>>)
    %scan3A_50 = arith.constant 0 : i32
    %scan3A_51 = arith.constant 0 : i32
    %scan3A_52 = arith.constant 40 : i32
    %scan3A_53 = arith.addi %scan3A_51, %scan3A_52 : i32
    %scan3A_54 = arith.constant 1 : i32
    %scan3A_55 = scf.for %scan3A_62 = %scan3A_51 to %scan3A_53 step %scan3A_54 iter_args(%scan3A_63 = %scan3A_50) -> (i32)  : i32 {
      %mul3A_64 = arith.constant 2 : i32
      %mul3A_65 = arith.muli %mul3A_64, %scan3A_62 : i32
      %add3A_66 = arith.constant 1 : i32
      %add3A_67 = arith.addi %mul3A_65, %add3A_66 : i32
      %scan3A_68 = arith.constant 0 : i32
      %scan3A_69 = arith.constant 0 : i32
      %scan3A_70 = arith.constant 8 : i32
      %scan3A_71 = arith.addi %scan3A_69, %scan3A_70 : i32
      %scan3A_72 = arith.constant 1 : i32
      %scan3A_73 = scf.for %scan3A_133 = %scan3A_69 to %scan3A_71 step %scan3A_72 iter_args(%scan3A_134 = %scan3A_68) -> (i32)  : i32 {
        %mul3A_135 = arith.constant 16 : i32
        %mul3A_136 = arith.muli %scan3A_133, %mul3A_135 : i32
        %get3A = arith.index_cast %add3A_67 : i32 to index
        %get3A_137 = arith.index_cast %mul3A_136 : i32 to index
        %get3A_138 = tpu.vector_load %arg5[%get3A, %get3A_137] {strides = array<i32>} : memref<80x128xi32, #tpu.memory_space<vmem>>, vector<1x16xi32>,
        %get3A_139 = vector.shape_cast %get3A_138 : vector<1x16xi32> to vector<16xi32>
        %and3A = arith.constant 65535 : i32
        %and3A_140 = vector.broadcast %and3A : i32 to vector<16xi32>
        %and3A_141 = arith.andi %get3A_139, %and3A_140 : vector<16xi32>
        %mul3A_142 = arith.constant 16 : i32
        %mul3A_143 = arith.muli %scan3A_133, %mul3A_142 : i32
        %swap3A = arith.constant 1 : i32
        %swap3A_144 = arith.index_cast %swap3A : i32 to index
        %swap3A_145 = arith.index_cast %mul3A_143 : i32 to index
        %swap3A_146 = tpu.vector_load %arg6[%swap3A_144, %swap3A_145] {strides = array<i32>} : memref<2x128xi32, #tpu.memory_space<vmem>>, vector<1x16xi32>,
        %swap3A_147 = vector.shape_cast %swap3A_146 : vector<1x16xi32> to vector<16xi32>
        %swap3A_148 = vector.shape_cast %and3A_141 : vector<16xi32> to vector<1x16xi32>
        tpu.vector_store %arg6[%swap3A_144, %swap3A_145], %swap3A_148 {strides = array<i32>} : memref<2x128xi32, #tpu.memory_space<vmem>>, vector<1x16xi32>,
        %scan3A_149 = arith.constant 0 : i32
        scf.yield %scan3A_149 : i32
      }
      %scan3A_74 = arith.constant 8 : i32
      %dma_start3A_75 = arith.constant 1 : i32
      %dma_start3A_76 = arith.constant 1 : i32
      %dma_start3A_77 = arith.constant 0 : i32
      %dma_start3A_78 = arith.constant 0 : i32
      %dma_start3A_79 = tpu.memref_slice %arg8[%dma_start3A_76, %dma_start3A_77, %dma_start3A_78] : memref<2x128x128xbf16, #tpu.memory_space<vmem>> -> memref<1x128x128xbf16, #tpu.memory_space<vmem>>
      %dma_start3A_80 = tpu.memref_squeeze %dma_start3A_79 : memref<1x128x128xbf16, #tpu.memory_space<vmem>> -> memref<128x128xbf16, #tpu.memory_space<vmem>>
      %dma_start3A_81 = arith.constant 0 : i32
      %dma_start3A_82 = tpu.memref_slice %arg6[%dma_start3A_75, %dma_start3A_81] : memref<2x128xi32, #tpu.memory_space<vmem>> -> memref<1x128xi32, #tpu.memory_space<vmem>>
      %dma_start3A_83 = tpu.memref_squeeze %dma_start3A_82 : memref<1x128xi32, #tpu.memory_space<vmem>> -> memref<128xi32, #tpu.memory_space<vmem>>
      %dma_start3A_84 = arith.constant 0 : i32
      %dma_start3A_85 = arith.constant 0 : i32
      %dma_start3A_86 = tpu.memref_slice %arg2[%dma_start3A_84, %dma_start3A_85] : memref<10000x128xbf16, #tpu.memory_space<hbm>> -> memref<10000x128xbf16, #tpu.memory_space<hbm>>
      tpu.enqueue_indirect_dma source(%dma_start3A_86 : memref<10000x128xbf16, #tpu.memory_space<hbm>>) target(%dma_start3A_80 : memref<128x128xbf16, #tpu.memory_space<vmem>>) offsets(%dma_start3A_83 : memref<128xi32, #tpu.memory_space<vmem>>) semaphore(%arg11 : memref<!tpu.dma_semaphore, #tpu.memory_space<semaphore_mem>>)
      %dma_wait3A = arith.constant 0 : i32
      %dma_wait3A_87 = arith.constant 0 : i32
      %dma_wait3A_88 = arith.constant 0 : i32
      %dma_wait3A_89 = arith.constant 0 : i32
      %dma_wait3A_90 = tpu.memref_slice %arg8[%dma_wait3A_87, %dma_wait3A_88, %dma_wait3A_89] : memref<2x128x128xbf16, #tpu.memory_space<vmem>> -> memref<1x128x128xbf16, #tpu.memory_space<vmem>>
      %dma_wait3A_91 = tpu.memref_squeeze %dma_wait3A_90 : memref<1x128x128xbf16, #tpu.memory_space<vmem>> -> memref<128x128xbf16, #tpu.memory_space<vmem>>
      %dma_wait3A_92 = arith.constant 0 : i32
      %dma_wait3A_93 = tpu.memref_slice %arg6[%dma_wait3A, %dma_wait3A_92] : memref<2x128xi32, #tpu.memory_space<vmem>> -> memref<1x128xi32, #tpu.memory_space<vmem>>
      %dma_wait3A_94 = tpu.memref_squeeze %dma_wait3A_93 : memref<1x128xi32, #tpu.memory_space<vmem>> -> memref<128xi32, #tpu.memory_space<vmem>>
      %dma_wait3A_95 = arith.constant 0 : i32
      %dma_wait3A_96 = arith.constant 0 : i32
      %dma_wait3A_97 = tpu.memref_slice %arg2[%dma_wait3A_95, %dma_wait3A_96] : memref<10000x128xbf16, #tpu.memory_space<hbm>> -> memref<10000x128xbf16, #tpu.memory_space<hbm>>
      tpu.wait_indirect_dma semaphore(%arg10 : memref<!tpu.dma_semaphore, #tpu.memory_space<semaphore_mem>>) src(%dma_wait3A_97 : memref<10000x128xbf16, #tpu.memory_space<hbm>>) dst(%dma_wait3A_91 : memref<128x128xbf16, #tpu.memory_space<vmem>>)
      %scan3A_98 = arith.constant 0 : i32
      %scan3A_99 = arith.constant 0 : i32
      %scan3A_100 = arith.constant 8 : i32
      %scan3A_101 = arith.addi %scan3A_99, %scan3A_100 : i32
      %scan3A_102 = arith.constant 1 : i32
      %scan3A_103 = scf.for %scan3A_133 = %scan3A_99 to %scan3A_101 step %scan3A_102 iter_args(%scan3A_134 = %scan3A_98) -> (i32)  : i32 {
        %mul3A_135 = arith.constant 16 : i32
        %mul3A_136 = arith.muli %scan3A_133, %mul3A_135 : i32
        %get3A = arith.index_cast %mul3A_65 : i32 to index
        %get3A_137 = arith.index_cast %mul3A_136 : i32 to index
        %get3A_138 = tpu.vector_load %arg5[%get3A, %get3A_137] {strides = array<i32>} : memref<80x128xi32, #tpu.memory_space<vmem>>, vector<1x16xi32>,
        %get3A_139 = vector.shape_cast %get3A_138 : vector<1x16xi32> to vector<16xi32>
        %shift_right_arithmetic3A = arith.constant 16 : i32
        %shift_right_arithmetic3A_140 = vector.broadcast %shift_right_arithmetic3A : i32 to vector<16xi32>
        %shift_right_arithmetic3A_141 = arith.shrsi %get3A_139, %shift_right_arithmetic3A_140 : vector<16xi32>
        %mul3A_142 = arith.constant 16 : i32
        %mul3A_143 = arith.muli %scan3A_133, %mul3A_142 : i32
        %swap3A = arith.constant 0 : i32
        %swap3A_144 = arith.index_cast %swap3A : i32 to index
        %swap3A_145 = arith.index_cast %mul3A_143 : i32 to index
        %swap3A_146 = tpu.vector_load %arg7[%swap3A_144, %swap3A_145] {strides = array<i32>} : memref<2x128xi32, #tpu.memory_space<vmem>>, vector<1x16xi32>,
        %swap3A_147 = vector.shape_cast %swap3A_146 : vector<1x16xi32> to vector<16xi32>
        %swap3A_148 = vector.shape_cast %shift_right_arithmetic3A_141 : vector<16xi32> to vector<1x16xi32>
        tpu.vector_store %arg7[%swap3A_144, %swap3A_145], %swap3A_148 {strides = array<i32>} : memref<2x128xi32, #tpu.memory_space<vmem>>, vector<1x16xi32>,
        %scan3A_149 = arith.constant 0 : i32
        scf.yield %scan3A_149 : i32
      }
      %scan3A_104 = arith.constant 8 : i32
      %run_scoped3A_105 = arith.constant 0 : i32
      %run_scoped3A_106 = arith.constant 0 : i32
      "tpu.region"() ({
        %run_scoped3A_133 = tpu.sem_alloc : memref<!tpu.dma_semaphore, #tpu.memory_space<semaphore_mem>>
        %dma_start3A_134 = arith.constant 0 : i32
        %dma_start3A_135 = arith.constant 0 : i32
        %dma_start3A_136 = tpu.memref_slice %arg8[%run_scoped3A_105, %dma_start3A_134, %dma_start3A_135] : memref<2x128x128xbf16, #tpu.memory_space<vmem>> -> memref<1x128x128xbf16, #tpu.memory_space<vmem>>
        %dma_start3A_137 = tpu.memref_squeeze %dma_start3A_136 : memref<1x128x128xbf16, #tpu.memory_space<vmem>> -> memref<128x128xbf16, #tpu.memory_space<vmem>>
        %dma_start3A_138 = arith.constant 0 : i32
        %dma_start3A_139 = tpu.memref_slice %arg7[%run_scoped3A_106, %dma_start3A_138] : memref<2x128xi32, #tpu.memory_space<vmem>> -> memref<1x128xi32, #tpu.memory_space<vmem>>
        %dma_start3A_140 = tpu.memref_squeeze %dma_start3A_139 : memref<1x128xi32, #tpu.memory_space<vmem>> -> memref<128xi32, #tpu.memory_space<vmem>>
        %dma_start3A_141 = arith.constant 0 : i32
        %dma_start3A_142 = arith.constant 0 : i32
        %dma_start3A_143 = tpu.memref_slice %arg9[%dma_start3A_141, %dma_start3A_142] : memref<10240x128xbf16, #tpu.memory_space<vmem_shared>> -> memref<10240x128xbf16, #tpu.memory_space<vmem_shared>>
        tpu.enqueue_indirect_dma source(%dma_start3A_137 : memref<128x128xbf16, #tpu.memory_space<vmem>>) target(%dma_start3A_143 : memref<10240x128xbf16, #tpu.memory_space<vmem_shared>>) offsets(%dma_start3A_140 : memref<128xi32, #tpu.memory_space<vmem>>) semaphore(%run_scoped3A_133 : memref<!tpu.dma_semaphore, #tpu.memory_space<semaphore_mem>>) {add = true}
        %dma_wait3A_144 = arith.constant 0 : i32
        %dma_wait3A_145 = arith.constant 0 : i32
        %dma_wait3A_146 = tpu.memref_slice %arg8[%run_scoped3A_105, %dma_wait3A_144, %dma_wait3A_145] : memref<2x128x128xbf16, #tpu.memory_space<vmem>> -> memref<1x128x128xbf16, #tpu.memory_space<vmem>>
        %dma_wait3A_147 = tpu.memref_squeeze %dma_wait3A_146 : memref<1x128x128xbf16, #tpu.memory_space<vmem>> -> memref<128x128xbf16, #tpu.memory_space<vmem>>
        %dma_wait3A_148 = arith.constant 0 : i32
        %dma_wait3A_149 = tpu.memref_slice %arg7[%run_scoped3A_106, %dma_wait3A_148] : memref<2x128xi32, #tpu.memory_space<vmem>> -> memref<1x128xi32, #tpu.memory_space<vmem>>
        %dma_wait3A_150 = tpu.memref_squeeze %dma_wait3A_149 : memref<1x128xi32, #tpu.memory_space<vmem>> -> memref<128xi32, #tpu.memory_space<vmem>>
        %dma_wait3A_151 = arith.constant 0 : i32
        %dma_wait3A_152 = arith.constant 0 : i32
        %dma_wait3A_153 = tpu.memref_slice %arg9[%dma_wait3A_151, %dma_wait3A_152] : memref<10240x128xbf16, #tpu.memory_space<vmem_shared>> -> memref<10240x128xbf16, #tpu.memory_space<vmem_shared>>
        tpu.wait_indirect_dma semaphore(%run_scoped3A_133 : memref<!tpu.dma_semaphore, #tpu.memory_space<semaphore_mem>>) src(%dma_wait3A_147 : memref<128x128xbf16, #tpu.memory_space<vmem>>) dst(%dma_wait3A_153 : memref<10240x128xbf16, #tpu.memory_space<vmem_shared>>)
        tpu.yield
      }) : () -> ()
      %add3A_107 = arith.constant 1 : i32
      %add3A_108 = arith.addi %scan3A_62, %add3A_107 : i32
      %lt3A = arith.constant 40 : i32
      %lt3A_109 = arith.cmpi slt, %add3A_108, %lt3A : i32
      %convert_element_type3A = arith.extui %lt3A_109 : i1 to i32
      %cond3A = arith.constant 0 : i32
      %cond3A_110 = arith.cmpi ne, %convert_element_type3A, %cond3A : i32
      scf.if %cond3A_110 {
        %add3A_133 = arith.constant 2 : i32
        %add3A_134 = arith.addi %mul3A_65, %add3A_133 : i32
        %scan3A_135 = arith.constant 0 : i32
        %scan3A_136 = arith.constant 0 : i32
        %scan3A_137 = arith.constant 8 : i32
        %scan3A_138 = arith.addi %scan3A_136, %scan3A_137 : i32
        %scan3A_139 = arith.constant 1 : i32
        %scan3A_140 = scf.for %scan3A_154 = %scan3A_136 to %scan3A_138 step %scan3A_139 iter_args(%scan3A_155 = %scan3A_135) -> (i32)  : i32 {
          %mul3A_156 = arith.constant 16 : i32
          %mul3A_157 = arith.muli %scan3A_154, %mul3A_156 : i32
          %get3A = arith.index_cast %add3A_134 : i32 to index
          %get3A_158 = arith.index_cast %mul3A_157 : i32 to index
          %get3A_159 = tpu.vector_load %arg5[%get3A, %get3A_158] {strides = array<i32>} : memref<80x128xi32, #tpu.memory_space<vmem>>, vector<1x16xi32>,
          %get3A_160 = vector.shape_cast %get3A_159 : vector<1x16xi32> to vector<16xi32>
          %and3A = arith.constant 65535 : i32
          %and3A_161 = vector.broadcast %and3A : i32 to vector<16xi32>
          %and3A_162 = arith.andi %get3A_160, %and3A_161 : vector<16xi32>
          %mul3A_163 = arith.constant 16 : i32
          %mul3A_164 = arith.muli %scan3A_154, %mul3A_163 : i32
          %swap3A = arith.constant 0 : i32
          %swap3A_165 = arith.index_cast %swap3A : i32 to index
          %swap3A_166 = arith.index_cast %mul3A_164 : i32 to index
          %swap3A_167 = tpu.vector_load %arg6[%swap3A_165, %swap3A_166] {strides = array<i32>} : memref<2x128xi32, #tpu.memory_space<vmem>>, vector<1x16xi32>,
          %swap3A_168 = vector.shape_cast %swap3A_167 : vector<1x16xi32> to vector<16xi32>
          %swap3A_169 = vector.shape_cast %and3A_162 : vector<16xi32> to vector<1x16xi32>
          tpu.vector_store %arg6[%swap3A_165, %swap3A_166], %swap3A_169 {strides = array<i32>} : memref<2x128xi32, #tpu.memory_space<vmem>>, vector<1x16xi32>,
          %scan3A_170 = arith.constant 0 : i32
          scf.yield %scan3A_170 : i32
        }
        %scan3A_141 = arith.constant 8 : i32
        %dma_start3A_142 = arith.constant 0 : i32
        %dma_start3A_143 = arith.constant 0 : i32
        %dma_start3A_144 = arith.constant 0 : i32
        %dma_start3A_145 = arith.constant 0 : i32
        %dma_start3A_146 = tpu.memref_slice %arg8[%dma_start3A_143, %dma_start3A_144, %dma_start3A_145] : memref<2x128x128xbf16, #tpu.memory_space<vmem>> -> memref<1x128x128xbf16, #tpu.memory_space<vmem>>
        %dma_start3A_147 = tpu.memref_squeeze %dma_start3A_146 : memref<1x128x128xbf16, #tpu.memory_space<vmem>> -> memref<128x128xbf16, #tpu.memory_space<vmem>>
        %dma_start3A_148 = arith.constant 0 : i32
        %dma_start3A_149 = tpu.memref_slice %arg6[%dma_start3A_142, %dma_start3A_148] : memref<2x128xi32, #tpu.memory_space<vmem>> -> memref<1x128xi32, #tpu.memory_space<vmem>>
        %dma_start3A_150 = tpu.memref_squeeze %dma_start3A_149 : memref<1x128xi32, #tpu.memory_space<vmem>> -> memref<128xi32, #tpu.memory_space<vmem>>
        %dma_start3A_151 = arith.constant 0 : i32
        %dma_start3A_152 = arith.constant 0 : i32
        %dma_start3A_153 = tpu.memref_slice %arg2[%dma_start3A_151, %dma_start3A_152] : memref<10000x128xbf16, #tpu.memory_space<hbm>> -> memref<10000x128xbf16, #tpu.memory_space<hbm>>
        tpu.enqueue_indirect_dma source(%dma_start3A_153 : memref<10000x128xbf16, #tpu.memory_space<hbm>>) target(%dma_start3A_147 : memref<128x128xbf16, #tpu.memory_space<vmem>>) offsets(%dma_start3A_150 : memref<128xi32, #tpu.memory_space<vmem>>) semaphore(%arg10 : memref<!tpu.dma_semaphore, #tpu.memory_space<semaphore_mem>>)
      } else {
      }
      %dma_wait3A_111 = arith.constant 1 : i32
      %dma_wait3A_112 = arith.constant 1 : i32
      %dma_wait3A_113 = arith.constant 0 : i32
      %dma_wait3A_114 = arith.constant 0 : i32
      %dma_wait3A_115 = tpu.memref_slice %arg8[%dma_wait3A_112, %dma_wait3A_113, %dma_wait3A_114] : memref<2x128x128xbf16, #tpu.memory_space<vmem>> -> memref<1x128x128xbf16, #tpu.memory_space<vmem>>
      %dma_wait3A_116 = tpu.memref_squeeze %dma_wait3A_115 : memref<1x128x128xbf16, #tpu.memory_space<vmem>> -> memref<128x128xbf16, #tpu.memory_space<vmem>>
      %dma_wait3A_117 = arith.constant 0 : i32
      %dma_wait3A_118 = tpu.memref_slice %arg6[%dma_wait3A_111, %dma_wait3A_117] : memref<2x128xi32, #tpu.memory_space<vmem>> -> memref<1x128xi32, #tpu.memory_space<vmem>>
      %dma_wait3A_119 = tpu.memref_squeeze %dma_wait3A_118 : memref<1x128xi32, #tpu.memory_space<vmem>> -> memref<128xi32, #tpu.memory_space<vmem>>
      %dma_wait3A_120 = arith.constant 0 : i32
      %dma_wait3A_121 = arith.constant 0 : i32
      %dma_wait3A_122 = tpu.memref_slice %arg2[%dma_wait3A_120, %dma_wait3A_121] : memref<10000x128xbf16, #tpu.memory_space<hbm>> -> memref<10000x128xbf16, #tpu.memory_space<hbm>>
      tpu.wait_indirect_dma semaphore(%arg11 : memref<!tpu.dma_semaphore, #tpu.memory_space<semaphore_mem>>) src(%dma_wait3A_122 : memref<10000x128xbf16, #tpu.memory_space<hbm>>) dst(%dma_wait3A_116 : memref<128x128xbf16, #tpu.memory_space<vmem>>)
      %scan3A_123 = arith.constant 0 : i32
      %scan3A_124 = arith.constant 0 : i32
      %scan3A_125 = arith.constant 8 : i32
      %scan3A_126 = arith.addi %scan3A_124, %scan3A_125 : i32
      %scan3A_127 = arith.constant 1 : i32
      %scan3A_128 = scf.for %scan3A_133 = %scan3A_124 to %scan3A_126 step %scan3A_127 iter_args(%scan3A_134 = %scan3A_123) -> (i32)  : i32 {
        %mul3A_135 = arith.constant 16 : i32
        %mul3A_136 = arith.muli %scan3A_133, %mul3A_135 : i32
        %get3A = arith.index_cast %add3A_67 : i32 to index
        %get3A_137 = arith.index_cast %mul3A_136 : i32 to index
        %get3A_138 = tpu.vector_load %arg5[%get3A, %get3A_137] {strides = array<i32>} : memref<80x128xi32, #tpu.memory_space<vmem>>, vector<1x16xi32>,
        %get3A_139 = vector.shape_cast %get3A_138 : vector<1x16xi32> to vector<16xi32>
        %shift_right_arithmetic3A = arith.constant 16 : i32
        %shift_right_arithmetic3A_140 = vector.broadcast %shift_right_arithmetic3A : i32 to vector<16xi32>
        %shift_right_arithmetic3A_141 = arith.shrsi %get3A_139, %shift_right_arithmetic3A_140 : vector<16xi32>
        %mul3A_142 = arith.constant 16 : i32
        %mul3A_143 = arith.muli %scan3A_133, %mul3A_142 : i32
        %swap3A = arith.constant 1 : i32
        %swap3A_144 = arith.index_cast %swap3A : i32 to index
        %swap3A_145 = arith.index_cast %mul3A_143 : i32 to index
        %swap3A_146 = tpu.vector_load %arg7[%swap3A_144, %swap3A_145] {strides = array<i32>} : memref<2x128xi32, #tpu.memory_space<vmem>>, vector<1x16xi32>,
        %swap3A_147 = vector.shape_cast %swap3A_146 : vector<1x16xi32> to vector<16xi32>
        %swap3A_148 = vector.shape_cast %shift_right_arithmetic3A_141 : vector<16xi32> to vector<1x16xi32>
        tpu.vector_store %arg7[%swap3A_144, %swap3A_145], %swap3A_148 {strides = array<i32>} : memref<2x128xi32, #tpu.memory_space<vmem>>, vector<1x16xi32>,
        %scan3A_149 = arith.constant 0 : i32
        scf.yield %scan3A_149 : i32
      }
      %scan3A_129 = arith.constant 8 : i32
      %run_scoped3A_130 = arith.constant 1 : i32
      %run_scoped3A_131 = arith.constant 1 : i32
      "tpu.region"() ({
        %run_scoped3A_133 = tpu.sem_alloc : memref<!tpu.dma_semaphore, #tpu.memory_space<semaphore_mem>>
        %dma_start3A_134 = arith.constant 0 : i32
        %dma_start3A_135 = arith.constant 0 : i32
        %dma_start3A_136 = tpu.memref_slice %arg8[%run_scoped3A_130, %dma_start3A_134, %dma_start3A_135] : memref<2x128x128xbf16, #tpu.memory_space<vmem>> -> memref<1x128x128xbf16, #tpu.memory_space<vmem>>
        %dma_start3A_137 = tpu.memref_squeeze %dma_start3A_136 : memref<1x128x128xbf16, #tpu.memory_space<vmem>> -> memref<128x128xbf16, #tpu.memory_space<vmem>>
        %dma_start3A_138 = arith.constant 0 : i32
        %dma_start3A_139 = tpu.memref_slice %arg7[%run_scoped3A_131, %dma_start3A_138] : memref<2x128xi32, #tpu.memory_space<vmem>> -> memref<1x128xi32, #tpu.memory_space<vmem>>
        %dma_start3A_140 = tpu.memref_squeeze %dma_start3A_139 : memref<1x128xi32, #tpu.memory_space<vmem>> -> memref<128xi32, #tpu.memory_space<vmem>>
        %dma_start3A_141 = arith.constant 0 : i32
        %dma_start3A_142 = arith.constant 0 : i32
        %dma_start3A_143 = tpu.memref_slice %arg9[%dma_start3A_141, %dma_start3A_142] : memref<10240x128xbf16, #tpu.memory_space<vmem_shared>> -> memref<10240x128xbf16, #tpu.memory_space<vmem_shared>>
        tpu.enqueue_indirect_dma source(%dma_start3A_137 : memref<128x128xbf16, #tpu.memory_space<vmem>>) target(%dma_start3A_143 : memref<10240x128xbf16, #tpu.memory_space<vmem_shared>>) offsets(%dma_start3A_140 : memref<128xi32, #tpu.memory_space<vmem>>) semaphore(%run_scoped3A_133 : memref<!tpu.dma_semaphore, #tpu.memory_space<semaphore_mem>>) {add = true}
        %dma_wait3A_144 = arith.constant 0 : i32
        %dma_wait3A_145 = arith.constant 0 : i32
        %dma_wait3A_146 = tpu.memref_slice %arg8[%run_scoped3A_130, %dma_wait3A_144, %dma_wait3A_145] : memref<2x128x128xbf16, #tpu.memory_space<vmem>> -> memref<1x128x128xbf16, #tpu.memory_space<vmem>>
        %dma_wait3A_147 = tpu.memref_squeeze %dma_wait3A_146 : memref<1x128x128xbf16, #tpu.memory_space<vmem>> -> memref<128x128xbf16, #tpu.memory_space<vmem>>
        %dma_wait3A_148 = arith.constant 0 : i32
        %dma_wait3A_149 = tpu.memref_slice %arg7[%run_scoped3A_131, %dma_wait3A_148] : memref<2x128xi32, #tpu.memory_space<vmem>> -> memref<1x128xi32, #tpu.memory_space<vmem>>
        %dma_wait3A_150 = tpu.memref_squeeze %dma_wait3A_149 : memref<1x128xi32, #tpu.memory_space<vmem>> -> memref<128xi32, #tpu.memory_space<vmem>>
        %dma_wait3A_151 = arith.constant 0 : i32
        %dma_wait3A_152 = arith.constant 0 : i32
        %dma_wait3A_153 = tpu.memref_slice %arg9[%dma_wait3A_151, %dma_wait3A_152] : memref<10240x128xbf16, #tpu.memory_space<vmem_shared>> -> memref<10240x128xbf16, #tpu.memory_space<vmem_shared>>
        tpu.wait_indirect_dma semaphore(%run_scoped3A_133 : memref<!tpu.dma_semaphore, #tpu.memory_space<semaphore_mem>>) src(%dma_wait3A_147 : memref<128x128xbf16, #tpu.memory_space<vmem>>) dst(%dma_wait3A_153 : memref<10240x128xbf16, #tpu.memory_space<vmem_shared>>)
        tpu.yield
      }) : () -> ()
      %scan3A_132 = arith.constant 0 : i32
      scf.yield %scan3A_132 : i32
    }
    %scan3A_56 = arith.constant 40 : i32
    %barrier3A_57 = arith.constant 0 : index
    tpu.barrier barrier_id(%barrier3A_57)
    %mul3A_58 = arith.constant 640 : i32
    %mul3A_59 = arith.muli %arg1, %mul3A_58 : i32
    %mul3A_60 = arith.constant 640 : i32
    %mul3A_61 = arith.muli %arg1, %mul3A_60 : i32
    "tpu.region"() ({
      %run_scoped3A_62 = tpu.sem_alloc : memref<!tpu.dma_semaphore, #tpu.memory_space<semaphore_mem>>
      %dma_start3A_63 = arith.constant 0 : i32
      %dma_start3A_64 = tpu.memref_slice %arg4[%arg0, %mul3A_61, %dma_start3A_63] : memref<2x10240x128xbf16, #tpu.memory_space<hbm>> -> memref<1x640x128xbf16, #tpu.memory_space<hbm>>
      %dma_start3A_65 = tpu.memref_squeeze %dma_start3A_64 : memref<1x640x128xbf16, #tpu.memory_space<hbm>> -> memref<640x128xbf16, #tpu.memory_space<hbm>>
      %dma_start3A_66 = arith.constant 0 : i32
      %dma_start3A_67 = tpu.memref_slice %arg9[%mul3A_59, %dma_start3A_66] : memref<10240x128xbf16, #tpu.memory_space<vmem_shared>> -> memref<640x128xbf16, #tpu.memory_space<vmem_shared>>
      tpu.enqueue_dma source(%dma_start3A_67 : memref<640x128xbf16, #tpu.memory_space<vmem_shared>>) target(%dma_start3A_65 : memref<640x128xbf16, #tpu.memory_space<hbm>>) target_semaphore(%run_scoped3A_62 : memref<!tpu.dma_semaphore, #tpu.memory_space<semaphore_mem>>)
      %dma_wait3A = arith.constant 0 : i32
      %dma_wait3A_68 = tpu.memref_slice %arg4[%arg0, %mul3A_61, %dma_wait3A] : memref<2x10240x128xbf16, #tpu.memory_space<hbm>> -> memref<1x640x128xbf16, #tpu.memory_space<hbm>>
      %dma_wait3A_69 = tpu.memref_squeeze %dma_wait3A_68 : memref<1x640x128xbf16, #tpu.memory_space<hbm>> -> memref<640x128xbf16, #tpu.memory_space<hbm>>
      %dma_wait3A_70 = arith.constant 0 : i32
      %dma_wait3A_71 = tpu.memref_slice %arg9[%mul3A_59, %dma_wait3A_70] : memref<10240x128xbf16, #tpu.memory_space<vmem_shared>> -> memref<640x128xbf16, #tpu.memory_space<vmem_shared>>
      tpu.wait_dma2 semaphore(%run_scoped3A_62 : memref<!tpu.dma_semaphore, #tpu.memory_space<semaphore_mem>>) src(%dma_wait3A_71 : memref<640x128xbf16, #tpu.memory_space<vmem_shared>>) dst(%dma_wait3A_69 : memref<640x128xbf16, #tpu.memory_space<hbm>>)
      tpu.yield
    }) : () -> ()
    return
  }
}

#map = affine_map<(d0, d1) -> (0, 0)>
#map1 = affine_map<(d0, d1) -> (0, 0, 0)>
module attributes {stable_mosaic.version = 14 : i64} {
  func.func @body(%arg0: i32, %arg1: i32, %arg2: memref<10000x128xbf16, #tpu.memory_space<hbm>>, %arg3: memref<32x80x128xi32, #tpu.memory_space<hbm>>, %arg4: memref<2x10240x128xbf16, #tpu.memory_space<hbm>>, %arg5: memref<80x128xi32, #tpu.memory_space<vmem>>, %arg6: memref<2x128xi32, #tpu.memory_space<vmem>>, %arg7: memref<2x128xi32, #tpu.memory_space<vmem>>, %arg8: memref<2x128x128xbf16, #tpu.memory_space<vmem>>, %arg9: memref<10240x128xbf16, #tpu.memory_space<vmem_shared>>, %arg10: memref<!tpu.dma_semaphore, #tpu.memory_space<semaphore_mem>>, %arg11: memref<!tpu.dma_semaphore, #tpu.memory_space<semaphore_mem>>) attributes {dimension_semantics = [#tpu.dimension_semantics<core_parallel>, #tpu.dimension_semantics<subcore_parallel>], iteration_bounds = array<i64: 2, 16>, scalar_prefetch = 0 : i64, scratch_operands = 7 : i64, tpu.core_type = #tpu.core_type<sc_vector_subcore>, window_params = [{transform_indices = #map}, {transform_indices = #map1}, {transform_indices = #map1}]} {
    %mul3A = arith.constant 16 : i32
    %mul3A_0 = arith.muli %arg0, %mul3A : i32
    %add3A = arith.addi %mul3A_0, %arg1 : i32
    "tpu.region"() ({
      %run_scoped3A_62 = tpu.sem_alloc : memref<!tpu.dma_semaphore, #tpu.memory_space<semaphore_mem>>
      %dma_start3A_63 = arith.constant 0 : i32
      %dma_start3A_64 = arith.constant 0 : i32
      %dma_start3A_65 = tpu.memref_slice %arg3[%add3A, %dma_start3A_63, %dma_start3A_64] : memref<32x80x128xi32, #tpu.memory_space<hbm>> -> memref<1x80x128xi32, #tpu.memory_space<hbm>>
      %dma_start3A_66 = tpu.memref_squeeze %dma_start3A_65 : memref<1x80x128xi32, #tpu.memory_space<hbm>> -> memref<80x128xi32, #tpu.memory_space<hbm>>
      %dma_start3A_67 = arith.constant 0 : i32
      %dma_start3A_68 = arith.constant 0 : i32
      %dma_start3A_69 = tpu.memref_slice %arg3[%add3A, %dma_start3A_67, %dma_start3A_68] : memref<32x80x128xi32, #tpu.memory_space<hbm>> -> memref<1x80x128xi32, #tpu.memory_space<hbm>>
      %dma_start3A_70 = tpu.memref_squeeze %dma_start3A_69 : memref<1x80x128xi32, #tpu.memory_space<hbm>> -> memref<80x128xi32, #tpu.memory_space<hbm>>
      tpu.enqueue_dma source(%dma_start3A_70 : memref<80x128xi32, #tpu.memory_space<hbm>>) target(%arg5 : memref<80x128xi32, #tpu.memory_space<vmem>>) target_semaphore(%run_scoped3A_62 : memref<!tpu.dma_semaphore, #tpu.memory_space<semaphore_mem>>)
      %dma_wait3A = arith.constant 0 : i32
      %dma_wait3A_71 = arith.constant 0 : i32
      %dma_wait3A_72 = tpu.memref_slice %arg3[%add3A, %dma_wait3A, %dma_wait3A_71] : memref<32x80x128xi32, #tpu.memory_space<hbm>> -> memref<1x80x128xi32, #tpu.memory_space<hbm>>
      %dma_wait3A_73 = tpu.memref_squeeze %dma_wait3A_72 : memref<1x80x128xi32, #tpu.memory_space<hbm>> -> memref<80x128xi32, #tpu.memory_space<hbm>>
      %dma_wait3A_74 = arith.constant 0 : i32
      %dma_wait3A_75 = arith.constant 0 : i32
      %dma_wait3A_76 = tpu.memref_slice %arg3[%add3A, %dma_wait3A_74, %dma_wait3A_75] : memref<32x80x128xi32, #tpu.memory_space<hbm>> -> memref<1x80x128xi32, #tpu.memory_space<hbm>>
      %dma_wait3A_77 = tpu.memref_squeeze %dma_wait3A_76 : memref<1x80x128xi32, #tpu.memory_space<hbm>> -> memref<80x128xi32, #tpu.memory_space<hbm>>
      tpu.wait_dma2 semaphore(%run_scoped3A_62 : memref<!tpu.dma_semaphore, #tpu.memory_space<semaphore_mem>>) src(%dma_wait3A_77 : memref<80x128xi32, #tpu.memory_space<hbm>>) dst(%arg5 : memref<80x128xi32, #tpu.memory_space<vmem>>)
      tpu.yield
    }) : () -> ()
    %scan3A = arith.constant 0 : i32
    %scan3A_1 = arith.constant 0 : i32
    %scan3A_2 = arith.constant 0 : i32
    %scan3A_3 = arith.constant 512 : i32
    %scan3A_4 = arith.addi %scan3A_2, %scan3A_3 : i32
    %scan3A_5 = arith.constant 1 : i32
    %scan3A_6 = scf.for %scan3A_62 = %scan3A_2 to %scan3A_4 step %scan3A_5 iter_args(%scan3A_63 = %scan3A_1) -> (i32)  : i32 {
      %div3A = arith.constant 4 : i32
      %div3A_64 = arith.divsi %scan3A_62, %div3A : i32
      %rem3A = arith.constant 4 : i32
      %rem3A_65 = arith.remsi %scan3A_62, %rem3A : i32
      %mul3A_66 = arith.constant 32 : i32
      %mul3A_67 = arith.muli %rem3A_65, %mul3A_66 : i32
      %broadcast_in_dim3A = arith.constant 0.000000e+00 : bf16
      %broadcast_in_dim3A_68 = vector.broadcast %broadcast_in_dim3A : bf16 to vector<32xbf16>
      %swap3A = arith.constant 0 : i32
      %swap3A_69 = arith.constant 0 : i32
      %swap3A_70 = tpu.memref_slice %arg8[%scan3A, %swap3A, %swap3A_69] : memref<2x128x128xbf16, #tpu.memory_space<vmem>> -> memref<1x128x128xbf16, #tpu.memory_space<vmem>>
      %swap3A_71 = tpu.memref_squeeze %swap3A_70 : memref<1x128x128xbf16, #tpu.memory_space<vmem>> -> memref<128x128xbf16, #tpu.memory_space<vmem>>
      %swap3A_72 = arith.index_cast %div3A_64 : i32 to index
      %swap3A_73 = arith.index_cast %mul3A_67 : i32 to index
      %swap3A_74 = tpu.vector_load %swap3A_71[%swap3A_72, %swap3A_73] {strides = array<i32>} : memref<128x128xbf16, #tpu.memory_space<vmem>>, vector<1x32xbf16>,
      %swap3A_75 = vector.shape_cast %swap3A_74 : vector<1x32xbf16> to vector<32xbf16>
      %swap3A_76 = vector.shape_cast %broadcast_in_dim3A_68 : vector<32xbf16> to vector<1x32xbf16>
      tpu.vector_store %swap3A_71[%swap3A_72, %swap3A_73], %swap3A_76 {strides = array<i32>} : memref<128x128xbf16, #tpu.memory_space<vmem>>, vector<1x32xbf16>,
      %scan3A_77 = arith.constant 0 : i32
      scf.yield %scan3A_77 : i32
    }
    %scan3A_7 = arith.constant 512 : i32
    %mul3A_8 = arith.constant 640 : i32
    %mul3A_9 = arith.muli %arg1, %mul3A_8 : i32
    %add3A_10 = arith.constant 0 : i32
    %add3A_11 = arith.addi %mul3A_9, %add3A_10 : i32
    %run_scoped3A = arith.constant 0 : i32
    "tpu.region"() ({
      %run_scoped3A_62 = tpu.sem_alloc : memref<!tpu.dma_semaphore, #tpu.memory_space<semaphore_mem>>
      %dma_start3A_63 = arith.constant 0 : i32
      %dma_start3A_64 = arith.constant 0 : i32
      %dma_start3A_65 = tpu.memref_slice %arg8[%run_scoped3A, %dma_start3A_63, %dma_start3A_64] : memref<2x128x128xbf16, #tpu.memory_space<vmem>> -> memref<1x128x128xbf16, #tpu.memory_space<vmem>>
      %dma_start3A_66 = tpu.memref_squeeze %dma_start3A_65 : memref<1x128x128xbf16, #tpu.memory_space<vmem>> -> memref<128x128xbf16, #tpu.memory_space<vmem>>
      %dma_start3A_67 = arith.constant 0 : i32
      %dma_start3A_68 = tpu.memref_slice %arg9[%add3A_11, %dma_start3A_67] : memref<10240x128xbf16, #tpu.memory_space<vmem_shared>> -> memref<128x128xbf16, #tpu.memory_space<vmem_shared>>
      %dma_start3A_69 = arith.constant 0 : i32
      %dma_start3A_70 = tpu.memref_slice %arg9[%add3A_11, %dma_start3A_69] : memref<10240x128xbf16, #tpu.memory_space<vmem_shared>> -> memref<128x128xbf16, #tpu.memory_space<vmem_shared>>
      %dma_start3A_71 = arith.constant 0 : i32
      %dma_start3A_72 = arith.constant 0 : i32
      %dma_start3A_73 = tpu.memref_slice %arg8[%run_scoped3A, %dma_start3A_71, %dma_start3A_72] : memref<2x128x128xbf16, #tpu.memory_space<vmem>> -> memref<1x128x128xbf16, #tpu.memory_space<vmem>>
      %dma_start3A_74 = tpu.memref_squeeze %dma_start3A_73 : memref<1x128x128xbf16, #tpu.memory_space<vmem>> -> memref<128x128xbf16, #tpu.memory_space<vmem>>
      tpu.enqueue_dma source(%dma_start3A_74 : memref<128x128xbf16, #tpu.memory_space<vmem>>) target(%dma_start3A_70 : memref<128x128xbf16, #tpu.memory_space<vmem_shared>>) target_semaphore(%run_scoped3A_62 : memref<!tpu.dma_semaphore, #tpu.memory_space<semaphore_mem>>)
      %dma_wait3A = arith.constant 0 : i32
      %dma_wait3A_75 = arith.constant 0 : i32
      %dma_wait3A_76 = tpu.memref_slice %arg8[%run_scoped3A, %dma_wait3A, %dma_wait3A_75] : memref<2x128x128xbf16, #tpu.memory_space<vmem>> -> memref<1x128x128xbf16, #tpu.memory_space<vmem>>
      %dma_wait3A_77 = tpu.memref_squeeze %dma_wait3A_76 : memref<1x128x128xbf16, #tpu.memory_space<vmem>> -> memref<128x128xbf16, #tpu.memory_space<vmem>>
      %dma_wait3A_78 = arith.constant 0 : i32
      %dma_wait3A_79 = tpu.memref_slice %arg9[%add3A_11, %dma_wait3A_78] : memref<10240x128xbf16, #tpu.memory_space<vmem_shared>> -> memref<128x128xbf16, #tpu.memory_space<vmem_shared>>
      %dma_wait3A_80 = arith.constant 0 : i32
      %dma_wait3A_81 = tpu.memref_slice %arg9[%add3A_11, %dma_wait3A_80] : memref<10240x128xbf16, #tpu.memory_space<vmem_shared>> -> memref<128x128xbf16, #tpu.memory_space<vmem_shared>>
      %dma_wait3A_82 = arith.constant 0 : i32
      %dma_wait3A_83 = arith.constant 0 : i32
      %dma_wait3A_84 = tpu.memref_slice %arg8[%run_scoped3A, %dma_wait3A_82, %dma_wait3A_83] : memref<2x128x128xbf16, #tpu.memory_space<vmem>> -> memref<1x128x128xbf16, #tpu.memory_space<vmem>>
      %dma_wait3A_85 = tpu.memref_squeeze %dma_wait3A_84 : memref<1x128x128xbf16, #tpu.memory_space<vmem>> -> memref<128x128xbf16, #tpu.memory_space<vmem>>
      tpu.wait_dma2 semaphore(%run_scoped3A_62 : memref<!tpu.dma_semaphore, #tpu.memory_space<semaphore_mem>>) src(%dma_wait3A_85 : memref<128x128xbf16, #tpu.memory_space<vmem>>) dst(%dma_wait3A_81 : memref<128x128xbf16, #tpu.memory_space<vmem_shared>>)
      tpu.yield
    }) : () -> ()
    %mul3A_12 = arith.constant 640 : i32
    %mul3A_13 = arith.muli %arg1, %mul3A_12 : i32
    %add3A_14 = arith.constant 128 : i32
    %add3A_15 = arith.addi %mul3A_13, %add3A_14 : i32
    %run_scoped3A_16 = arith.constant 0 : i32
    "tpu.region"() ({
      %run_scoped3A_62 = tpu.sem_alloc : memref<!tpu.dma_semaphore, #tpu.memory_space<semaphore_mem>>
      %dma_start3A_63 = arith.constant 0 : i32
      %dma_start3A_64 = arith.constant 0 : i32
      %dma_start3A_65 = tpu.memref_slice %arg8[%run_scoped3A_16, %dma_start3A_63, %dma_start3A_64] : memref<2x128x128xbf16, #tpu.memory_space<vmem>> -> memref<1x128x128xbf16, #tpu.memory_space<vmem>>
      %dma_start3A_66 = tpu.memref_squeeze %dma_start3A_65 : memref<1x128x128xbf16, #tpu.memory_space<vmem>> -> memref<128x128xbf16, #tpu.memory_space<vmem>>
      %dma_start3A_67 = arith.constant 0 : i32
      %dma_start3A_68 = tpu.memref_slice %arg9[%add3A_15, %dma_start3A_67] : memref<10240x128xbf16, #tpu.memory_space<vmem_shared>> -> memref<128x128xbf16, #tpu.memory_space<vmem_shared>>
      %dma_start3A_69 = arith.constant 0 : i32
      %dma_start3A_70 = tpu.memref_slice %arg9[%add3A_15, %dma_start3A_69] : memref<10240x128xbf16, #tpu.memory_space<vmem_shared>> -> memref<128x128xbf16, #tpu.memory_space<vmem_shared>>
      %dma_start3A_71 = arith.constant 0 : i32
      %dma_start3A_72 = arith.constant 0 : i32
      %dma_start3A_73 = tpu.memref_slice %arg8[%run_scoped3A_16, %dma_start3A_71, %dma_start3A_72] : memref<2x128x128xbf16, #tpu.memory_space<vmem>> -> memref<1x128x128xbf16, #tpu.memory_space<vmem>>
      %dma_start3A_74 = tpu.memref_squeeze %dma_start3A_73 : memref<1x128x128xbf16, #tpu.memory_space<vmem>> -> memref<128x128xbf16, #tpu.memory_space<vmem>>
      tpu.enqueue_dma source(%dma_start3A_74 : memref<128x128xbf16, #tpu.memory_space<vmem>>) target(%dma_start3A_70 : memref<128x128xbf16, #tpu.memory_space<vmem_shared>>) target_semaphore(%run_scoped3A_62 : memref<!tpu.dma_semaphore, #tpu.memory_space<semaphore_mem>>)
      %dma_wait3A = arith.constant 0 : i32
      %dma_wait3A_75 = arith.constant 0 : i32
      %dma_wait3A_76 = tpu.memref_slice %arg8[%run_scoped3A_16, %dma_wait3A, %dma_wait3A_75] : memref<2x128x128xbf16, #tpu.memory_space<vmem>> -> memref<1x128x128xbf16, #tpu.memory_space<vmem>>
      %dma_wait3A_77 = tpu.memref_squeeze %dma_wait3A_76 : memref<1x128x128xbf16, #tpu.memory_space<vmem>> -> memref<128x128xbf16, #tpu.memory_space<vmem>>
      %dma_wait3A_78 = arith.constant 0 : i32
      %dma_wait3A_79 = tpu.memref_slice %arg9[%add3A_15, %dma_wait3A_78] : memref<10240x128xbf16, #tpu.memory_space<vmem_shared>> -> memref<128x128xbf16, #tpu.memory_space<vmem_shared>>
      %dma_wait3A_80 = arith.constant 0 : i32
      %dma_wait3A_81 = tpu.memref_slice %arg9[%add3A_15, %dma_wait3A_80] : memref<10240x128xbf16, #tpu.memory_space<vmem_shared>> -> memref<128x128xbf16, #tpu.memory_space<vmem_shared>>
      %dma_wait3A_82 = arith.constant 0 : i32
      %dma_wait3A_83 = arith.constant 0 : i32
      %dma_wait3A_84 = tpu.memref_slice %arg8[%run_scoped3A_16, %dma_wait3A_82, %dma_wait3A_83] : memref<2x128x128xbf16, #tpu.memory_space<vmem>> -> memref<1x128x128xbf16, #tpu.memory_space<vmem>>
      %dma_wait3A_85 = tpu.memref_squeeze %dma_wait3A_84 : memref<1x128x128xbf16, #tpu.memory_space<vmem>> -> memref<128x128xbf16, #tpu.memory_space<vmem>>
      tpu.wait_dma2 semaphore(%run_scoped3A_62 : memref<!tpu.dma_semaphore, #tpu.memory_space<semaphore_mem>>) src(%dma_wait3A_85 : memref<128x128xbf16, #tpu.memory_space<vmem>>) dst(%dma_wait3A_81 : memref<128x128xbf16, #tpu.memory_space<vmem_shared>>)
      tpu.yield
    }) : () -> ()
    %mul3A_17 = arith.constant 640 : i32
    %mul3A_18 = arith.muli %arg1, %mul3A_17 : i32
    %add3A_19 = arith.constant 256 : i32
    %add3A_20 = arith.addi %mul3A_18, %add3A_19 : i32
    %run_scoped3A_21 = arith.constant 0 : i32
    "tpu.region"() ({
      %run_scoped3A_62 = tpu.sem_alloc : memref<!tpu.dma_semaphore, #tpu.memory_space<semaphore_mem>>
      %dma_start3A_63 = arith.constant 0 : i32
      %dma_start3A_64 = arith.constant 0 : i32
      %dma_start3A_65 = tpu.memref_slice %arg8[%run_scoped3A_21, %dma_start3A_63, %dma_start3A_64] : memref<2x128x128xbf16, #tpu.memory_space<vmem>> -> memref<1x128x128xbf16, #tpu.memory_space<vmem>>
      %dma_start3A_66 = tpu.memref_squeeze %dma_start3A_65 : memref<1x128x128xbf16, #tpu.memory_space<vmem>> -> memref<128x128xbf16, #tpu.memory_space<vmem>>
      %dma_start3A_67 = arith.constant 0 : i32
      %dma_start3A_68 = tpu.memref_slice %arg9[%add3A_20, %dma_start3A_67] : memref<10240x128xbf16, #tpu.memory_space<vmem_shared>> -> memref<128x128xbf16, #tpu.memory_space<vmem_shared>>
      %dma_start3A_69 = arith.constant 0 : i32
      %dma_start3A_70 = tpu.memref_slice %arg9[%add3A_20, %dma_start3A_69] : memref<10240x128xbf16, #tpu.memory_space<vmem_shared>> -> memref<128x128xbf16, #tpu.memory_space<vmem_shared>>
      %dma_start3A_71 = arith.constant 0 : i32
      %dma_start3A_72 = arith.constant 0 : i32
      %dma_start3A_73 = tpu.memref_slice %arg8[%run_scoped3A_21, %dma_start3A_71, %dma_start3A_72] : memref<2x128x128xbf16, #tpu.memory_space<vmem>> -> memref<1x128x128xbf16, #tpu.memory_space<vmem>>
      %dma_start3A_74 = tpu.memref_squeeze %dma_start3A_73 : memref<1x128x128xbf16, #tpu.memory_space<vmem>> -> memref<128x128xbf16, #tpu.memory_space<vmem>>
      tpu.enqueue_dma source(%dma_start3A_74 : memref<128x128xbf16, #tpu.memory_space<vmem>>) target(%dma_start3A_70 : memref<128x128xbf16, #tpu.memory_space<vmem_shared>>) target_semaphore(%run_scoped3A_62 : memref<!tpu.dma_semaphore, #tpu.memory_space<semaphore_mem>>)
      %dma_wait3A = arith.constant 0 : i32
      %dma_wait3A_75 = arith.constant 0 : i32
      %dma_wait3A_76 = tpu.memref_slice %arg8[%run_scoped3A_21, %dma_wait3A, %dma_wait3A_75] : memref<2x128x128xbf16, #tpu.memory_space<vmem>> -> memref<1x128x128xbf16, #tpu.memory_space<vmem>>
      %dma_wait3A_77 = tpu.memref_squeeze %dma_wait3A_76 : memref<1x128x128xbf16, #tpu.memory_space<vmem>> -> memref<128x128xbf16, #tpu.memory_space<vmem>>
      %dma_wait3A_78 = arith.constant 0 : i32
      %dma_wait3A_79 = tpu.memref_slice %arg9[%add3A_20, %dma_wait3A_78] : memref<10240x128xbf16, #tpu.memory_space<vmem_shared>> -> memref<128x128xbf16, #tpu.memory_space<vmem_shared>>
      %dma_wait3A_80 = arith.constant 0 : i32
      %dma_wait3A_81 = tpu.memref_slice %arg9[%add3A_20, %dma_wait3A_80] : memref<10240x128xbf16, #tpu.memory_space<vmem_shared>> -> memref<128x128xbf16, #tpu.memory_space<vmem_shared>>
      %dma_wait3A_82 = arith.constant 0 : i32
      %dma_wait3A_83 = arith.constant 0 : i32
      %dma_wait3A_84 = tpu.memref_slice %arg8[%run_scoped3A_21, %dma_wait3A_82, %dma_wait3A_83] : memref<2x128x128xbf16, #tpu.memory_space<vmem>> -> memref<1x128x128xbf16, #tpu.memory_space<vmem>>
      %dma_wait3A_85 = tpu.memref_squeeze %dma_wait3A_84 : memref<1x128x128xbf16, #tpu.memory_space<vmem>> -> memref<128x128xbf16, #tpu.memory_space<vmem>>
      tpu.wait_dma2 semaphore(%run_scoped3A_62 : memref<!tpu.dma_semaphore, #tpu.memory_space<semaphore_mem>>) src(%dma_wait3A_85 : memref<128x128xbf16, #tpu.memory_space<vmem>>) dst(%dma_wait3A_81 : memref<128x128xbf16, #tpu.memory_space<vmem_shared>>)
      tpu.yield
    }) : () -> ()
    %mul3A_22 = arith.constant 640 : i32
    %mul3A_23 = arith.muli %arg1, %mul3A_22 : i32
    %add3A_24 = arith.constant 384 : i32
    %add3A_25 = arith.addi %mul3A_23, %add3A_24 : i32
    %run_scoped3A_26 = arith.constant 0 : i32
    "tpu.region"() ({
      %run_scoped3A_62 = tpu.sem_alloc : memref<!tpu.dma_semaphore, #tpu.memory_space<semaphore_mem>>
      %dma_start3A_63 = arith.constant 0 : i32
      %dma_start3A_64 = arith.constant 0 : i32
      %dma_start3A_65 = tpu.memref_slice %arg8[%run_scoped3A_26, %dma_start3A_63, %dma_start3A_64] : memref<2x128x128xbf16, #tpu.memory_space<vmem>> -> memref<1x128x128xbf16, #tpu.memory_space<vmem>>
      %dma_start3A_66 = tpu.memref_squeeze %dma_start3A_65 : memref<1x128x128xbf16, #tpu.memory_space<vmem>> -> memref<128x128xbf16, #tpu.memory_space<vmem>>
      %dma_start3A_67 = arith.constant 0 : i32
      %dma_start3A_68 = tpu.memref_slice %arg9[%add3A_25, %dma_start3A_67] : memref<10240x128xbf16, #tpu.memory_space<vmem_shared>> -> memref<128x128xbf16, #tpu.memory_space<vmem_shared>>
      %dma_start3A_69 = arith.constant 0 : i32
      %dma_start3A_70 = tpu.memref_slice %arg9[%add3A_25, %dma_start3A_69] : memref<10240x128xbf16, #tpu.memory_space<vmem_shared>> -> memref<128x128xbf16, #tpu.memory_space<vmem_shared>>
      %dma_start3A_71 = arith.constant 0 : i32
      %dma_start3A_72 = arith.constant 0 : i32
      %dma_start3A_73 = tpu.memref_slice %arg8[%run_scoped3A_26, %dma_start3A_71, %dma_start3A_72] : memref<2x128x128xbf16, #tpu.memory_space<vmem>> -> memref<1x128x128xbf16, #tpu.memory_space<vmem>>
      %dma_start3A_74 = tpu.memref_squeeze %dma_start3A_73 : memref<1x128x128xbf16, #tpu.memory_space<vmem>> -> memref<128x128xbf16, #tpu.memory_space<vmem>>
      tpu.enqueue_dma source(%dma_start3A_74 : memref<128x128xbf16, #tpu.memory_space<vmem>>) target(%dma_start3A_70 : memref<128x128xbf16, #tpu.memory_space<vmem_shared>>) target_semaphore(%run_scoped3A_62 : memref<!tpu.dma_semaphore, #tpu.memory_space<semaphore_mem>>)
      %dma_wait3A = arith.constant 0 : i32
      %dma_wait3A_75 = arith.constant 0 : i32
      %dma_wait3A_76 = tpu.memref_slice %arg8[%run_scoped3A_26, %dma_wait3A, %dma_wait3A_75] : memref<2x128x128xbf16, #tpu.memory_space<vmem>> -> memref<1x128x128xbf16, #tpu.memory_space<vmem>>
      %dma_wait3A_77 = tpu.memref_squeeze %dma_wait3A_76 : memref<1x128x128xbf16, #tpu.memory_space<vmem>> -> memref<128x128xbf16, #tpu.memory_space<vmem>>
      %dma_wait3A_78 = arith.constant 0 : i32
      %dma_wait3A_79 = tpu.memref_slice %arg9[%add3A_25, %dma_wait3A_78] : memref<10240x128xbf16, #tpu.memory_space<vmem_shared>> -> memref<128x128xbf16, #tpu.memory_space<vmem_shared>>
      %dma_wait3A_80 = arith.constant 0 : i32
      %dma_wait3A_81 = tpu.memref_slice %arg9[%add3A_25, %dma_wait3A_80] : memref<10240x128xbf16, #tpu.memory_space<vmem_shared>> -> memref<128x128xbf16, #tpu.memory_space<vmem_shared>>
      %dma_wait3A_82 = arith.constant 0 : i32
      %dma_wait3A_83 = arith.constant 0 : i32
      %dma_wait3A_84 = tpu.memref_slice %arg8[%run_scoped3A_26, %dma_wait3A_82, %dma_wait3A_83] : memref<2x128x128xbf16, #tpu.memory_space<vmem>> -> memref<1x128x128xbf16, #tpu.memory_space<vmem>>
      %dma_wait3A_85 = tpu.memref_squeeze %dma_wait3A_84 : memref<1x128x128xbf16, #tpu.memory_space<vmem>> -> memref<128x128xbf16, #tpu.memory_space<vmem>>
      tpu.wait_dma2 semaphore(%run_scoped3A_62 : memref<!tpu.dma_semaphore, #tpu.memory_space<semaphore_mem>>) src(%dma_wait3A_85 : memref<128x128xbf16, #tpu.memory_space<vmem>>) dst(%dma_wait3A_81 : memref<128x128xbf16, #tpu.memory_space<vmem_shared>>)
      tpu.yield
    }) : () -> ()
    %mul3A_27 = arith.constant 640 : i32
    %mul3A_28 = arith.muli %arg1, %mul3A_27 : i32
    %add3A_29 = arith.constant 512 : i32
    %add3A_30 = arith.addi %mul3A_28, %add3A_29 : i32
    %run_scoped3A_31 = arith.constant 0 : i32
    "tpu.region"() ({
      %run_scoped3A_62 = tpu.sem_alloc : memref<!tpu.dma_semaphore, #tpu.memory_space<semaphore_mem>>
      %dma_start3A_63 = arith.constant 0 : i32
      %dma_start3A_64 = arith.constant 0 : i32
      %dma_start3A_65 = tpu.memref_slice %arg8[%run_scoped3A_31, %dma_start3A_63, %dma_start3A_64] : memref<2x128x128xbf16, #tpu.memory_space<vmem>> -> memref<1x128x128xbf16, #tpu.memory_space<vmem>>
      %dma_start3A_66 = tpu.memref_squeeze %dma_start3A_65 : memref<1x128x128xbf16, #tpu.memory_space<vmem>> -> memref<128x128xbf16, #tpu.memory_space<vmem>>
      %dma_start3A_67 = arith.constant 0 : i32
      %dma_start3A_68 = tpu.memref_slice %arg9[%add3A_30, %dma_start3A_67] : memref<10240x128xbf16, #tpu.memory_space<vmem_shared>> -> memref<128x128xbf16, #tpu.memory_space<vmem_shared>>
      %dma_start3A_69 = arith.constant 0 : i32
      %dma_start3A_70 = tpu.memref_slice %arg9[%add3A_30, %dma_start3A_69] : memref<10240x128xbf16, #tpu.memory_space<vmem_shared>> -> memref<128x128xbf16, #tpu.memory_space<vmem_shared>>
      %dma_start3A_71 = arith.constant 0 : i32
      %dma_start3A_72 = arith.constant 0 : i32
      %dma_start3A_73 = tpu.memref_slice %arg8[%run_scoped3A_31, %dma_start3A_71, %dma_start3A_72] : memref<2x128x128xbf16, #tpu.memory_space<vmem>> -> memref<1x128x128xbf16, #tpu.memory_space<vmem>>
      %dma_start3A_74 = tpu.memref_squeeze %dma_start3A_73 : memref<1x128x128xbf16, #tpu.memory_space<vmem>> -> memref<128x128xbf16, #tpu.memory_space<vmem>>
      tpu.enqueue_dma source(%dma_start3A_74 : memref<128x128xbf16, #tpu.memory_space<vmem>>) target(%dma_start3A_70 : memref<128x128xbf16, #tpu.memory_space<vmem_shared>>) target_semaphore(%run_scoped3A_62 : memref<!tpu.dma_semaphore, #tpu.memory_space<semaphore_mem>>)
      %dma_wait3A = arith.constant 0 : i32
      %dma_wait3A_75 = arith.constant 0 : i32
      %dma_wait3A_76 = tpu.memref_slice %arg8[%run_scoped3A_31, %dma_wait3A, %dma_wait3A_75] : memref<2x128x128xbf16, #tpu.memory_space<vmem>> -> memref<1x128x128xbf16, #tpu.memory_space<vmem>>
      %dma_wait3A_77 = tpu.memref_squeeze %dma_wait3A_76 : memref<1x128x128xbf16, #tpu.memory_space<vmem>> -> memref<128x128xbf16, #tpu.memory_space<vmem>>
      %dma_wait3A_78 = arith.constant 0 : i32
      %dma_wait3A_79 = tpu.memref_slice %arg9[%add3A_30, %dma_wait3A_78] : memref<10240x128xbf16, #tpu.memory_space<vmem_shared>> -> memref<128x128xbf16, #tpu.memory_space<vmem_shared>>
      %dma_wait3A_80 = arith.constant 0 : i32
      %dma_wait3A_81 = tpu.memref_slice %arg9[%add3A_30, %dma_wait3A_80] : memref<10240x128xbf16, #tpu.memory_space<vmem_shared>> -> memref<128x128xbf16, #tpu.memory_space<vmem_shared>>
      %dma_wait3A_82 = arith.constant 0 : i32
      %dma_wait3A_83 = arith.constant 0 : i32
      %dma_wait3A_84 = tpu.memref_slice %arg8[%run_scoped3A_31, %dma_wait3A_82, %dma_wait3A_83] : memref<2x128x128xbf16, #tpu.memory_space<vmem>> -> memref<1x128x128xbf16, #tpu.memory_space<vmem>>
      %dma_wait3A_85 = tpu.memref_squeeze %dma_wait3A_84 : memref<1x128x128xbf16, #tpu.memory_space<vmem>> -> memref<128x128xbf16, #tpu.memory_space<vmem>>
      tpu.wait_dma2 semaphore(%run_scoped3A_62 : memref<!tpu.dma_semaphore, #tpu.memory_space<semaphore_mem>>) src(%dma_wait3A_85 : memref<128x128xbf16, #tpu.memory_space<vmem>>) dst(%dma_wait3A_81 : memref<128x128xbf16, #tpu.memory_space<vmem_shared>>)
      tpu.yield
    }) : () -> ()
    %barrier3A = arith.constant 0 : index
    tpu.barrier barrier_id(%barrier3A)
    %scan3A_32 = arith.constant 0 : i32
    %scan3A_33 = arith.constant 0 : i32
    %scan3A_34 = arith.constant 8 : i32
    %scan3A_35 = arith.addi %scan3A_33, %scan3A_34 : i32
    %scan3A_36 = arith.constant 1 : i32
    %scan3A_37 = scf.for %scan3A_62 = %scan3A_33 to %scan3A_35 step %scan3A_36 iter_args(%scan3A_63 = %scan3A_32) -> (i32)  : i32 {
      %mul3A_64 = arith.constant 16 : i32
      %mul3A_65 = arith.muli %scan3A_62, %mul3A_64 : i32
      %get3A = arith.constant 0 : i32
      %get3A_66 = arith.index_cast %get3A : i32 to index
      %get3A_67 = arith.index_cast %mul3A_65 : i32 to index
      %get3A_68 = tpu.vector_load %arg5[%get3A_66, %get3A_67] {strides = array<i32>} : memref<80x128xi32, #tpu.memory_space<vmem>>, vector<1x16xi32>,
      %get3A_69 = vector.shape_cast %get3A_68 : vector<1x16xi32> to vector<16xi32>
      %and3A = arith.constant 65535 : i32
      %and3A_70 = vector.broadcast %and3A : i32 to vector<16xi32>
      %and3A_71 = arith.andi %get3A_69, %and3A_70 : vector<16xi32>
      %mul3A_72 = arith.constant 16 : i32
      %mul3A_73 = arith.muli %scan3A_62, %mul3A_72 : i32
      %swap3A = arith.constant 0 : i32
      %swap3A_74 = arith.index_cast %swap3A : i32 to index
      %swap3A_75 = arith.index_cast %mul3A_73 : i32 to index
      %swap3A_76 = tpu.vector_load %arg6[%swap3A_74, %swap3A_75] {strides = array<i32>} : memref<2x128xi32, #tpu.memory_space<vmem>>, vector<1x16xi32>,
      %swap3A_77 = vector.shape_cast %swap3A_76 : vector<1x16xi32> to vector<16xi32>
      %swap3A_78 = vector.shape_cast %and3A_71 : vector<16xi32> to vector<1x16xi32>
      tpu.vector_store %arg6[%swap3A_74, %swap3A_75], %swap3A_78 {strides = array<i32>} : memref<2x128xi32, #tpu.memory_space<vmem>>, vector<1x16xi32>,
      %scan3A_79 = arith.constant 0 : i32
      scf.yield %scan3A_79 : i32
    }
    %scan3A_38 = arith.constant 8 : i32
    %dma_start3A = arith.constant 0 : i32
    %dma_start3A_39 = arith.constant 0 : i32
    %dma_start3A_40 = arith.constant 0 : i32
    %dma_start3A_41 = arith.constant 0 : i32
    %dma_start3A_42 = tpu.memref_slice %arg8[%dma_start3A_39, %dma_start3A_40, %dma_start3A_41] : memref<2x128x128xbf16, #tpu.memory_space<vmem>> -> memref<1x128x128xbf16, #tpu.memory_space<vmem>>
    %dma_start3A_43 = tpu.memref_squeeze %dma_start3A_42 : memref<1x128x128xbf16, #tpu.memory_space<vmem>> -> memref<128x128xbf16, #tpu.memory_space<vmem>>
    %dma_start3A_44 = arith.constant 0 : i32
    %dma_start3A_45 = tpu.memref_slice %arg6[%dma_start3A, %dma_start3A_44] : memref<2x128xi32, #tpu.memory_space<vmem>> -> memref<1x128xi32, #tpu.memory_space<vmem>>
    %dma_start3A_46 = tpu.memref_squeeze %dma_start3A_45 : memref<1x128xi32, #tpu.memory_space<vmem>> -> memref<128xi32, #tpu.memory_space<vmem>>
    %dma_start3A_47 = arith.constant 0 : i32
    %dma_start3A_48 = arith.constant 0 : i32
    %dma_start3A_49 = tpu.memref_slice %arg2[%dma_start3A_47, %dma_start3A_48] : memref<10000x128xbf16, #tpu.memory_space<hbm>> -> memref<10000x128xbf16, #tpu.memory_space<hbm>>
    tpu.enqueue_indirect_dma source(%dma_start3A_49 : memref<10000x128xbf16, #tpu.memory_space<hbm>>) target(%dma_start3A_43 : memref<128x128xbf16, #tpu.memory_space<vmem>>) offsets(%dma_start3A_46 : memref<128xi32, #tpu.memory_space<vmem>>) semaphore(%arg10 : memref<!tpu.dma_semaphore, #tpu.memory_space<semaphore_mem>>)
    %scan3A_50 = arith.constant 0 : i32
    %scan3A_51 = arith.constant 0 : i32
    %scan3A_52 = arith.constant 40 : i32
    %scan3A_53 = arith.addi %scan3A_51, %scan3A_52 : i32
    %scan3A_54 = arith.constant 1 : i32
    %scan3A_55 = scf.for %scan3A_62 = %scan3A_51 to %scan3A_53 step %scan3A_54 iter_args(%scan3A_63 = %scan3A_50) -> (i32)  : i32 {
      %mul3A_64 = arith.constant 2 : i32
      %mul3A_65 = arith.muli %mul3A_64, %scan3A_62 : i32
      %add3A_66 = arith.constant 1 : i32
      %add3A_67 = arith.addi %mul3A_65, %add3A_66 : i32
      %scan3A_68 = arith.constant 0 : i32
      %scan3A_69 = arith.constant 0 : i32
      %scan3A_70 = arith.constant 8 : i32
      %scan3A_71 = arith.addi %scan3A_69, %scan3A_70 : i32
      %scan3A_72 = arith.constant 1 : i32
      %scan3A_73 = scf.for %scan3A_133 = %scan3A_69 to %scan3A_71 step %scan3A_72 iter_args(%scan3A_134 = %scan3A_68) -> (i32)  : i32 {
        %mul3A_135 = arith.constant 16 : i32
        %mul3A_136 = arith.muli %scan3A_133, %mul3A_135 : i32
        %get3A = arith.index_cast %add3A_67 : i32 to index
        %get3A_137 = arith.index_cast %mul3A_136 : i32 to index
        %get3A_138 = tpu.vector_load %arg5[%get3A, %get3A_137] {strides = array<i32>} : memref<80x128xi32, #tpu.memory_space<vmem>>, vector<1x16xi32>,
        %get3A_139 = vector.shape_cast %get3A_138 : vector<1x16xi32> to vector<16xi32>
        %and3A = arith.constant 65535 : i32
        %and3A_140 = vector.broadcast %and3A : i32 to vector<16xi32>
        %and3A_141 = arith.andi %get3A_139, %and3A_140 : vector<16xi32>
        %mul3A_142 = arith.constant 16 : i32
        %mul3A_143 = arith.muli %scan3A_133, %mul3A_142 : i32
        %swap3A = arith.constant 1 : i32
        %swap3A_144 = arith.index_cast %swap3A : i32 to index
        %swap3A_145 = arith.index_cast %mul3A_143 : i32 to index
        %swap3A_146 = tpu.vector_load %arg6[%swap3A_144, %swap3A_145] {strides = array<i32>} : memref<2x128xi32, #tpu.memory_space<vmem>>, vector<1x16xi32>,
        %swap3A_147 = vector.shape_cast %swap3A_146 : vector<1x16xi32> to vector<16xi32>
        %swap3A_148 = vector.shape_cast %and3A_141 : vector<16xi32> to vector<1x16xi32>
        tpu.vector_store %arg6[%swap3A_144, %swap3A_145], %swap3A_148 {strides = array<i32>} : memref<2x128xi32, #tpu.memory_space<vmem>>, vector<1x16xi32>,
        %scan3A_149 = arith.constant 0 : i32
        scf.yield %scan3A_149 : i32
      }
      %scan3A_74 = arith.constant 8 : i32
      %dma_start3A_75 = arith.constant 1 : i32
      %dma_start3A_76 = arith.constant 1 : i32
      %dma_start3A_77 = arith.constant 0 : i32
      %dma_start3A_78 = arith.constant 0 : i32
      %dma_start3A_79 = tpu.memref_slice %arg8[%dma_start3A_76, %dma_start3A_77, %dma_start3A_78] : memref<2x128x128xbf16, #tpu.memory_space<vmem>> -> memref<1x128x128xbf16, #tpu.memory_space<vmem>>
      %dma_start3A_80 = tpu.memref_squeeze %dma_start3A_79 : memref<1x128x128xbf16, #tpu.memory_space<vmem>> -> memref<128x128xbf16, #tpu.memory_space<vmem>>
      %dma_start3A_81 = arith.constant 0 : i32
      %dma_start3A_82 = tpu.memref_slice %arg6[%dma_start3A_75, %dma_start3A_81] : memref<2x128xi32, #tpu.memory_space<vmem>> -> memref<1x128xi32, #tpu.memory_space<vmem>>
      %dma_start3A_83 = tpu.memref_squeeze %dma_start3A_82 : memref<1x128xi32, #tpu.memory_space<vmem>> -> memref<128xi32, #tpu.memory_space<vmem>>
      %dma_start3A_84 = arith.constant 0 : i32
      %dma_start3A_85 = arith.constant 0 : i32
      %dma_start3A_86 = tpu.memref_slice %arg2[%dma_start3A_84, %dma_start3A_85] : memref<10000x128xbf16, #tpu.memory_space<hbm>> -> memref<10000x128xbf16, #tpu.memory_space<hbm>>
      tpu.enqueue_indirect_dma source(%dma_start3A_86 : memref<10000x128xbf16, #tpu.memory_space<hbm>>) target(%dma_start3A_80 : memref<128x128xbf16, #tpu.memory_space<vmem>>) offsets(%dma_start3A_83 : memref<128xi32, #tpu.memory_space<vmem>>) semaphore(%arg11 : memref<!tpu.dma_semaphore, #tpu.memory_space<semaphore_mem>>)
      %dma_wait3A = arith.constant 0 : i32
      %dma_wait3A_87 = arith.constant 0 : i32
      %dma_wait3A_88 = arith.constant 0 : i32
      %dma_wait3A_89 = arith.constant 0 : i32
      %dma_wait3A_90 = tpu.memref_slice %arg8[%dma_wait3A_87, %dma_wait3A_88, %dma_wait3A_89] : memref<2x128x128xbf16, #tpu.memory_space<vmem>> -> memref<1x128x128xbf16, #tpu.memory_space<vmem>>
      %dma_wait3A_91 = tpu.memref_squeeze %dma_wait3A_90 : memref<1x128x128xbf16, #tpu.memory_space<vmem>> -> memref<128x128xbf16, #tpu.memory_space<vmem>>
      %dma_wait3A_92 = arith.constant 0 : i32
      %dma_wait3A_93 = tpu.memref_slice %arg6[%dma_wait3A, %dma_wait3A_92] : memref<2x128xi32, #tpu.memory_space<vmem>> -> memref<1x128xi32, #tpu.memory_space<vmem>>
      %dma_wait3A_94 = tpu.memref_squeeze %dma_wait3A_93 : memref<1x128xi32, #tpu.memory_space<vmem>> -> memref<128xi32, #tpu.memory_space<vmem>>
      %dma_wait3A_95 = arith.constant 0 : i32
      %dma_wait3A_96 = arith.constant 0 : i32
      %dma_wait3A_97 = tpu.memref_slice %arg2[%dma_wait3A_95, %dma_wait3A_96] : memref<10000x128xbf16, #tpu.memory_space<hbm>> -> memref<10000x128xbf16, #tpu.memory_space<hbm>>
      tpu.wait_indirect_dma semaphore(%arg10 : memref<!tpu.dma_semaphore, #tpu.memory_space<semaphore_mem>>) src(%dma_wait3A_97 : memref<10000x128xbf16, #tpu.memory_space<hbm>>) dst(%dma_wait3A_91 : memref<128x128xbf16, #tpu.memory_space<vmem>>)
      %scan3A_98 = arith.constant 0 : i32
      %scan3A_99 = arith.constant 0 : i32
      %scan3A_100 = arith.constant 8 : i32
      %scan3A_101 = arith.addi %scan3A_99, %scan3A_100 : i32
      %scan3A_102 = arith.constant 1 : i32
      %scan3A_103 = scf.for %scan3A_133 = %scan3A_99 to %scan3A_101 step %scan3A_102 iter_args(%scan3A_134 = %scan3A_98) -> (i32)  : i32 {
        %mul3A_135 = arith.constant 16 : i32
        %mul3A_136 = arith.muli %scan3A_133, %mul3A_135 : i32
        %get3A = arith.index_cast %mul3A_65 : i32 to index
        %get3A_137 = arith.index_cast %mul3A_136 : i32 to index
        %get3A_138 = tpu.vector_load %arg5[%get3A, %get3A_137] {strides = array<i32>} : memref<80x128xi32, #tpu.memory_space<vmem>>, vector<1x16xi32>,
        %get3A_139 = vector.shape_cast %get3A_138 : vector<1x16xi32> to vector<16xi32>
        %shift_right_arithmetic3A = arith.constant 16 : i32
        %shift_right_arithmetic3A_140 = vector.broadcast %shift_right_arithmetic3A : i32 to vector<16xi32>
        %shift_right_arithmetic3A_141 = arith.shrsi %get3A_139, %shift_right_arithmetic3A_140 : vector<16xi32>
        %mul3A_142 = arith.constant 16 : i32
        %mul3A_143 = arith.muli %scan3A_133, %mul3A_142 : i32
        %swap3A = arith.constant 0 : i32
        %swap3A_144 = arith.index_cast %swap3A : i32 to index
        %swap3A_145 = arith.index_cast %mul3A_143 : i32 to index
        %swap3A_146 = tpu.vector_load %arg7[%swap3A_144, %swap3A_145] {strides = array<i32>} : memref<2x128xi32, #tpu.memory_space<vmem>>, vector<1x16xi32>,
        %swap3A_147 = vector.shape_cast %swap3A_146 : vector<1x16xi32> to vector<16xi32>
        %swap3A_148 = vector.shape_cast %shift_right_arithmetic3A_141 : vector<16xi32> to vector<1x16xi32>
        tpu.vector_store %arg7[%swap3A_144, %swap3A_145], %swap3A_148 {strides = array<i32>} : memref<2x128xi32, #tpu.memory_space<vmem>>, vector<1x16xi32>,
        %scan3A_149 = arith.constant 0 : i32
        scf.yield %scan3A_149 : i32
      }
      %scan3A_104 = arith.constant 8 : i32
      %run_scoped3A_105 = arith.constant 0 : i32
      %run_scoped3A_106 = arith.constant 0 : i32
      "tpu.region"() ({
        %run_scoped3A_133 = tpu.sem_alloc : memref<!tpu.dma_semaphore, #tpu.memory_space<semaphore_mem>>
        %dma_start3A_134 = arith.constant 0 : i32
        %dma_start3A_135 = arith.constant 0 : i32
        %dma_start3A_136 = tpu.memref_slice %arg8[%run_scoped3A_105, %dma_start3A_134, %dma_start3A_135] : memref<2x128x128xbf16, #tpu.memory_space<vmem>> -> memref<1x128x128xbf16, #tpu.memory_space<vmem>>
        %dma_start3A_137 = tpu.memref_squeeze %dma_start3A_136 : memref<1x128x128xbf16, #tpu.memory_space<vmem>> -> memref<128x128xbf16, #tpu.memory_space<vmem>>
        %dma_start3A_138 = arith.constant 0 : i32
        %dma_start3A_139 = tpu.memref_slice %arg7[%run_scoped3A_106, %dma_start3A_138] : memref<2x128xi32, #tpu.memory_space<vmem>> -> memref<1x128xi32, #tpu.memory_space<vmem>>
        %dma_start3A_140 = tpu.memref_squeeze %dma_start3A_139 : memref<1x128xi32, #tpu.memory_space<vmem>> -> memref<128xi32, #tpu.memory_space<vmem>>
        %dma_start3A_141 = arith.constant 0 : i32
        %dma_start3A_142 = arith.constant 0 : i32
        %dma_start3A_143 = tpu.memref_slice %arg9[%dma_start3A_141, %dma_start3A_142] : memref<10240x128xbf16, #tpu.memory_space<vmem_shared>> -> memref<10240x128xbf16, #tpu.memory_space<vmem_shared>>
        tpu.enqueue_indirect_dma source(%dma_start3A_137 : memref<128x128xbf16, #tpu.memory_space<vmem>>) target(%dma_start3A_143 : memref<10240x128xbf16, #tpu.memory_space<vmem_shared>>) offsets(%dma_start3A_140 : memref<128xi32, #tpu.memory_space<vmem>>) semaphore(%run_scoped3A_133 : memref<!tpu.dma_semaphore, #tpu.memory_space<semaphore_mem>>) {add = true}
        %dma_wait3A_144 = arith.constant 0 : i32
        %dma_wait3A_145 = arith.constant 0 : i32
        %dma_wait3A_146 = tpu.memref_slice %arg8[%run_scoped3A_105, %dma_wait3A_144, %dma_wait3A_145] : memref<2x128x128xbf16, #tpu.memory_space<vmem>> -> memref<1x128x128xbf16, #tpu.memory_space<vmem>>
        %dma_wait3A_147 = tpu.memref_squeeze %dma_wait3A_146 : memref<1x128x128xbf16, #tpu.memory_space<vmem>> -> memref<128x128xbf16, #tpu.memory_space<vmem>>
        %dma_wait3A_148 = arith.constant 0 : i32
        %dma_wait3A_149 = tpu.memref_slice %arg7[%run_scoped3A_106, %dma_wait3A_148] : memref<2x128xi32, #tpu.memory_space<vmem>> -> memref<1x128xi32, #tpu.memory_space<vmem>>
        %dma_wait3A_150 = tpu.memref_squeeze %dma_wait3A_149 : memref<1x128xi32, #tpu.memory_space<vmem>> -> memref<128xi32, #tpu.memory_space<vmem>>
        %dma_wait3A_151 = arith.constant 0 : i32
        %dma_wait3A_152 = arith.constant 0 : i32
        %dma_wait3A_153 = tpu.memref_slice %arg9[%dma_wait3A_151, %dma_wait3A_152] : memref<10240x128xbf16, #tpu.memory_space<vmem_shared>> -> memref<10240x128xbf16, #tpu.memory_space<vmem_shared>>
        tpu.wait_indirect_dma semaphore(%run_scoped3A_133 : memref<!tpu.dma_semaphore, #tpu.memory_space<semaphore_mem>>) src(%dma_wait3A_147 : memref<128x128xbf16, #tpu.memory_space<vmem>>) dst(%dma_wait3A_153 : memref<10240x128xbf16, #tpu.memory_space<vmem_shared>>)
        tpu.yield
      }) : () -> ()
      %add3A_107 = arith.constant 1 : i32
      %add3A_108 = arith.addi %scan3A_62, %add3A_107 : i32
      %lt3A = arith.constant 40 : i32
      %lt3A_109 = arith.cmpi slt, %add3A_108, %lt3A : i32
      %convert_element_type3A = arith.extui %lt3A_109 : i1 to i32
      %cond3A = arith.constant 0 : i32
      %cond3A_110 = arith.cmpi ne, %convert_element_type3A, %cond3A : i32
      scf.if %cond3A_110 {
        %add3A_133 = arith.constant 2 : i32
        %add3A_134 = arith.addi %mul3A_65, %add3A_133 : i32
        %scan3A_135 = arith.constant 0 : i32
        %scan3A_136 = arith.constant 0 : i32
        %scan3A_137 = arith.constant 8 : i32
        %scan3A_138 = arith.addi %scan3A_136, %scan3A_137 : i32
        %scan3A_139 = arith.constant 1 : i32
        %scan3A_140 = scf.for %scan3A_154 = %scan3A_136 to %scan3A_138 step %scan3A_139 iter_args(%scan3A_155 = %scan3A_135) -> (i32)  : i32 {
          %mul3A_156 = arith.constant 16 : i32
          %mul3A_157 = arith.muli %scan3A_154, %mul3A_156 : i32
          %get3A = arith.index_cast %add3A_134 : i32 to index
          %get3A_158 = arith.index_cast %mul3A_157 : i32 to index
          %get3A_159 = tpu.vector_load %arg5[%get3A, %get3A_158] {strides = array<i32>} : memref<80x128xi32, #tpu.memory_space<vmem>>, vector<1x16xi32>,
          %get3A_160 = vector.shape_cast %get3A_159 : vector<1x16xi32> to vector<16xi32>
          %and3A = arith.constant 65535 : i32
          %and3A_161 = vector.broadcast %and3A : i32 to vector<16xi32>
          %and3A_162 = arith.andi %get3A_160, %and3A_161 : vector<16xi32>
          %mul3A_163 = arith.constant 16 : i32
          %mul3A_164 = arith.muli %scan3A_154, %mul3A_163 : i32
          %swap3A = arith.constant 0 : i32
          %swap3A_165 = arith.index_cast %swap3A : i32 to index
          %swap3A_166 = arith.index_cast %mul3A_164 : i32 to index
          %swap3A_167 = tpu.vector_load %arg6[%swap3A_165, %swap3A_166] {strides = array<i32>} : memref<2x128xi32, #tpu.memory_space<vmem>>, vector<1x16xi32>,
          %swap3A_168 = vector.shape_cast %swap3A_167 : vector<1x16xi32> to vector<16xi32>
          %swap3A_169 = vector.shape_cast %and3A_162 : vector<16xi32> to vector<1x16xi32>
          tpu.vector_store %arg6[%swap3A_165, %swap3A_166], %swap3A_169 {strides = array<i32>} : memref<2x128xi32, #tpu.memory_space<vmem>>, vector<1x16xi32>,
          %scan3A_170 = arith.constant 0 : i32
          scf.yield %scan3A_170 : i32
        }
        %scan3A_141 = arith.constant 8 : i32
        %dma_start3A_142 = arith.constant 0 : i32
        %dma_start3A_143 = arith.constant 0 : i32
        %dma_start3A_144 = arith.constant 0 : i32
        %dma_start3A_145 = arith.constant 0 : i32
        %dma_start3A_146 = tpu.memref_slice %arg8[%dma_start3A_143, %dma_start3A_144, %dma_start3A_145] : memref<2x128x128xbf16, #tpu.memory_space<vmem>> -> memref<1x128x128xbf16, #tpu.memory_space<vmem>>
        %dma_start3A_147 = tpu.memref_squeeze %dma_start3A_146 : memref<1x128x128xbf16, #tpu.memory_space<vmem>> -> memref<128x128xbf16, #tpu.memory_space<vmem>>
        %dma_start3A_148 = arith.constant 0 : i32
        %dma_start3A_149 = tpu.memref_slice %arg6[%dma_start3A_142, %dma_start3A_148] : memref<2x128xi32, #tpu.memory_space<vmem>> -> memref<1x128xi32, #tpu.memory_space<vmem>>
        %dma_start3A_150 = tpu.memref_squeeze %dma_start3A_149 : memref<1x128xi32, #tpu.memory_space<vmem>> -> memref<128xi32, #tpu.memory_space<vmem>>
        %dma_start3A_151 = arith.constant 0 : i32
        %dma_start3A_152 = arith.constant 0 : i32
        %dma_start3A_153 = tpu.memref_slice %arg2[%dma_start3A_151, %dma_start3A_152] : memref<10000x128xbf16, #tpu.memory_space<hbm>> -> memref<10000x128xbf16, #tpu.memory_space<hbm>>
        tpu.enqueue_indirect_dma source(%dma_start3A_153 : memref<10000x128xbf16, #tpu.memory_space<hbm>>) target(%dma_start3A_147 : memref<128x128xbf16, #tpu.memory_space<vmem>>) offsets(%dma_start3A_150 : memref<128xi32, #tpu.memory_space<vmem>>) semaphore(%arg10 : memref<!tpu.dma_semaphore, #tpu.memory_space<semaphore_mem>>)
      } else {
      }
      %dma_wait3A_111 = arith.constant 1 : i32
      %dma_wait3A_112 = arith.constant 1 : i32
      %dma_wait3A_113 = arith.constant 0 : i32
      %dma_wait3A_114 = arith.constant 0 : i32
      %dma_wait3A_115 = tpu.memref_slice %arg8[%dma_wait3A_112, %dma_wait3A_113, %dma_wait3A_114] : memref<2x128x128xbf16, #tpu.memory_space<vmem>> -> memref<1x128x128xbf16, #tpu.memory_space<vmem>>
      %dma_wait3A_116 = tpu.memref_squeeze %dma_wait3A_115 : memref<1x128x128xbf16, #tpu.memory_space<vmem>> -> memref<128x128xbf16, #tpu.memory_space<vmem>>
      %dma_wait3A_117 = arith.constant 0 : i32
      %dma_wait3A_118 = tpu.memref_slice %arg6[%dma_wait3A_111, %dma_wait3A_117] : memref<2x128xi32, #tpu.memory_space<vmem>> -> memref<1x128xi32, #tpu.memory_space<vmem>>
      %dma_wait3A_119 = tpu.memref_squeeze %dma_wait3A_118 : memref<1x128xi32, #tpu.memory_space<vmem>> -> memref<128xi32, #tpu.memory_space<vmem>>
      %dma_wait3A_120 = arith.constant 0 : i32
      %dma_wait3A_121 = arith.constant 0 : i32
      %dma_wait3A_122 = tpu.memref_slice %arg2[%dma_wait3A_120, %dma_wait3A_121] : memref<10000x128xbf16, #tpu.memory_space<hbm>> -> memref<10000x128xbf16, #tpu.memory_space<hbm>>
      tpu.wait_indirect_dma semaphore(%arg11 : memref<!tpu.dma_semaphore, #tpu.memory_space<semaphore_mem>>) src(%dma_wait3A_122 : memref<10000x128xbf16, #tpu.memory_space<hbm>>) dst(%dma_wait3A_116 : memref<128x128xbf16, #tpu.memory_space<vmem>>)
      %scan3A_123 = arith.constant 0 : i32
      %scan3A_124 = arith.constant 0 : i32
      %scan3A_125 = arith.constant 8 : i32
      %scan3A_126 = arith.addi %scan3A_124, %scan3A_125 : i32
      %scan3A_127 = arith.constant 1 : i32
      %scan3A_128 = scf.for %scan3A_133 = %scan3A_124 to %scan3A_126 step %scan3A_127 iter_args(%scan3A_134 = %scan3A_123) -> (i32)  : i32 {
        %mul3A_135 = arith.constant 16 : i32
        %mul3A_136 = arith.muli %scan3A_133, %mul3A_135 : i32
        %get3A = arith.index_cast %add3A_67 : i32 to index
        %get3A_137 = arith.index_cast %mul3A_136 : i32 to index
        %get3A_138 = tpu.vector_load %arg5[%get3A, %get3A_137] {strides = array<i32>} : memref<80x128xi32, #tpu.memory_space<vmem>>, vector<1x16xi32>,
        %get3A_139 = vector.shape_cast %get3A_138 : vector<1x16xi32> to vector<16xi32>
        %shift_right_arithmetic3A = arith.constant 16 : i32
        %shift_right_arithmetic3A_140 = vector.broadcast %shift_right_arithmetic3A : i32 to vector<16xi32>
        %shift_right_arithmetic3A_141 = arith.shrsi %get3A_139, %shift_right_arithmetic3A_140 : vector<16xi32>
        %mul3A_142 = arith.constant 16 : i32
        %mul3A_143 = arith.muli %scan3A_133, %mul3A_142 : i32
        %swap3A = arith.constant 1 : i32
        %swap3A_144 = arith.index_cast %swap3A : i32 to index
        %swap3A_145 = arith.index_cast %mul3A_143 : i32 to index
        %swap3A_146 = tpu.vector_load %arg7[%swap3A_144, %swap3A_145] {strides = array<i32>} : memref<2x128xi32, #tpu.memory_space<vmem>>, vector<1x16xi32>,
        %swap3A_147 = vector.shape_cast %swap3A_146 : vector<1x16xi32> to vector<16xi32>
        %swap3A_148 = vector.shape_cast %shift_right_arithmetic3A_141 : vector<16xi32> to vector<1x16xi32>
        tpu.vector_store %arg7[%swap3A_144, %swap3A_145], %swap3A_148 {strides = array<i32>} : memref<2x128xi32, #tpu.memory_space<vmem>>, vector<1x16xi32>,
        %scan3A_149 = arith.constant 0 : i32
        scf.yield %scan3A_149 : i32
      }
      %scan3A_129 = arith.constant 8 : i32
      %run_scoped3A_130 = arith.constant 1 : i32
      %run_scoped3A_131 = arith.constant 1 : i32
      "tpu.region"() ({
        %run_scoped3A_133 = tpu.sem_alloc : memref<!tpu.dma_semaphore, #tpu.memory_space<semaphore_mem>>
        %dma_start3A_134 = arith.constant 0 : i32
        %dma_start3A_135 = arith.constant 0 : i32
        %dma_start3A_136 = tpu.memref_slice %arg8[%run_scoped3A_130, %dma_start3A_134, %dma_start3A_135] : memref<2x128x128xbf16, #tpu.memory_space<vmem>> -> memref<1x128x128xbf16, #tpu.memory_space<vmem>>
        %dma_start3A_137 = tpu.memref_squeeze %dma_start3A_136 : memref<1x128x128xbf16, #tpu.memory_space<vmem>> -> memref<128x128xbf16, #tpu.memory_space<vmem>>
        %dma_start3A_138 = arith.constant 0 : i32
        %dma_start3A_139 = tpu.memref_slice %arg7[%run_scoped3A_131, %dma_start3A_138] : memref<2x128xi32, #tpu.memory_space<vmem>> -> memref<1x128xi32, #tpu.memory_space<vmem>>
        %dma_start3A_140 = tpu.memref_squeeze %dma_start3A_139 : memref<1x128xi32, #tpu.memory_space<vmem>> -> memref<128xi32, #tpu.memory_space<vmem>>
        %dma_start3A_141 = arith.constant 0 : i32
        %dma_start3A_142 = arith.constant 0 : i32
        %dma_start3A_143 = tpu.memref_slice %arg9[%dma_start3A_141, %dma_start3A_142] : memref<10240x128xbf16, #tpu.memory_space<vmem_shared>> -> memref<10240x128xbf16, #tpu.memory_space<vmem_shared>>
        tpu.enqueue_indirect_dma source(%dma_start3A_137 : memref<128x128xbf16, #tpu.memory_space<vmem>>) target(%dma_start3A_143 : memref<10240x128xbf16, #tpu.memory_space<vmem_shared>>) offsets(%dma_start3A_140 : memref<128xi32, #tpu.memory_space<vmem>>) semaphore(%run_scoped3A_133 : memref<!tpu.dma_semaphore, #tpu.memory_space<semaphore_mem>>) {add = true}
        %dma_wait3A_144 = arith.constant 0 : i32
        %dma_wait3A_145 = arith.constant 0 : i32
        %dma_wait3A_146 = tpu.memref_slice %arg8[%run_scoped3A_130, %dma_wait3A_144, %dma_wait3A_145] : memref<2x128x128xbf16, #tpu.memory_space<vmem>> -> memref<1x128x128xbf16, #tpu.memory_space<vmem>>
        %dma_wait3A_147 = tpu.memref_squeeze %dma_wait3A_146 : memref<1x128x128xbf16, #tpu.memory_space<vmem>> -> memref<128x128xbf16, #tpu.memory_space<vmem>>
        %dma_wait3A_148 = arith.constant 0 : i32
        %dma_wait3A_149 = tpu.memref_slice %arg7[%run_scoped3A_131, %dma_wait3A_148] : memref<2x128xi32, #tpu.memory_space<vmem>> -> memref<1x128xi32, #tpu.memory_space<vmem>>
        %dma_wait3A_150 = tpu.memref_squeeze %dma_wait3A_149 : memref<1x128xi32, #tpu.memory_space<vmem>> -> memref<128xi32, #tpu.memory_space<vmem>>
        %dma_wait3A_151 = arith.constant 0 : i32
        %dma_wait3A_152 = arith.constant 0 : i32
        %dma_wait3A_153 = tpu.memref_slice %arg9[%dma_wait3A_151, %dma_wait3A_152] : memref<10240x128xbf16, #tpu.memory_space<vmem_shared>> -> memref<10240x128xbf16, #tpu.memory_space<vmem_shared>>
        tpu.wait_indirect_dma semaphore(%run_scoped3A_133 : memref<!tpu.dma_semaphore, #tpu.memory_space<semaphore_mem>>) src(%dma_wait3A_147 : memref<128x128xbf16, #tpu.memory_space<vmem>>) dst(%dma_wait3A_153 : memref<10240x128xbf16, #tpu.memory_space<vmem_shared>>)
        tpu.yield
      }) : () -> ()
      %scan3A_132 = arith.constant 0 : i32
      scf.yield %scan3A_132 : i32
    }
    %scan3A_56 = arith.constant 40 : i32
    %barrier3A_57 = arith.constant 0 : index
    tpu.barrier barrier_id(%barrier3A_57)
    %mul3A_58 = arith.constant 640 : i32
    %mul3A_59 = arith.muli %arg1, %mul3A_58 : i32
    %mul3A_60 = arith.constant 640 : i32
    %mul3A_61 = arith.muli %arg1, %mul3A_60 : i32
    "tpu.region"() ({
      %run_scoped3A_62 = tpu.sem_alloc : memref<!tpu.dma_semaphore, #tpu.memory_space<semaphore_mem>>
      %dma_start3A_63 = arith.constant 0 : i32
      %dma_start3A_64 = tpu.memref_slice %arg4[%arg0, %mul3A_61, %dma_start3A_63] : memref<2x10240x128xbf16, #tpu.memory_space<hbm>> -> memref<1x640x128xbf16, #tpu.memory_space<hbm>>
      %dma_start3A_65 = tpu.memref_squeeze %dma_start3A_64 : memref<1x640x128xbf16, #tpu.memory_space<hbm>> -> memref<640x128xbf16, #tpu.memory_space<hbm>>
      %dma_start3A_66 = arith.constant 0 : i32
      %dma_start3A_67 = tpu.memref_slice %arg9[%mul3A_59, %dma_start3A_66] : memref<10240x128xbf16, #tpu.memory_space<vmem_shared>> -> memref<640x128xbf16, #tpu.memory_space<vmem_shared>>
      tpu.enqueue_dma source(%dma_start3A_67 : memref<640x128xbf16, #tpu.memory_space<vmem_shared>>) target(%dma_start3A_65 : memref<640x128xbf16, #tpu.memory_space<hbm>>) target_semaphore(%run_scoped3A_62 : memref<!tpu.dma_semaphore, #tpu.memory_space<semaphore_mem>>)
      %dma_wait3A = arith.constant 0 : i32
      %dma_wait3A_68 = tpu.memref_slice %arg4[%arg0, %mul3A_61, %dma_wait3A] : memref<2x10240x128xbf16, #tpu.memory_space<hbm>> -> memref<1x640x128xbf16, #tpu.memory_space<hbm>>
      %dma_wait3A_69 = tpu.memref_squeeze %dma_wait3A_68 : memref<1x640x128xbf16, #tpu.memory_space<hbm>> -> memref<640x128xbf16, #tpu.memory_space<hbm>>
      %dma_wait3A_70 = arith.constant 0 : i32
      %dma_wait3A_71 = tpu.memref_slice %arg9[%mul3A_59, %dma_wait3A_70] : memref<10240x128xbf16, #tpu.memory_space<vmem_shared>> -> memref<640x128xbf16, #tpu.memory_space<vmem_shared>>
      tpu.wait_dma2 semaphore(%run_scoped3A_62 : memref<!tpu.dma_semaphore, #tpu.memory_space<semaphore_mem>>) src(%dma_wait3A_71 : memref<640x128xbf16, #tpu.memory_space<vmem_shared>>) dst(%dma_wait3A_69 : memref<640x128xbf16, #tpu.memory_space<hbm>>)
      tpu.yield
    }) : () -> ()
    return
  }
}

#map = affine_map<(d0, d1) -> (0, 0)>
#map1 = affine_map<(d0, d1) -> (0, 0, 0)>
module attributes {stable_mosaic.version = 14 : i64} {
  func.func @body(%arg0: i32, %arg1: i32, %arg2: memref<10000x128xbf16, #tpu.memory_space<hbm>>, %arg3: memref<32x80x128xi32, #tpu.memory_space<hbm>>, %arg4: memref<2x10240x128xbf16, #tpu.memory_space<hbm>>, %arg5: memref<80x128xi32, #tpu.memory_space<vmem>>, %arg6: memref<2x128xi32, #tpu.memory_space<vmem>>, %arg7: memref<2x128xi32, #tpu.memory_space<vmem>>, %arg8: memref<2x128x128xbf16, #tpu.memory_space<vmem>>, %arg9: memref<10240x128xbf16, #tpu.memory_space<vmem_shared>>, %arg10: memref<!tpu.dma_semaphore, #tpu.memory_space<semaphore_mem>>, %arg11: memref<!tpu.dma_semaphore, #tpu.memory_space<semaphore_mem>>) attributes {dimension_semantics = [#tpu.dimension_semantics<core_parallel>, #tpu.dimension_semantics<subcore_parallel>], iteration_bounds = array<i64: 2, 16>, scalar_prefetch = 0 : i64, scratch_operands = 7 : i64, tpu.core_type = #tpu.core_type<sc_vector_subcore>, window_params = [{transform_indices = #map}, {transform_indices = #map1}, {transform_indices = #map1}]} {
    %mul3A = arith.constant 16 : i32
    %mul3A_0 = arith.muli %arg0, %mul3A : i32
    %add3A = arith.addi %mul3A_0, %arg1 : i32
    "tpu.region"() ({
      %run_scoped3A_62 = tpu.sem_alloc : memref<!tpu.dma_semaphore, #tpu.memory_space<semaphore_mem>>
      %dma_start3A_63 = arith.constant 0 : i32
      %dma_start3A_64 = arith.constant 0 : i32
      %dma_start3A_65 = tpu.memref_slice %arg3[%add3A, %dma_start3A_63, %dma_start3A_64] : memref<32x80x128xi32, #tpu.memory_space<hbm>> -> memref<1x80x128xi32, #tpu.memory_space<hbm>>
      %dma_start3A_66 = tpu.memref_squeeze %dma_start3A_65 : memref<1x80x128xi32, #tpu.memory_space<hbm>> -> memref<80x128xi32, #tpu.memory_space<hbm>>
      %dma_start3A_67 = arith.constant 0 : i32
      %dma_start3A_68 = arith.constant 0 : i32
      %dma_start3A_69 = tpu.memref_slice %arg3[%add3A, %dma_start3A_67, %dma_start3A_68] : memref<32x80x128xi32, #tpu.memory_space<hbm>> -> memref<1x80x128xi32, #tpu.memory_space<hbm>>
      %dma_start3A_70 = tpu.memref_squeeze %dma_start3A_69 : memref<1x80x128xi32, #tpu.memory_space<hbm>> -> memref<80x128xi32, #tpu.memory_space<hbm>>
      tpu.enqueue_dma source(%dma_start3A_70 : memref<80x128xi32, #tpu.memory_space<hbm>>) target(%arg5 : memref<80x128xi32, #tpu.memory_space<vmem>>) target_semaphore(%run_scoped3A_62 : memref<!tpu.dma_semaphore, #tpu.memory_space<semaphore_mem>>)
      %dma_wait3A = arith.constant 0 : i32
      %dma_wait3A_71 = arith.constant 0 : i32
      %dma_wait3A_72 = tpu.memref_slice %arg3[%add3A, %dma_wait3A, %dma_wait3A_71] : memref<32x80x128xi32, #tpu.memory_space<hbm>> -> memref<1x80x128xi32, #tpu.memory_space<hbm>>
      %dma_wait3A_73 = tpu.memref_squeeze %dma_wait3A_72 : memref<1x80x128xi32, #tpu.memory_space<hbm>> -> memref<80x128xi32, #tpu.memory_space<hbm>>
      %dma_wait3A_74 = arith.constant 0 : i32
      %dma_wait3A_75 = arith.constant 0 : i32
      %dma_wait3A_76 = tpu.memref_slice %arg3[%add3A, %dma_wait3A_74, %dma_wait3A_75] : memref<32x80x128xi32, #tpu.memory_space<hbm>> -> memref<1x80x128xi32, #tpu.memory_space<hbm>>
      %dma_wait3A_77 = tpu.memref_squeeze %dma_wait3A_76 : memref<1x80x128xi32, #tpu.memory_space<hbm>> -> memref<80x128xi32, #tpu.memory_space<hbm>>
      tpu.wait_dma2 semaphore(%run_scoped3A_62 : memref<!tpu.dma_semaphore, #tpu.memory_space<semaphore_mem>>) src(%dma_wait3A_77 : memref<80x128xi32, #tpu.memory_space<hbm>>) dst(%arg5 : memref<80x128xi32, #tpu.memory_space<vmem>>)
      tpu.yield
    }) : () -> ()
    %scan3A = arith.constant 0 : i32
    %scan3A_1 = arith.constant 0 : i32
    %scan3A_2 = arith.constant 0 : i32
    %scan3A_3 = arith.constant 512 : i32
    %scan3A_4 = arith.addi %scan3A_2, %scan3A_3 : i32
    %scan3A_5 = arith.constant 1 : i32
    %scan3A_6 = scf.for %scan3A_62 = %scan3A_2 to %scan3A_4 step %scan3A_5 iter_args(%scan3A_63 = %scan3A_1) -> (i32)  : i32 {
      %div3A = arith.constant 4 : i32
      %div3A_64 = arith.divsi %scan3A_62, %div3A : i32
      %rem3A = arith.constant 4 : i32
      %rem3A_65 = arith.remsi %scan3A_62, %rem3A : i32
      %mul3A_66 = arith.constant 32 : i32
      %mul3A_67 = arith.muli %rem3A_65, %mul3A_66 : i32
      %broadcast_in_dim3A = arith.constant 0.000000e+00 : bf16
      %broadcast_in_dim3A_68 = vector.broadcast %broadcast_in_dim3A : bf16 to vector<32xbf16>
      %swap3A = arith.constant 0 : i32
      %swap3A_69 = arith.constant 0 : i32
      %swap3A_70 = tpu.memref_slice %arg8[%scan3A, %swap3A, %swap3A_69] : memref<2x128x128xbf16, #tpu.memory_space<vmem>> -> memref<1x128x128xbf16, #tpu.memory_space<vmem>>
      %swap3A_71 = tpu.memref_squeeze %swap3A_70 : memref<1x128x128xbf16, #tpu.memory_space<vmem>> -> memref<128x128xbf16, #tpu.memory_space<vmem>>
      %swap3A_72 = arith.index_cast %div3A_64 : i32 to index
      %swap3A_73 = arith.index_cast %mul3A_67 : i32 to index
      %swap3A_74 = tpu.vector_load %swap3A_71[%swap3A_72, %swap3A_73] {strides = array<i32>} : memref<128x128xbf16, #tpu.memory_space<vmem>>, vector<1x32xbf16>,
      %swap3A_75 = vector.shape_cast %swap3A_74 : vector<1x32xbf16> to vector<32xbf16>
      %swap3A_76 = vector.shape_cast %broadcast_in_dim3A_68 : vector<32xbf16> to vector<1x32xbf16>
      tpu.vector_store %swap3A_71[%swap3A_72, %swap3A_73], %swap3A_76 {strides = array<i32>} : memref<128x128xbf16, #tpu.memory_space<vmem>>, vector<1x32xbf16>,
      %scan3A_77 = arith.constant 0 : i32
      scf.yield %scan3A_77 : i32
    }
    %scan3A_7 = arith.constant 512 : i32
    %mul3A_8 = arith.constant 640 : i32
    %mul3A_9 = arith.muli %arg1, %mul3A_8 : i32
    %add3A_10 = arith.constant 0 : i32
    %add3A_11 = arith.addi %mul3A_9, %add3A_10 : i32
    %run_scoped3A = arith.constant 0 : i32
    "tpu.region"() ({
      %run_scoped3A_62 = tpu.sem_alloc : memref<!tpu.dma_semaphore, #tpu.memory_space<semaphore_mem>>
      %dma_start3A_63 = arith.constant 0 : i32
      %dma_start3A_64 = arith.constant 0 : i32
      %dma_start3A_65 = tpu.memref_slice %arg8[%run_scoped3A, %dma_start3A_63, %dma_start3A_64] : memref<2x128x128xbf16, #tpu.memory_space<vmem>> -> memref<1x128x128xbf16, #tpu.memory_space<vmem>>
      %dma_start3A_66 = tpu.memref_squeeze %dma_start3A_65 : memref<1x128x128xbf16, #tpu.memory_space<vmem>> -> memref<128x128xbf16, #tpu.memory_space<vmem>>
      %dma_start3A_67 = arith.constant 0 : i32
      %dma_start3A_68 = tpu.memref_slice %arg9[%add3A_11, %dma_start3A_67] : memref<10240x128xbf16, #tpu.memory_space<vmem_shared>> -> memref<128x128xbf16, #tpu.memory_space<vmem_shared>>
      %dma_start3A_69 = arith.constant 0 : i32
      %dma_start3A_70 = tpu.memref_slice %arg9[%add3A_11, %dma_start3A_69] : memref<10240x128xbf16, #tpu.memory_space<vmem_shared>> -> memref<128x128xbf16, #tpu.memory_space<vmem_shared>>
      %dma_start3A_71 = arith.constant 0 : i32
      %dma_start3A_72 = arith.constant 0 : i32
      %dma_start3A_73 = tpu.memref_slice %arg8[%run_scoped3A, %dma_start3A_71, %dma_start3A_72] : memref<2x128x128xbf16, #tpu.memory_space<vmem>> -> memref<1x128x128xbf16, #tpu.memory_space<vmem>>
      %dma_start3A_74 = tpu.memref_squeeze %dma_start3A_73 : memref<1x128x128xbf16, #tpu.memory_space<vmem>> -> memref<128x128xbf16, #tpu.memory_space<vmem>>
      tpu.enqueue_dma source(%dma_start3A_74 : memref<128x128xbf16, #tpu.memory_space<vmem>>) target(%dma_start3A_70 : memref<128x128xbf16, #tpu.memory_space<vmem_shared>>) target_semaphore(%run_scoped3A_62 : memref<!tpu.dma_semaphore, #tpu.memory_space<semaphore_mem>>)
      %dma_wait3A = arith.constant 0 : i32
      %dma_wait3A_75 = arith.constant 0 : i32
      %dma_wait3A_76 = tpu.memref_slice %arg8[%run_scoped3A, %dma_wait3A, %dma_wait3A_75] : memref<2x128x128xbf16, #tpu.memory_space<vmem>> -> memref<1x128x128xbf16, #tpu.memory_space<vmem>>
      %dma_wait3A_77 = tpu.memref_squeeze %dma_wait3A_76 : memref<1x128x128xbf16, #tpu.memory_space<vmem>> -> memref<128x128xbf16, #tpu.memory_space<vmem>>
      %dma_wait3A_78 = arith.constant 0 : i32
      %dma_wait3A_79 = tpu.memref_slice %arg9[%add3A_11, %dma_wait3A_78] : memref<10240x128xbf16, #tpu.memory_space<vmem_shared>> -> memref<128x128xbf16, #tpu.memory_space<vmem_shared>>
      %dma_wait3A_80 = arith.constant 0 : i32
      %dma_wait3A_81 = tpu.memref_slice %arg9[%add3A_11, %dma_wait3A_80] : memref<10240x128xbf16, #tpu.memory_space<vmem_shared>> -> memref<128x128xbf16, #tpu.memory_space<vmem_shared>>
      %dma_wait3A_82 = arith.constant 0 : i32
      %dma_wait3A_83 = arith.constant 0 : i32
      %dma_wait3A_84 = tpu.memref_slice %arg8[%run_scoped3A, %dma_wait3A_82, %dma_wait3A_83] : memref<2x128x128xbf16, #tpu.memory_space<vmem>> -> memref<1x128x128xbf16, #tpu.memory_space<vmem>>
      %dma_wait3A_85 = tpu.memref_squeeze %dma_wait3A_84 : memref<1x128x128xbf16, #tpu.memory_space<vmem>> -> memref<128x128xbf16, #tpu.memory_space<vmem>>
      tpu.wait_dma2 semaphore(%run_scoped3A_62 : memref<!tpu.dma_semaphore, #tpu.memory_space<semaphore_mem>>) src(%dma_wait3A_85 : memref<128x128xbf16, #tpu.memory_space<vmem>>) dst(%dma_wait3A_81 : memref<128x128xbf16, #tpu.memory_space<vmem_shared>>)
      tpu.yield
    }) : () -> ()
    %mul3A_12 = arith.constant 640 : i32
    %mul3A_13 = arith.muli %arg1, %mul3A_12 : i32
    %add3A_14 = arith.constant 128 : i32
    %add3A_15 = arith.addi %mul3A_13, %add3A_14 : i32
    %run_scoped3A_16 = arith.constant 0 : i32
    "tpu.region"() ({
      %run_scoped3A_62 = tpu.sem_alloc : memref<!tpu.dma_semaphore, #tpu.memory_space<semaphore_mem>>
      %dma_start3A_63 = arith.constant 0 : i32
      %dma_start3A_64 = arith.constant 0 : i32
      %dma_start3A_65 = tpu.memref_slice %arg8[%run_scoped3A_16, %dma_start3A_63, %dma_start3A_64] : memref<2x128x128xbf16, #tpu.memory_space<vmem>> -> memref<1x128x128xbf16, #tpu.memory_space<vmem>>
      %dma_start3A_66 = tpu.memref_squeeze %dma_start3A_65 : memref<1x128x128xbf16, #tpu.memory_space<vmem>> -> memref<128x128xbf16, #tpu.memory_space<vmem>>
      %dma_start3A_67 = arith.constant 0 : i32
      %dma_start3A_68 = tpu.memref_slice %arg9[%add3A_15, %dma_start3A_67] : memref<10240x128xbf16, #tpu.memory_space<vmem_shared>> -> memref<128x128xbf16, #tpu.memory_space<vmem_shared>>
      %dma_start3A_69 = arith.constant 0 : i32
      %dma_start3A_70 = tpu.memref_slice %arg9[%add3A_15, %dma_start3A_69] : memref<10240x128xbf16, #tpu.memory_space<vmem_shared>> -> memref<128x128xbf16, #tpu.memory_space<vmem_shared>>
      %dma_start3A_71 = arith.constant 0 : i32
      %dma_start3A_72 = arith.constant 0 : i32
      %dma_start3A_73 = tpu.memref_slice %arg8[%run_scoped3A_16, %dma_start3A_71, %dma_start3A_72] : memref<2x128x128xbf16, #tpu.memory_space<vmem>> -> memref<1x128x128xbf16, #tpu.memory_space<vmem>>
      %dma_start3A_74 = tpu.memref_squeeze %dma_start3A_73 : memref<1x128x128xbf16, #tpu.memory_space<vmem>> -> memref<128x128xbf16, #tpu.memory_space<vmem>>
      tpu.enqueue_dma source(%dma_start3A_74 : memref<128x128xbf16, #tpu.memory_space<vmem>>) target(%dma_start3A_70 : memref<128x128xbf16, #tpu.memory_space<vmem_shared>>) target_semaphore(%run_scoped3A_62 : memref<!tpu.dma_semaphore, #tpu.memory_space<semaphore_mem>>)
      %dma_wait3A = arith.constant 0 : i32
      %dma_wait3A_75 = arith.constant 0 : i32
      %dma_wait3A_76 = tpu.memref_slice %arg8[%run_scoped3A_16, %dma_wait3A, %dma_wait3A_75] : memref<2x128x128xbf16, #tpu.memory_space<vmem>> -> memref<1x128x128xbf16, #tpu.memory_space<vmem>>
      %dma_wait3A_77 = tpu.memref_squeeze %dma_wait3A_76 : memref<1x128x128xbf16, #tpu.memory_space<vmem>> -> memref<128x128xbf16, #tpu.memory_space<vmem>>
      %dma_wait3A_78 = arith.constant 0 : i32
      %dma_wait3A_79 = tpu.memref_slice %arg9[%add3A_15, %dma_wait3A_78] : memref<10240x128xbf16, #tpu.memory_space<vmem_shared>> -> memref<128x128xbf16, #tpu.memory_space<vmem_shared>>
      %dma_wait3A_80 = arith.constant 0 : i32
      %dma_wait3A_81 = tpu.memref_slice %arg9[%add3A_15, %dma_wait3A_80] : memref<10240x128xbf16, #tpu.memory_space<vmem_shared>> -> memref<128x128xbf16, #tpu.memory_space<vmem_shared>>
      %dma_wait3A_82 = arith.constant 0 : i32
      %dma_wait3A_83 = arith.constant 0 : i32
      %dma_wait3A_84 = tpu.memref_slice %arg8[%run_scoped3A_16, %dma_wait3A_82, %dma_wait3A_83] : memref<2x128x128xbf16, #tpu.memory_space<vmem>> -> memref<1x128x128xbf16, #tpu.memory_space<vmem>>
      %dma_wait3A_85 = tpu.memref_squeeze %dma_wait3A_84 : memref<1x128x128xbf16, #tpu.memory_space<vmem>> -> memref<128x128xbf16, #tpu.memory_space<vmem>>
      tpu.wait_dma2 semaphore(%run_scoped3A_62 : memref<!tpu.dma_semaphore, #tpu.memory_space<semaphore_mem>>) src(%dma_wait3A_85 : memref<128x128xbf16, #tpu.memory_space<vmem>>) dst(%dma_wait3A_81 : memref<128x128xbf16, #tpu.memory_space<vmem_shared>>)
      tpu.yield
    }) : () -> ()
    %mul3A_17 = arith.constant 640 : i32
    %mul3A_18 = arith.muli %arg1, %mul3A_17 : i32
    %add3A_19 = arith.constant 256 : i32
    %add3A_20 = arith.addi %mul3A_18, %add3A_19 : i32
    %run_scoped3A_21 = arith.constant 0 : i32
    "tpu.region"() ({
      %run_scoped3A_62 = tpu.sem_alloc : memref<!tpu.dma_semaphore, #tpu.memory_space<semaphore_mem>>
      %dma_start3A_63 = arith.constant 0 : i32
      %dma_start3A_64 = arith.constant 0 : i32
      %dma_start3A_65 = tpu.memref_slice %arg8[%run_scoped3A_21, %dma_start3A_63, %dma_start3A_64] : memref<2x128x128xbf16, #tpu.memory_space<vmem>> -> memref<1x128x128xbf16, #tpu.memory_space<vmem>>
      %dma_start3A_66 = tpu.memref_squeeze %dma_start3A_65 : memref<1x128x128xbf16, #tpu.memory_space<vmem>> -> memref<128x128xbf16, #tpu.memory_space<vmem>>
      %dma_start3A_67 = arith.constant 0 : i32
      %dma_start3A_68 = tpu.memref_slice %arg9[%add3A_20, %dma_start3A_67] : memref<10240x128xbf16, #tpu.memory_space<vmem_shared>> -> memref<128x128xbf16, #tpu.memory_space<vmem_shared>>
      %dma_start3A_69 = arith.constant 0 : i32
      %dma_start3A_70 = tpu.memref_slice %arg9[%add3A_20, %dma_start3A_69] : memref<10240x128xbf16, #tpu.memory_space<vmem_shared>> -> memref<128x128xbf16, #tpu.memory_space<vmem_shared>>
      %dma_start3A_71 = arith.constant 0 : i32
      %dma_start3A_72 = arith.constant 0 : i32
      %dma_start3A_73 = tpu.memref_slice %arg8[%run_scoped3A_21, %dma_start3A_71, %dma_start3A_72] : memref<2x128x128xbf16, #tpu.memory_space<vmem>> -> memref<1x128x128xbf16, #tpu.memory_space<vmem>>
      %dma_start3A_74 = tpu.memref_squeeze %dma_start3A_73 : memref<1x128x128xbf16, #tpu.memory_space<vmem>> -> memref<128x128xbf16, #tpu.memory_space<vmem>>
      tpu.enqueue_dma source(%dma_start3A_74 : memref<128x128xbf16, #tpu.memory_space<vmem>>) target(%dma_start3A_70 : memref<128x128xbf16, #tpu.memory_space<vmem_shared>>) target_semaphore(%run_scoped3A_62 : memref<!tpu.dma_semaphore, #tpu.memory_space<semaphore_mem>>)
      %dma_wait3A = arith.constant 0 : i32
      %dma_wait3A_75 = arith.constant 0 : i32
      %dma_wait3A_76 = tpu.memref_slice %arg8[%run_scoped3A_21, %dma_wait3A, %dma_wait3A_75] : memref<2x128x128xbf16, #tpu.memory_space<vmem>> -> memref<1x128x128xbf16, #tpu.memory_space<vmem>>
      %dma_wait3A_77 = tpu.memref_squeeze %dma_wait3A_76 : memref<1x128x128xbf16, #tpu.memory_space<vmem>> -> memref<128x128xbf16, #tpu.memory_space<vmem>>
      %dma_wait3A_78 = arith.constant 0 : i32
      %dma_wait3A_79 = tpu.memref_slice %arg9[%add3A_20, %dma_wait3A_78] : memref<10240x128xbf16, #tpu.memory_space<vmem_shared>> -> memref<128x128xbf16, #tpu.memory_space<vmem_shared>>
      %dma_wait3A_80 = arith.constant 0 : i32
      %dma_wait3A_81 = tpu.memref_slice %arg9[%add3A_20, %dma_wait3A_80] : memref<10240x128xbf16, #tpu.memory_space<vmem_shared>> -> memref<128x128xbf16, #tpu.memory_space<vmem_shared>>
      %dma_wait3A_82 = arith.constant 0 : i32
      %dma_wait3A_83 = arith.constant 0 : i32
      %dma_wait3A_84 = tpu.memref_slice %arg8[%run_scoped3A_21, %dma_wait3A_82, %dma_wait3A_83] : memref<2x128x128xbf16, #tpu.memory_space<vmem>> -> memref<1x128x128xbf16, #tpu.memory_space<vmem>>
      %dma_wait3A_85 = tpu.memref_squeeze %dma_wait3A_84 : memref<1x128x128xbf16, #tpu.memory_space<vmem>> -> memref<128x128xbf16, #tpu.memory_space<vmem>>
      tpu.wait_dma2 semaphore(%run_scoped3A_62 : memref<!tpu.dma_semaphore, #tpu.memory_space<semaphore_mem>>) src(%dma_wait3A_85 : memref<128x128xbf16, #tpu.memory_space<vmem>>) dst(%dma_wait3A_81 : memref<128x128xbf16, #tpu.memory_space<vmem_shared>>)
      tpu.yield
    }) : () -> ()
    %mul3A_22 = arith.constant 640 : i32
    %mul3A_23 = arith.muli %arg1, %mul3A_22 : i32
    %add3A_24 = arith.constant 384 : i32
    %add3A_25 = arith.addi %mul3A_23, %add3A_24 : i32
    %run_scoped3A_26 = arith.constant 0 : i32
    "tpu.region"() ({
      %run_scoped3A_62 = tpu.sem_alloc : memref<!tpu.dma_semaphore, #tpu.memory_space<semaphore_mem>>
      %dma_start3A_63 = arith.constant 0 : i32
      %dma_start3A_64 = arith.constant 0 : i32
      %dma_start3A_65 = tpu.memref_slice %arg8[%run_scoped3A_26, %dma_start3A_63, %dma_start3A_64] : memref<2x128x128xbf16, #tpu.memory_space<vmem>> -> memref<1x128x128xbf16, #tpu.memory_space<vmem>>
      %dma_start3A_66 = tpu.memref_squeeze %dma_start3A_65 : memref<1x128x128xbf16, #tpu.memory_space<vmem>> -> memref<128x128xbf16, #tpu.memory_space<vmem>>
      %dma_start3A_67 = arith.constant 0 : i32
      %dma_start3A_68 = tpu.memref_slice %arg9[%add3A_25, %dma_start3A_67] : memref<10240x128xbf16, #tpu.memory_space<vmem_shared>> -> memref<128x128xbf16, #tpu.memory_space<vmem_shared>>
      %dma_start3A_69 = arith.constant 0 : i32
      %dma_start3A_70 = tpu.memref_slice %arg9[%add3A_25, %dma_start3A_69] : memref<10240x128xbf16, #tpu.memory_space<vmem_shared>> -> memref<128x128xbf16, #tpu.memory_space<vmem_shared>>
      %dma_start3A_71 = arith.constant 0 : i32
      %dma_start3A_72 = arith.constant 0 : i32
      %dma_start3A_73 = tpu.memref_slice %arg8[%run_scoped3A_26, %dma_start3A_71, %dma_start3A_72] : memref<2x128x128xbf16, #tpu.memory_space<vmem>> -> memref<1x128x128xbf16, #tpu.memory_space<vmem>>
      %dma_start3A_74 = tpu.memref_squeeze %dma_start3A_73 : memref<1x128x128xbf16, #tpu.memory_space<vmem>> -> memref<128x128xbf16, #tpu.memory_space<vmem>>
      tpu.enqueue_dma source(%dma_start3A_74 : memref<128x128xbf16, #tpu.memory_space<vmem>>) target(%dma_start3A_70 : memref<128x128xbf16, #tpu.memory_space<vmem_shared>>) target_semaphore(%run_scoped3A_62 : memref<!tpu.dma_semaphore, #tpu.memory_space<semaphore_mem>>)
      %dma_wait3A = arith.constant 0 : i32
      %dma_wait3A_75 = arith.constant 0 : i32
      %dma_wait3A_76 = tpu.memref_slice %arg8[%run_scoped3A_26, %dma_wait3A, %dma_wait3A_75] : memref<2x128x128xbf16, #tpu.memory_space<vmem>> -> memref<1x128x128xbf16, #tpu.memory_space<vmem>>
      %dma_wait3A_77 = tpu.memref_squeeze %dma_wait3A_76 : memref<1x128x128xbf16, #tpu.memory_space<vmem>> -> memref<128x128xbf16, #tpu.memory_space<vmem>>
      %dma_wait3A_78 = arith.constant 0 : i32
      %dma_wait3A_79 = tpu.memref_slice %arg9[%add3A_25, %dma_wait3A_78] : memref<10240x128xbf16, #tpu.memory_space<vmem_shared>> -> memref<128x128xbf16, #tpu.memory_space<vmem_shared>>
      %dma_wait3A_80 = arith.constant 0 : i32
      %dma_wait3A_81 = tpu.memref_slice %arg9[%add3A_25, %dma_wait3A_80] : memref<10240x128xbf16, #tpu.memory_space<vmem_shared>> -> memref<128x128xbf16, #tpu.memory_space<vmem_shared>>
      %dma_wait3A_82 = arith.constant 0 : i32
      %dma_wait3A_83 = arith.constant 0 : i32
      %dma_wait3A_84 = tpu.memref_slice %arg8[%run_scoped3A_26, %dma_wait3A_82, %dma_wait3A_83] : memref<2x128x128xbf16, #tpu.memory_space<vmem>> -> memref<1x128x128xbf16, #tpu.memory_space<vmem>>
      %dma_wait3A_85 = tpu.memref_squeeze %dma_wait3A_84 : memref<1x128x128xbf16, #tpu.memory_space<vmem>> -> memref<128x128xbf16, #tpu.memory_space<vmem>>
      tpu.wait_dma2 semaphore(%run_scoped3A_62 : memref<!tpu.dma_semaphore, #tpu.memory_space<semaphore_mem>>) src(%dma_wait3A_85 : memref<128x128xbf16, #tpu.memory_space<vmem>>) dst(%dma_wait3A_81 : memref<128x128xbf16, #tpu.memory_space<vmem_shared>>)
      tpu.yield
    }) : () -> ()
    %mul3A_27 = arith.constant 640 : i32
    %mul3A_28 = arith.muli %arg1, %mul3A_27 : i32
    %add3A_29 = arith.constant 512 : i32
    %add3A_30 = arith.addi %mul3A_28, %add3A_29 : i32
    %run_scoped3A_31 = arith.constant 0 : i32
    "tpu.region"() ({
      %run_scoped3A_62 = tpu.sem_alloc : memref<!tpu.dma_semaphore, #tpu.memory_space<semaphore_mem>>
      %dma_start3A_63 = arith.constant 0 : i32
      %dma_start3A_64 = arith.constant 0 : i32
      %dma_start3A_65 = tpu.memref_slice %arg8[%run_scoped3A_31, %dma_start3A_63, %dma_start3A_64] : memref<2x128x128xbf16, #tpu.memory_space<vmem>> -> memref<1x128x128xbf16, #tpu.memory_space<vmem>>
      %dma_start3A_66 = tpu.memref_squeeze %dma_start3A_65 : memref<1x128x128xbf16, #tpu.memory_space<vmem>> -> memref<128x128xbf16, #tpu.memory_space<vmem>>
      %dma_start3A_67 = arith.constant 0 : i32
      %dma_start3A_68 = tpu.memref_slice %arg9[%add3A_30, %dma_start3A_67] : memref<10240x128xbf16, #tpu.memory_space<vmem_shared>> -> memref<128x128xbf16, #tpu.memory_space<vmem_shared>>
      %dma_start3A_69 = arith.constant 0 : i32
      %dma_start3A_70 = tpu.memref_slice %arg9[%add3A_30, %dma_start3A_69] : memref<10240x128xbf16, #tpu.memory_space<vmem_shared>> -> memref<128x128xbf16, #tpu.memory_space<vmem_shared>>
      %dma_start3A_71 = arith.constant 0 : i32
      %dma_start3A_72 = arith.constant 0 : i32
      %dma_start3A_73 = tpu.memref_slice %arg8[%run_scoped3A_31, %dma_start3A_71, %dma_start3A_72] : memref<2x128x128xbf16, #tpu.memory_space<vmem>> -> memref<1x128x128xbf16, #tpu.memory_space<vmem>>
      %dma_start3A_74 = tpu.memref_squeeze %dma_start3A_73 : memref<1x128x128xbf16, #tpu.memory_space<vmem>> -> memref<128x128xbf16, #tpu.memory_space<vmem>>
      tpu.enqueue_dma source(%dma_start3A_74 : memref<128x128xbf16, #tpu.memory_space<vmem>>) target(%dma_start3A_70 : memref<128x128xbf16, #tpu.memory_space<vmem_shared>>) target_semaphore(%run_scoped3A_62 : memref<!tpu.dma_semaphore, #tpu.memory_space<semaphore_mem>>)
      %dma_wait3A = arith.constant 0 : i32
      %dma_wait3A_75 = arith.constant 0 : i32
      %dma_wait3A_76 = tpu.memref_slice %arg8[%run_scoped3A_31, %dma_wait3A, %dma_wait3A_75] : memref<2x128x128xbf16, #tpu.memory_space<vmem>> -> memref<1x128x128xbf16, #tpu.memory_space<vmem>>
      %dma_wait3A_77 = tpu.memref_squeeze %dma_wait3A_76 : memref<1x128x128xbf16, #tpu.memory_space<vmem>> -> memref<128x128xbf16, #tpu.memory_space<vmem>>
      %dma_wait3A_78 = arith.constant 0 : i32
      %dma_wait3A_79 = tpu.memref_slice %arg9[%add3A_30, %dma_wait3A_78] : memref<10240x128xbf16, #tpu.memory_space<vmem_shared>> -> memref<128x128xbf16, #tpu.memory_space<vmem_shared>>
      %dma_wait3A_80 = arith.constant 0 : i32
      %dma_wait3A_81 = tpu.memref_slice %arg9[%add3A_30, %dma_wait3A_80] : memref<10240x128xbf16, #tpu.memory_space<vmem_shared>> -> memref<128x128xbf16, #tpu.memory_space<vmem_shared>>
      %dma_wait3A_82 = arith.constant 0 : i32
      %dma_wait3A_83 = arith.constant 0 : i32
      %dma_wait3A_84 = tpu.memref_slice %arg8[%run_scoped3A_31, %dma_wait3A_82, %dma_wait3A_83] : memref<2x128x128xbf16, #tpu.memory_space<vmem>> -> memref<1x128x128xbf16, #tpu.memory_space<vmem>>
      %dma_wait3A_85 = tpu.memref_squeeze %dma_wait3A_84 : memref<1x128x128xbf16, #tpu.memory_space<vmem>> -> memref<128x128xbf16, #tpu.memory_space<vmem>>
      tpu.wait_dma2 semaphore(%run_scoped3A_62 : memref<!tpu.dma_semaphore, #tpu.memory_space<semaphore_mem>>) src(%dma_wait3A_85 : memref<128x128xbf16, #tpu.memory_space<vmem>>) dst(%dma_wait3A_81 : memref<128x128xbf16, #tpu.memory_space<vmem_shared>>)
      tpu.yield
    }) : () -> ()
    %barrier3A = arith.constant 0 : index
    tpu.barrier barrier_id(%barrier3A)
    %scan3A_32 = arith.constant 0 : i32
    %scan3A_33 = arith.constant 0 : i32
    %scan3A_34 = arith.constant 8 : i32
    %scan3A_35 = arith.addi %scan3A_33, %scan3A_34 : i32
    %scan3A_36 = arith.constant 1 : i32
    %scan3A_37 = scf.for %scan3A_62 = %scan3A_33 to %scan3A_35 step %scan3A_36 iter_args(%scan3A_63 = %scan3A_32) -> (i32)  : i32 {
      %mul3A_64 = arith.constant 16 : i32
      %mul3A_65 = arith.muli %scan3A_62, %mul3A_64 : i32
      %get3A = arith.constant 0 : i32
      %get3A_66 = arith.index_cast %get3A : i32 to index
      %get3A_67 = arith.index_cast %mul3A_65 : i32 to index
      %get3A_68 = tpu.vector_load %arg5[%get3A_66, %get3A_67] {strides = array<i32>} : memref<80x128xi32, #tpu.memory_space<vmem>>, vector<1x16xi32>,
      %get3A_69 = vector.shape_cast %get3A_68 : vector<1x16xi32> to vector<16xi32>
      %and3A = arith.constant 65535 : i32
      %and3A_70 = vector.broadcast %and3A : i32 to vector<16xi32>
      %and3A_71 = arith.andi %get3A_69, %and3A_70 : vector<16xi32>
      %mul3A_72 = arith.constant 16 : i32
      %mul3A_73 = arith.muli %scan3A_62, %mul3A_72 : i32
      %swap3A = arith.constant 0 : i32
      %swap3A_74 = arith.index_cast %swap3A : i32 to index
      %swap3A_75 = arith.index_cast %mul3A_73 : i32 to index
      %swap3A_76 = tpu.vector_load %arg6[%swap3A_74, %swap3A_75] {strides = array<i32>} : memref<2x128xi32, #tpu.memory_space<vmem>>, vector<1x16xi32>,
      %swap3A_77 = vector.shape_cast %swap3A_76 : vector<1x16xi32> to vector<16xi32>
      %swap3A_78 = vector.shape_cast %and3A_71 : vector<16xi32> to vector<1x16xi32>
      tpu.vector_store %arg6[%swap3A_74, %swap3A_75], %swap3A_78 {strides = array<i32>} : memref<2x128xi32, #tpu.memory_space<vmem>>, vector<1x16xi32>,
      %scan3A_79 = arith.constant 0 : i32
      scf.yield %scan3A_79 : i32
    }
    %scan3A_38 = arith.constant 8 : i32
    %dma_start3A = arith.constant 0 : i32
    %dma_start3A_39 = arith.constant 0 : i32
    %dma_start3A_40 = arith.constant 0 : i32
    %dma_start3A_41 = arith.constant 0 : i32
    %dma_start3A_42 = tpu.memref_slice %arg8[%dma_start3A_39, %dma_start3A_40, %dma_start3A_41] : memref<2x128x128xbf16, #tpu.memory_space<vmem>> -> memref<1x128x128xbf16, #tpu.memory_space<vmem>>
    %dma_start3A_43 = tpu.memref_squeeze %dma_start3A_42 : memref<1x128x128xbf16, #tpu.memory_space<vmem>> -> memref<128x128xbf16, #tpu.memory_space<vmem>>
    %dma_start3A_44 = arith.constant 0 : i32
    %dma_start3A_45 = tpu.memref_slice %arg6[%dma_start3A, %dma_start3A_44] : memref<2x128xi32, #tpu.memory_space<vmem>> -> memref<1x128xi32, #tpu.memory_space<vmem>>
    %dma_start3A_46 = tpu.memref_squeeze %dma_start3A_45 : memref<1x128xi32, #tpu.memory_space<vmem>> -> memref<128xi32, #tpu.memory_space<vmem>>
    %dma_start3A_47 = arith.constant 0 : i32
    %dma_start3A_48 = arith.constant 0 : i32
    %dma_start3A_49 = tpu.memref_slice %arg2[%dma_start3A_47, %dma_start3A_48] : memref<10000x128xbf16, #tpu.memory_space<hbm>> -> memref<10000x128xbf16, #tpu.memory_space<hbm>>
    tpu.enqueue_indirect_dma source(%dma_start3A_49 : memref<10000x128xbf16, #tpu.memory_space<hbm>>) target(%dma_start3A_43 : memref<128x128xbf16, #tpu.memory_space<vmem>>) offsets(%dma_start3A_46 : memref<128xi32, #tpu.memory_space<vmem>>) semaphore(%arg10 : memref<!tpu.dma_semaphore, #tpu.memory_space<semaphore_mem>>)
    %scan3A_50 = arith.constant 0 : i32
    %scan3A_51 = arith.constant 0 : i32
    %scan3A_52 = arith.constant 40 : i32
    %scan3A_53 = arith.addi %scan3A_51, %scan3A_52 : i32
    %scan3A_54 = arith.constant 1 : i32
    %scan3A_55 = scf.for %scan3A_62 = %scan3A_51 to %scan3A_53 step %scan3A_54 iter_args(%scan3A_63 = %scan3A_50) -> (i32)  : i32 {
      %mul3A_64 = arith.constant 2 : i32
      %mul3A_65 = arith.muli %mul3A_64, %scan3A_62 : i32
      %add3A_66 = arith.constant 1 : i32
      %add3A_67 = arith.addi %mul3A_65, %add3A_66 : i32
      %scan3A_68 = arith.constant 0 : i32
      %scan3A_69 = arith.constant 0 : i32
      %scan3A_70 = arith.constant 8 : i32
      %scan3A_71 = arith.addi %scan3A_69, %scan3A_70 : i32
      %scan3A_72 = arith.constant 1 : i32
      %scan3A_73 = scf.for %scan3A_133 = %scan3A_69 to %scan3A_71 step %scan3A_72 iter_args(%scan3A_134 = %scan3A_68) -> (i32)  : i32 {
        %mul3A_135 = arith.constant 16 : i32
        %mul3A_136 = arith.muli %scan3A_133, %mul3A_135 : i32
        %get3A = arith.index_cast %add3A_67 : i32 to index
        %get3A_137 = arith.index_cast %mul3A_136 : i32 to index
        %get3A_138 = tpu.vector_load %arg5[%get3A, %get3A_137] {strides = array<i32>} : memref<80x128xi32, #tpu.memory_space<vmem>>, vector<1x16xi32>,
        %get3A_139 = vector.shape_cast %get3A_138 : vector<1x16xi32> to vector<16xi32>
        %and3A = arith.constant 65535 : i32
        %and3A_140 = vector.broadcast %and3A : i32 to vector<16xi32>
        %and3A_141 = arith.andi %get3A_139, %and3A_140 : vector<16xi32>
        %mul3A_142 = arith.constant 16 : i32
        %mul3A_143 = arith.muli %scan3A_133, %mul3A_142 : i32
        %swap3A = arith.constant 1 : i32
        %swap3A_144 = arith.index_cast %swap3A : i32 to index
        %swap3A_145 = arith.index_cast %mul3A_143 : i32 to index
        %swap3A_146 = tpu.vector_load %arg6[%swap3A_144, %swap3A_145] {strides = array<i32>} : memref<2x128xi32, #tpu.memory_space<vmem>>, vector<1x16xi32>,
        %swap3A_147 = vector.shape_cast %swap3A_146 : vector<1x16xi32> to vector<16xi32>
        %swap3A_148 = vector.shape_cast %and3A_141 : vector<16xi32> to vector<1x16xi32>
        tpu.vector_store %arg6[%swap3A_144, %swap3A_145], %swap3A_148 {strides = array<i32>} : memref<2x128xi32, #tpu.memory_space<vmem>>, vector<1x16xi32>,
        %scan3A_149 = arith.constant 0 : i32
        scf.yield %scan3A_149 : i32
      }
      %scan3A_74 = arith.constant 8 : i32
      %dma_start3A_75 = arith.constant 1 : i32
      %dma_start3A_76 = arith.constant 1 : i32
      %dma_start3A_77 = arith.constant 0 : i32
      %dma_start3A_78 = arith.constant 0 : i32
      %dma_start3A_79 = tpu.memref_slice %arg8[%dma_start3A_76, %dma_start3A_77, %dma_start3A_78] : memref<2x128x128xbf16, #tpu.memory_space<vmem>> -> memref<1x128x128xbf16, #tpu.memory_space<vmem>>
      %dma_start3A_80 = tpu.memref_squeeze %dma_start3A_79 : memref<1x128x128xbf16, #tpu.memory_space<vmem>> -> memref<128x128xbf16, #tpu.memory_space<vmem>>
      %dma_start3A_81 = arith.constant 0 : i32
      %dma_start3A_82 = tpu.memref_slice %arg6[%dma_start3A_75, %dma_start3A_81] : memref<2x128xi32, #tpu.memory_space<vmem>> -> memref<1x128xi32, #tpu.memory_space<vmem>>
      %dma_start3A_83 = tpu.memref_squeeze %dma_start3A_82 : memref<1x128xi32, #tpu.memory_space<vmem>> -> memref<128xi32, #tpu.memory_space<vmem>>
      %dma_start3A_84 = arith.constant 0 : i32
      %dma_start3A_85 = arith.constant 0 : i32
      %dma_start3A_86 = tpu.memref_slice %arg2[%dma_start3A_84, %dma_start3A_85] : memref<10000x128xbf16, #tpu.memory_space<hbm>> -> memref<10000x128xbf16, #tpu.memory_space<hbm>>
      tpu.enqueue_indirect_dma source(%dma_start3A_86 : memref<10000x128xbf16, #tpu.memory_space<hbm>>) target(%dma_start3A_80 : memref<128x128xbf16, #tpu.memory_space<vmem>>) offsets(%dma_start3A_83 : memref<128xi32, #tpu.memory_space<vmem>>) semaphore(%arg11 : memref<!tpu.dma_semaphore, #tpu.memory_space<semaphore_mem>>)
      %dma_wait3A = arith.constant 0 : i32
      %dma_wait3A_87 = arith.constant 0 : i32
      %dma_wait3A_88 = arith.constant 0 : i32
      %dma_wait3A_89 = arith.constant 0 : i32
      %dma_wait3A_90 = tpu.memref_slice %arg8[%dma_wait3A_87, %dma_wait3A_88, %dma_wait3A_89] : memref<2x128x128xbf16, #tpu.memory_space<vmem>> -> memref<1x128x128xbf16, #tpu.memory_space<vmem>>
      %dma_wait3A_91 = tpu.memref_squeeze %dma_wait3A_90 : memref<1x128x128xbf16, #tpu.memory_space<vmem>> -> memref<128x128xbf16, #tpu.memory_space<vmem>>
      %dma_wait3A_92 = arith.constant 0 : i32
      %dma_wait3A_93 = tpu.memref_slice %arg6[%dma_wait3A, %dma_wait3A_92] : memref<2x128xi32, #tpu.memory_space<vmem>> -> memref<1x128xi32, #tpu.memory_space<vmem>>
      %dma_wait3A_94 = tpu.memref_squeeze %dma_wait3A_93 : memref<1x128xi32, #tpu.memory_space<vmem>> -> memref<128xi32, #tpu.memory_space<vmem>>
      %dma_wait3A_95 = arith.constant 0 : i32
      %dma_wait3A_96 = arith.constant 0 : i32
      %dma_wait3A_97 = tpu.memref_slice %arg2[%dma_wait3A_95, %dma_wait3A_96] : memref<10000x128xbf16, #tpu.memory_space<hbm>> -> memref<10000x128xbf16, #tpu.memory_space<hbm>>
      tpu.wait_indirect_dma semaphore(%arg10 : memref<!tpu.dma_semaphore, #tpu.memory_space<semaphore_mem>>) src(%dma_wait3A_97 : memref<10000x128xbf16, #tpu.memory_space<hbm>>) dst(%dma_wait3A_91 : memref<128x128xbf16, #tpu.memory_space<vmem>>)
      %scan3A_98 = arith.constant 0 : i32
      %scan3A_99 = arith.constant 0 : i32
      %scan3A_100 = arith.constant 8 : i32
      %scan3A_101 = arith.addi %scan3A_99, %scan3A_100 : i32
      %scan3A_102 = arith.constant 1 : i32
      %scan3A_103 = scf.for %scan3A_133 = %scan3A_99 to %scan3A_101 step %scan3A_102 iter_args(%scan3A_134 = %scan3A_98) -> (i32)  : i32 {
        %mul3A_135 = arith.constant 16 : i32
        %mul3A_136 = arith.muli %scan3A_133, %mul3A_135 : i32
        %get3A = arith.index_cast %mul3A_65 : i32 to index
        %get3A_137 = arith.index_cast %mul3A_136 : i32 to index
        %get3A_138 = tpu.vector_load %arg5[%get3A, %get3A_137] {strides = array<i32>} : memref<80x128xi32, #tpu.memory_space<vmem>>, vector<1x16xi32>,
        %get3A_139 = vector.shape_cast %get3A_138 : vector<1x16xi32> to vector<16xi32>
        %shift_right_arithmetic3A = arith.constant 16 : i32
        %shift_right_arithmetic3A_140 = vector.broadcast %shift_right_arithmetic3A : i32 to vector<16xi32>
        %shift_right_arithmetic3A_141 = arith.shrsi %get3A_139, %shift_right_arithmetic3A_140 : vector<16xi32>
        %mul3A_142 = arith.constant 16 : i32
        %mul3A_143 = arith.muli %scan3A_133, %mul3A_142 : i32
        %swap3A = arith.constant 0 : i32
        %swap3A_144 = arith.index_cast %swap3A : i32 to index
        %swap3A_145 = arith.index_cast %mul3A_143 : i32 to index
        %swap3A_146 = tpu.vector_load %arg7[%swap3A_144, %swap3A_145] {strides = array<i32>} : memref<2x128xi32, #tpu.memory_space<vmem>>, vector<1x16xi32>,
        %swap3A_147 = vector.shape_cast %swap3A_146 : vector<1x16xi32> to vector<16xi32>
        %swap3A_148 = vector.shape_cast %shift_right_arithmetic3A_141 : vector<16xi32> to vector<1x16xi32>
        tpu.vector_store %arg7[%swap3A_144, %swap3A_145], %swap3A_148 {strides = array<i32>} : memref<2x128xi32, #tpu.memory_space<vmem>>, vector<1x16xi32>,
        %scan3A_149 = arith.constant 0 : i32
        scf.yield %scan3A_149 : i32
      }
      %scan3A_104 = arith.constant 8 : i32
      %run_scoped3A_105 = arith.constant 0 : i32
      %run_scoped3A_106 = arith.constant 0 : i32
      "tpu.region"() ({
        %run_scoped3A_133 = tpu.sem_alloc : memref<!tpu.dma_semaphore, #tpu.memory_space<semaphore_mem>>
        %dma_start3A_134 = arith.constant 0 : i32
        %dma_start3A_135 = arith.constant 0 : i32
        %dma_start3A_136 = tpu.memref_slice %arg8[%run_scoped3A_105, %dma_start3A_134, %dma_start3A_135] : memref<2x128x128xbf16, #tpu.memory_space<vmem>> -> memref<1x128x128xbf16, #tpu.memory_space<vmem>>
        %dma_start3A_137 = tpu.memref_squeeze %dma_start3A_136 : memref<1x128x128xbf16, #tpu.memory_space<vmem>> -> memref<128x128xbf16, #tpu.memory_space<vmem>>
        %dma_start3A_138 = arith.constant 0 : i32
        %dma_start3A_139 = tpu.memref_slice %arg7[%run_scoped3A_106, %dma_start3A_138] : memref<2x128xi32, #tpu.memory_space<vmem>> -> memref<1x128xi32, #tpu.memory_space<vmem>>
        %dma_start3A_140 = tpu.memref_squeeze %dma_start3A_139 : memref<1x128xi32, #tpu.memory_space<vmem>> -> memref<128xi32, #tpu.memory_space<vmem>>
        %dma_start3A_141 = arith.constant 0 : i32
        %dma_start3A_142 = arith.constant 0 : i32
        %dma_start3A_143 = tpu.memref_slice %arg9[%dma_start3A_141, %dma_start3A_142] : memref<10240x128xbf16, #tpu.memory_space<vmem_shared>> -> memref<10240x128xbf16, #tpu.memory_space<vmem_shared>>
        tpu.enqueue_indirect_dma source(%dma_start3A_137 : memref<128x128xbf16, #tpu.memory_space<vmem>>) target(%dma_start3A_143 : memref<10240x128xbf16, #tpu.memory_space<vmem_shared>>) offsets(%dma_start3A_140 : memref<128xi32, #tpu.memory_space<vmem>>) semaphore(%run_scoped3A_133 : memref<!tpu.dma_semaphore, #tpu.memory_space<semaphore_mem>>) {add = true}
        %dma_wait3A_144 = arith.constant 0 : i32
        %dma_wait3A_145 = arith.constant 0 : i32
        %dma_wait3A_146 = tpu.memref_slice %arg8[%run_scoped3A_105, %dma_wait3A_144, %dma_wait3A_145] : memref<2x128x128xbf16, #tpu.memory_space<vmem>> -> memref<1x128x128xbf16, #tpu.memory_space<vmem>>
        %dma_wait3A_147 = tpu.memref_squeeze %dma_wait3A_146 : memref<1x128x128xbf16, #tpu.memory_space<vmem>> -> memref<128x128xbf16, #tpu.memory_space<vmem>>
        %dma_wait3A_148 = arith.constant 0 : i32
        %dma_wait3A_149 = tpu.memref_slice %arg7[%run_scoped3A_106, %dma_wait3A_148] : memref<2x128xi32, #tpu.memory_space<vmem>> -> memref<1x128xi32, #tpu.memory_space<vmem>>
        %dma_wait3A_150 = tpu.memref_squeeze %dma_wait3A_149 : memref<1x128xi32, #tpu.memory_space<vmem>> -> memref<128xi32, #tpu.memory_space<vmem>>
        %dma_wait3A_151 = arith.constant 0 : i32
        %dma_wait3A_152 = arith.constant 0 : i32
        %dma_wait3A_153 = tpu.memref_slice %arg9[%dma_wait3A_151, %dma_wait3A_152] : memref<10240x128xbf16, #tpu.memory_space<vmem_shared>> -> memref<10240x128xbf16, #tpu.memory_space<vmem_shared>>
        tpu.wait_indirect_dma semaphore(%run_scoped3A_133 : memref<!tpu.dma_semaphore, #tpu.memory_space<semaphore_mem>>) src(%dma_wait3A_147 : memref<128x128xbf16, #tpu.memory_space<vmem>>) dst(%dma_wait3A_153 : memref<10240x128xbf16, #tpu.memory_space<vmem_shared>>)
        tpu.yield
      }) : () -> ()
      %add3A_107 = arith.constant 1 : i32
      %add3A_108 = arith.addi %scan3A_62, %add3A_107 : i32
      %lt3A = arith.constant 40 : i32
      %lt3A_109 = arith.cmpi slt, %add3A_108, %lt3A : i32
      %convert_element_type3A = arith.extui %lt3A_109 : i1 to i32
      %cond3A = arith.constant 0 : i32
      %cond3A_110 = arith.cmpi ne, %convert_element_type3A, %cond3A : i32
      scf.if %cond3A_110 {
        %add3A_133 = arith.constant 2 : i32
        %add3A_134 = arith.addi %mul3A_65, %add3A_133 : i32
        %scan3A_135 = arith.constant 0 : i32
        %scan3A_136 = arith.constant 0 : i32
        %scan3A_137 = arith.constant 8 : i32
        %scan3A_138 = arith.addi %scan3A_136, %scan3A_137 : i32
        %scan3A_139 = arith.constant 1 : i32
        %scan3A_140 = scf.for %scan3A_154 = %scan3A_136 to %scan3A_138 step %scan3A_139 iter_args(%scan3A_155 = %scan3A_135) -> (i32)  : i32 {
          %mul3A_156 = arith.constant 16 : i32
          %mul3A_157 = arith.muli %scan3A_154, %mul3A_156 : i32
          %get3A = arith.index_cast %add3A_134 : i32 to index
          %get3A_158 = arith.index_cast %mul3A_157 : i32 to index
          %get3A_159 = tpu.vector_load %arg5[%get3A, %get3A_158] {strides = array<i32>} : memref<80x128xi32, #tpu.memory_space<vmem>>, vector<1x16xi32>,
          %get3A_160 = vector.shape_cast %get3A_159 : vector<1x16xi32> to vector<16xi32>
          %and3A = arith.constant 65535 : i32
          %and3A_161 = vector.broadcast %and3A : i32 to vector<16xi32>
          %and3A_162 = arith.andi %get3A_160, %and3A_161 : vector<16xi32>
          %mul3A_163 = arith.constant 16 : i32
          %mul3A_164 = arith.muli %scan3A_154, %mul3A_163 : i32
          %swap3A = arith.constant 0 : i32
          %swap3A_165 = arith.index_cast %swap3A : i32 to index
          %swap3A_166 = arith.index_cast %mul3A_164 : i32 to index
          %swap3A_167 = tpu.vector_load %arg6[%swap3A_165, %swap3A_166] {strides = array<i32>} : memref<2x128xi32, #tpu.memory_space<vmem>>, vector<1x16xi32>,
          %swap3A_168 = vector.shape_cast %swap3A_167 : vector<1x16xi32> to vector<16xi32>
          %swap3A_169 = vector.shape_cast %and3A_162 : vector<16xi32> to vector<1x16xi32>
          tpu.vector_store %arg6[%swap3A_165, %swap3A_166], %swap3A_169 {strides = array<i32>} : memref<2x128xi32, #tpu.memory_space<vmem>>, vector<1x16xi32>,
          %scan3A_170 = arith.constant 0 : i32
          scf.yield %scan3A_170 : i32
        }
        %scan3A_141 = arith.constant 8 : i32
        %dma_start3A_142 = arith.constant 0 : i32
        %dma_start3A_143 = arith.constant 0 : i32
        %dma_start3A_144 = arith.constant 0 : i32
        %dma_start3A_145 = arith.constant 0 : i32
        %dma_start3A_146 = tpu.memref_slice %arg8[%dma_start3A_143, %dma_start3A_144, %dma_start3A_145] : memref<2x128x128xbf16, #tpu.memory_space<vmem>> -> memref<1x128x128xbf16, #tpu.memory_space<vmem>>
        %dma_start3A_147 = tpu.memref_squeeze %dma_start3A_146 : memref<1x128x128xbf16, #tpu.memory_space<vmem>> -> memref<128x128xbf16, #tpu.memory_space<vmem>>
        %dma_start3A_148 = arith.constant 0 : i32
        %dma_start3A_149 = tpu.memref_slice %arg6[%dma_start3A_142, %dma_start3A_148] : memref<2x128xi32, #tpu.memory_space<vmem>> -> memref<1x128xi32, #tpu.memory_space<vmem>>
        %dma_start3A_150 = tpu.memref_squeeze %dma_start3A_149 : memref<1x128xi32, #tpu.memory_space<vmem>> -> memref<128xi32, #tpu.memory_space<vmem>>
        %dma_start3A_151 = arith.constant 0 : i32
        %dma_start3A_152 = arith.constant 0 : i32
        %dma_start3A_153 = tpu.memref_slice %arg2[%dma_start3A_151, %dma_start3A_152] : memref<10000x128xbf16, #tpu.memory_space<hbm>> -> memref<10000x128xbf16, #tpu.memory_space<hbm>>
        tpu.enqueue_indirect_dma source(%dma_start3A_153 : memref<10000x128xbf16, #tpu.memory_space<hbm>>) target(%dma_start3A_147 : memref<128x128xbf16, #tpu.memory_space<vmem>>) offsets(%dma_start3A_150 : memref<128xi32, #tpu.memory_space<vmem>>) semaphore(%arg10 : memref<!tpu.dma_semaphore, #tpu.memory_space<semaphore_mem>>)
      } else {
      }
      %dma_wait3A_111 = arith.constant 1 : i32
      %dma_wait3A_112 = arith.constant 1 : i32
      %dma_wait3A_113 = arith.constant 0 : i32
      %dma_wait3A_114 = arith.constant 0 : i32
      %dma_wait3A_115 = tpu.memref_slice %arg8[%dma_wait3A_112, %dma_wait3A_113, %dma_wait3A_114] : memref<2x128x128xbf16, #tpu.memory_space<vmem>> -> memref<1x128x128xbf16, #tpu.memory_space<vmem>>
      %dma_wait3A_116 = tpu.memref_squeeze %dma_wait3A_115 : memref<1x128x128xbf16, #tpu.memory_space<vmem>> -> memref<128x128xbf16, #tpu.memory_space<vmem>>
      %dma_wait3A_117 = arith.constant 0 : i32
      %dma_wait3A_118 = tpu.memref_slice %arg6[%dma_wait3A_111, %dma_wait3A_117] : memref<2x128xi32, #tpu.memory_space<vmem>> -> memref<1x128xi32, #tpu.memory_space<vmem>>
      %dma_wait3A_119 = tpu.memref_squeeze %dma_wait3A_118 : memref<1x128xi32, #tpu.memory_space<vmem>> -> memref<128xi32, #tpu.memory_space<vmem>>
      %dma_wait3A_120 = arith.constant 0 : i32
      %dma_wait3A_121 = arith.constant 0 : i32
      %dma_wait3A_122 = tpu.memref_slice %arg2[%dma_wait3A_120, %dma_wait3A_121] : memref<10000x128xbf16, #tpu.memory_space<hbm>> -> memref<10000x128xbf16, #tpu.memory_space<hbm>>
      tpu.wait_indirect_dma semaphore(%arg11 : memref<!tpu.dma_semaphore, #tpu.memory_space<semaphore_mem>>) src(%dma_wait3A_122 : memref<10000x128xbf16, #tpu.memory_space<hbm>>) dst(%dma_wait3A_116 : memref<128x128xbf16, #tpu.memory_space<vmem>>)
      %scan3A_123 = arith.constant 0 : i32
      %scan3A_124 = arith.constant 0 : i32
      %scan3A_125 = arith.constant 8 : i32
      %scan3A_126 = arith.addi %scan3A_124, %scan3A_125 : i32
      %scan3A_127 = arith.constant 1 : i32
      %scan3A_128 = scf.for %scan3A_133 = %scan3A_124 to %scan3A_126 step %scan3A_127 iter_args(%scan3A_134 = %scan3A_123) -> (i32)  : i32 {
        %mul3A_135 = arith.constant 16 : i32
        %mul3A_136 = arith.muli %scan3A_133, %mul3A_135 : i32
        %get3A = arith.index_cast %add3A_67 : i32 to index
        %get3A_137 = arith.index_cast %mul3A_136 : i32 to index
        %get3A_138 = tpu.vector_load %arg5[%get3A, %get3A_137] {strides = array<i32>} : memref<80x128xi32, #tpu.memory_space<vmem>>, vector<1x16xi32>,
        %get3A_139 = vector.shape_cast %get3A_138 : vector<1x16xi32> to vector<16xi32>
        %shift_right_arithmetic3A = arith.constant 16 : i32
        %shift_right_arithmetic3A_140 = vector.broadcast %shift_right_arithmetic3A : i32 to vector<16xi32>
        %shift_right_arithmetic3A_141 = arith.shrsi %get3A_139, %shift_right_arithmetic3A_140 : vector<16xi32>
        %mul3A_142 = arith.constant 16 : i32
        %mul3A_143 = arith.muli %scan3A_133, %mul3A_142 : i32
        %swap3A = arith.constant 1 : i32
        %swap3A_144 = arith.index_cast %swap3A : i32 to index
        %swap3A_145 = arith.index_cast %mul3A_143 : i32 to index
        %swap3A_146 = tpu.vector_load %arg7[%swap3A_144, %swap3A_145] {strides = array<i32>} : memref<2x128xi32, #tpu.memory_space<vmem>>, vector<1x16xi32>,
        %swap3A_147 = vector.shape_cast %swap3A_146 : vector<1x16xi32> to vector<16xi32>
        %swap3A_148 = vector.shape_cast %shift_right_arithmetic3A_141 : vector<16xi32> to vector<1x16xi32>
        tpu.vector_store %arg7[%swap3A_144, %swap3A_145], %swap3A_148 {strides = array<i32>} : memref<2x128xi32, #tpu.memory_space<vmem>>, vector<1x16xi32>,
        %scan3A_149 = arith.constant 0 : i32
        scf.yield %scan3A_149 : i32
      }
      %scan3A_129 = arith.constant 8 : i32
      %run_scoped3A_130 = arith.constant 1 : i32
      %run_scoped3A_131 = arith.constant 1 : i32
      "tpu.region"() ({
        %run_scoped3A_133 = tpu.sem_alloc : memref<!tpu.dma_semaphore, #tpu.memory_space<semaphore_mem>>
        %dma_start3A_134 = arith.constant 0 : i32
        %dma_start3A_135 = arith.constant 0 : i32
        %dma_start3A_136 = tpu.memref_slice %arg8[%run_scoped3A_130, %dma_start3A_134, %dma_start3A_135] : memref<2x128x128xbf16, #tpu.memory_space<vmem>> -> memref<1x128x128xbf16, #tpu.memory_space<vmem>>
        %dma_start3A_137 = tpu.memref_squeeze %dma_start3A_136 : memref<1x128x128xbf16, #tpu.memory_space<vmem>> -> memref<128x128xbf16, #tpu.memory_space<vmem>>
        %dma_start3A_138 = arith.constant 0 : i32
        %dma_start3A_139 = tpu.memref_slice %arg7[%run_scoped3A_131, %dma_start3A_138] : memref<2x128xi32, #tpu.memory_space<vmem>> -> memref<1x128xi32, #tpu.memory_space<vmem>>
        %dma_start3A_140 = tpu.memref_squeeze %dma_start3A_139 : memref<1x128xi32, #tpu.memory_space<vmem>> -> memref<128xi32, #tpu.memory_space<vmem>>
        %dma_start3A_141 = arith.constant 0 : i32
        %dma_start3A_142 = arith.constant 0 : i32
        %dma_start3A_143 = tpu.memref_slice %arg9[%dma_start3A_141, %dma_start3A_142] : memref<10240x128xbf16, #tpu.memory_space<vmem_shared>> -> memref<10240x128xbf16, #tpu.memory_space<vmem_shared>>
        tpu.enqueue_indirect_dma source(%dma_start3A_137 : memref<128x128xbf16, #tpu.memory_space<vmem>>) target(%dma_start3A_143 : memref<10240x128xbf16, #tpu.memory_space<vmem_shared>>) offsets(%dma_start3A_140 : memref<128xi32, #tpu.memory_space<vmem>>) semaphore(%run_scoped3A_133 : memref<!tpu.dma_semaphore, #tpu.memory_space<semaphore_mem>>) {add = true}
        %dma_wait3A_144 = arith.constant 0 : i32
        %dma_wait3A_145 = arith.constant 0 : i32
        %dma_wait3A_146 = tpu.memref_slice %arg8[%run_scoped3A_130, %dma_wait3A_144, %dma_wait3A_145] : memref<2x128x128xbf16, #tpu.memory_space<vmem>> -> memref<1x128x128xbf16, #tpu.memory_space<vmem>>
        %dma_wait3A_147 = tpu.memref_squeeze %dma_wait3A_146 : memref<1x128x128xbf16, #tpu.memory_space<vmem>> -> memref<128x128xbf16, #tpu.memory_space<vmem>>
        %dma_wait3A_148 = arith.constant 0 : i32
        %dma_wait3A_149 = tpu.memref_slice %arg7[%run_scoped3A_131, %dma_wait3A_148] : memref<2x128xi32, #tpu.memory_space<vmem>> -> memref<1x128xi32, #tpu.memory_space<vmem>>
        %dma_wait3A_150 = tpu.memref_squeeze %dma_wait3A_149 : memref<1x128xi32, #tpu.memory_space<vmem>> -> memref<128xi32, #tpu.memory_space<vmem>>
        %dma_wait3A_151 = arith.constant 0 : i32
        %dma_wait3A_152 = arith.constant 0 : i32
        %dma_wait3A_153 = tpu.memref_slice %arg9[%dma_wait3A_151, %dma_wait3A_152] : memref<10240x128xbf16, #tpu.memory_space<vmem_shared>> -> memref<10240x128xbf16, #tpu.memory_space<vmem_shared>>
        tpu.wait_indirect_dma semaphore(%run_scoped3A_133 : memref<!tpu.dma_semaphore, #tpu.memory_space<semaphore_mem>>) src(%dma_wait3A_147 : memref<128x128xbf16, #tpu.memory_space<vmem>>) dst(%dma_wait3A_153 : memref<10240x128xbf16, #tpu.memory_space<vmem_shared>>)
        tpu.yield
      }) : () -> ()
      %scan3A_132 = arith.constant 0 : i32
      scf.yield %scan3A_132 : i32
    }
    %scan3A_56 = arith.constant 40 : i32
    %barrier3A_57 = arith.constant 0 : index
    tpu.barrier barrier_id(%barrier3A_57)
    %mul3A_58 = arith.constant 640 : i32
    %mul3A_59 = arith.muli %arg1, %mul3A_58 : i32
    %mul3A_60 = arith.constant 640 : i32
    %mul3A_61 = arith.muli %arg1, %mul3A_60 : i32
    "tpu.region"() ({
      %run_scoped3A_62 = tpu.sem_alloc : memref<!tpu.dma_semaphore, #tpu.memory_space<semaphore_mem>>
      %dma_start3A_63 = arith.constant 0 : i32
      %dma_start3A_64 = tpu.memref_slice %arg4[%arg0, %mul3A_61, %dma_start3A_63] : memref<2x10240x128xbf16, #tpu.memory_space<hbm>> -> memref<1x640x128xbf16, #tpu.memory_space<hbm>>
      %dma_start3A_65 = tpu.memref_squeeze %dma_start3A_64 : memref<1x640x128xbf16, #tpu.memory_space<hbm>> -> memref<640x128xbf16, #tpu.memory_space<hbm>>
      %dma_start3A_66 = arith.constant 0 : i32
      %dma_start3A_67 = tpu.memref_slice %arg9[%mul3A_59, %dma_start3A_66] : memref<10240x128xbf16, #tpu.memory_space<vmem_shared>> -> memref<640x128xbf16, #tpu.memory_space<vmem_shared>>
      tpu.enqueue_dma source(%dma_start3A_67 : memref<640x128xbf16, #tpu.memory_space<vmem_shared>>) target(%dma_start3A_65 : memref<640x128xbf16, #tpu.memory_space<hbm>>) target_semaphore(%run_scoped3A_62 : memref<!tpu.dma_semaphore, #tpu.memory_space<semaphore_mem>>)
      %dma_wait3A = arith.constant 0 : i32
      %dma_wait3A_68 = tpu.memref_slice %arg4[%arg0, %mul3A_61, %dma_wait3A] : memref<2x10240x128xbf16, #tpu.memory_space<hbm>> -> memref<1x640x128xbf16, #tpu.memory_space<hbm>>
      %dma_wait3A_69 = tpu.memref_squeeze %dma_wait3A_68 : memref<1x640x128xbf16, #tpu.memory_space<hbm>> -> memref<640x128xbf16, #tpu.memory_space<hbm>>
      %dma_wait3A_70 = arith.constant 0 : i32
      %dma_wait3A_71 = tpu.memref_slice %arg9[%mul3A_59, %dma_wait3A_70] : memref<10240x128xbf16, #tpu.memory_space<vmem_shared>> -> memref<640x128xbf16, #tpu.memory_space<vmem_shared>>
      tpu.wait_dma2 semaphore(%run_scoped3A_62 : memref<!tpu.dma_semaphore, #tpu.memory_space<semaphore_mem>>) src(%dma_wait3A_71 : memref<640x128xbf16, #tpu.memory_space<vmem_shared>>) dst(%dma_wait3A_69 : memref<640x128xbf16, #tpu.memory_space<hbm>>)
      tpu.yield
    }) : () -> ()
    return
  }
}

#map = affine_map<(d0, d1) -> (0, 0, 0)>
module attributes {stable_mosaic.version = 14 : i64} {
  func.func @body(%arg0: i32, %arg1: i32, %arg2: memref<32x80x128xi32, #tpu.memory_space<hbm>>, %arg3: memref<2x10240x16xf32, #tpu.memory_space<hbm>>, %arg4: memref<80x128xi32, #tpu.memory_space<vmem>>, %arg5: memref<1x128xi32, #tpu.memory_space<vmem>>, %arg6: memref<128x16xf32, #tpu.memory_space<vmem>>, %arg7: memref<640x16xf32, #tpu.memory_space<vmem>>, %arg8: memref<10240x16xf32, #tpu.memory_space<vmem_shared>>) attributes {dimension_semantics = [#tpu.dimension_semantics<core_parallel>, #tpu.dimension_semantics<subcore_parallel>], iteration_bounds = array<i64: 2, 16>, scalar_prefetch = 0 : i64, scratch_operands = 5 : i64, tpu.core_type = #tpu.core_type<sc_vector_subcore>, window_params = [{transform_indices = #map}, {transform_indices = #map}]} {
    %mul3A = arith.constant 16 : i32
    %mul3A_0 = arith.muli %arg0, %mul3A : i32
    %add3A = arith.addi %mul3A_0, %arg1 : i32
    "tpu.region"() ({
      %run_scoped3A = tpu.sem_alloc : memref<!tpu.dma_semaphore, #tpu.memory_space<semaphore_mem>>
      %dma_start3A = arith.constant 0 : i32
      %dma_start3A_28 = arith.constant 0 : i32
      %dma_start3A_29 = tpu.memref_slice %arg2[%add3A, %dma_start3A, %dma_start3A_28] : memref<32x80x128xi32, #tpu.memory_space<hbm>> -> memref<1x80x128xi32, #tpu.memory_space<hbm>>
      %dma_start3A_30 = tpu.memref_squeeze %dma_start3A_29 : memref<1x80x128xi32, #tpu.memory_space<hbm>> -> memref<80x128xi32, #tpu.memory_space<hbm>>
      %dma_start3A_31 = arith.constant 0 : i32
      %dma_start3A_32 = arith.constant 0 : i32
      %dma_start3A_33 = tpu.memref_slice %arg2[%add3A, %dma_start3A_31, %dma_start3A_32] : memref<32x80x128xi32, #tpu.memory_space<hbm>> -> memref<1x80x128xi32, #tpu.memory_space<hbm>>
      %dma_start3A_34 = tpu.memref_squeeze %dma_start3A_33 : memref<1x80x128xi32, #tpu.memory_space<hbm>> -> memref<80x128xi32, #tpu.memory_space<hbm>>
      tpu.enqueue_dma source(%dma_start3A_34 : memref<80x128xi32, #tpu.memory_space<hbm>>) target(%arg4 : memref<80x128xi32, #tpu.memory_space<vmem>>) target_semaphore(%run_scoped3A : memref<!tpu.dma_semaphore, #tpu.memory_space<semaphore_mem>>)
      %dma_wait3A = arith.constant 0 : i32
      %dma_wait3A_35 = arith.constant 0 : i32
      %dma_wait3A_36 = tpu.memref_slice %arg2[%add3A, %dma_wait3A, %dma_wait3A_35] : memref<32x80x128xi32, #tpu.memory_space<hbm>> -> memref<1x80x128xi32, #tpu.memory_space<hbm>>
      %dma_wait3A_37 = tpu.memref_squeeze %dma_wait3A_36 : memref<1x80x128xi32, #tpu.memory_space<hbm>> -> memref<80x128xi32, #tpu.memory_space<hbm>>
      %dma_wait3A_38 = arith.constant 0 : i32
      %dma_wait3A_39 = arith.constant 0 : i32
      %dma_wait3A_40 = tpu.memref_slice %arg2[%add3A, %dma_wait3A_38, %dma_wait3A_39] : memref<32x80x128xi32, #tpu.memory_space<hbm>> -> memref<1x80x128xi32, #tpu.memory_space<hbm>>
      %dma_wait3A_41 = tpu.memref_squeeze %dma_wait3A_40 : memref<1x80x128xi32, #tpu.memory_space<hbm>> -> memref<80x128xi32, #tpu.memory_space<hbm>>
      tpu.wait_dma2 semaphore(%run_scoped3A : memref<!tpu.dma_semaphore, #tpu.memory_space<semaphore_mem>>) src(%dma_wait3A_41 : memref<80x128xi32, #tpu.memory_space<hbm>>) dst(%arg4 : memref<80x128xi32, #tpu.memory_space<vmem>>)
      tpu.yield
    }) : () -> ()
    %scan3A = arith.constant 0 : i32
    %scan3A_1 = arith.constant 0 : i32
    %scan3A_2 = arith.constant 128 : i32
    %scan3A_3 = arith.addi %scan3A_1, %scan3A_2 : i32
    %scan3A_4 = arith.constant 1 : i32
    %scan3A_5 = scf.for %scan3A_28 = %scan3A_1 to %scan3A_3 step %scan3A_4 iter_args(%scan3A_29 = %scan3A) -> (i32)  : i32 {
      %div3A = arith.constant 1 : i32
      %div3A_30 = arith.divsi %scan3A_28, %div3A : i32
      %rem3A = arith.constant 1 : i32
      %rem3A_31 = arith.remsi %scan3A_28, %rem3A : i32
      %mul3A_32 = arith.constant 16 : i32
      %mul3A_33 = arith.muli %rem3A_31, %mul3A_32 : i32
      %broadcast_in_dim3A = arith.constant 1.000000e+00 : f32
      %broadcast_in_dim3A_34 = vector.broadcast %broadcast_in_dim3A : f32 to vector<16xf32>
      %swap3A = arith.index_cast %div3A_30 : i32 to index
      %swap3A_35 = arith.index_cast %mul3A_33 : i32 to index
      %swap3A_36 = tpu.vector_load %arg6[%swap3A, %swap3A_35] {strides = array<i32>} : memref<128x16xf32, #tpu.memory_space<vmem>>, vector<1x16xf32>,
      %swap3A_37 = vector.shape_cast %swap3A_36 : vector<1x16xf32> to vector<16xf32>
      %swap3A_38 = vector.shape_cast %broadcast_in_dim3A_34 : vector<16xf32> to vector<1x16xf32>
      tpu.vector_store %arg6[%swap3A, %swap3A_35], %swap3A_38 {strides = array<i32>} : memref<128x16xf32, #tpu.memory_space<vmem>>, vector<1x16xf32>,
      %scan3A_39 = arith.constant 0 : i32
      scf.yield %scan3A_39 : i32
    }
    %scan3A_6 = arith.constant 128 : i32
    %scan3A_7 = arith.constant 0 : i32
    %scan3A_8 = arith.constant 0 : i32
    %scan3A_9 = arith.constant 640 : i32
    %scan3A_10 = arith.addi %scan3A_8, %scan3A_9 : i32
    %scan3A_11 = arith.constant 1 : i32
    %scan3A_12 = scf.for %scan3A_28 = %scan3A_8 to %scan3A_10 step %scan3A_11 iter_args(%scan3A_29 = %scan3A_7) -> (i32)  : i32 {
      %div3A = arith.constant 1 : i32
      %div3A_30 = arith.divsi %scan3A_28, %div3A : i32
      %rem3A = arith.constant 1 : i32
      %rem3A_31 = arith.remsi %scan3A_28, %rem3A : i32
      %mul3A_32 = arith.constant 16 : i32
      %mul3A_33 = arith.muli %rem3A_31, %mul3A_32 : i32
      %broadcast_in_dim3A = arith.constant 0.000000e+00 : f32
      %broadcast_in_dim3A_34 = vector.broadcast %broadcast_in_dim3A : f32 to vector<16xf32>
      %swap3A = arith.index_cast %div3A_30 : i32 to index
      %swap3A_35 = arith.index_cast %mul3A_33 : i32 to index
      %swap3A_36 = tpu.vector_load %arg7[%swap3A, %swap3A_35] {strides = array<i32>} : memref<640x16xf32, #tpu.memory_space<vmem>>, vector<1x16xf32>,
      %swap3A_37 = vector.shape_cast %swap3A_36 : vector<1x16xf32> to vector<16xf32>
      %swap3A_38 = vector.shape_cast %broadcast_in_dim3A_34 : vector<16xf32> to vector<1x16xf32>
      tpu.vector_store %arg7[%swap3A, %swap3A_35], %swap3A_38 {strides = array<i32>} : memref<640x16xf32, #tpu.memory_space<vmem>>, vector<1x16xf32>,
      %scan3A_39 = arith.constant 0 : i32
      scf.yield %scan3A_39 : i32
    }
    %scan3A_13 = arith.constant 640 : i32
    %mul3A_14 = arith.constant 640 : i32
    %mul3A_15 = arith.muli %arg1, %mul3A_14 : i32
    "tpu.region"() ({
      %run_scoped3A = tpu.sem_alloc : memref<!tpu.dma_semaphore, #tpu.memory_space<semaphore_mem>>
      %dma_start3A = arith.constant 0 : i32
      %dma_start3A_28 = tpu.memref_slice %arg8[%mul3A_15, %dma_start3A] : memref<10240x16xf32, #tpu.memory_space<vmem_shared>> -> memref<640x16xf32, #tpu.memory_space<vmem_shared>>
      %dma_start3A_29 = arith.constant 0 : i32
      %dma_start3A_30 = tpu.memref_slice %arg8[%mul3A_15, %dma_start3A_29] : memref<10240x16xf32, #tpu.memory_space<vmem_shared>> -> memref<640x16xf32, #tpu.memory_space<vmem_shared>>
      tpu.enqueue_dma source(%arg7 : memref<640x16xf32, #tpu.memory_space<vmem>>) target(%dma_start3A_30 : memref<640x16xf32, #tpu.memory_space<vmem_shared>>) target_semaphore(%run_scoped3A : memref<!tpu.dma_semaphore, #tpu.memory_space<semaphore_mem>>)
      %dma_wait3A = arith.constant 0 : i32
      %dma_wait3A_31 = tpu.memref_slice %arg8[%mul3A_15, %dma_wait3A] : memref<10240x16xf32, #tpu.memory_space<vmem_shared>> -> memref<640x16xf32, #tpu.memory_space<vmem_shared>>
      %dma_wait3A_32 = arith.constant 0 : i32
      %dma_wait3A_33 = tpu.memref_slice %arg8[%mul3A_15, %dma_wait3A_32] : memref<10240x16xf32, #tpu.memory_space<vmem_shared>> -> memref<640x16xf32, #tpu.memory_space<vmem_shared>>
      tpu.wait_dma2 semaphore(%run_scoped3A : memref<!tpu.dma_semaphore, #tpu.memory_space<semaphore_mem>>) src(%arg7 : memref<640x16xf32, #tpu.memory_space<vmem>>) dst(%dma_wait3A_33 : memref<640x16xf32, #tpu.memory_space<vmem_shared>>)
      tpu.yield
    }) : () -> ()
    %barrier3A = arith.constant 0 : index
    tpu.barrier barrier_id(%barrier3A)
    %scan3A_16 = arith.constant 0 : i32
    %scan3A_17 = arith.constant 0 : i32
    %scan3A_18 = arith.constant 80 : i32
    %scan3A_19 = arith.addi %scan3A_17, %scan3A_18 : i32
    %scan3A_20 = arith.constant 1 : i32
    %scan3A_21 = scf.for %scan3A_28 = %scan3A_17 to %scan3A_19 step %scan3A_20 iter_args(%scan3A_29 = %scan3A_16) -> (i32)  : i32 {
      %scan3A_30 = arith.constant 0 : i32
      %scan3A_31 = arith.constant 0 : i32
      %scan3A_32 = arith.constant 8 : i32
      %scan3A_33 = arith.addi %scan3A_31, %scan3A_32 : i32
      %scan3A_34 = arith.constant 1 : i32
      %scan3A_35 = scf.for %scan3A_38 = %scan3A_31 to %scan3A_33 step %scan3A_34 iter_args(%scan3A_39 = %scan3A_30) -> (i32)  : i32 {
        %mul3A_40 = arith.constant 16 : i32
        %mul3A_41 = arith.muli %scan3A_38, %mul3A_40 : i32
        %get3A = arith.index_cast %scan3A_28 : i32 to index
        %get3A_42 = arith.index_cast %mul3A_41 : i32 to index
        %get3A_43 = tpu.vector_load %arg4[%get3A, %get3A_42] {strides = array<i32>} : memref<80x128xi32, #tpu.memory_space<vmem>>, vector<1x16xi32>,
        %get3A_44 = vector.shape_cast %get3A_43 : vector<1x16xi32> to vector<16xi32>
        %shift_right_arithmetic3A = arith.constant 16 : i32
        %shift_right_arithmetic3A_45 = vector.broadcast %shift_right_arithmetic3A : i32 to vector<16xi32>
        %shift_right_arithmetic3A_46 = arith.shrsi %get3A_44, %shift_right_arithmetic3A_45 : vector<16xi32>
        %mul3A_47 = arith.constant 16 : i32
        %mul3A_48 = arith.muli %scan3A_38, %mul3A_47 : i32
        %swap3A = arith.constant 0 : i32
        %swap3A_49 = arith.index_cast %swap3A : i32 to index
        %swap3A_50 = arith.index_cast %mul3A_48 : i32 to index
        %swap3A_51 = tpu.vector_load %arg5[%swap3A_49, %swap3A_50] {strides = array<i32>} : memref<1x128xi32, #tpu.memory_space<vmem>>, vector<1x16xi32>,
        %swap3A_52 = vector.shape_cast %swap3A_51 : vector<1x16xi32> to vector<16xi32>
        %swap3A_53 = vector.shape_cast %shift_right_arithmetic3A_46 : vector<16xi32> to vector<1x16xi32>
        tpu.vector_store %arg5[%swap3A_49, %swap3A_50], %swap3A_53 {strides = array<i32>} : memref<1x128xi32, #tpu.memory_space<vmem>>, vector<1x16xi32>,
        %scan3A_54 = arith.constant 0 : i32
        scf.yield %scan3A_54 : i32
      }
      %scan3A_36 = arith.constant 8 : i32
      %run_scoped3A = arith.constant 0 : i32
      "tpu.region"() ({
        %run_scoped3A_38 = tpu.sem_alloc : memref<!tpu.dma_semaphore, #tpu.memory_space<semaphore_mem>>
        %dma_start3A = arith.constant 0 : i32
        %dma_start3A_39 = tpu.memref_slice %arg5[%run_scoped3A, %dma_start3A] : memref<1x128xi32, #tpu.memory_space<vmem>> -> memref<1x128xi32, #tpu.memory_space<vmem>>
        %dma_start3A_40 = tpu.memref_squeeze %dma_start3A_39 : memref<1x128xi32, #tpu.memory_space<vmem>> -> memref<128xi32, #tpu.memory_space<vmem>>
        %dma_start3A_41 = arith.constant 0 : i32
        %dma_start3A_42 = arith.constant 0 : i32
        %dma_start3A_43 = tpu.memref_slice %arg8[%dma_start3A_41, %dma_start3A_42] : memref<10240x16xf32, #tpu.memory_space<vmem_shared>> -> memref<10240x16xf32, #tpu.memory_space<vmem_shared>>
        tpu.enqueue_indirect_dma source(%arg6 : memref<128x16xf32, #tpu.memory_space<vmem>>) target(%dma_start3A_43 : memref<10240x16xf32, #tpu.memory_space<vmem_shared>>) offsets(%dma_start3A_40 : memref<128xi32, #tpu.memory_space<vmem>>) semaphore(%run_scoped3A_38 : memref<!tpu.dma_semaphore, #tpu.memory_space<semaphore_mem>>) {add = true}
        %dma_wait3A = arith.constant 0 : i32
        %dma_wait3A_44 = tpu.memref_slice %arg5[%run_scoped3A, %dma_wait3A] : memref<1x128xi32, #tpu.memory_space<vmem>> -> memref<1x128xi32, #tpu.memory_space<vmem>>
        %dma_wait3A_45 = tpu.memref_squeeze %dma_wait3A_44 : memref<1x128xi32, #tpu.memory_space<vmem>> -> memref<128xi32, #tpu.memory_space<vmem>>
        %dma_wait3A_46 = arith.constant 0 : i32
        %dma_wait3A_47 = arith.constant 0 : i32
        %dma_wait3A_48 = tpu.memref_slice %arg8[%dma_wait3A_46, %dma_wait3A_47] : memref<10240x16xf32, #tpu.memory_space<vmem_shared>> -> memref<10240x16xf32, #tpu.memory_space<vmem_shared>>
        tpu.wait_indirect_dma semaphore(%run_scoped3A_38 : memref<!tpu.dma_semaphore, #tpu.memory_space<semaphore_mem>>) src(%arg6 : memref<128x16xf32, #tpu.memory_space<vmem>>) dst(%dma_wait3A_48 : memref<10240x16xf32, #tpu.memory_space<vmem_shared>>)
        tpu.yield
      }) : () -> ()
      %scan3A_37 = arith.constant 0 : i32
      scf.yield %scan3A_37 : i32
    }
    %scan3A_22 = arith.constant 80 : i32
    %barrier3A_23 = arith.constant 0 : index
    tpu.barrier barrier_id(%barrier3A_23)
    %mul3A_24 = arith.constant 640 : i32
    %mul3A_25 = arith.muli %arg1, %mul3A_24 : i32
    %mul3A_26 = arith.constant 640 : i32
    %mul3A_27 = arith.muli %arg1, %mul3A_26 : i32
    "tpu.region"() ({
      %run_scoped3A = tpu.sem_alloc : memref<!tpu.dma_semaphore, #tpu.memory_space<semaphore_mem>>
      %dma_start3A = arith.constant 0 : i32
      %dma_start3A_28 = tpu.memref_slice %arg3[%arg0, %mul3A_27, %dma_start3A] : memref<2x10240x16xf32, #tpu.memory_space<hbm>> -> memref<1x640x16xf32, #tpu.memory_space<hbm>>
      %dma_start3A_29 = tpu.memref_squeeze %dma_start3A_28 : memref<1x640x16xf32, #tpu.memory_space<hbm>> -> memref<640x16xf32, #tpu.memory_space<hbm>>
      %dma_start3A_30 = arith.constant 0 : i32
      %dma_start3A_31 = tpu.memref_slice %arg8[%mul3A_25, %dma_start3A_30] : memref<10240x16xf32, #tpu.memory_space<vmem_shared>> -> memref<640x16xf32, #tpu.memory_space<vmem_shared>>
      tpu.enqueue_dma source(%dma_start3A_31 : memref<640x16xf32, #tpu.memory_space<vmem_shared>>) target(%dma_start3A_29 : memref<640x16xf32, #tpu.memory_space<hbm>>) target_semaphore(%run_scoped3A : memref<!tpu.dma_semaphore, #tpu.memory_space<semaphore_mem>>)
      %dma_wait3A = arith.constant 0 : i32
      %dma_wait3A_32 = tpu.memref_slice %arg3[%arg0, %mul3A_27, %dma_wait3A] : memref<2x10240x16xf32, #tpu.memory_space<hbm>> -> memref<1x640x16xf32, #tpu.memory_space<hbm>>
      %dma_wait3A_33 = tpu.memref_squeeze %dma_wait3A_32 : memref<1x640x16xf32, #tpu.memory_space<hbm>> -> memref<640x16xf32, #tpu.memory_space<hbm>>
      %dma_wait3A_34 = arith.constant 0 : i32
      %dma_wait3A_35 = tpu.memref_slice %arg8[%mul3A_25, %dma_wait3A_34] : memref<10240x16xf32, #tpu.memory_space<vmem_shared>> -> memref<640x16xf32, #tpu.memory_space<vmem_shared>>
      tpu.wait_dma2 semaphore(%run_scoped3A : memref<!tpu.dma_semaphore, #tpu.memory_space<semaphore_mem>>) src(%dma_wait3A_35 : memref<640x16xf32, #tpu.memory_space<vmem_shared>>) dst(%dma_wait3A_33 : memref<640x16xf32, #tpu.memory_space<hbm>>)
      tpu.yield
    }) : () -> ()
    return
  }
}

module attributes {stable_mosaic.version = 14 : i64} {
  func.func @_mm_body(%arg0: i32, %arg1: memref<1000x128xf32, #tpu.memory_space<vmem>>, %arg2: memref<128x128xf32, #tpu.memory_space<vmem>>, %arg3: memref<1000x128xbf16, #tpu.memory_space<vmem>>) attributes {dimension_semantics = [#tpu.dimension_semantics<arbitrary>], iteration_bounds = array<i64: 10>, scalar_prefetch = 0 : i64, scratch_operands = 0 : i64, tpu.core_type = #tpu.core_type<tc>, window_params = [{transform_indices = @transform_0, window_bounds = array<i64: 1000, 128>}, {pipeline_mode = #tpu.pipeline_mode<synchronous>, transform_indices = @transform_1, window_bounds = array<i64: 128, 128>}, {transform_indices = @transform_2, window_bounds = array<i64: 1000, 128>}]} {
    %get3A = arith.constant 0 : index
    %get3A_0 = arith.constant 0 : index
    %get3A_1 = vector.load %arg1[%get3A, %get3A_0] : memref<1000x128xf32, #tpu.memory_space<vmem>>, vector<1000x128xf32>
    %get3A_2 = arith.constant 0 : index
    %get3A_3 = arith.constant 0 : index
    %get3A_4 = vector.load %arg2[%get3A_2, %get3A_3] : memref<128x128xf32, #tpu.memory_space<vmem>>, vector<128x128xf32>
    %dot_general3A = arith.constant dense<0.000000e+00> : vector<1000x128xf32>
    %dot_general3A_5 = tpu.matmul %get3A_1, %get3A_4, %dot_general3A {dimension_numbers = #tpu.dot_dimension_numbers<[1], [0], [0], [1], [0, 0, 1, 1], [], []>, transpose_lhs_hint = false} : vector<1000x128xf32>, vector<128x128xf32>, vector<1000x128xf32> -> vector<1000x128xf32>
    %convert_element_type3A = arith.truncf %dot_general3A_5 : vector<1000x128xf32> to vector<1000x128xbf16>
    %swap3A = arith.constant 0 : index
    %swap3A_6 = arith.constant 0 : index
    %swap3A_7 = vector.load %arg3[%swap3A, %swap3A_6] : memref<1000x128xbf16, #tpu.memory_space<vmem>>, vector<1000x128xbf16>
    tpu.vector_store %arg3[%swap3A, %swap3A_6], %convert_element_type3A {strides = array<i32>} : memref<1000x128xbf16, #tpu.memory_space<vmem>>, vector<1000x128xbf16>,
    return
  }
  func.func @transform_0(%arg0: i32) -> (i32, i32) {
    %c0_i32 = arith.constant 0 : i32
    %c0_i32_0 = arith.constant 0 : i32
    return %arg0, %c0_i32 : i32, i32
  }
  func.func @transform_1(%arg0: i32) -> (i32, i32) {
    %c0_i32 = arith.constant 0 : i32
    %c0_i32_0 = arith.constant 0 : i32
    %c0_i32_1 = arith.constant 0 : i32
    return %c0_i32, %c0_i32_0 : i32, i32
  }
  func.func @transform_2(%arg0: i32) -> (i32, i32) {
    %c0_i32 = arith.constant 0 : i32
    %c0_i32_0 = arith.constant 0 : i32
    return %arg0, %c0_i32 : i32, i32
  }
}

module attributes {stable_mosaic.version = 14 : i64} {
  func.func @_combine_body(%arg0: i32, %arg1: memref<1000x128xf32, #tpu.memory_space<vmem>>, %arg2: memref<2x1000x128xbf16, #tpu.memory_space<vmem>>, %arg3: memref<2x1000x16xf32, #tpu.memory_space<vmem>>, %arg4: memref<128x128xf32, #tpu.memory_space<vmem>>, %arg5: memref<1x128xf32, #tpu.memory_space<vmem>>, %arg6: memref<128x128xf32, #tpu.memory_space<vmem>>, %arg7: memref<1000x128xf32, #tpu.memory_space<vmem>>, %arg8: memref<1000x128xbf16, #tpu.memory_space<vmem>>) attributes {dimension_semantics = [#tpu.dimension_semantics<arbitrary>], iteration_bounds = array<i64: 10>, scalar_prefetch = 0 : i64, scratch_operands = 0 : i64, tpu.core_type = #tpu.core_type<tc>, window_params = [{transform_indices = @transform_0, window_bounds = array<i64: 1000, 128>}, {transform_indices = @transform_1, window_bounds = array<i64: 2, 1000, 128>}, {transform_indices = @transform_2, window_bounds = array<i64: 2, 1000, 16>}, {pipeline_mode = #tpu.pipeline_mode<synchronous>, transform_indices = @transform_3, window_bounds = array<i64: 128, 128>}, {pipeline_mode = #tpu.pipeline_mode<synchronous>, transform_indices = @transform_4, window_bounds = array<i64: 1, 128>}, {pipeline_mode = #tpu.pipeline_mode<synchronous>, transform_indices = @transform_5, window_bounds = array<i64: 128, 128>}, {transform_indices = @transform_6, window_bounds = array<i64: 1000, 128>}, {transform_indices = @transform_7, window_bounds = array<i64: 1000, 128>}]} {
    %get3A = arith.constant 0 : index
    %get3A_0 = arith.constant 0 : index
    %get3A_1 = vector.load %arg1[%get3A, %get3A_0] : memref<1000x128xf32, #tpu.memory_space<vmem>>, vector<1000x128xf32>
    %get3A_2 = arith.constant 0 : index
    %get3A_3 = arith.constant 0 : index
    %get3A_4 = vector.load %arg4[%get3A_2, %get3A_3] : memref<128x128xf32, #tpu.memory_space<vmem>>, vector<128x128xf32>
    %dot_general3A = arith.constant dense<0.000000e+00> : vector<1000x128xf32>
    %dot_general3A_5 = tpu.matmul %get3A_1, %get3A_4, %dot_general3A {dimension_numbers = #tpu.dot_dimension_numbers<[1], [0], [0], [1], [0, 0, 1, 1], [], []>, transpose_lhs_hint = false} : vector<1000x128xf32>, vector<128x128xf32>, vector<1000x128xf32> -> vector<1000x128xf32>
    %get3A_6 = arith.constant 0 : index
    %get3A_7 = arith.constant 0 : index
    %get3A_8 = arith.constant 0 : index
    %get3A_9 = vector.load %arg3[%get3A_6, %get3A_7, %get3A_8] : memref<2x1000x16xf32, #tpu.memory_space<vmem>>, vector<1x1000x16xf32>
    %get3A_10 = vector.shape_cast %get3A_9 : vector<1x1000x16xf32> to vector<1000x16xf32>
    %get3A_11 = arith.constant 1 : index
    %get3A_12 = arith.constant 0 : index
    %get3A_13 = arith.constant 0 : index
    %get3A_14 = vector.load %arg3[%get3A_11, %get3A_12, %get3A_13] : memref<2x1000x16xf32, #tpu.memory_space<vmem>>, vector<1x1000x16xf32>
    %get3A_15 = vector.shape_cast %get3A_14 : vector<1x1000x16xf32> to vector<1000x16xf32>
    %add3A = arith.addf %get3A_10, %get3A_15 : vector<1000x16xf32>
    %max3A = arith.constant 1.000000e+00 : f32
    %max3A_16 = vector.broadcast %max3A : f32 to vector<1000x16xf32>
    %max3A_17 = arith.maximumf %add3A, %max3A_16 : vector<1000x16xf32>
    %slice3A = vector.extract_strided_slice %max3A_17 {offsets = [0, 0], sizes = [1000, 1], strides = [1, 1]} : vector<1000x16xf32> to vector<1000x1xf32>
    %div3A = arith.constant 1.000000e+00 : f32
    %div3A_18 = vector.broadcast %div3A : f32 to vector<1000x1xf32>
    %div3A_19 = arith.divf %div3A_18, %slice3A : vector<1000x1xf32>
    %get3A_20 = arith.constant 0 : index
    %get3A_21 = arith.constant 0 : index
    %get3A_22 = arith.constant 0 : index
    %get3A_23 = vector.load %arg2[%get3A_20, %get3A_21, %get3A_22] : memref<2x1000x128xbf16, #tpu.memory_space<vmem>>, vector<1x1000x128xbf16>
    %get3A_24 = vector.shape_cast %get3A_23 : vector<1x1000x128xbf16> to vector<1000x128xbf16>
    %convert_element_type3A = arith.extf %get3A_24 : vector<1000x128xbf16> to vector<1000x128xf32>
    %get3A_25 = arith.constant 1 : index
    %get3A_26 = arith.constant 0 : index
    %get3A_27 = arith.constant 0 : index
    %get3A_28 = vector.load %arg2[%get3A_25, %get3A_26, %get3A_27] : memref<2x1000x128xbf16, #tpu.memory_space<vmem>>, vector<1x1000x128xbf16>
    %get3A_29 = vector.shape_cast %get3A_28 : vector<1x1000x128xbf16> to vector<1000x128xbf16>
    %convert_element_type3A_30 = arith.extf %get3A_29 : vector<1000x128xbf16> to vector<1000x128xf32>
    %add3A_31 = arith.addf %convert_element_type3A, %convert_element_type3A_30 : vector<1000x128xf32>
    %mul3A = vector.broadcast %div3A_19 : vector<1000x1xf32> to vector<1000x128xf32>
    %mul3A_32 = arith.mulf %add3A_31, %mul3A : vector<1000x128xf32>
    %add3A_33 = arith.addf %dot_general3A_5, %mul3A_32 : vector<1000x128xf32>
    %get3A_34 = arith.constant 0 : index
    %get3A_35 = arith.constant 0 : index
    %get3A_36 = vector.load %arg5[%get3A_34, %get3A_35] : memref<1x128xf32, #tpu.memory_space<vmem>>, vector<1x128xf32>
    %add3A_37 = vector.broadcast %get3A_36 : vector<1x128xf32> to vector<1000x128xf32>
    %add3A_38 = arith.addf %add3A_33, %add3A_37 : vector<1000x128xf32>
    %swap3A = arith.constant 0 : index
    %swap3A_39 = arith.constant 0 : index
    %swap3A_40 = vector.load %arg7[%swap3A, %swap3A_39] : memref<1000x128xf32, #tpu.memory_space<vmem>>, vector<1000x128xf32>
    tpu.vector_store %arg7[%swap3A, %swap3A_39], %add3A_38 {strides = array<i32>} : memref<1000x128xf32, #tpu.memory_space<vmem>>, vector<1000x128xf32>,
    %get3A_41 = arith.constant 0 : index
    %get3A_42 = arith.constant 0 : index
    %get3A_43 = vector.load %arg6[%get3A_41, %get3A_42] : memref<128x128xf32, #tpu.memory_space<vmem>>, vector<128x128xf32>
    %dot_general3A_44 = arith.constant dense<0.000000e+00> : vector<1000x128xf32>
    %dot_general3A_45 = tpu.matmul %add3A_38, %get3A_43, %dot_general3A_44 {dimension_numbers = #tpu.dot_dimension_numbers<[1], [0], [0], [1], [0, 0, 1, 1], [], []>, transpose_lhs_hint = false} : vector<1000x128xf32>, vector<128x128xf32>, vector<1000x128xf32> -> vector<1000x128xf32>
    %convert_element_type3A_46 = arith.truncf %dot_general3A_45 : vector<1000x128xf32> to vector<1000x128xbf16>
    %swap3A_47 = arith.constant 0 : index
    %swap3A_48 = arith.constant 0 : index
    %swap3A_49 = vector.load %arg8[%swap3A_47, %swap3A_48] : memref<1000x128xbf16, #tpu.memory_space<vmem>>, vector<1000x128xbf16>
    tpu.vector_store %arg8[%swap3A_47, %swap3A_48], %convert_element_type3A_46 {strides = array<i32>} : memref<1000x128xbf16, #tpu.memory_space<vmem>>, vector<1000x128xbf16>,
    return
  }
  func.func @transform_0(%arg0: i32) -> (i32, i32) {
    %c0_i32 = arith.constant 0 : i32
    %c0_i32_0 = arith.constant 0 : i32
    return %arg0, %c0_i32 : i32, i32
  }
  func.func @transform_1(%arg0: i32) -> (i32, i32, i32) {
    %c0_i32 = arith.constant 0 : i32
    %c0_i32_0 = arith.constant 0 : i32
    %c0_i32_1 = arith.constant 0 : i32
    return %c0_i32, %arg0, %c0_i32_0 : i32, i32, i32
  }
  func.func @transform_2(%arg0: i32) -> (i32, i32, i32) {
    %c0_i32 = arith.constant 0 : i32
    %c0_i32_0 = arith.constant 0 : i32
    %c0_i32_1 = arith.constant 0 : i32
    return %c0_i32, %arg0, %c0_i32_0 : i32, i32, i32
  }
  func.func @transform_3(%arg0: i32) -> (i32, i32) {
    %c0_i32 = arith.constant 0 : i32
    %c0_i32_0 = arith.constant 0 : i32
    %c0_i32_1 = arith.constant 0 : i32
    return %c0_i32, %c0_i32_0 : i32, i32
  }
  func.func @transform_4(%arg0: i32) -> (i32, i32) {
    %c0_i32 = arith.constant 0 : i32
    %c0_i32_0 = arith.constant 0 : i32
    %c0_i32_1 = arith.constant 0 : i32
    return %c0_i32, %c0_i32_0 : i32, i32
  }
  func.func @transform_5(%arg0: i32) -> (i32, i32) {
    %c0_i32 = arith.constant 0 : i32
    %c0_i32_0 = arith.constant 0 : i32
    %c0_i32_1 = arith.constant 0 : i32
    return %c0_i32, %c0_i32_0 : i32, i32
  }
  func.func @transform_6(%arg0: i32) -> (i32, i32) {
    %c0_i32 = arith.constant 0 : i32
    %c0_i32_0 = arith.constant 0 : i32
    return %arg0, %c0_i32 : i32, i32
  }
  func.func @transform_7(%arg0: i32) -> (i32, i32) {
    %c0_i32 = arith.constant 0 : i32
    %c0_i32_0 = arith.constant 0 : i32
    return %arg0, %c0_i32 : i32, i32
  }
}

module attributes {stable_mosaic.version = 14 : i64} {
  func.func @_final_body(%arg0: i32, %arg1: memref<1000x128xf32, #tpu.memory_space<vmem>>, %arg2: memref<2x1000x128xbf16, #tpu.memory_space<vmem>>, %arg3: memref<2x1000x16xf32, #tpu.memory_space<vmem>>, %arg4: memref<128x128xf32, #tpu.memory_space<vmem>>, %arg5: memref<1x128xf32, #tpu.memory_space<vmem>>, %arg6: memref<1000x128xf32, #tpu.memory_space<vmem>>) attributes {dimension_semantics = [#tpu.dimension_semantics<arbitrary>], iteration_bounds = array<i64: 10>, scalar_prefetch = 0 : i64, scratch_operands = 0 : i64, tpu.core_type = #tpu.core_type<tc>, window_params = [{transform_indices = @transform_0, window_bounds = array<i64: 1000, 128>}, {transform_indices = @transform_1, window_bounds = array<i64: 2, 1000, 128>}, {transform_indices = @transform_2, window_bounds = array<i64: 2, 1000, 16>}, {pipeline_mode = #tpu.pipeline_mode<synchronous>, transform_indices = @transform_3, window_bounds = array<i64: 128, 128>}, {pipeline_mode = #tpu.pipeline_mode<synchronous>, transform_indices = @transform_4, window_bounds = array<i64: 1, 128>}, {transform_indices = @transform_5, window_bounds = array<i64: 1000, 128>}]} {
    %get3A = arith.constant 0 : index
    %get3A_0 = arith.constant 0 : index
    %get3A_1 = vector.load %arg1[%get3A, %get3A_0] : memref<1000x128xf32, #tpu.memory_space<vmem>>, vector<1000x128xf32>
    %get3A_2 = arith.constant 0 : index
    %get3A_3 = arith.constant 0 : index
    %get3A_4 = vector.load %arg4[%get3A_2, %get3A_3] : memref<128x128xf32, #tpu.memory_space<vmem>>, vector<128x128xf32>
    %dot_general3A = arith.constant dense<0.000000e+00> : vector<1000x128xf32>
    %dot_general3A_5 = tpu.matmul %get3A_1, %get3A_4, %dot_general3A {dimension_numbers = #tpu.dot_dimension_numbers<[1], [0], [0], [1], [0, 0, 1, 1], [], []>, transpose_lhs_hint = false} : vector<1000x128xf32>, vector<128x128xf32>, vector<1000x128xf32> -> vector<1000x128xf32>
    %get3A_6 = arith.constant 0 : index
    %get3A_7 = arith.constant 0 : index
    %get3A_8 = arith.constant 0 : index
    %get3A_9 = vector.load %arg3[%get3A_6, %get3A_7, %get3A_8] : memref<2x1000x16xf32, #tpu.memory_space<vmem>>, vector<1x1000x16xf32>
    %get3A_10 = vector.shape_cast %get3A_9 : vector<1x1000x16xf32> to vector<1000x16xf32>
    %get3A_11 = arith.constant 1 : index
    %get3A_12 = arith.constant 0 : index
    %get3A_13 = arith.constant 0 : index
    %get3A_14 = vector.load %arg3[%get3A_11, %get3A_12, %get3A_13] : memref<2x1000x16xf32, #tpu.memory_space<vmem>>, vector<1x1000x16xf32>
    %get3A_15 = vector.shape_cast %get3A_14 : vector<1x1000x16xf32> to vector<1000x16xf32>
    %add3A = arith.addf %get3A_10, %get3A_15 : vector<1000x16xf32>
    %max3A = arith.constant 1.000000e+00 : f32
    %max3A_16 = vector.broadcast %max3A : f32 to vector<1000x16xf32>
    %max3A_17 = arith.maximumf %add3A, %max3A_16 : vector<1000x16xf32>
    %slice3A = vector.extract_strided_slice %max3A_17 {offsets = [0, 0], sizes = [1000, 1], strides = [1, 1]} : vector<1000x16xf32> to vector<1000x1xf32>
    %div3A = arith.constant 1.000000e+00 : f32
    %div3A_18 = vector.broadcast %div3A : f32 to vector<1000x1xf32>
    %div3A_19 = arith.divf %div3A_18, %slice3A : vector<1000x1xf32>
    %get3A_20 = arith.constant 0 : index
    %get3A_21 = arith.constant 0 : index
    %get3A_22 = arith.constant 0 : index
    %get3A_23 = vector.load %arg2[%get3A_20, %get3A_21, %get3A_22] : memref<2x1000x128xbf16, #tpu.memory_space<vmem>>, vector<1x1000x128xbf16>
    %get3A_24 = vector.shape_cast %get3A_23 : vector<1x1000x128xbf16> to vector<1000x128xbf16>
    %convert_element_type3A = arith.extf %get3A_24 : vector<1000x128xbf16> to vector<1000x128xf32>
    %get3A_25 = arith.constant 1 : index
    %get3A_26 = arith.constant 0 : index
    %get3A_27 = arith.constant 0 : index
    %get3A_28 = vector.load %arg2[%get3A_25, %get3A_26, %get3A_27] : memref<2x1000x128xbf16, #tpu.memory_space<vmem>>, vector<1x1000x128xbf16>
    %get3A_29 = vector.shape_cast %get3A_28 : vector<1x1000x128xbf16> to vector<1000x128xbf16>
    %convert_element_type3A_30 = arith.extf %get3A_29 : vector<1000x128xbf16> to vector<1000x128xf32>
    %add3A_31 = arith.addf %convert_element_type3A, %convert_element_type3A_30 : vector<1000x128xf32>
    %mul3A = vector.broadcast %div3A_19 : vector<1000x1xf32> to vector<1000x128xf32>
    %mul3A_32 = arith.mulf %add3A_31, %mul3A : vector<1000x128xf32>
    %add3A_33 = arith.addf %dot_general3A_5, %mul3A_32 : vector<1000x128xf32>
    %get3A_34 = arith.constant 0 : index
    %get3A_35 = arith.constant 0 : index
    %get3A_36 = vector.load %arg5[%get3A_34, %get3A_35] : memref<1x128xf32, #tpu.memory_space<vmem>>, vector<1x128xf32>
    %add3A_37 = vector.broadcast %get3A_36 : vector<1x128xf32> to vector<1000x128xf32>
    %add3A_38 = arith.addf %add3A_33, %add3A_37 : vector<1000x128xf32>
    %max3A_39 = arith.constant 0.000000e+00 : f32
    %max3A_40 = vector.broadcast %max3A_39 : f32 to vector<1000x128xf32>
    %max3A_41 = arith.maximumf %add3A_38, %max3A_40 : vector<1000x128xf32>
    %swap3A = arith.constant 0 : index
    %swap3A_42 = arith.constant 0 : index
    %swap3A_43 = vector.load %arg6[%swap3A, %swap3A_42] : memref<1000x128xf32, #tpu.memory_space<vmem>>, vector<1000x128xf32>
    tpu.vector_store %arg6[%swap3A, %swap3A_42], %max3A_41 {strides = array<i32>} : memref<1000x128xf32, #tpu.memory_space<vmem>>, vector<1000x128xf32>,
    return
  }
  func.func @transform_0(%arg0: i32) -> (i32, i32) {
    %c0_i32 = arith.constant 0 : i32
    %c0_i32_0 = arith.constant 0 : i32
    return %arg0, %c0_i32 : i32, i32
  }
  func.func @transform_1(%arg0: i32) -> (i32, i32, i32) {
    %c0_i32 = arith.constant 0 : i32
    %c0_i32_0 = arith.constant 0 : i32
    %c0_i32_1 = arith.constant 0 : i32
    return %c0_i32, %arg0, %c0_i32_0 : i32, i32, i32
  }
  func.func @transform_2(%arg0: i32) -> (i32, i32, i32) {
    %c0_i32 = arith.constant 0 : i32
    %c0_i32_0 = arith.constant 0 : i32
    %c0_i32_1 = arith.constant 0 : i32
    return %c0_i32, %arg0, %c0_i32_0 : i32, i32, i32
  }
  func.func @transform_3(%arg0: i32) -> (i32, i32) {
    %c0_i32 = arith.constant 0 : i32
    %c0_i32_0 = arith.constant 0 : i32
    %c0_i32_1 = arith.constant 0 : i32
    return %c0_i32, %c0_i32_0 : i32, i32
  }
  func.func @transform_4(%arg0: i32) -> (i32, i32) {
    %c0_i32 = arith.constant 0 : i32
    %c0_i32_0 = arith.constant 0 : i32
    %c0_i32_1 = arith.constant 0 : i32
    return %c0_i32, %c0_i32_0 : i32, i32
  }
  func.func @transform_5(%arg0: i32) -> (i32, i32) {
    %c0_i32 = arith.constant 0 : i32
    %c0_i32_0 = arith.constant 0 : i32
    return %arg0, %c0_i32 : i32, i32
  }
}

</mosaic_0001>

<sc_bundles>
// kernel: kernel.10.cloned.1.call-start
scs
__scs_entry_jumppad:
0x0: {  	(pc) =	sbr.rel $0x88, $3  }
0x1: {  	(tag) =	ssettag $0x0;
	lr =	simm.s32 $0x1  }
0x2: {  	[smem:$0x3F96] =	sst lr;
	_ =	strace $0xD0000000  }
0x3: {  	_ = 	snop  }
0x4: {  	_ = 	snop  }
0x5: {  	_ = 	snop  }
0x6: {  	_ = 	snop  }
0x7: {  	_ = 	snop  }
__scs_overlays_trampoline_lowered:
0x8: {  	[smem:$0x3FA5] =	sst s0  }
0x9: {  	[smem:$0x3FA6] =	sst s1  }
0xa: {  	[smem:$0x3FA7] =	sst s2  }
0xb: {  	[smem:$0x3FA8] =	sst s3  }
0xc: {  	[smem:$0x3FA9] =	sst s4  }
0xd: {  	[smem:$0x3FAA] =	sst s5  }
0xe: {  	[smem:$0x3FAB] =	sst s6  }
0xf: {  	[smem:$0x3FAC] =	sst s7  }
0x10: {  	[smem:$0x3FAD] =	sst s8  }
0x11: {  	[smem:$0x3FAE] =	sst s9;
	s0 =	simm.s32 @!p0 $0x0  }
0x12: {  	s1 =	sld [smem:$0x3F94];
	s0 =	simm.s32 @p0 $0x1  }
0x13: {  	[smem:$0x3FAF] =	sst s0;
	s0 =	simm.s32 @!p1 $0x0  }
0x14: {  	s2 =	sld [smem:$0x3F93];
	s0 =	simm.s32 @p1 $0x1  }
0x15: {  	[smem:$0x3FB0] =	sst s0;
	s0 =	simm.s32 @!p2 $0x0  }
0x16: {  	s3 =	sld [smem:$0x3FDB];
	s0 =	simm.s32 @p2 $0x1  }
0x17: {  	s4 =	simm.s32 $0x1BF5;
	[smem:$0x3FB2] =	sst s0  }
0x18: {  	s0 =	sld [smem:$0x3F95];
	_ =	swait.ge [sflag:s4], $0x0  }
0x19: {  	s7 =	sld [smem:$0x3F96]  }
0x1a: {  	s8 =	sadd.s32 $0xFFFFE003, lr  }
0x1b: {  	s9 =	sadd.s32 $0xFFFFFEF7, lr;
	s5 =	simm.s32 $0xFFFFFFFF;
	p2 =	slt.u32 s8, $0xFFFFF086  }
0x1c: {  	p1 =	slt.u32 s9, $0xF7A;
	s5 =	simm.s32 @!p2 $0x0  }
0x1d: {  	s5 =	simm.s32 @p1 $0x1;
	p0 =	seq.s32 s7, s2  }
0x1e: {  	s7 =	smul.u32 @!p0 $0xF7A, s2;
	p2 =	seq.s32 @!p0 s5, $0x0  }
0x1f: {  	s9 =	smul.u32 $0xF7A, s1;
	s8 =	simm.s32 @!p0 $0x1BF5;
	p2 =	por !p2, p0  }
0x20: {  	[sflag:s8] =	ssyncset.s32 @!p0 $0xFFFFF086;
	s6 =	sadd.s32 @!p0 s3, s7;
	s7 =	simm.s32 @!p0 $0x108  }
0x21: {  	s3 =	sadd.s32 s3, s9;
	s6 =	sadd.s32 @!p0 $0x88, s6;
	s7 =	simm.s32 @p2 $0x1082  }
0x22: {  	[simem:s7], [sflag:s8] =	dma.local @!p0 [hbm:s6], $0xF7A  }
0x23: {  	s9 =	sor.u32 $0xD0000000, s2;
	s6 =	simm.s32 $0x108;
	_ =	swait.ge @!p0 [sflag:s8], $0x0  }
0x24: {  	s3 =	sadd.s32 $0x88, s3;
	s6 =	simm.s32 @!p1 $0x1082;
	[sflag:s4] =	ssyncset.s32 $0xFFFFF086  }
0x25: {  	[simem:s6], [sflag:s4] =	dma.local [hbm:s3], $0xF7A  }
0x26: {  	[smem:$0x3F96] =	sst s1;
	(tag) =	ssettag s2;
	_ =	strace s9  }
0x27: {  	s1 =	sld [smem:$0x3FA6]  }
0x28: {  	s2 =	sld [smem:$0x3FA7]  }
0x29: {  	s4 =	sld [smem:$0x3FA9]  }
0x2a: {  	p0 =	seq.s32 s5, $0x0;
	s5 =	sld [smem:$0x3FAA]  }
0x2b: {  	s6 =	sld [smem:$0x3FAB]  }
0x2c: {  	s7 =	sld [smem:$0x3FAC]  }
0x2d: {  	s3 =	simm.s32 $0x108;
	s8 =	sld [smem:$0x3FAD]  }
0x2e: {  	s3 =	simm.s32 @!p0 $0x1082;
	s9 =	sld [smem:$0x3FAE]  }
0x2f: {  	lr =	sadd.s32 s0, s3;
	s0 =	sld [smem:$0x3FA5]  }
0x30: {  	s3 =	sld [smem:$0x3FA8]  }
0x31: {  	[smem:$0x3FB1] =	sst s10  }
0x32: {  	s10 =	sld [smem:$0x3FAF];
	_ =	sdelay $0x3  }
0x33: {  	p0 =	seq.s32 s10, $0x1;
	s10 =	sld [smem:$0x3FB1];
	_ =	sdelay $0x3  }
0x34: {  	[smem:$0x3FB1] =	sst s10  }
0x35: {  	s10 =	sld [smem:$0x3FB0];
	_ =	sdelay $0x3  }
0x36: {  	p1 =	seq.s32 s10, $0x1;
	s10 =	sld [smem:$0x3FB1];
	_ =	sdelay $0x3  }
0x37: {  	[smem:$0x3FB1] =	sst s10  }
0x38: {  	s10 =	sld [smem:$0x3FB2]  }
0x39: {  	_ = 	snop;
	(pc) =	sbr.ind lr, $3  }
0x3a: {  	_ = 	snop  }
0x3b: {  	_ = 	snop  }
0x3c: {  	p2 =	seq.s32 s10, $0x1;
	s10 =	sld [smem:$0x3FB1]  }
0x3d: {  	_ =	shalt  }
0x3e: {  	_ =	shalt  }
0x3f: {  	_ =	shalt  }
0x40: {  	_ =	shalt  }
0x41: {  	_ =	shalt  }
0x42: {  	_ =	shalt  }
0x43: {  	_ =	shalt  }
0x44: {  	_ =	shalt  }
0x45: {  	_ =	shalt  }
0x46: {  	_ =	shalt  }
0x47: {  	_ =	shalt  }
0x48: {  	_ =	shalt  }
0x49: {  	_ =	shalt  }
0x4a: {  	_ =	shalt  }
0x4b: {  	_ =	shalt  }
0x4c: {  	_ =	shalt  }
0x4d: {  	_ =	shalt  }
0x4e: {  	_ =	shalt  }
0x4f: {  	_ =	shalt  }
0x50: {  	_ =	shalt  }
0x51: {  	_ =	shalt  }
0x52: {  	_ =	shalt  }
0x53: {  	_ =	shalt  }
0x54: {  	_ =	shalt  }
0x55: {  	_ =	shalt  }
0x56: {  	_ =	shalt  }
0x57: {  	_ =	shalt  }
0x58: {  	_ =	shalt  }
0x59: {  	_ =	shalt  }
0x5a: {  	_ =	shalt  }
0x5b: {  	_ =	shalt  }
0x5c: {  	_ =	shalt  }
0x5d: {  	_ =	shalt  }
0x5e: {  	_ =	shalt  }
0x5f: {  	_ =	shalt  }
0x60: {  	_ =	shalt  }
0x61: {  	_ =	shalt  }
0x62: {  	_ =	shalt  }
0x63: {  	_ =	shalt  }
0x64: {  	_ =	shalt  }
0x65: {  	_ =	shalt  }
0x66: {  	_ =	shalt  }
0x67: {  	_ =	shalt  }
0x68: {  	_ =	shalt  }
0x69: {  	_ =	shalt  }
0x6a: {  	_ =	shalt  }
0x6b: {  	_ =	shalt  }
0x6c: {  	_ =	shalt  }
0x6d: {  	_ =	shalt  }
0x6e: {  	_ =	shalt  }
0x6f: {  	_ =	shalt  }
0x70: {  	_ =	shalt  }
0x71: {  	_ =	shalt  }
0x72: {  	_ =	shalt  }
0x73: {  	_ =	shalt  }
0x74: {  	_ =	shalt  }
0x75: {  	_ =	shalt  }
0x76: {  	_ =	shalt  }
0x77: {  	_ =	shalt  }
0x78: {  	_ =	shalt  }
0x79: {  	_ =	shalt  }
0x7a: {  	_ =	shalt  }
0x7b: {  	_ =	shalt  }
0x7c: {  	_ =	shalt  }
0x7d: {  	_ =	shalt  }
0x7e: {  	_ =	shalt  }
0x7f: {  	_ =	shalt  }
0x80: {  	_ =	shalt  }
0x81: {  	_ =	shalt  }
0x82: {  	_ =	shalt  }
0x83: {  	_ =	shalt  }
0x84: {  	_ =	shalt  }
0x85: {  	_ =	shalt  }
0x86: {  	_ =	shalt  }
0x87: {  	_ =	shalt  }
.Lfunc_end0:
.L_simem_size_0:
called_computation_lowered:
.L_overlay_start_0:
0x88: {  	s2 =	sld [smem:$0x3FD9]  }
0x89: {  	s3 =	sld [smem:$0x3FFE];
	_ =	sdelay $0x1  }
0x8a: {  	s1 =	srdreg.scid  }
0x8b: {  	s0 =	sand.u32 $0x1, s1  }
0x8c: {  	s17 =	sshll.u32 s0, $0xA;
	s2 =	sadd.s32 s3, s2  }
0x8d: {  	s2 =	sadd.s32 s2, s17  }
0x8e: {  	[smem:$0x3FBD] =	sst s2  }
0x8f: {  	_ = 	snop  }
0x90: {  	(tm) =	ssettm $0x1  }
0x91: {  	s18 =	sld [smem:$0x3FFB];
	_ =	sdelay $0x3  }
0x92: {  	_ =	strace s18  }
0x93: {  	s2 =	sld [smem:$0x3FFC];
	_ =	sdelay $0x3  }
0x94: {  	_ =	strace s2  }
0x95: {  	s2 =	sld [smem:$0x3FFD];
	_ =	sdelay $0x3  }
0x96: {  	_ =	strace s2  }
0x97: {  	_ =	strace $0x8FFFFFFF  }
0x98: {  	s19 =	sld [smem:$0x3FDB];
	_ =	sdelay $0x1  }
0x99: {  	s20 =	simm.s32 $_scs_section_size  }
0x9a: {  	s4 =	simm.s32 $_size__tile_overlayer_lowered;
	s5 =	simm.s32 $_tile_overlayer_lowered  }
0x9b: {  	s6 =	simm.s32 $0x1BFF;
	s21 =	sshll.u32 s5, $0x1;
	s3 =	sadd.s32 s20, s19  }
0x9c: {  	s22 =	simm.s32 $0x0;
	s4 =	sshll.u32 s4, $0x1;
	s5 =	sadd.s32 s21, s3  }
0x9d: {  	[timem:s22], [sflag:s6] =	dma.local [hbm:s5], s4  }
0x9e: {  	_ =	swait.ge [sflag:s6], s4  }
0x9f: {  	s4 =	ssub.s32 $0x0, s4;
	[sflag:s6] =	ssyncset.done $0x0  }
0xa0: {  	[sflag:s6] =	ssyncadd.s32 s4;
	_ =	sdelay $0x1  }
0xa1: {  	s23 =	simm.s32 $0x1B8B  }
0xa2: {  	_ =	swait.ge [sflag:s23], $0x1  }
0xa3: {  	[sflag:s23] =	ssyncset.done $0x0  }
0xa4: {  	[sflag:s23] =	ssyncadd.s32 $0xFFFFFFFF  }
0xa5: {  	s4 =	sld [smem:$0x0]  }
0xa6: {  	s5 =	sand.u32 $0xFFFFFFFE, s1  }
0xa7: {  	p0 =	sne.s32 s1, s5  }
0xa8: {  	s5 =	sshll.u32 @p0 s5, $0xE  }
0xa9: {  	s5 =	sadd.s32 @p0 $0x11B8D, s5;
	s6 =	sshll.u32 @p0 s4, $0x11  }
0xaa: {  	s5 =	sor.u32 @p0 s6, s5  }
0xab: {  	[sflag:s5] =	ssyncadd.remote.s32 @p0 $0x1;
	_ =	sdelay $0x1  }
0xac: {  	s5 =	simm.s32 @p0 $0x1B8D  }
0xad: {  	_ =	swait.eq @p0 [sflag:s5], $0x1  }
0xae: {  	[sflag:s5] =	ssyncadd.s32 @p0 $0xFFFFFFFF  }
0xaf: {  	s6 =	sshll.u32 @!p0 s1, $0xE  }
0xb0: {  	s6 =	sor.u32 @!p0 $0x4000, s6;
	s5 =	simm.s32 @!p0 $0x1B8D  }
0xb1: {  	s4 =	sshll.u32 @!p0 s4, $0x11;
	s6 =	sadd.s32 @!p0 $0x11B8D, s6;
	_ =	swait.eq @!p0 [sflag:s5], $0x1  }
0xb2: {  	s4 =	sor.u32 @!p0 s4, s6;
	[sflag:s5] =	ssyncadd.s32 @!p0 $0xFFFFFFFF  }
0xb3: {  	s25 =	simm.s32 $0x1B8E;
	s24 =	sld [smem:$0x3FFE];
	[sflag:s4] =	ssyncadd.remote.s32 @!p0 $0x1  }
0xb4: {  	s26 =	simm.s32 $execute0_lowered;
	[smem:$0x3FD2] =	sst s25  }
0xb5: {  	s5 =	sshll.u32 s26, $0x1;
	_ =	strace $0x80000049;
	[dreg:$0x1] =	wrdreg $0xFFFFFFFF  }
0xb6: {  	s28 =	simm.s32 $_size_execute0_lowered;
	s3 =	sadd.s32 s3, s5;
	[dreg:$0x0] =	wrdreg $0x0  }
0xb7: {  	s5 =	sshll.u32 s28, $0x1;
	[dreg:$0x2] =	wrdreg s3  }
0xb8: {  	[dreg:$0x3] =	wrdreg s5  }
0xb9: {  	[dreg:$0x4] =	wrdreg $0xC0  }
0xba: {  	_ =	task [dreg:s22], $0x5FFFF  }
0xbb: {  	[dreg:$0x1] =	wrdreg $0xFFFFFFFF  }
0xbc: {  	[dreg:$0x0] =	wrdreg $0x60  }
0xbd: {  	[dreg:$0x2] =	wrdreg s24  }
0xbe: {  	[dreg:$0x3] =	wrdreg $0x58800  }
0xbf: {  	[dreg:$0x4] =	wrdreg $0x9  }
0xc0: {  	_ =	task.clear_ibuf [dreg:s22], $0x5FFFF;
	_ =	strace $0x90000049  }
0xc1: {  	s29 =	simm.s32 $0x9;
	_ =	strace $0x8000004B  }
0xc2: {  	_ =	swait.ge [sflag:s29], $0x1  }
0xc3: {  	[sflag:s29] =	ssyncadd.s32 $0xFFFFFFFF  }
0xc4: {  	_ =	strace $0x9000004B  }
0xc5: {  	_ =	sfence  }
0xc6: {  	s30 =	sld [smem:$0x0];
	_ =	sdelay $0x2  }
0xc7: {  	s31 =	sshll.u32 s1, $0xD;
	s1 =	sshrl.u32 s1, $0x2  }
0xc8: {  	s4 =	sand.u32 $0x4000, s31;
	s1 =	sadd.s32 s1, s30  }
0xc9: {  	s0 =	sor.u32 s4, s0;
	s1 =	sshll.u32 s1, $0x11  }
0xca: {  	s0 =	sor.u32 s1, s0  }
0xcb: {  	s0 =	sadd.s32 $0x8F2B, s0  }
0xcc: {  	[sflag:s0] =	ssyncadd.remote.s32 $0x1  }
0xcd: {  	_ =	sfence.sel $0xFFFF  }
0xce: {  	[dreg:$0x0] =	wrdreg $0xFFFFFFFF;
	(pc) =	sbr.abs _section_cstart, $3  }
0xcf: {  	[dreg:$0x1] =	wrdreg $0xFFFFFFFF  }
0xd0: {  	_ =	task.clear_ibuf [dreg:s22], $0x2FFFF;
	_ =	strace $0x9FFFFFFF  }
0xd1: {  	(tm) =	ssettm $0x7FFFFFFF  }
tec
execute0_lowered:
.L_overlay_start_1:
0x0: {  	(tag) =	ssettag $0x1  }
0x1: {  	s4 =	rddreg [dreg:$0x0];
	s0 =	srdreg.scid  }
0x2: {  	s2 =	rddreg [dreg:$0x1];
	s1 =	stileid.u32  }
0x3: {  	s3 =	simm.s32 $0x0;
	s10 =	simm.s32 $0x80;
	s11 =	simm.s32 $0x2800  }
0x4: {  	s12 =	simm.s32 $0x2880;
	s5 =	sand.u32 $0x1, s0;
	s0 =	rddreg [dreg:$0x2]  }
0x5: {  	s15 =	simm.s32 $0x0;
	s7 =	smul.u32 $0x2800, s1;
	[smem:$0x7FF] =	sst s3  }
0x6: {  	s13 =	sshll.u32 s1, $0x6;
	s6 =	sshll.u32 s5, $0x4;
	s8 =	smul.u32 $0x28000, s5  }
0x7: {  	_ =	strace $0x8000004A;
	s5 =	ssub.s32 $0x2, s5;
	s6 =	sor.u32 s1, s6  }
0x8: {  	s13 =	sor.u32 $0x1C01, s13;
	s9 =	sshrl.u32 s5, $0x1;
	s6 =	smul.u32 $0x500, s6  }
0x9: {  	s8 =	sadd.s32 s7, s8;
	s9 =	ssub.s32 s5, s9;
	s5 =	sadd.s32 s7, s2  }
0xa: {  	s8 =	sshrl.u32 s8, $0x3;
	s7 =	smax.u32 s9, $0x1;
	s9 =	simm.s32 $0x3080  }
0xb: {  	s14 =	sshrl.u32 s5, $0x3;
	s6 =	sadd.s32 s6, s4;
	s8 =	sadd.s32 s8, s4  }
0xc: {  	v0 =	vimm.f32 $1.000000000e+00;
	v1 =	vimm.f32 $0.0e+00;
	s4 =	sadd.s32 $0x3000, s6;
	s6 =	sadd.s32 $0x35000, s8;
	s8 =	simm.s32 $0x1  }
.LBB2_1:
0xd: {  	[tilespmem:s3], [sflag:$0x1] =	stream.linear.gather [hbm4b:s4+s3], $0x2800, $0x38;
	[tilespmem:$0x8080] =	vst v63  }
0xe: {  	_ =	swait.ge [sflag:s8], $0x2800  }
0xf: {  	[sflag:s8] =	ssyncset.done $0x0  }
0x10: {  	s16 =	simm.s32 $0x0;
	[sflag:s8] =	ssyncadd.s32 $0xFFFFD800  }
.LBB2_2:
0x11: {  	p0 =	sne.s32 s16, $0x1FC0  }
.Ltmp0:
0x12: {  	_ = 	snop;
	(pc) =	sbr.rel @p0 .LBB2_2-.Ltmp0, $3  }
0x13: {  	_ =	sdelay $0x1  }
0x14: {  	s17 =	sshra.s32 s16, $0x2  }
0x15: {  	s16 =	sadd.s32 $0x40, s16;
	[tilespmem:s17+$0x2880] =	vst v0  }
0x16: {  	s16 =	simm.s32 $0x40;
	s17 =	simm.s32 $0x0  }
.LBB2_4:
0x17: {  	p0 =	sne.s32 s16, $0x9FC0;
	[tilespmem:s17+$0x3080] =	vst v1;
	s17 =	smov.u32 s16;
	s16 =	sadd.s32 $0x40, s16  }
.Ltmp1:
0x18: {  	(pc) =	sbr.rel @p0 .LBB2_4-.Ltmp1, $2  }
0x19: {  	_ =	sdelay $0x2  }
0x1a: {  	s17 =	sshra.s32 s17, $0x2  }
0x1b: {  	[tilespmem:s17+$0x3080] =	vst v1  }
0x1c: {  	[spmem:s5] =	stream.linear.scatter [tilespmem:s9], [sflag:$0x1], $0x2800, $0x38;
	[tilespmem:$0x8080] =	vst v63  }
0x1d: {  	_ =	swait.ge [sflag:s8], $0x2800  }
0x1e: {  	[sflag:s8] =	ssyncset.done $0x0  }
0x1f: {  	[sflag:s8] =	ssyncadd.s32 $0xFFFFD800  }
0x20: {  	s16 =	simm.s32 $0x0;
	[bflag:$0x0] =	sbarrier.arrive $0xFFFF  }
0x21: {  	v2 =	vld [tilespmem:s16+$0x0];
	_ =	sdelay $0x4  }
0x22: {  	v2 =	vshra.s32 v2, $0x10  }
0x23: {  	[tilespmem:$0x2800] =	vst v2  }
0x24: {  	v2 =	vld [tilespmem:s16+$0x10];
	_ =	sdelay $0x4  }
0x25: {  	v2 =	vshra.s32 v2, $0x10  }
0x26: {  	[tilespmem:$0x2810] =	vst v2  }
0x27: {  	v2 =	vld [tilespmem:s16+$0x20];
	_ =	sdelay $0x4  }
0x28: {  	v2 =	vshra.s32 v2, $0x10  }
0x29: {  	[tilespmem:$0x2820] =	vst v2  }
0x2a: {  	v2 =	vld [tilespmem:s16+$0x30];
	_ =	sdelay $0x4  }
0x2b: {  	v2 =	vshra.s32 v2, $0x10  }
0x2c: {  	[tilespmem:$0x2830] =	vst v2  }
0x2d: {  	v2 =	vld [tilespmem:s16+$0x40];
	_ =	sdelay $0x4  }
0x2e: {  	v2 =	vshra.s32 v2, $0x10  }
0x2f: {  	[tilespmem:$0x2840] =	vst v2  }
0x30: {  	v2 =	vld [tilespmem:s16+$0x50];
	_ =	sdelay $0x4  }
0x31: {  	v2 =	vshra.s32 v2, $0x10  }
0x32: {  	[tilespmem:$0x2850] =	vst v2  }
0x33: {  	v2 =	vld [tilespmem:s16+$0x60];
	_ =	sdelay $0x4  }
0x34: {  	v2 =	vshra.s32 v2, $0x10  }
0x35: {  	[tilespmem:$0x2860] =	vst v2  }
0x36: {  	v2 =	vld [tilespmem:s16+$0x70];
	_ =	sdelay $0x4  }
0x37: {  	v2 =	vshra.s32 v2, $0x10  }
0x38: {  	[tilespmem:$0x2870] =	vst v2  }
0x39: {  	[spmem:s2] =	stream.indirect.scatter.add.f32 [tilespmem:s12], [sflag:$0x1], $0x10, s11, s10, $0xb8;
	[tilespmem:$0x8080] =	vst v63  }
0x3a: {  	_ =	swait.ge [sflag:s8], $0x800  }
0x3b: {  	s19 =	simm.s32 $0x400;
	s16 =	simm.s32 $0x200;
	[sflag:s8] =	ssyncset.done $0x0  }
.LBB2_6:
0x3c: {  	s18 =	sshra.s32 s16, $0x2  }
0x3d: {  	[sflag:s8] =	ssyncadd.s32 $0xFFFFF800;
	s16 =	smov.u32 s19;
	s17 =	sadd.s32 $0x200, s19  }
0x3e: {  	p0 =	sne.s32 s19, $0x9E00;
	v2 =	vld [tilespmem:s18+$0x0];
	_ =	sdelay $0x4  }
0x3f: {  	v2 =	vshra.s32 v2, $0x10  }
0x40: {  	[tilespmem:$0x2800] =	vst v2  }
0x41: {  	v2 =	vld [tilespmem:s18+$0x10];
	_ =	sdelay $0x4  }
0x42: {  	v2 =	vshra.s32 v2, $0x10  }
0x43: {  	[tilespmem:$0x2810] =	vst v2  }
0x44: {  	v2 =	vld [tilespmem:s18+$0x20];
	_ =	sdelay $0x4  }
0x45: {  	v2 =	vshra.s32 v2, $0x10  }
0x46: {  	[tilespmem:$0x2820] =	vst v2  }
0x47: {  	v2 =	vld [tilespmem:s18+$0x30];
	_ =	sdelay $0x4  }
0x48: {  	v2 =	vshra.s32 v2, $0x10  }
0x49: {  	[tilespmem:$0x2830] =	vst v2  }
0x4a: {  	v2 =	vld [tilespmem:s18+$0x40];
	_ =	sdelay $0x4  }
0x4b: {  	v2 =	vshra.s32 v2, $0x10  }
0x4c: {  	[tilespmem:$0x2840] =	vst v2  }
0x4d: {  	v2 =	vld [tilespmem:s18+$0x50];
	_ =	sdelay $0x4  }
0x4e: {  	v2 =	vshra.s32 v2, $0x10  }
0x4f: {  	[tilespmem:$0x2850] =	vst v2  }
0x50: {  	v2 =	vld [tilespmem:s18+$0x60];
	_ =	sdelay $0x4  }
0x51: {  	v2 =	vshra.s32 v2, $0x10  }
0x52: {  	[tilespmem:$0x2860] =	vst v2  }
0x53: {  	v2 =	vld [tilespmem:s18+$0x70];
	_ =	sdelay $0x4  }
.Ltmp2:
0x54: {  	v2 =	vshra.s32 v2, $0x10;
	(pc) =	sbr.rel @p0 .LBB2_6-.Ltmp2, $4  }
0x55: {  	[tilespmem:$0x2870] =	vst v2  }
0x56: {  	[spmem:s2] =	stream.indirect.scatter.add.f32 [tilespmem:s12], [sflag:$0x1], $0x10, s11, s10, $0xb8;
	[tilespmem:$0x8080] =	vst v63  }
0x57: {  	_ =	swait.ge [sflag:s8], $0x800  }
0x58: {  	s19 =	smov.u32 s17;
	[sflag:s8] =	ssyncset.done $0x0  }
0x59: {  	s16 =	sshra.s32 s16, $0x2;
	[sflag:s8] =	ssyncadd.s32 $0xFFFFF800  }
0x5a: {  	v2 =	vld [tilespmem:s16+$0x0];
	_ =	sdelay $0x4  }
0x5b: {  	v2 =	vshra.s32 v2, $0x10  }
0x5c: {  	[tilespmem:$0x2800] =	vst v2  }
0x5d: {  	v2 =	vld [tilespmem:s16+$0x10];
	_ =	sdelay $0x4  }
0x5e: {  	v2 =	vshra.s32 v2, $0x10  }
0x5f: {  	[tilespmem:$0x2810] =	vst v2  }
0x60: {  	v2 =	vld [tilespmem:s16+$0x20];
	_ =	sdelay $0x4  }
0x61: {  	v2 =	vshra.s32 v2, $0x10  }
0x62: {  	[tilespmem:$0x2820] =	vst v2  }
0x63: {  	v2 =	vld [tilespmem:s16+$0x30];
	_ =	sdelay $0x4  }
0x64: {  	v2 =	vshra.s32 v2, $0x10  }
0x65: {  	[tilespmem:$0x2830] =	vst v2  }
0x66: {  	v2 =	vld [tilespmem:s16+$0x40];
	_ =	sdelay $0x4  }
0x67: {  	v2 =	vshra.s32 v2, $0x10  }
0x68: {  	[tilespmem:$0x2840] =	vst v2  }
0x69: {  	v2 =	vld [tilespmem:s16+$0x50];
	_ =	sdelay $0x4  }
0x6a: {  	v2 =	vshra.s32 v2, $0x10  }
0x6b: {  	[tilespmem:$0x2850] =	vst v2  }
0x6c: {  	v2 =	vld [tilespmem:s16+$0x60];
	_ =	sdelay $0x4  }
0x6d: {  	v2 =	vshra.s32 v2, $0x10  }
0x6e: {  	[tilespmem:$0x2860] =	vst v2  }
0x6f: {  	v2 =	vld [tilespmem:s16+$0x70];
	_ =	sdelay $0x4  }
0x70: {  	v2 =	vshra.s32 v2, $0x10  }
0x71: {  	[tilespmem:$0x2870] =	vst v2  }
0x72: {  	[spmem:s2] =	stream.indirect.scatter.add.f32 [tilespmem:s12], [sflag:$0x1], $0x10, s11, s10, $0xb8;
	[tilespmem:$0x8080] =	vst v63  }
0x73: {  	_ =	swait.ge [sflag:s8], $0x800  }
0x74: {  	s15 =	sadd.s32 $0x1, s15;
	[sflag:s8] =	ssyncset.done $0x0  }
0x75: {  	p0 =	sne.s32 s15, s7;
	[sflag:s8] =	ssyncadd.s32 $0xFFFFF800  }
.Ltmp3:
0x76: {  	[bflag:$0x0] =	sbarrier.arrive $0xFFFF;
	(pc) =	sbr.rel @p0 .LBB2_1-.Ltmp3, $4  }
0x77: {  	[hbm:s6], [sflag:s13] =	dma.local [spmem:s14], $0x500  }
0x78: {  	_ =	swait.ge [sflag:s8], $0x500  }
0x79: {  	[sflag:s8] =	ssyncset.done $0x0  }
0x7a: {  	[sflag:s8] =	ssyncadd.s32 $0xFFFFFB00  }
0x7b: {  	_ =	sfence.sel $0x180000  }
0x7c: {  	[bflag:$0x0] =	sbarrier.arrive $0xFFFF  }
0x7d: {  	p0 =	sne.s32 s1, $0x0;
	_ =	strace $0x9000004A  }
0x7e: {  	s0 =	sadd.s32 @!p0 $0x100000, s0;
	[bflag:$0x2] =	sbarrier.arrive $0xFFFF  }
0x7f: {  	[sflag:s0] =	ssyncadd.tile.s32 @!p0 $0x1;
	_ =	shalt  }
.Lfunc_end2:
_tile_overlayer_lowered:
.L_overlay_start_2:
0x80: {  	(tag) =	ssettag $0x2  }
0x81: {  	s0 =	rddreg [dreg:$0x0];
	s2 =	stileid.u32  }
0x82: {  	s1 =	rddreg [dreg:$0x1];
	p0 =	sne.s32 s2, $0x0  }
0x83: {  	s3 =	rddreg [dreg:$0x2];
	[bflag:$0x3] =	sbarrier.arrive $0xFFFF;
	s2 =	simm.s32 @!p0 $0x1C01  }
0x84: {  	[timem:s3], [sflag:s2] =	dma.local @!p0 [hbm:s0], s1  }
0x85: {  	s0 =	simm.s32 @!p0 $0x1  }
0x86: {  	_ =	swait.ge @!p0 [sflag:s0], s1  }
0x87: {  	s1 =	ssub.s32 @!p0 $0x0, s1;
	[sflag:s0] =	ssyncset.done @!p0 $0x0  }
0x88: {  	[sflag:s0] =	ssyncadd.s32 @!p0 s1  }
0x89: {  	[bflag:$0x3] =	sbarrier.arrive $0xFFFF  }
0x8a: {  	_ =	shalt  }

// kernel: kernel.13.cloned.1.call-start
scs
__scs_entry_jumppad:
0x0: {  	(pc) =	sbr.rel $0x88, $3  }
0x1: {  	(tag) =	ssettag $0x0;
	lr =	simm.s32 $0x1  }
0x2: {  	[smem:$0x3F96] =	sst lr;
	_ =	strace $0xD0000000  }
0x3: {  	_ = 	snop  }
0x4: {  	_ = 	snop  }
0x5: {  	_ = 	snop  }
0x6: {  	_ = 	snop  }
0x7: {  	_ = 	snop  }
__scs_overlays_trampoline_lowered:
0x8: {  	[smem:$0x3FA5] =	sst s0  }
0x9: {  	[smem:$0x3FA6] =	sst s1  }
0xa: {  	[smem:$0x3FA7] =	sst s2  }
0xb: {  	[smem:$0x3FA8] =	sst s3  }
0xc: {  	[smem:$0x3FA9] =	sst s4  }
0xd: {  	[smem:$0x3FAA] =	sst s5  }
0xe: {  	[smem:$0x3FAB] =	sst s6  }
0xf: {  	[smem:$0x3FAC] =	sst s7  }
0x10: {  	[smem:$0x3FAD] =	sst s8  }
0x11: {  	[smem:$0x3FAE] =	sst s9;
	s0 =	simm.s32 @!p0 $0x0  }
0x12: {  	s1 =	sld [smem:$0x3F94];
	s0 =	simm.s32 @p0 $0x1  }
0x13: {  	[smem:$0x3FAF] =	sst s0;
	s0 =	simm.s32 @!p1 $0x0  }
0x14: {  	s2 =	sld [smem:$0x3F93];
	s0 =	simm.s32 @p1 $0x1  }
0x15: {  	[smem:$0x3FB0] =	sst s0;
	s0 =	simm.s32 @!p2 $0x0  }
0x16: {  	s3 =	sld [smem:$0x3FDB];
	s0 =	simm.s32 @p2 $0x1  }
0x17: {  	s4 =	simm.s32 $0x1BF5;
	[smem:$0x3FB2] =	sst s0  }
0x18: {  	s0 =	sld [smem:$0x3F95];
	_ =	swait.ge [sflag:s4], $0x0  }
0x19: {  	s7 =	sld [smem:$0x3F96]  }
0x1a: {  	s8 =	sadd.s32 $0xFFFFE003, lr  }
0x1b: {  	s9 =	sadd.s32 $0xFFFFFEF7, lr;
	s5 =	simm.s32 $0xFFFFFFFF;
	p2 =	slt.u32 s8, $0xFFFFF086  }
0x1c: {  	p1 =	slt.u32 s9, $0xF7A;
	s5 =	simm.s32 @!p2 $0x0  }
0x1d: {  	s5 =	simm.s32 @p1 $0x1;
	p0 =	seq.s32 s7, s2  }
0x1e: {  	s7 =	smul.u32 @!p0 $0xF7A, s2;
	p2 =	seq.s32 @!p0 s5, $0x0  }
0x1f: {  	s9 =	smul.u32 $0xF7A, s1;
	s8 =	simm.s32 @!p0 $0x1BF5;
	p2 =	por !p2, p0  }
0x20: {  	[sflag:s8] =	ssyncset.s32 @!p0 $0xFFFFF086;
	s6 =	sadd.s32 @!p0 s3, s7;
	s7 =	simm.s32 @!p0 $0x108  }
0x21: {  	s3 =	sadd.s32 s3, s9;
	s6 =	sadd.s32 @!p0 $0x88, s6;
	s7 =	simm.s32 @p2 $0x1082  }
0x22: {  	[simem:s7], [sflag:s8] =	dma.local @!p0 [hbm:s6], $0xF7A  }
0x23: {  	s9 =	sor.u32 $0xD0000000, s2;
	s6 =	simm.s32 $0x108;
	_ =	swait.ge @!p0 [sflag:s8], $0x0  }
0x24: {  	s3 =	sadd.s32 $0x88, s3;
	s6 =	simm.s32 @!p1 $0x1082;
	[sflag:s4] =	ssyncset.s32 $0xFFFFF086  }
0x25: {  	[simem:s6], [sflag:s4] =	dma.local [hbm:s3], $0xF7A  }
0x26: {  	[smem:$0x3F96] =	sst s1;
	(tag) =	ssettag s2;
	_ =	strace s9  }
0x27: {  	s1 =	sld [smem:$0x3FA6]  }
0x28: {  	s2 =	sld [smem:$0x3FA7]  }
0x29: {  	s4 =	sld [smem:$0x3FA9]  }
0x2a: {  	p0 =	seq.s32 s5, $0x0;
	s5 =	sld [smem:$0x3FAA]  }
0x2b: {  	s6 =	sld [smem:$0x3FAB]  }
0x2c: {  	s7 =	sld [smem:$0x3FAC]  }
0x2d: {  	s3 =	simm.s32 $0x108;
	s8 =	sld [smem:$0x3FAD]  }
0x2e: {  	s3 =	simm.s32 @!p0 $0x1082;
	s9 =	sld [smem:$0x3FAE]  }
0x2f: {  	lr =	sadd.s32 s0, s3;
	s0 =	sld [smem:$0x3FA5]  }
0x30: {  	s3 =	sld [smem:$0x3FA8]  }
0x31: {  	[smem:$0x3FB1] =	sst s10  }
0x32: {  	s10 =	sld [smem:$0x3FAF];
	_ =	sdelay $0x3  }
0x33: {  	p0 =	seq.s32 s10, $0x1;
	s10 =	sld [smem:$0x3FB1];
	_ =	sdelay $0x3  }
0x34: {  	[smem:$0x3FB1] =	sst s10  }
0x35: {  	s10 =	sld [smem:$0x3FB0];
	_ =	sdelay $0x3  }
0x36: {  	p1 =	seq.s32 s10, $0x1;
	s10 =	sld [smem:$0x3FB1];
	_ =	sdelay $0x3  }
0x37: {  	[smem:$0x3FB1] =	sst s10  }
0x38: {  	s10 =	sld [smem:$0x3FB2]  }
0x39: {  	_ = 	snop;
	(pc) =	sbr.ind lr, $3  }
0x3a: {  	_ = 	snop  }
0x3b: {  	_ = 	snop  }
0x3c: {  	p2 =	seq.s32 s10, $0x1;
	s10 =	sld [smem:$0x3FB1]  }
0x3d: {  	_ =	shalt  }
0x3e: {  	_ =	shalt  }
0x3f: {  	_ =	shalt  }
0x40: {  	_ =	shalt  }
0x41: {  	_ =	shalt  }
0x42: {  	_ =	shalt  }
0x43: {  	_ =	shalt  }
0x44: {  	_ =	shalt  }
0x45: {  	_ =	shalt  }
0x46: {  	_ =	shalt  }
0x47: {  	_ =	shalt  }
0x48: {  	_ =	shalt  }
0x49: {  	_ =	shalt  }
0x4a: {  	_ =	shalt  }
0x4b: {  	_ =	shalt  }
0x4c: {  	_ =	shalt  }
0x4d: {  	_ =	shalt  }
0x4e: {  	_ =	shalt  }
0x4f: {  	_ =	shalt  }
0x50: {  	_ =	shalt  }
0x51: {  	_ =	shalt  }
0x52: {  	_ =	shalt  }
0x53: {  	_ =	shalt  }
0x54: {  	_ =	shalt  }
0x55: {  	_ =	shalt  }
0x56: {  	_ =	shalt  }
0x57: {  	_ =	shalt  }
0x58: {  	_ =	shalt  }
0x59: {  	_ =	shalt  }
0x5a: {  	_ =	shalt  }
0x5b: {  	_ =	shalt  }
0x5c: {  	_ =	shalt  }
0x5d: {  	_ =	shalt  }
0x5e: {  	_ =	shalt  }
0x5f: {  	_ =	shalt  }
0x60: {  	_ =	shalt  }
0x61: {  	_ =	shalt  }
0x62: {  	_ =	shalt  }
0x63: {  	_ =	shalt  }
0x64: {  	_ =	shalt  }
0x65: {  	_ =	shalt  }
0x66: {  	_ =	shalt  }
0x67: {  	_ =	shalt  }
0x68: {  	_ =	shalt  }
0x69: {  	_ =	shalt  }
0x6a: {  	_ =	shalt  }
0x6b: {  	_ =	shalt  }
0x6c: {  	_ =	shalt  }
0x6d: {  	_ =	shalt  }
0x6e: {  	_ =	shalt  }
0x6f: {  	_ =	shalt  }
0x70: {  	_ =	shalt  }
0x71: {  	_ =	shalt  }
0x72: {  	_ =	shalt  }
0x73: {  	_ =	shalt  }
0x74: {  	_ =	shalt  }
0x75: {  	_ =	shalt  }
0x76: {  	_ =	shalt  }
0x77: {  	_ =	shalt  }
0x78: {  	_ =	shalt  }
0x79: {  	_ =	shalt  }
0x7a: {  	_ =	shalt  }
0x7b: {  	_ =	shalt  }
0x7c: {  	_ =	shalt  }
0x7d: {  	_ =	shalt  }
0x7e: {  	_ =	shalt  }
0x7f: {  	_ =	shalt  }
0x80: {  	_ =	shalt  }
0x81: {  	_ =	shalt  }
0x82: {  	_ =	shalt  }
0x83: {  	_ =	shalt  }
0x84: {  	_ =	shalt  }
0x85: {  	_ =	shalt  }
0x86: {  	_ =	shalt  }
0x87: {  	_ =	shalt  }
.Lfunc_end0:
.L_simem_size_0:
called_computation.1_lowered:
.L_overlay_start_0:
0x88: {  	s2 =	sld [smem:$0x3FD9]  }
0x89: {  	s3 =	sld [smem:$0x3FFE];
	_ =	sdelay $0x1  }
0x8a: {  	s1 =	srdreg.scid  }
0x8b: {  	s0 =	sand.u32 $0x1, s1  }
0x8c: {  	s17 =	sshll.u32 s0, $0xA;
	s2 =	sadd.s32 s3, s2  }
0x8d: {  	s2 =	sadd.s32 s2, s17  }
0x8e: {  	[smem:$0x3FBD] =	sst s2  }
0x8f: {  	_ = 	snop  }
0x90: {  	s2 =	sld [smem:$0x3FD0];
	(tm) =	ssettm $0x1  }
0x91: {  	s18 =	sld [smem:$0x3FFB];
	_ =	sdelay $0x3  }
0x92: {  	_ =	strace s18  }
0x93: {  	s3 =	sld [smem:$0x3FFC];
	_ =	sdelay $0x3  }
0x94: {  	_ =	strace s3  }
0x95: {  	s3 =	sld [smem:$0x3FFD];
	_ =	sdelay $0x3  }
0x96: {  	_ =	strace s3  }
0x97: {  	_ =	strace $0x8FFFFFFF  }
0x98: {  	s19 =	sld [smem:$0x3FDB];
	_ =	sdelay $0x1  }
0x99: {  	s4 =	simm.s32 $_scs_section_size  }
0x9a: {  	s5 =	simm.s32 $_size__tile_overlayer_lowered;
	s6 =	simm.s32 $_tile_overlayer_lowered  }
0x9b: {  	s22 =	simm.s32 $0x1BFF;
	s21 =	sshll.u32 s6, $0x1;
	s3 =	sadd.s32 s4, s19  }
0x9c: {  	s7 =	simm.s32 $0x0;
	s20 =	sshll.u32 s5, $0x1;
	s5 =	sadd.s32 s21, s3  }
0x9d: {  	[timem:s7], [sflag:s22] =	dma.local [hbm:s5], s20  }
0x9e: {  	_ =	swait.ge [sflag:s22], s20  }
0x9f: {  	s4 =	ssub.s32 $0x0, s20;
	[sflag:s22] =	ssyncset.done $0x0  }
0xa0: {  	[sflag:s22] =	ssyncadd.s32 s4;
	_ =	sdelay $0x1  }
0xa1: {  	s23 =	simm.s32 $0x1B8B  }
0xa2: {  	_ =	swait.ge [sflag:s23], $0x1  }
0xa3: {  	[sflag:s23] =	ssyncset.done $0x0  }
0xa4: {  	s25 =	simm.s32 $0x1B8E;
	s24 =	sld [smem:$0x3FFE];
	[sflag:s23] =	ssyncadd.s32 $0xFFFFFFFF  }
0xa5: {  	s26 =	simm.s32 $execute0_lowered;
	[smem:$0x3FD2] =	sst s25  }
0xa6: {  	s5 =	sshll.u32 s26, $0x1;
	_ =	strace $0x80000046;
	[dreg:$0x1] =	wrdreg $0xFFFFFFFF  }
0xa7: {  	s28 =	simm.s32 $_size_execute0_lowered;
	s3 =	sadd.s32 s3, s5;
	[dreg:$0x0] =	wrdreg $0x0  }
0xa8: {  	s5 =	sshll.u32 s28, $0x1;
	[dreg:$0x2] =	wrdreg s3  }
0xa9: {  	[dreg:$0x3] =	wrdreg s5  }
0xaa: {  	[dreg:$0x4] =	wrdreg $0xC0  }
0xab: {  	_ =	task [dreg:s7], $0x5FFFF  }
0xac: {  	[dreg:$0x1] =	wrdreg $0xFFFFFFFF  }
0xad: {  	[dreg:$0x0] =	wrdreg $0x60  }
0xae: {  	[dreg:$0x2] =	wrdreg s2  }
0xaf: {  	[dreg:$0x3] =	wrdreg s24  }
0xb0: {  	[dreg:$0x4] =	wrdreg $0x6A000  }
0xb1: {  	[dreg:$0x5] =	wrdreg $0xA  }
0xb2: {  	_ =	task.clear_ibuf [dreg:s7], $0x6FFFF;
	_ =	strace $0x90000046  }
0xb3: {  	s29 =	simm.s32 $0xA;
	_ =	strace $0x80000048  }
0xb4: {  	_ =	swait.ge [sflag:s29], $0x1  }
0xb5: {  	[sflag:s29] =	ssyncadd.s32 $0xFFFFFFFF  }
0xb6: {  	_ =	strace $0x90000048  }
0xb7: {  	_ =	sfence  }
0xb8: {  	s30 =	sld [smem:$0x0];
	_ =	sdelay $0x2  }
0xb9: {  	s31 =	sshll.u32 s1, $0xD;
	s1 =	sshrl.u32 s1, $0x2  }
0xba: {  	s3 =	sand.u32 $0x4000, s31;
	s1 =	sadd.s32 s1, s30  }
0xbb: {  	s0 =	sor.u32 s3, s0;
	s1 =	sshll.u32 s1, $0x11  }
0xbc: {  	s0 =	sor.u32 s1, s0  }
0xbd: {  	s0 =	sadd.s32 $0x8F2B, s0  }
0xbe: {  	[sflag:s0] =	ssyncadd.remote.s32 $0x1  }
0xbf: {  	_ =	sfence.sel $0xFFFF  }
0xc0: {  	[dreg:$0x0] =	wrdreg $0xFFFFFFFF;
	(pc) =	sbr.abs _section_cstart, $3  }
0xc1: {  	[dreg:$0x1] =	wrdreg $0xFFFFFFFF  }
0xc2: {  	_ =	task.clear_ibuf [dreg:s7], $0x2FFFF;
	_ =	strace $0x9FFFFFFF  }
0xc3: {  	(tm) =	ssettm $0x7FFFFFFF  }
tec
execute0_lowered:
.L_overlay_start_1:
0x0: {  	(tag) =	ssettag $0x1  }
0x1: {  	s1 =	rddreg [dreg:$0x0]  }
0x2: {  	s5 =	rddreg [dreg:$0x1]  }
0x3: {  	s3 =	rddreg [dreg:$0x2];
	s4 =	srdreg.scid  }
0x4: {  	s0 =	rddreg [dreg:$0x3];
	s2 =	stileid.u32  }
0x5: {  	s14 =	simm.s32 $0x2A00;
	s15 =	simm.s32 $0x80;
	s16 =	simm.s32 $0x2800  }
0x6: {  	s17 =	simm.s32 $0x2880;
	s18 =	simm.s32 $0x4A00;
	s19 =	simm.s32 $0x1  }
0x7: {  	s20 =	simm.s32 $0x2900;
	s21 =	simm.s32 $0x2;
	s22 =	simm.s32 $0x2980  }
0x8: {  	s23 =	simm.s32 $0x0;
	s6 =	sand.u32 $0x1, s4;
	s8 =	smul.u32 $0x14000, s2  }
0x9: {  	s4 =	simm.s32 $0x0;
	s10 =	smul.u32 $0x28000, s2;
	s7 =	sshll.u32 s6, $0x4  }
0xa: {  	[smem:$0x7FF] =	sst s4;
	s9 =	smul.u32 $0x140000, s6;
	s6 =	ssub.s32 $0x2, s6  }
0xb: {  	s7 =	sor.u32 s2, s7;
	_ =	strace $0x80000047;
	s11 =	sshrl.u32 s6, $0x1  }
0xc: {  	s30 =	sshrl.u32 s10, $0x2;
	s31 =	sshrl.u32 s8, $0x1;
	s7 =	smul.u32 $0x500, s7  }
0xd: {  	s9 =	sadd.s32 s8, s9;
	s13 =	ssub.s32 s6, s11;
	s10 =	sadd.s32 s30, s3  }
0xe: {  	s6 =	sadd.s32 s31, s3;
	s9 =	sshrl.u32 s9, $0x4;
	s8 =	sadd.s32 $0x4000, s10  }
0xf: {  	s7 =	sadd.s32 s7, s5;
	s12 =	sadd.s32 s9, s5;
	s9 =	sadd.s32 $0x6000, s10  }
0x10: {  	s5 =	sadd.s32 $0x3000, s7;
	s7 =	sadd.s32 $0x2000, s10;
	s10 =	sadd.s32 $0x8000, s10  }
0x11: {  	v0 =	vimm.bf16 $0.0e+00;
	s11 =	sadd.s32 $0xD000, s12;
	s12 =	smax.u32 s13, $0x1;
	s13 =	simm.s32 $0x3  }
.LBB2_1:
0x12: {  	[tilespmem:s4], [sflag:$0x3] =	stream.linear.gather [hbm4b:s5+s4], $0x2800, $0x38;
	[tilespmem:$0x10A00] =	vst v63  }
0x13: {  	_ =	swait.ge [sflag:s13], $0x2800  }
0x14: {  	s25 =	sand.u32 $0x7FC0, s4;
	[sflag:s13] =	ssyncset.done $0x0  }
0x15: {  	s24 =	simm.s32 $0x40;
	s25 =	sshrl.u32 s25, $0x2;
	[sflag:s13] =	ssyncadd.s32 $0xFFFFD800  }
.LBB2_2:
0x16: {  	p0 =	sne.s32 s24, $0x7FC0;
	[tilespmem:s25+$0x2A00] =	vst v0;
	s25 =	smov.u32 s24;
	s24 =	sadd.s32 $0x40, s24  }
.Ltmp0:
0x17: {  	(pc) =	sbr.rel @p0 .LBB2_2-.Ltmp0, $3  }
0x18: {  	_ =	sdelay $0x1  }
0x19: {  	s25 =	sand.u32 $0x7FC0, s25  }
0x1a: {  	s25 =	sshrl.u32 s25, $0x2  }
0x1b: {  	[tilespmem:s25+$0x2A00] =	vst v0  }
0x1c: {  	[spmem:s6] =	stream.linear.scatter [tilespmem:s14], [sflag:$0x3], $0x2000, $0x38;
	[tilespmem:$0x10A00] =	vst v63  }
0x1d: {  	_ =	swait.ge [sflag:s13], $0x2000  }
0x1e: {  	[sflag:s13] =	ssyncset.done $0x0  }
0x1f: {  	[sflag:s13] =	ssyncadd.s32 $0xFFFFE000  }
0x20: {  	[spmem:s7] =	stream.linear.scatter [tilespmem:s14], [sflag:$0x3], $0x2000, $0x38;
	[tilespmem:$0x10A00] =	vst v63  }
0x21: {  	_ =	swait.ge [sflag:s13], $0x2000  }
0x22: {  	[sflag:s13] =	ssyncset.done $0x0  }
0x23: {  	[sflag:s13] =	ssyncadd.s32 $0xFFFFE000  }
0x24: {  	[spmem:s8] =	stream.linear.scatter [tilespmem:s14], [sflag:$0x3], $0x2000, $0x38;
	[tilespmem:$0x10A00] =	vst v63  }
0x25: {  	_ =	swait.ge [sflag:s13], $0x2000  }
0x26: {  	[sflag:s13] =	ssyncset.done $0x0  }
0x27: {  	[sflag:s13] =	ssyncadd.s32 $0xFFFFE000  }
0x28: {  	[spmem:s9] =	stream.linear.scatter [tilespmem:s14], [sflag:$0x3], $0x2000, $0x38;
	[tilespmem:$0x10A00] =	vst v63  }
0x29: {  	_ =	swait.ge [sflag:s13], $0x2000  }
0x2a: {  	[sflag:s13] =	ssyncset.done $0x0  }
0x2b: {  	[sflag:s13] =	ssyncadd.s32 $0xFFFFE000  }
0x2c: {  	[spmem:s10] =	stream.linear.scatter [tilespmem:s14], [sflag:$0x3], $0x2000, $0x38;
	[tilespmem:$0x10A00] =	vst v63  }
0x2d: {  	_ =	swait.ge [sflag:s13], $0x2000  }
0x2e: {  	[sflag:s13] =	ssyncset.done $0x0  }
0x2f: {  	[sflag:s13] =	ssyncadd.s32 $0xFFFFE000  }
0x30: {  	[bflag:$0x0] =	sbarrier.arrive $0xFFFF  }
0x31: {  	v1 =	vld [tilespmem:$0x0]  }
0x32: {  	v2 =	vld [tilespmem:$0x10]  }
0x33: {  	v3 =	vld [tilespmem:$0x20]  }
0x34: {  	v4 =	vld [tilespmem:$0x30]  }
0x35: {  	v5 =	vld [tilespmem:$0x40]  }
0x36: {  	v6 =	vld [tilespmem:$0x50];
	v1 =	vand.u32 $0xFFFF, v1  }
0x37: {  	[tilespmem:$0x2800] =	vst v1;
	v1 =	vand.u32 $0xFFFF, v2;
	v2 =	vld [tilespmem:$0x60]  }
0x38: {  	[tilespmem:$0x2810] =	vst v1;
	v1 =	vand.u32 $0xFFFF, v3;
	v3 =	vld [tilespmem:$0x70]  }
0x39: {  	[tilespmem:$0x2820] =	vst v1;
	v1 =	vand.u32 $0xFFFF, v4  }
0x3a: {  	[tilespmem:$0x2830] =	vst v1;
	v1 =	vand.u32 $0xFFFF, v5  }
0x3b: {  	[tilespmem:$0x2840] =	vst v1;
	v1 =	vand.u32 $0xFFFF, v6  }
0x3c: {  	[tilespmem:$0x2850] =	vst v1;
	v1 =	vand.u32 $0xFFFF, v2  }
0x3d: {  	[tilespmem:$0x2860] =	vst v1;
	v1 =	vand.u32 $0xFFFF, v3  }
0x3e: {  	s24 =	simm.s32 $0x0;
	[tilespmem:$0x2870] =	vst v1  }
0x3f: {  	[tilespmem:s14], [sflag:$0x1] =	stream.indirect.gather [hbm4b:s1+s15], $0x40, s16, s15, $0xb8;
	[tilespmem:$0x10A00] =	vst v63  }
0x40: {  	v1 =	vld [tilespmem:s24+$0x80];
	_ =	sdelay $0x4  }
0x41: {  	v1 =	vand.u32 $0xFFFF, v1  }
0x42: {  	[tilespmem:$0x2880] =	vst v1  }
0x43: {  	v1 =	vld [tilespmem:s24+$0x90];
	_ =	sdelay $0x4  }
0x44: {  	v1 =	vand.u32 $0xFFFF, v1  }
0x45: {  	[tilespmem:$0x2890] =	vst v1  }
0x46: {  	v1 =	vld [tilespmem:s24+$0xA0];
	_ =	sdelay $0x4  }
0x47: {  	v1 =	vand.u32 $0xFFFF, v1  }
0x48: {  	[tilespmem:$0x28A0] =	vst v1  }
0x49: {  	v1 =	vld [tilespmem:s24+$0xB0];
	_ =	sdelay $0x4  }
0x4a: {  	v1 =	vand.u32 $0xFFFF, v1  }
0x4b: {  	[tilespmem:$0x28B0] =	vst v1  }
0x4c: {  	v1 =	vld [tilespmem:s24+$0xC0];
	_ =	sdelay $0x4  }
0x4d: {  	v1 =	vand.u32 $0xFFFF, v1  }
0x4e: {  	[tilespmem:$0x28C0] =	vst v1  }
0x4f: {  	v1 =	vld [tilespmem:s24+$0xD0];
	_ =	sdelay $0x4  }
0x50: {  	v1 =	vand.u32 $0xFFFF, v1  }
0x51: {  	[tilespmem:$0x28D0] =	vst v1  }
0x52: {  	v1 =	vld [tilespmem:s24+$0xE0];
	_ =	sdelay $0x4  }
0x53: {  	v1 =	vand.u32 $0xFFFF, v1  }
0x54: {  	[tilespmem:$0x28E0] =	vst v1  }
0x55: {  	v1 =	vld [tilespmem:s24+$0xF0];
	_ =	sdelay $0x4  }
0x56: {  	v1 =	vand.u32 $0xFFFF, v1  }
0x57: {  	[tilespmem:$0x28F0] =	vst v1  }
0x58: {  	[tilespmem:s18], [sflag:$0x2] =	stream.indirect.gather [hbm4b:s1+s15], $0x40, s17, s15, $0xb8;
	[tilespmem:$0x10A00] =	vst v63  }
0x59: {  	_ =	swait.ge [sflag:s19], $0x2000  }
0x5a: {  	[sflag:s19] =	ssyncset.done $0x0  }
0x5b: {  	[sflag:s19] =	ssyncadd.s32 $0xFFFFE000  }
0x5c: {  	v1 =	vld [tilespmem:s24+$0x0];
	_ =	sdelay $0x4  }
0x5d: {  	v1 =	vshra.s32 v1, $0x10  }
0x5e: {  	[tilespmem:$0x2900] =	vst v1  }
0x5f: {  	v1 =	vld [tilespmem:s24+$0x10];
	_ =	sdelay $0x4  }
0x60: {  	v1 =	vshra.s32 v1, $0x10  }
0x61: {  	[tilespmem:$0x2910] =	vst v1  }
0x62: {  	v1 =	vld [tilespmem:s24+$0x20];
	_ =	sdelay $0x4  }
0x63: {  	v1 =	vshra.s32 v1, $0x10  }
0x64: {  	[tilespmem:$0x2920] =	vst v1  }
0x65: {  	v1 =	vld [tilespmem:s24+$0x30];
	_ =	sdelay $0x4  }
0x66: {  	v1 =	vshra.s32 v1, $0x10  }
0x67: {  	[tilespmem:$0x2930] =	vst v1  }
0x68: {  	v1 =	vld [tilespmem:s24+$0x40];
	_ =	sdelay $0x4  }
0x69: {  	v1 =	vshra.s32 v1, $0x10  }
0x6a: {  	[tilespmem:$0x2940] =	vst v1  }
0x6b: {  	v1 =	vld [tilespmem:s24+$0x50];
	_ =	sdelay $0x4  }
0x6c: {  	v1 =	vshra.s32 v1, $0x10  }
0x6d: {  	[tilespmem:$0x2950] =	vst v1  }
0x6e: {  	v1 =	vld [tilespmem:s24+$0x60];
	_ =	sdelay $0x4  }
0x6f: {  	v1 =	vshra.s32 v1, $0x10  }
0x70: {  	[tilespmem:$0x2960] =	vst v1  }
0x71: {  	v1 =	vld [tilespmem:s24+$0x70];
	_ =	sdelay $0x4  }
0x72: {  	v1 =	vshra.s32 v1, $0x10  }
0x73: {  	[tilespmem:$0x2970] =	vst v1  }
0x74: {  	[spmem:s3] =	stream.indirect.scatter.add.bf16 [tilespmem:s14], [sflag:$0x3], $0x40, s20, s15, $0xb8;
	[tilespmem:$0x10A00] =	vst v63  }
0x75: {  	_ =	swait.ge [sflag:s13], $0x2000  }
0x76: {  	p0 =	por $0x0, $0x0;
	[sflag:s13] =	ssyncset.done $0x0  }
0x77: {  	s25 =	simm.s32 @!p0 $0x0;
	[sflag:s13] =	ssyncadd.s32 $0xFFFFE000  }
0x78: {  	v1 =	vld @!p0 [tilespmem:s25+$0x100];
	_ =	sdelay $0x4  }
0x79: {  	v1 =	vand.u32 @!p0 $0xFFFF, v1  }
0x7a: {  	[tilespmem:$0x2800] =	vst @!p0 v1  }
0x7b: {  	v1 =	vld @!p0 [tilespmem:s25+$0x110];
	_ =	sdelay $0x4  }
0x7c: {  	v1 =	vand.u32 @!p0 $0xFFFF, v1  }
0x7d: {  	[tilespmem:$0x2810] =	vst @!p0 v1  }
0x7e: {  	v1 =	vld @!p0 [tilespmem:s25+$0x120];
	_ =	sdelay $0x4  }
0x7f: {  	v1 =	vand.u32 @!p0 $0xFFFF, v1  }
0x80: {  	[tilespmem:$0x2820] =	vst @!p0 v1  }
0x81: {  	v1 =	vld @!p0 [tilespmem:s25+$0x130];
	_ =	sdelay $0x4  }
0x82: {  	v1 =	vand.u32 @!p0 $0xFFFF, v1  }
0x83: {  	[tilespmem:$0x2830] =	vst @!p0 v1  }
0x84: {  	v1 =	vld @!p0 [tilespmem:s25+$0x140];
	_ =	sdelay $0x4  }
0x85: {  	v1 =	vand.u32 @!p0 $0xFFFF, v1  }
0x86: {  	[tilespmem:$0x2840] =	vst @!p0 v1  }
0x87: {  	v1 =	vld @!p0 [tilespmem:s25+$0x150];
	_ =	sdelay $0x4  }
0x88: {  	v1 =	vand.u32 @!p0 $0xFFFF, v1  }
0x89: {  	[tilespmem:$0x2850] =	vst @!p0 v1  }
0x8a: {  	v1 =	vld @!p0 [tilespmem:s25+$0x160];
	_ =	sdelay $0x4  }
0x8b: {  	v1 =	vand.u32 @!p0 $0xFFFF, v1  }
0x8c: {  	[tilespmem:$0x2860] =	vst @!p0 v1  }
0x8d: {  	v1 =	vld @!p0 [tilespmem:s25+$0x170];
	_ =	sdelay $0x4  }
0x8e: {  	v1 =	vand.u32 @!p0 $0xFFFF, v1  }
0x8f: {  	s26 =	simm.s32 @!p0 $0x2800;
	s28 =	simm.s32 @!p0 $0x2A00;
	s25 =	simm.s32 @!p0 $0x80;
	[tilespmem:$0x2870] =	vst @!p0 v1  }
0x90: {  	[tilespmem:s28], [sflag:$0x1] =	stream.indirect.gather @!p0 [hbm4b:s1+s25], $0x40, s26, s25, $0xb8;
	[tilespmem:$0x10A00] =	vst v63  }
0x91: {  	_ =	swait.ge [sflag:s21], $0x2000  }
0x92: {  	[sflag:s21] =	ssyncset.done $0x0  }
0x93: {  	[sflag:s21] =	ssyncadd.s32 $0xFFFFE000  }
0x94: {  	v1 =	vld [tilespmem:s24+$0x80];
	_ =	sdelay $0x4  }
0x95: {  	v1 =	vshra.s32 v1, $0x10  }
0x96: {  	[tilespmem:$0x2980] =	vst v1  }
0x97: {  	v1 =	vld [tilespmem:s24+$0x90];
	_ =	sdelay $0x4  }
0x98: {  	v1 =	vshra.s32 v1, $0x10  }
0x99: {  	[tilespmem:$0x2990] =	vst v1  }
0x9a: {  	v1 =	vld [tilespmem:s24+$0xA0];
	_ =	sdelay $0x4  }
0x9b: {  	v1 =	vshra.s32 v1, $0x10  }
0x9c: {  	[tilespmem:$0x29A0] =	vst v1  }
0x9d: {  	v1 =	vld [tilespmem:s24+$0xB0];
	_ =	sdelay $0x4  }
0x9e: {  	v1 =	vshra.s32 v1, $0x10  }
0x9f: {  	[tilespmem:$0x29B0] =	vst v1  }
0xa0: {  	v1 =	vld [tilespmem:s24+$0xC0];
	_ =	sdelay $0x4  }
0xa1: {  	v1 =	vshra.s32 v1, $0x10  }
0xa2: {  	[tilespmem:$0x29C0] =	vst v1  }
0xa3: {  	v1 =	vld [tilespmem:s24+$0xD0];
	_ =	sdelay $0x4  }
0xa4: {  	v1 =	vshra.s32 v1, $0x10  }
0xa5: {  	[tilespmem:$0x29D0] =	vst v1  }
0xa6: {  	v1 =	vld [tilespmem:s24+$0xE0];
	_ =	sdelay $0x4  }
0xa7: {  	v1 =	vshra.s32 v1, $0x10  }
0xa8: {  	[tilespmem:$0x29E0] =	vst v1  }
0xa9: {  	v1 =	vld [tilespmem:s24+$0xF0];
	_ =	sdelay $0x4  }
0xaa: {  	v1 =	vshra.s32 v1, $0x10  }
0xab: {  	[tilespmem:$0x29F0] =	vst v1  }
0xac: {  	[spmem:s3] =	stream.indirect.scatter.add.bf16 [tilespmem:s18], [sflag:$0x3], $0x40, s22, s15, $0xb8;
	[tilespmem:$0x10A00] =	vst v63  }
0xad: {  	_ =	swait.ge [sflag:s13], $0x2000  }
0xae: {  	s25 =	simm.s32 $0x800;
	s24 =	simm.s32 $0x400;
	[sflag:s13] =	ssyncset.done $0x0  }
.LBB2_4:
0xaf: {  	s26 =	sshra.s32 s24, $0x2  }
0xb0: {  	[sflag:s13] =	ssyncadd.s32 $0xFFFFE000;
	s28 =	smov.u32 s25;
	s25 =	sadd.s32 $0x400, s25  }
0xb1: {  	p0 =	sne.s32 s25, $0xA000;
	v1 =	vld [tilespmem:s26+$0x80];
	_ =	sdelay $0x4  }
0xb2: {  	v1 =	vand.u32 $0xFFFF, v1  }
0xb3: {  	[tilespmem:$0x2880] =	vst v1  }
0xb4: {  	v1 =	vld [tilespmem:s26+$0x90];
	_ =	sdelay $0x4  }
0xb5: {  	v1 =	vand.u32 $0xFFFF, v1  }
0xb6: {  	[tilespmem:$0x2890] =	vst v1  }
0xb7: {  	v1 =	vld [tilespmem:s26+$0xA0];
	_ =	sdelay $0x4  }
0xb8: {  	v1 =	vand.u32 $0xFFFF, v1  }
0xb9: {  	[tilespmem:$0x28A0] =	vst v1  }
0xba: {  	v1 =	vld [tilespmem:s26+$0xB0];
	_ =	sdelay $0x4  }
0xbb: {  	v1 =	vand.u32 $0xFFFF, v1  }
0xbc: {  	[tilespmem:$0x28B0] =	vst v1  }
0xbd: {  	v1 =	vld [tilespmem:s26+$0xC0];
	_ =	sdelay $0x4  }
0xbe: {  	v1 =	vand.u32 $0xFFFF, v1  }
0xbf: {  	[tilespmem:$0x28C0] =	vst v1  }
0xc0: {  	v1 =	vld [tilespmem:s26+$0xD0];
	_ =	sdelay $0x4  }
0xc1: {  	v1 =	vand.u32 $0xFFFF, v1  }
0xc2: {  	[tilespmem:$0x28D0] =	vst v1  }
0xc3: {  	v1 =	vld [tilespmem:s26+$0xE0];
	_ =	sdelay $0x4  }
0xc4: {  	v1 =	vand.u32 $0xFFFF, v1  }
0xc5: {  	[tilespmem:$0x28E0] =	vst v1  }
0xc6: {  	v1 =	vld [tilespmem:s26+$0xF0];
	_ =	sdelay $0x4  }
0xc7: {  	v1 =	vand.u32 $0xFFFF, v1  }
0xc8: {  	[tilespmem:$0x28F0] =	vst v1  }
0xc9: {  	[tilespmem:s18], [sflag:$0x2] =	stream.indirect.gather [hbm4b:s1+s15], $0x40, s17, s15, $0xb8;
	[tilespmem:$0x10A00] =	vst v63  }
0xca: {  	_ =	swait.ge [sflag:s19], $0x2000  }
0xcb: {  	[sflag:s19] =	ssyncset.done $0x0  }
0xcc: {  	[sflag:s19] =	ssyncadd.s32 $0xFFFFE000  }
0xcd: {  	v1 =	vld [tilespmem:s26+$0x0];
	_ =	sdelay $0x4  }
0xce: {  	v1 =	vshra.s32 v1, $0x10  }
0xcf: {  	[tilespmem:$0x2900] =	vst v1  }
0xd0: {  	v1 =	vld [tilespmem:s26+$0x10];
	_ =	sdelay $0x4  }
0xd1: {  	v1 =	vshra.s32 v1, $0x10  }
0xd2: {  	[tilespmem:$0x2910] =	vst v1  }
0xd3: {  	v1 =	vld [tilespmem:s26+$0x20];
	_ =	sdelay $0x4  }
0xd4: {  	v1 =	vshra.s32 v1, $0x10  }
0xd5: {  	[tilespmem:$0x2920] =	vst v1  }
0xd6: {  	v1 =	vld [tilespmem:s26+$0x30];
	_ =	sdelay $0x4  }
0xd7: {  	v1 =	vshra.s32 v1, $0x10  }
0xd8: {  	[tilespmem:$0x2930] =	vst v1  }
0xd9: {  	v1 =	vld [tilespmem:s26+$0x40];
	_ =	sdelay $0x4  }
0xda: {  	v1 =	vshra.s32 v1, $0x10  }
0xdb: {  	[tilespmem:$0x2940] =	vst v1  }
0xdc: {  	v1 =	vld [tilespmem:s26+$0x50];
	_ =	sdelay $0x4  }
0xdd: {  	v1 =	vshra.s32 v1, $0x10  }
0xde: {  	[tilespmem:$0x2950] =	vst v1  }
0xdf: {  	v1 =	vld [tilespmem:s26+$0x60];
	_ =	sdelay $0x4  }
0xe0: {  	v1 =	vshra.s32 v1, $0x10  }
0xe1: {  	[tilespmem:$0x2960] =	vst v1  }
0xe2: {  	v1 =	vld [tilespmem:s26+$0x70];
	_ =	sdelay $0x4  }
0xe3: {  	v1 =	vshra.s32 v1, $0x10  }
0xe4: {  	[tilespmem:$0x2970] =	vst v1  }
0xe5: {  	[spmem:s3] =	stream.indirect.scatter.add.bf16 [tilespmem:s14], [sflag:$0x3], $0x40, s20, s15, $0xb8;
	[tilespmem:$0x10A00] =	vst v63  }
0xe6: {  	_ =	swait.ge [sflag:s13], $0x2000  }
0xe7: {  	p1 =	seq.s32 s24, $0x9C00;
	[sflag:s13] =	ssyncset.done $0x0  }
0xe8: {  	s29 =	sshra.s32 @!p1 s24, $0x2;
	s24 =	smov.u32 s28;
	[sflag:s13] =	ssyncadd.s32 $0xFFFFE000  }
0xe9: {  	v1 =	vld @!p1 [tilespmem:s29+$0x100];
	_ =	sdelay $0x4  }
0xea: {  	v1 =	vand.u32 @!p1 $0xFFFF, v1  }
0xeb: {  	[tilespmem:$0x2800] =	vst @!p1 v1  }
0xec: {  	v1 =	vld @!p1 [tilespmem:s29+$0x110];
	_ =	sdelay $0x4  }
0xed: {  	v1 =	vand.u32 @!p1 $0xFFFF, v1  }
0xee: {  	[tilespmem:$0x2810] =	vst @!p1 v1  }
0xef: {  	v1 =	vld @!p1 [tilespmem:s29+$0x120];
	_ =	sdelay $0x4  }
0xf0: {  	v1 =	vand.u32 @!p1 $0xFFFF, v1  }
0xf1: {  	[tilespmem:$0x2820] =	vst @!p1 v1  }
0xf2: {  	v1 =	vld @!p1 [tilespmem:s29+$0x130];
	_ =	sdelay $0x4  }
0xf3: {  	v1 =	vand.u32 @!p1 $0xFFFF, v1  }
0xf4: {  	[tilespmem:$0x2830] =	vst @!p1 v1  }
0xf5: {  	v1 =	vld @!p1 [tilespmem:s29+$0x140];
	_ =	sdelay $0x4  }
0xf6: {  	v1 =	vand.u32 @!p1 $0xFFFF, v1  }
0xf7: {  	[tilespmem:$0x2840] =	vst @!p1 v1  }
0xf8: {  	v1 =	vld @!p1 [tilespmem:s29+$0x150];
	_ =	sdelay $0x4  }
0xf9: {  	v1 =	vand.u32 @!p1 $0xFFFF, v1  }
0xfa: {  	[tilespmem:$0x2850] =	vst @!p1 v1  }
0xfb: {  	v1 =	vld @!p1 [tilespmem:s29+$0x160];
	_ =	sdelay $0x4  }
0xfc: {  	v1 =	vand.u32 @!p1 $0xFFFF, v1  }
0xfd: {  	[tilespmem:$0x2860] =	vst @!p1 v1  }
0xfe: {  	v1 =	vld @!p1 [tilespmem:s29+$0x170];
	_ =	sdelay $0x4  }
0xff: {  	v1 =	vand.u32 @!p1 $0xFFFF, v1  }
0x100: {  	s28 =	simm.s32 @!p1 $0x80;
	s30 =	simm.s32 @!p1 $0x2A00;
	s29 =	simm.s32 @!p1 $0x2800;
	[tilespmem:$0x2870] =	vst @!p1 v1  }
0x101: {  	[tilespmem:s30], [sflag:$0x1] =	stream.indirect.gather @!p1 [hbm4b:s1+s28], $0x40, s29, s28, $0xb8;
	[tilespmem:$0x10A00] =	vst v63  }
0x102: {  	_ =	swait.ge [sflag:s21], $0x2000  }
0x103: {  	[sflag:s21] =	ssyncset.done $0x0  }
0x104: {  	[sflag:s21] =	ssyncadd.s32 $0xFFFFE000  }
0x105: {  	v1 =	vld [tilespmem:s26+$0x80];
	_ =	sdelay $0x4  }
0x106: {  	v1 =	vshra.s32 v1, $0x10  }
0x107: {  	[tilespmem:$0x2980] =	vst v1  }
0x108: {  	v1 =	vld [tilespmem:s26+$0x90];
	_ =	sdelay $0x4  }
0x109: {  	v1 =	vshra.s32 v1, $0x10  }
0x10a: {  	[tilespmem:$0x2990] =	vst v1  }
0x10b: {  	v1 =	vld [tilespmem:s26+$0xA0];
	_ =	sdelay $0x4  }
0x10c: {  	v1 =	vshra.s32 v1, $0x10  }
0x10d: {  	[tilespmem:$0x29A0] =	vst v1  }
0x10e: {  	v1 =	vld [tilespmem:s26+$0xB0];
	_ =	sdelay $0x4  }
0x10f: {  	v1 =	vshra.s32 v1, $0x10  }
0x110: {  	[tilespmem:$0x29B0] =	vst v1  }
0x111: {  	v1 =	vld [tilespmem:s26+$0xC0];
	_ =	sdelay $0x4  }
0x112: {  	v1 =	vshra.s32 v1, $0x10  }
0x113: {  	[tilespmem:$0x29C0] =	vst v1  }
0x114: {  	v1 =	vld [tilespmem:s26+$0xD0];
	_ =	sdelay $0x4  }
0x115: {  	v1 =	vshra.s32 v1, $0x10  }
0x116: {  	[tilespmem:$0x29D0] =	vst v1  }
0x117: {  	v1 =	vld [tilespmem:s26+$0xE0];
	_ =	sdelay $0x4  }
0x118: {  	v1 =	vshra.s32 v1, $0x10  }
0x119: {  	[tilespmem:$0x29E0] =	vst v1  }
0x11a: {  	v1 =	vld [tilespmem:s26+$0xF0];
	_ =	sdelay $0x4  }
.Ltmp1:
0x11b: {  	v1 =	vshra.s32 v1, $0x10;
	(pc) =	sbr.rel @p0 .LBB2_4-.Ltmp1, $4  }
0x11c: {  	[tilespmem:$0x29F0] =	vst v1  }
0x11d: {  	[spmem:s3] =	stream.indirect.scatter.add.bf16 [tilespmem:s18], [sflag:$0x3], $0x40, s22, s15, $0xb8;
	[tilespmem:$0x10A00] =	vst v63  }
0x11e: {  	_ =	swait.ge [sflag:s13], $0x2000  }
0x11f: {  	[sflag:s13] =	ssyncset.done $0x0  }
0x120: {  	s25 =	sshra.s32 s24, $0x2;
	[sflag:s13] =	ssyncadd.s32 $0xFFFFE000  }
0x121: {  	v1 =	vld [tilespmem:s25+$0x80];
	_ =	sdelay $0x4  }
0x122: {  	v1 =	vand.u32 $0xFFFF, v1  }
0x123: {  	[tilespmem:$0x2880] =	vst v1  }
0x124: {  	v1 =	vld [tilespmem:s25+$0x90];
	_ =	sdelay $0x4  }
0x125: {  	v1 =	vand.u32 $0xFFFF, v1  }
0x126: {  	[tilespmem:$0x2890] =	vst v1  }
0x127: {  	v1 =	vld [tilespmem:s25+$0xA0];
	_ =	sdelay $0x4  }
0x128: {  	v1 =	vand.u32 $0xFFFF, v1  }
0x129: {  	[tilespmem:$0x28A0] =	vst v1  }
0x12a: {  	v1 =	vld [tilespmem:s25+$0xB0];
	_ =	sdelay $0x4  }
0x12b: {  	v1 =	vand.u32 $0xFFFF, v1  }
0x12c: {  	[tilespmem:$0x28B0] =	vst v1  }
0x12d: {  	v1 =	vld [tilespmem:s25+$0xC0];
	_ =	sdelay $0x4  }
0x12e: {  	v1 =	vand.u32 $0xFFFF, v1  }
0x12f: {  	[tilespmem:$0x28C0] =	vst v1  }
0x130: {  	v1 =	vld [tilespmem:s25+$0xD0];
	_ =	sdelay $0x4  }
0x131: {  	v1 =	vand.u32 $0xFFFF, v1  }
0x132: {  	[tilespmem:$0x28D0] =	vst v1  }
0x133: {  	v1 =	vld [tilespmem:s25+$0xE0];
	_ =	sdelay $0x4  }
0x134: {  	v1 =	vand.u32 $0xFFFF, v1  }
0x135: {  	[tilespmem:$0x28E0] =	vst v1  }
0x136: {  	v1 =	vld [tilespmem:s25+$0xF0];
	_ =	sdelay $0x4  }
0x137: {  	v1 =	vand.u32 $0xFFFF, v1  }
0x138: {  	[tilespmem:$0x28F0] =	vst v1  }
0x139: {  	[tilespmem:s18], [sflag:$0x2] =	stream.indirect.gather [hbm4b:s1+s15], $0x40, s17, s15, $0xb8;
	[tilespmem:$0x10A00] =	vst v63  }
0x13a: {  	_ =	swait.ge [sflag:s19], $0x2000  }
0x13b: {  	[sflag:s19] =	ssyncset.done $0x0  }
0x13c: {  	[sflag:s19] =	ssyncadd.s32 $0xFFFFE000  }
0x13d: {  	v1 =	vld [tilespmem:s25+$0x0];
	_ =	sdelay $0x4  }
0x13e: {  	v1 =	vshra.s32 v1, $0x10  }
0x13f: {  	[tilespmem:$0x2900] =	vst v1  }
0x140: {  	v1 =	vld [tilespmem:s25+$0x10];
	_ =	sdelay $0x4  }
0x141: {  	v1 =	vshra.s32 v1, $0x10  }
0x142: {  	[tilespmem:$0x2910] =	vst v1  }
0x143: {  	v1 =	vld [tilespmem:s25+$0x20];
	_ =	sdelay $0x4  }
0x144: {  	v1 =	vshra.s32 v1, $0x10  }
0x145: {  	[tilespmem:$0x2920] =	vst v1  }
0x146: {  	v1 =	vld [tilespmem:s25+$0x30];
	_ =	sdelay $0x4  }
0x147: {  	v1 =	vshra.s32 v1, $0x10  }
0x148: {  	[tilespmem:$0x2930] =	vst v1  }
0x149: {  	v1 =	vld [tilespmem:s25+$0x40];
	_ =	sdelay $0x4  }
0x14a: {  	v1 =	vshra.s32 v1, $0x10  }
0x14b: {  	[tilespmem:$0x2940] =	vst v1  }
0x14c: {  	v1 =	vld [tilespmem:s25+$0x50];
	_ =	sdelay $0x4  }
0x14d: {  	v1 =	vshra.s32 v1, $0x10  }
0x14e: {  	[tilespmem:$0x2950] =	vst v1  }
0x14f: {  	v1 =	vld [tilespmem:s25+$0x60];
	_ =	sdelay $0x4  }
0x150: {  	v1 =	vshra.s32 v1, $0x10  }
0x151: {  	[tilespmem:$0x2960] =	vst v1  }
0x152: {  	v1 =	vld [tilespmem:s25+$0x70];
	_ =	sdelay $0x4  }
0x153: {  	v1 =	vshra.s32 v1, $0x10  }
0x154: {  	[tilespmem:$0x2970] =	vst v1  }
0x155: {  	[spmem:s3] =	stream.indirect.scatter.add.bf16 [tilespmem:s14], [sflag:$0x3], $0x40, s20, s15, $0xb8;
	[tilespmem:$0x10A00] =	vst v63  }
0x156: {  	_ =	swait.ge [sflag:s13], $0x2000  }
0x157: {  	p0 =	seq.s32 s24, $0x9C00;
	[sflag:s13] =	ssyncset.done $0x0  }
0x158: {  	s24 =	sshra.s32 @!p0 s24, $0x2;
	[sflag:s13] =	ssyncadd.s32 $0xFFFFE000  }
0x159: {  	v1 =	vld @!p0 [tilespmem:s24+$0x100];
	_ =	sdelay $0x4  }
0x15a: {  	v1 =	vand.u32 @!p0 $0xFFFF, v1  }
0x15b: {  	[tilespmem:$0x2800] =	vst @!p0 v1  }
0x15c: {  	v1 =	vld @!p0 [tilespmem:s24+$0x110];
	_ =	sdelay $0x4  }
0x15d: {  	v1 =	vand.u32 @!p0 $0xFFFF, v1  }
0x15e: {  	[tilespmem:$0x2810] =	vst @!p0 v1  }
0x15f: {  	v1 =	vld @!p0 [tilespmem:s24+$0x120];
	_ =	sdelay $0x4  }
0x160: {  	v1 =	vand.u32 @!p0 $0xFFFF, v1  }
0x161: {  	[tilespmem:$0x2820] =	vst @!p0 v1  }
0x162: {  	v1 =	vld @!p0 [tilespmem:s24+$0x130];
	_ =	sdelay $0x4  }
0x163: {  	v1 =	vand.u32 @!p0 $0xFFFF, v1  }
0x164: {  	[tilespmem:$0x2830] =	vst @!p0 v1  }
0x165: {  	v1 =	vld @!p0 [tilespmem:s24+$0x140];
	_ =	sdelay $0x4  }
0x166: {  	v1 =	vand.u32 @!p0 $0xFFFF, v1  }
0x167: {  	[tilespmem:$0x2840] =	vst @!p0 v1  }
0x168: {  	v1 =	vld @!p0 [tilespmem:s24+$0x150];
	_ =	sdelay $0x4  }
0x169: {  	v1 =	vand.u32 @!p0 $0xFFFF, v1  }
0x16a: {  	[tilespmem:$0x2850] =	vst @!p0 v1  }
0x16b: {  	v1 =	vld @!p0 [tilespmem:s24+$0x160];
	_ =	sdelay $0x4  }
0x16c: {  	v1 =	vand.u32 @!p0 $0xFFFF, v1  }
0x16d: {  	[tilespmem:$0x2860] =	vst @!p0 v1  }
0x16e: {  	v1 =	vld @!p0 [tilespmem:s24+$0x170];
	_ =	sdelay $0x4  }
0x16f: {  	v1 =	vand.u32 @!p0 $0xFFFF, v1  }
0x170: {  	s26 =	simm.s32 @!p0 $0x2800;
	s28 =	simm.s32 @!p0 $0x2A00;
	s24 =	simm.s32 @!p0 $0x80;
	[tilespmem:$0x2870] =	vst @!p0 v1  }
0x171: {  	[tilespmem:s28], [sflag:$0x1] =	stream.indirect.gather @!p0 [hbm4b:s1+s24], $0x40, s26, s24, $0xb8;
	[tilespmem:$0x10A00] =	vst v63  }
0x172: {  	_ =	swait.ge [sflag:s21], $0x2000  }
0x173: {  	[sflag:s21] =	ssyncset.done $0x0  }
0x174: {  	[sflag:s21] =	ssyncadd.s32 $0xFFFFE000  }
0x175: {  	v1 =	vld [tilespmem:s25+$0x80];
	_ =	sdelay $0x4  }
0x176: {  	v1 =	vshra.s32 v1, $0x10  }
0x177: {  	[tilespmem:$0x2980] =	vst v1  }
0x178: {  	v1 =	vld [tilespmem:s25+$0x90];
	_ =	sdelay $0x4  }
0x179: {  	v1 =	vshra.s32 v1, $0x10  }
0x17a: {  	[tilespmem:$0x2990] =	vst v1  }
0x17b: {  	v1 =	vld [tilespmem:s25+$0xA0];
	_ =	sdelay $0x4  }
0x17c: {  	v1 =	vshra.s32 v1, $0x10  }
0x17d: {  	[tilespmem:$0x29A0] =	vst v1  }
0x17e: {  	v1 =	vld [tilespmem:s25+$0xB0];
	_ =	sdelay $0x4  }
0x17f: {  	v1 =	vshra.s32 v1, $0x10  }
0x180: {  	[tilespmem:$0x29B0] =	vst v1  }
0x181: {  	v1 =	vld [tilespmem:s25+$0xC0];
	_ =	sdelay $0x4  }
0x182: {  	v1 =	vshra.s32 v1, $0x10  }
0x183: {  	[tilespmem:$0x29C0] =	vst v1  }
0x184: {  	v1 =	vld [tilespmem:s25+$0xD0];
	_ =	sdelay $0x4  }
0x185: {  	v1 =	vshra.s32 v1, $0x10  }
0x186: {  	[tilespmem:$0x29D0] =	vst v1  }
0x187: {  	v1 =	vld [tilespmem:s25+$0xE0];
	_ =	sdelay $0x4  }
0x188: {  	v1 =	vshra.s32 v1, $0x10  }
0x189: {  	[tilespmem:$0x29E0] =	vst v1  }
0x18a: {  	v1 =	vld [tilespmem:s25+$0xF0];
	_ =	sdelay $0x4  }
0x18b: {  	v1 =	vshra.s32 v1, $0x10  }
0x18c: {  	[tilespmem:$0x29F0] =	vst v1  }
0x18d: {  	[spmem:s3] =	stream.indirect.scatter.add.bf16 [tilespmem:s18], [sflag:$0x3], $0x40, s22, s15, $0xb8;
	[tilespmem:$0x10A00] =	vst v63  }
0x18e: {  	_ =	swait.ge [sflag:s13], $0x2000  }
0x18f: {  	s30 =	sshll.u32 s2, $0x6;
	s23 =	sadd.s32 $0x1, s23;
	[sflag:s13] =	ssyncset.done $0x0  }
0x190: {  	s31 =	sshrl.u32 s6, $0x3;
	p0 =	sne.s32 s23, s12;
	[sflag:s13] =	ssyncadd.s32 $0xFFFFE000  }
.Ltmp2:
0x191: {  	s24 =	sor.u32 $0x1C03, s30;
	[bflag:$0x0] =	sbarrier.arrive $0xFFFF;
	(pc) =	sbr.rel @p0 .LBB2_1-.Ltmp2, $4  }
0x192: {  	[hbm:s11], [sflag:s24] =	dma.local [spmem:s31], $0x1400  }
0x193: {  	_ =	swait.ge [sflag:s13], $0x1400  }
0x194: {  	[sflag:s13] =	ssyncset.done $0x0  }
0x195: {  	[sflag:s13] =	ssyncadd.s32 $0xFFFFEC00  }
0x196: {  	_ =	sfence.sel $0x180000  }
0x197: {  	[bflag:$0x0] =	sbarrier.arrive $0xFFFF  }
0x198: {  	p0 =	sne.s32 s2, $0x0;
	_ =	strace $0x90000047  }
0x199: {  	s0 =	sadd.s32 @!p0 $0x100000, s0;
	[bflag:$0x2] =	sbarrier.arrive $0xFFFF  }
0x19a: {  	[sflag:s0] =	ssyncadd.tile.s32 @!p0 $0x1;
	_ =	shalt  }
.Lfunc_end2:
_tile_overlayer_lowered:
.L_overlay_start_2:
0x19b: {  	(tag) =	ssettag $0x2  }
0x19c: {  	s0 =	rddreg [dreg:$0x0];
	s2 =	stileid.u32  }
0x19d: {  	s1 =	rddreg [dreg:$0x1];
	p0 =	sne.s32 s2, $0x0  }
0x19e: {  	s3 =	rddreg [dreg:$0x2];
	[bflag:$0x3] =	sbarrier.arrive $0xFFFF;
	s2 =	simm.s32 @!p0 $0x1C03  }
0x19f: {  	[timem:s3], [sflag:s2] =	dma.local @!p0 [hbm:s0], s1  }
0x1a0: {  	s0 =	simm.s32 @!p0 $0x3  }
0x1a1: {  	_ =	swait.ge @!p0 [sflag:s0], s1  }
0x1a2: {  	s1 =	ssub.s32 @!p0 $0x0, s1;
	[sflag:s0] =	ssyncset.done @!p0 $0x0  }
0x1a3: {  	[sflag:s0] =	ssyncadd.s32 @!p0 s1  }
0x1a4: {  	[bflag:$0x3] =	sbarrier.arrive $0xFFFF  }
0x1a5: {  	_ =	shalt  }

// kernel: kernel.16.cloned.1.call-start
scs
__scs_entry_jumppad:
0x0: {  	(pc) =	sbr.rel $0x88, $3  }
0x1: {  	(tag) =	ssettag $0x0;
	lr =	simm.s32 $0x1  }
0x2: {  	[smem:$0x3F96] =	sst lr;
	_ =	strace $0xD0000000  }
0x3: {  	_ = 	snop  }
0x4: {  	_ = 	snop  }
0x5: {  	_ = 	snop  }
0x6: {  	_ = 	snop  }
0x7: {  	_ = 	snop  }
__scs_overlays_trampoline_lowered:
0x8: {  	[smem:$0x3FA5] =	sst s0  }
0x9: {  	[smem:$0x3FA6] =	sst s1  }
0xa: {  	[smem:$0x3FA7] =	sst s2  }
0xb: {  	[smem:$0x3FA8] =	sst s3  }
0xc: {  	[smem:$0x3FA9] =	sst s4  }
0xd: {  	[smem:$0x3FAA] =	sst s5  }
0xe: {  	[smem:$0x3FAB] =	sst s6  }
0xf: {  	[smem:$0x3FAC] =	sst s7  }
0x10: {  	[smem:$0x3FAD] =	sst s8  }
0x11: {  	[smem:$0x3FAE] =	sst s9;
	s0 =	simm.s32 @!p0 $0x0  }
0x12: {  	s1 =	sld [smem:$0x3F94];
	s0 =	simm.s32 @p0 $0x1  }
0x13: {  	[smem:$0x3FAF] =	sst s0;
	s0 =	simm.s32 @!p1 $0x0  }
0x14: {  	s2 =	sld [smem:$0x3F93];
	s0 =	simm.s32 @p1 $0x1  }
0x15: {  	[smem:$0x3FB0] =	sst s0;
	s0 =	simm.s32 @!p2 $0x0  }
0x16: {  	s3 =	sld [smem:$0x3FDB];
	s0 =	simm.s32 @p2 $0x1  }
0x17: {  	s4 =	simm.s32 $0x1BF5;
	[smem:$0x3FB2] =	sst s0  }
0x18: {  	s0 =	sld [smem:$0x3F95];
	_ =	swait.ge [sflag:s4], $0x0  }
0x19: {  	s7 =	sld [smem:$0x3F96]  }
0x1a: {  	s8 =	sadd.s32 $0xFFFFE003, lr  }
0x1b: {  	s9 =	sadd.s32 $0xFFFFFEF7, lr;
	s5 =	simm.s32 $0xFFFFFFFF;
	p2 =	slt.u32 s8, $0xFFFFF086  }
0x1c: {  	p1 =	slt.u32 s9, $0xF7A;
	s5 =	simm.s32 @!p2 $0x0  }
0x1d: {  	s5 =	simm.s32 @p1 $0x1;
	p0 =	seq.s32 s7, s2  }
0x1e: {  	s7 =	smul.u32 @!p0 $0xF7A, s2;
	p2 =	seq.s32 @!p0 s5, $0x0  }
0x1f: {  	s9 =	smul.u32 $0xF7A, s1;
	s8 =	simm.s32 @!p0 $0x1BF5;
	p2 =	por !p2, p0  }
0x20: {  	[sflag:s8] =	ssyncset.s32 @!p0 $0xFFFFF086;
	s6 =	sadd.s32 @!p0 s3, s7;
	s7 =	simm.s32 @!p0 $0x108  }
0x21: {  	s3 =	sadd.s32 s3, s9;
	s6 =	sadd.s32 @!p0 $0x88, s6;
	s7 =	simm.s32 @p2 $0x1082  }
0x22: {  	[simem:s7], [sflag:s8] =	dma.local @!p0 [hbm:s6], $0xF7A  }
0x23: {  	s9 =	sor.u32 $0xD0000000, s2;
	s6 =	simm.s32 $0x108;
	_ =	swait.ge @!p0 [sflag:s8], $0x0  }
0x24: {  	s3 =	sadd.s32 $0x88, s3;
	s6 =	simm.s32 @!p1 $0x1082;
	[sflag:s4] =	ssyncset.s32 $0xFFFFF086  }
0x25: {  	[simem:s6], [sflag:s4] =	dma.local [hbm:s3], $0xF7A  }
0x26: {  	[smem:$0x3F96] =	sst s1;
	(tag) =	ssettag s2;
	_ =	strace s9  }
0x27: {  	s1 =	sld [smem:$0x3FA6]  }
0x28: {  	s2 =	sld [smem:$0x3FA7]  }
0x29: {  	s4 =	sld [smem:$0x3FA9]  }
0x2a: {  	p0 =	seq.s32 s5, $0x0;
	s5 =	sld [smem:$0x3FAA]  }
0x2b: {  	s6 =	sld [smem:$0x3FAB]  }
0x2c: {  	s7 =	sld [smem:$0x3FAC]  }
0x2d: {  	s3 =	simm.s32 $0x108;
	s8 =	sld [smem:$0x3FAD]  }
0x2e: {  	s3 =	simm.s32 @!p0 $0x1082;
	s9 =	sld [smem:$0x3FAE]  }
0x2f: {  	lr =	sadd.s32 s0, s3;
	s0 =	sld [smem:$0x3FA5]  }
0x30: {  	s3 =	sld [smem:$0x3FA8]  }
0x31: {  	[smem:$0x3FB1] =	sst s10  }
0x32: {  	s10 =	sld [smem:$0x3FAF];
	_ =	sdelay $0x3  }
0x33: {  	p0 =	seq.s32 s10, $0x1;
	s10 =	sld [smem:$0x3FB1];
	_ =	sdelay $0x3  }
0x34: {  	[smem:$0x3FB1] =	sst s10  }
0x35: {  	s10 =	sld [smem:$0x3FB0];
	_ =	sdelay $0x3  }
0x36: {  	p1 =	seq.s32 s10, $0x1;
	s10 =	sld [smem:$0x3FB1];
	_ =	sdelay $0x3  }
0x37: {  	[smem:$0x3FB1] =	sst s10  }
0x38: {  	s10 =	sld [smem:$0x3FB2]  }
0x39: {  	_ = 	snop;
	(pc) =	sbr.ind lr, $3  }
0x3a: {  	_ = 	snop  }
0x3b: {  	_ = 	snop  }
0x3c: {  	p2 =	seq.s32 s10, $0x1;
	s10 =	sld [smem:$0x3FB1]  }
0x3d: {  	_ =	shalt  }
0x3e: {  	_ =	shalt  }
0x3f: {  	_ =	shalt  }
0x40: {  	_ =	shalt  }
0x41: {  	_ =	shalt  }
0x42: {  	_ =	shalt  }
0x43: {  	_ =	shalt  }
0x44: {  	_ =	shalt  }
0x45: {  	_ =	shalt  }
0x46: {  	_ =	shalt  }
0x47: {  	_ =	shalt  }
0x48: {  	_ =	shalt  }
0x49: {  	_ =	shalt  }
0x4a: {  	_ =	shalt  }
0x4b: {  	_ =	shalt  }
0x4c: {  	_ =	shalt  }
0x4d: {  	_ =	shalt  }
0x4e: {  	_ =	shalt  }
0x4f: {  	_ =	shalt  }
0x50: {  	_ =	shalt  }
0x51: {  	_ =	shalt  }
0x52: {  	_ =	shalt  }
0x53: {  	_ =	shalt  }
0x54: {  	_ =	shalt  }
0x55: {  	_ =	shalt  }
0x56: {  	_ =	shalt  }
0x57: {  	_ =	shalt  }
0x58: {  	_ =	shalt  }
0x59: {  	_ =	shalt  }
0x5a: {  	_ =	shalt  }
0x5b: {  	_ =	shalt  }
0x5c: {  	_ =	shalt  }
0x5d: {  	_ =	shalt  }
0x5e: {  	_ =	shalt  }
0x5f: {  	_ =	shalt  }
0x60: {  	_ =	shalt  }
0x61: {  	_ =	shalt  }
0x62: {  	_ =	shalt  }
0x63: {  	_ =	shalt  }
0x64: {  	_ =	shalt  }
0x65: {  	_ =	shalt  }
0x66: {  	_ =	shalt  }
0x67: {  	_ =	shalt  }
0x68: {  	_ =	shalt  }
0x69: {  	_ =	shalt  }
0x6a: {  	_ =	shalt  }
0x6b: {  	_ =	shalt  }
0x6c: {  	_ =	shalt  }
0x6d: {  	_ =	shalt  }
0x6e: {  	_ =	shalt  }
0x6f: {  	_ =	shalt  }
0x70: {  	_ =	shalt  }
0x71: {  	_ =	shalt  }
0x72: {  	_ =	shalt  }
0x73: {  	_ =	shalt  }
0x74: {  	_ =	shalt  }
0x75: {  	_ =	shalt  }
0x76: {  	_ =	shalt  }
0x77: {  	_ =	shalt  }
0x78: {  	_ =	shalt  }
0x79: {  	_ =	shalt  }
0x7a: {  	_ =	shalt  }
0x7b: {  	_ =	shalt  }
0x7c: {  	_ =	shalt  }
0x7d: {  	_ =	shalt  }
0x7e: {  	_ =	shalt  }
0x7f: {  	_ =	shalt  }
0x80: {  	_ =	shalt  }
0x81: {  	_ =	shalt  }
0x82: {  	_ =	shalt  }
0x83: {  	_ =	shalt  }
0x84: {  	_ =	shalt  }
0x85: {  	_ =	shalt  }
0x86: {  	_ =	shalt  }
0x87: {  	_ =	shalt  }
.Lfunc_end0:
.L_simem_size_0:
called_computation.2_lowered:
.L_overlay_start_0:
0x88: {  	s2 =	sld [smem:$0x3FD9]  }
0x89: {  	s3 =	sld [smem:$0x3FFE];
	_ =	sdelay $0x1  }
0x8a: {  	s1 =	srdreg.scid  }
0x8b: {  	s0 =	sand.u32 $0x1, s1  }
0x8c: {  	s17 =	sshll.u32 s0, $0xA;
	s2 =	sadd.s32 s3, s2  }
0x8d: {  	s2 =	sadd.s32 s2, s17  }
0x8e: {  	[smem:$0x3FBD] =	sst s2  }
0x8f: {  	_ = 	snop  }
0x90: {  	s2 =	sld [smem:$0x3FD0];
	(tm) =	ssettm $0x1  }
0x91: {  	s18 =	sld [smem:$0x3FFB];
	_ =	sdelay $0x3  }
0x92: {  	_ =	strace s18  }
0x93: {  	s3 =	sld [smem:$0x3FFC];
	_ =	sdelay $0x3  }
0x94: {  	_ =	strace s3  }
0x95: {  	s3 =	sld [smem:$0x3FFD];
	_ =	sdelay $0x3  }
0x96: {  	_ =	strace s3  }
0x97: {  	_ =	strace $0x8FFFFFFF  }
0x98: {  	s19 =	sld [smem:$0x3FDB];
	_ =	sdelay $0x1  }
0x99: {  	s4 =	simm.s32 $_scs_section_size  }
0x9a: {  	s5 =	simm.s32 $_size__tile_overlayer_lowered;
	s6 =	simm.s32 $_tile_overlayer_lowered  }
0x9b: {  	s22 =	simm.s32 $0x1BFF;
	s21 =	sshll.u32 s6, $0x1;
	s3 =	sadd.s32 s4, s19  }
0x9c: {  	s7 =	simm.s32 $0x0;
	s20 =	sshll.u32 s5, $0x1;
	s5 =	sadd.s32 s21, s3  }
0x9d: {  	[timem:s7], [sflag:s22] =	dma.local [hbm:s5], s20  }
0x9e: {  	_ =	swait.ge [sflag:s22], s20  }
0x9f: {  	s4 =	ssub.s32 $0x0, s20;
	[sflag:s22] =	ssyncset.done $0x0  }
0xa0: {  	[sflag:s22] =	ssyncadd.s32 s4;
	_ =	sdelay $0x1  }
0xa1: {  	s23 =	simm.s32 $0x1B8B  }
0xa2: {  	_ =	swait.ge [sflag:s23], $0x1  }
0xa3: {  	[sflag:s23] =	ssyncset.done $0x0  }
0xa4: {  	s25 =	simm.s32 $0x1B8E;
	s24 =	sld [smem:$0x3FFE];
	[sflag:s23] =	ssyncadd.s32 $0xFFFFFFFF  }
0xa5: {  	s26 =	simm.s32 $execute0_lowered;
	[smem:$0x3FD2] =	sst s25  }
0xa6: {  	s5 =	sshll.u32 s26, $0x1;
	_ =	strace $0x8000004C;
	[dreg:$0x1] =	wrdreg $0xFFFFFFFF  }
0xa7: {  	s28 =	simm.s32 $_size_execute0_lowered;
	s3 =	sadd.s32 s3, s5;
	[dreg:$0x0] =	wrdreg $0x0  }
0xa8: {  	s5 =	sshll.u32 s28, $0x1;
	[dreg:$0x2] =	wrdreg s3  }
0xa9: {  	[dreg:$0x3] =	wrdreg s5  }
0xaa: {  	[dreg:$0x4] =	wrdreg $0xC0  }
0xab: {  	_ =	task [dreg:s7], $0x5FFFF  }
0xac: {  	[dreg:$0x1] =	wrdreg $0xFFFFFFFF  }
0xad: {  	[dreg:$0x0] =	wrdreg $0x60  }
0xae: {  	[dreg:$0x2] =	wrdreg s2  }
0xaf: {  	[dreg:$0x3] =	wrdreg s24  }
0xb0: {  	[dreg:$0x4] =	wrdreg $0x6A000  }
0xb1: {  	[dreg:$0x5] =	wrdreg $0x9  }
0xb2: {  	_ =	task.clear_ibuf [dreg:s7], $0x6FFFF;
	_ =	strace $0x9000004C  }
0xb3: {  	s29 =	simm.s32 $0x9;
	_ =	strace $0x8000004E  }
0xb4: {  	_ =	swait.ge [sflag:s29], $0x1  }
0xb5: {  	[sflag:s29] =	ssyncadd.s32 $0xFFFFFFFF  }
0xb6: {  	_ =	strace $0x9000004E  }
0xb7: {  	_ =	sfence  }
0xb8: {  	s30 =	sld [smem:$0x0];
	_ =	sdelay $0x2  }
0xb9: {  	s31 =	sshll.u32 s1, $0xD;
	s1 =	sshrl.u32 s1, $0x2  }
0xba: {  	s3 =	sand.u32 $0x4000, s31;
	s1 =	sadd.s32 s1, s30  }
0xbb: {  	s0 =	sor.u32 s3, s0;
	s1 =	sshll.u32 s1, $0x11  }
0xbc: {  	s0 =	sor.u32 s1, s0  }
0xbd: {  	s0 =	sadd.s32 $0x8F2B, s0  }
0xbe: {  	[sflag:s0] =	ssyncadd.remote.s32 $0x1  }
0xbf: {  	_ =	sfence.sel $0xFFFF  }
0xc0: {  	[dreg:$0x0] =	wrdreg $0xFFFFFFFF;
	(pc) =	sbr.abs _section_cstart, $3  }
0xc1: {  	[dreg:$0x1] =	wrdreg $0xFFFFFFFF  }
0xc2: {  	_ =	task.clear_ibuf [dreg:s7], $0x2FFFF;
	_ =	strace $0x9FFFFFFF  }
0xc3: {  	(tm) =	ssettm $0x7FFFFFFF  }
tec
execute0_lowered:
.L_overlay_start_1:
0x0: {  	(tag) =	ssettag $0x1  }
0x1: {  	s1 =	rddreg [dreg:$0x0]  }
0x2: {  	s5 =	rddreg [dreg:$0x1]  }
0x3: {  	s3 =	rddreg [dreg:$0x2];
	s4 =	srdreg.scid  }
0x4: {  	s0 =	rddreg [dreg:$0x3];
	s2 =	stileid.u32  }
0x5: {  	s14 =	simm.s32 $0x2A00;
	s15 =	simm.s32 $0x80;
	s16 =	simm.s32 $0x2800  }
0x6: {  	s17 =	simm.s32 $0x2880;
	s18 =	simm.s32 $0x4A00;
	s19 =	simm.s32 $0x1  }
0x7: {  	s20 =	simm.s32 $0x2900;
	s21 =	simm.s32 $0x2;
	s22 =	simm.s32 $0x2980  }
0x8: {  	s23 =	simm.s32 $0x0;
	s6 =	sand.u32 $0x1, s4;
	s8 =	smul.u32 $0x14000, s2  }
0x9: {  	s4 =	simm.s32 $0x0;
	s10 =	smul.u32 $0x28000, s2;
	s7 =	sshll.u32 s6, $0x4  }
0xa: {  	[smem:$0x7FF] =	sst s4;
	s9 =	smul.u32 $0x140000, s6;
	s6 =	ssub.s32 $0x2, s6  }
0xb: {  	s7 =	sor.u32 s2, s7;
	_ =	strace $0x8000004D;
	s11 =	sshrl.u32 s6, $0x1  }
0xc: {  	s30 =	sshrl.u32 s10, $0x2;
	s31 =	sshrl.u32 s8, $0x1;
	s7 =	smul.u32 $0x500, s7  }
0xd: {  	s9 =	sadd.s32 s8, s9;
	s13 =	ssub.s32 s6, s11;
	s10 =	sadd.s32 s30, s3  }
0xe: {  	s6 =	sadd.s32 s31, s3;
	s9 =	sshrl.u32 s9, $0x4;
	s8 =	sadd.s32 $0x4000, s10  }
0xf: {  	s7 =	sadd.s32 s7, s5;
	s12 =	sadd.s32 s9, s5;
	s9 =	sadd.s32 $0x6000, s10  }
0x10: {  	s5 =	sadd.s32 $0x3000, s7;
	s7 =	sadd.s32 $0x2000, s10;
	s10 =	sadd.s32 $0x8000, s10  }
0x11: {  	v0 =	vimm.bf16 $0.0e+00;
	s11 =	sadd.s32 $0xD000, s12;
	s12 =	smax.u32 s13, $0x1;
	s13 =	simm.s32 $0x3  }
.LBB2_1:
0x12: {  	[tilespmem:s4], [sflag:$0x3] =	stream.linear.gather [hbm4b:s5+s4], $0x2800, $0x38;
	[tilespmem:$0x10A00] =	vst v63  }
0x13: {  	_ =	swait.ge [sflag:s13], $0x2800  }
0x14: {  	s25 =	sand.u32 $0x7FC0, s4;
	[sflag:s13] =	ssyncset.done $0x0  }
0x15: {  	s24 =	simm.s32 $0x40;
	s25 =	sshrl.u32 s25, $0x2;
	[sflag:s13] =	ssyncadd.s32 $0xFFFFD800  }
.LBB2_2:
0x16: {  	p0 =	sne.s32 s24, $0x7FC0;
	[tilespmem:s25+$0x2A00] =	vst v0;
	s25 =	smov.u32 s24;
	s24 =	sadd.s32 $0x40, s24  }
.Ltmp0:
0x17: {  	(pc) =	sbr.rel @p0 .LBB2_2-.Ltmp0, $3  }
0x18: {  	_ =	sdelay $0x1  }
0x19: {  	s25 =	sand.u32 $0x7FC0, s25  }
0x1a: {  	s25 =	sshrl.u32 s25, $0x2  }
0x1b: {  	[tilespmem:s25+$0x2A00] =	vst v0  }
0x1c: {  	[spmem:s6] =	stream.linear.scatter [tilespmem:s14], [sflag:$0x3], $0x2000, $0x38;
	[tilespmem:$0x10A00] =	vst v63  }
0x1d: {  	_ =	swait.ge [sflag:s13], $0x2000  }
0x1e: {  	[sflag:s13] =	ssyncset.done $0x0  }
0x1f: {  	[sflag:s13] =	ssyncadd.s32 $0xFFFFE000  }
0x20: {  	[spmem:s7] =	stream.linear.scatter [tilespmem:s14], [sflag:$0x3], $0x2000, $0x38;
	[tilespmem:$0x10A00] =	vst v63  }
0x21: {  	_ =	swait.ge [sflag:s13], $0x2000  }
0x22: {  	[sflag:s13] =	ssyncset.done $0x0  }
0x23: {  	[sflag:s13] =	ssyncadd.s32 $0xFFFFE000  }
0x24: {  	[spmem:s8] =	stream.linear.scatter [tilespmem:s14], [sflag:$0x3], $0x2000, $0x38;
	[tilespmem:$0x10A00] =	vst v63  }
0x25: {  	_ =	swait.ge [sflag:s13], $0x2000  }
0x26: {  	[sflag:s13] =	ssyncset.done $0x0  }
0x27: {  	[sflag:s13] =	ssyncadd.s32 $0xFFFFE000  }
0x28: {  	[spmem:s9] =	stream.linear.scatter [tilespmem:s14], [sflag:$0x3], $0x2000, $0x38;
	[tilespmem:$0x10A00] =	vst v63  }
0x29: {  	_ =	swait.ge [sflag:s13], $0x2000  }
0x2a: {  	[sflag:s13] =	ssyncset.done $0x0  }
0x2b: {  	[sflag:s13] =	ssyncadd.s32 $0xFFFFE000  }
0x2c: {  	[spmem:s10] =	stream.linear.scatter [tilespmem:s14], [sflag:$0x3], $0x2000, $0x38;
	[tilespmem:$0x10A00] =	vst v63  }
0x2d: {  	_ =	swait.ge [sflag:s13], $0x2000  }
0x2e: {  	[sflag:s13] =	ssyncset.done $0x0  }
0x2f: {  	[sflag:s13] =	ssyncadd.s32 $0xFFFFE000  }
0x30: {  	[bflag:$0x0] =	sbarrier.arrive $0xFFFF  }
0x31: {  	v1 =	vld [tilespmem:$0x0]  }
0x32: {  	v2 =	vld [tilespmem:$0x10]  }
0x33: {  	v3 =	vld [tilespmem:$0x20]  }
0x34: {  	v4 =	vld [tilespmem:$0x30]  }
0x35: {  	v5 =	vld [tilespmem:$0x40]  }
0x36: {  	v6 =	vld [tilespmem:$0x50];
	v1 =	vand.u32 $0xFFFF, v1  }
0x37: {  	[tilespmem:$0x2800] =	vst v1;
	v1 =	vand.u32 $0xFFFF, v2;
	v2 =	vld [tilespmem:$0x60]  }
0x38: {  	[tilespmem:$0x2810] =	vst v1;
	v1 =	vand.u32 $0xFFFF, v3;
	v3 =	vld [tilespmem:$0x70]  }
0x39: {  	[tilespmem:$0x2820] =	vst v1;
	v1 =	vand.u32 $0xFFFF, v4  }
0x3a: {  	[tilespmem:$0x2830] =	vst v1;
	v1 =	vand.u32 $0xFFFF, v5  }
0x3b: {  	[tilespmem:$0x2840] =	vst v1;
	v1 =	vand.u32 $0xFFFF, v6  }
0x3c: {  	[tilespmem:$0x2850] =	vst v1;
	v1 =	vand.u32 $0xFFFF, v2  }
0x3d: {  	[tilespmem:$0x2860] =	vst v1;
	v1 =	vand.u32 $0xFFFF, v3  }
0x3e: {  	s24 =	simm.s32 $0x0;
	[tilespmem:$0x2870] =	vst v1  }
0x3f: {  	[tilespmem:s14], [sflag:$0x1] =	stream.indirect.gather [hbm4b:s1+s15], $0x40, s16, s15, $0xb8;
	[tilespmem:$0x10A00] =	vst v63  }
0x40: {  	v1 =	vld [tilespmem:s24+$0x80];
	_ =	sdelay $0x4  }
0x41: {  	v1 =	vand.u32 $0xFFFF, v1  }
0x42: {  	[tilespmem:$0x2880] =	vst v1  }
0x43: {  	v1 =	vld [tilespmem:s24+$0x90];
	_ =	sdelay $0x4  }
0x44: {  	v1 =	vand.u32 $0xFFFF, v1  }
0x45: {  	[tilespmem:$0x2890] =	vst v1  }
0x46: {  	v1 =	vld [tilespmem:s24+$0xA0];
	_ =	sdelay $0x4  }
0x47: {  	v1 =	vand.u32 $0xFFFF, v1  }
0x48: {  	[tilespmem:$0x28A0] =	vst v1  }
0x49: {  	v1 =	vld [tilespmem:s24+$0xB0];
	_ =	sdelay $0x4  }
0x4a: {  	v1 =	vand.u32 $0xFFFF, v1  }
0x4b: {  	[tilespmem:$0x28B0] =	vst v1  }
0x4c: {  	v1 =	vld [tilespmem:s24+$0xC0];
	_ =	sdelay $0x4  }
0x4d: {  	v1 =	vand.u32 $0xFFFF, v1  }
0x4e: {  	[tilespmem:$0x28C0] =	vst v1  }
0x4f: {  	v1 =	vld [tilespmem:s24+$0xD0];
	_ =	sdelay $0x4  }
0x50: {  	v1 =	vand.u32 $0xFFFF, v1  }
0x51: {  	[tilespmem:$0x28D0] =	vst v1  }
0x52: {  	v1 =	vld [tilespmem:s24+$0xE0];
	_ =	sdelay $0x4  }
0x53: {  	v1 =	vand.u32 $0xFFFF, v1  }
0x54: {  	[tilespmem:$0x28E0] =	vst v1  }
0x55: {  	v1 =	vld [tilespmem:s24+$0xF0];
	_ =	sdelay $0x4  }
0x56: {  	v1 =	vand.u32 $0xFFFF, v1  }
0x57: {  	[tilespmem:$0x28F0] =	vst v1  }
0x58: {  	[tilespmem:s18], [sflag:$0x2] =	stream.indirect.gather [hbm4b:s1+s15], $0x40, s17, s15, $0xb8;
	[tilespmem:$0x10A00] =	vst v63  }
0x59: {  	_ =	swait.ge [sflag:s19], $0x2000  }
0x5a: {  	[sflag:s19] =	ssyncset.done $0x0  }
0x5b: {  	[sflag:s19] =	ssyncadd.s32 $0xFFFFE000  }
0x5c: {  	v1 =	vld [tilespmem:s24+$0x0];
	_ =	sdelay $0x4  }
0x5d: {  	v1 =	vshra.s32 v1, $0x10  }
0x5e: {  	[tilespmem:$0x2900] =	vst v1  }
0x5f: {  	v1 =	vld [tilespmem:s24+$0x10];
	_ =	sdelay $0x4  }
0x60: {  	v1 =	vshra.s32 v1, $0x10  }
0x61: {  	[tilespmem:$0x2910] =	vst v1  }
0x62: {  	v1 =	vld [tilespmem:s24+$0x20];
	_ =	sdelay $0x4  }
0x63: {  	v1 =	vshra.s32 v1, $0x10  }
0x64: {  	[tilespmem:$0x2920] =	vst v1  }
0x65: {  	v1 =	vld [tilespmem:s24+$0x30];
	_ =	sdelay $0x4  }
0x66: {  	v1 =	vshra.s32 v1, $0x10  }
0x67: {  	[tilespmem:$0x2930] =	vst v1  }
0x68: {  	v1 =	vld [tilespmem:s24+$0x40];
	_ =	sdelay $0x4  }
0x69: {  	v1 =	vshra.s32 v1, $0x10  }
0x6a: {  	[tilespmem:$0x2940] =	vst v1  }
0x6b: {  	v1 =	vld [tilespmem:s24+$0x50];
	_ =	sdelay $0x4  }
0x6c: {  	v1 =	vshra.s32 v1, $0x10  }
0x6d: {  	[tilespmem:$0x2950] =	vst v1  }
0x6e: {  	v1 =	vld [tilespmem:s24+$0x60];
	_ =	sdelay $0x4  }
0x6f: {  	v1 =	vshra.s32 v1, $0x10  }
0x70: {  	[tilespmem:$0x2960] =	vst v1  }
0x71: {  	v1 =	vld [tilespmem:s24+$0x70];
	_ =	sdelay $0x4  }
0x72: {  	v1 =	vshra.s32 v1, $0x10  }
0x73: {  	[tilespmem:$0x2970] =	vst v1  }
0x74: {  	[spmem:s3] =	stream.indirect.scatter.add.bf16 [tilespmem:s14], [sflag:$0x3], $0x40, s20, s15, $0xb8;
	[tilespmem:$0x10A00] =	vst v63  }
0x75: {  	_ =	swait.ge [sflag:s13], $0x2000  }
0x76: {  	p0 =	por $0x0, $0x0;
	[sflag:s13] =	ssyncset.done $0x0  }
0x77: {  	s25 =	simm.s32 @!p0 $0x0;
	[sflag:s13] =	ssyncadd.s32 $0xFFFFE000  }
0x78: {  	v1 =	vld @!p0 [tilespmem:s25+$0x100];
	_ =	sdelay $0x4  }
0x79: {  	v1 =	vand.u32 @!p0 $0xFFFF, v1  }
0x7a: {  	[tilespmem:$0x2800] =	vst @!p0 v1  }
0x7b: {  	v1 =	vld @!p0 [tilespmem:s25+$0x110];
	_ =	sdelay $0x4  }
0x7c: {  	v1 =	vand.u32 @!p0 $0xFFFF, v1  }
0x7d: {  	[tilespmem:$0x2810] =	vst @!p0 v1  }
0x7e: {  	v1 =	vld @!p0 [tilespmem:s25+$0x120];
	_ =	sdelay $0x4  }
0x7f: {  	v1 =	vand.u32 @!p0 $0xFFFF, v1  }
0x80: {  	[tilespmem:$0x2820] =	vst @!p0 v1  }
0x81: {  	v1 =	vld @!p0 [tilespmem:s25+$0x130];
	_ =	sdelay $0x4  }
0x82: {  	v1 =	vand.u32 @!p0 $0xFFFF, v1  }
0x83: {  	[tilespmem:$0x2830] =	vst @!p0 v1  }
0x84: {  	v1 =	vld @!p0 [tilespmem:s25+$0x140];
	_ =	sdelay $0x4  }
0x85: {  	v1 =	vand.u32 @!p0 $0xFFFF, v1  }
0x86: {  	[tilespmem:$0x2840] =	vst @!p0 v1  }
0x87: {  	v1 =	vld @!p0 [tilespmem:s25+$0x150];
	_ =	sdelay $0x4  }
0x88: {  	v1 =	vand.u32 @!p0 $0xFFFF, v1  }
0x89: {  	[tilespmem:$0x2850] =	vst @!p0 v1  }
0x8a: {  	v1 =	vld @!p0 [tilespmem:s25+$0x160];
	_ =	sdelay $0x4  }
0x8b: {  	v1 =	vand.u32 @!p0 $0xFFFF, v1  }
0x8c: {  	[tilespmem:$0x2860] =	vst @!p0 v1  }
0x8d: {  	v1 =	vld @!p0 [tilespmem:s25+$0x170];
	_ =	sdelay $0x4  }
0x8e: {  	v1 =	vand.u32 @!p0 $0xFFFF, v1  }
0x8f: {  	s26 =	simm.s32 @!p0 $0x2800;
	s28 =	simm.s32 @!p0 $0x2A00;
	s25 =	simm.s32 @!p0 $0x80;
	[tilespmem:$0x2870] =	vst @!p0 v1  }
0x90: {  	[tilespmem:s28], [sflag:$0x1] =	stream.indirect.gather @!p0 [hbm4b:s1+s25], $0x40, s26, s25, $0xb8;
	[tilespmem:$0x10A00] =	vst v63  }
0x91: {  	_ =	swait.ge [sflag:s21], $0x2000  }
0x92: {  	[sflag:s21] =	ssyncset.done $0x0  }
0x93: {  	[sflag:s21] =	ssyncadd.s32 $0xFFFFE000  }
0x94: {  	v1 =	vld [tilespmem:s24+$0x80];
	_ =	sdelay $0x4  }
0x95: {  	v1 =	vshra.s32 v1, $0x10  }
0x96: {  	[tilespmem:$0x2980] =	vst v1  }
0x97: {  	v1 =	vld [tilespmem:s24+$0x90];
	_ =	sdelay $0x4  }
0x98: {  	v1 =	vshra.s32 v1, $0x10  }
0x99: {  	[tilespmem:$0x2990] =	vst v1  }
0x9a: {  	v1 =	vld [tilespmem:s24+$0xA0];
	_ =	sdelay $0x4  }
0x9b: {  	v1 =	vshra.s32 v1, $0x10  }
0x9c: {  	[tilespmem:$0x29A0] =	vst v1  }
0x9d: {  	v1 =	vld [tilespmem:s24+$0xB0];
	_ =	sdelay $0x4  }
0x9e: {  	v1 =	vshra.s32 v1, $0x10  }
0x9f: {  	[tilespmem:$0x29B0] =	vst v1  }
0xa0: {  	v1 =	vld [tilespmem:s24+$0xC0];
	_ =	sdelay $0x4  }
0xa1: {  	v1 =	vshra.s32 v1, $0x10  }
0xa2: {  	[tilespmem:$0x29C0] =	vst v1  }
0xa3: {  	v1 =	vld [tilespmem:s24+$0xD0];
	_ =	sdelay $0x4  }
0xa4: {  	v1 =	vshra.s32 v1, $0x10  }
0xa5: {  	[tilespmem:$0x29D0] =	vst v1  }
0xa6: {  	v1 =	vld [tilespmem:s24+$0xE0];
	_ =	sdelay $0x4  }
0xa7: {  	v1 =	vshra.s32 v1, $0x10  }
0xa8: {  	[tilespmem:$0x29E0] =	vst v1  }
0xa9: {  	v1 =	vld [tilespmem:s24+$0xF0];
	_ =	sdelay $0x4  }
0xaa: {  	v1 =	vshra.s32 v1, $0x10  }
0xab: {  	[tilespmem:$0x29F0] =	vst v1  }
0xac: {  	[spmem:s3] =	stream.indirect.scatter.add.bf16 [tilespmem:s18], [sflag:$0x3], $0x40, s22, s15, $0xb8;
	[tilespmem:$0x10A00] =	vst v63  }
0xad: {  	_ =	swait.ge [sflag:s13], $0x2000  }
0xae: {  	s25 =	simm.s32 $0x800;
	s24 =	simm.s32 $0x400;
	[sflag:s13] =	ssyncset.done $0x0  }
.LBB2_4:
0xaf: {  	s26 =	sshra.s32 s24, $0x2  }
0xb0: {  	[sflag:s13] =	ssyncadd.s32 $0xFFFFE000;
	s28 =	smov.u32 s25;
	s25 =	sadd.s32 $0x400, s25  }
0xb1: {  	p0 =	sne.s32 s25, $0xA000;
	v1 =	vld [tilespmem:s26+$0x80];
	_ =	sdelay $0x4  }
0xb2: {  	v1 =	vand.u32 $0xFFFF, v1  }
0xb3: {  	[tilespmem:$0x2880] =	vst v1  }
0xb4: {  	v1 =	vld [tilespmem:s26+$0x90];
	_ =	sdelay $0x4  }
0xb5: {  	v1 =	vand.u32 $0xFFFF, v1  }
0xb6: {  	[tilespmem:$0x2890] =	vst v1  }
0xb7: {  	v1 =	vld [tilespmem:s26+$0xA0];
	_ =	sdelay $0x4  }
0xb8: {  	v1 =	vand.u32 $0xFFFF, v1  }
0xb9: {  	[tilespmem:$0x28A0] =	vst v1  }
0xba: {  	v1 =	vld [tilespmem:s26+$0xB0];
	_ =	sdelay $0x4  }
0xbb: {  	v1 =	vand.u32 $0xFFFF, v1  }
0xbc: {  	[tilespmem:$0x28B0] =	vst v1  }
0xbd: {  	v1 =	vld [tilespmem:s26+$0xC0];
	_ =	sdelay $0x4  }
0xbe: {  	v1 =	vand.u32 $0xFFFF, v1  }
0xbf: {  	[tilespmem:$0x28C0] =	vst v1  }
0xc0: {  	v1 =	vld [tilespmem:s26+$0xD0];
	_ =	sdelay $0x4  }
0xc1: {  	v1 =	vand.u32 $0xFFFF, v1  }
0xc2: {  	[tilespmem:$0x28D0] =	vst v1  }
0xc3: {  	v1 =	vld [tilespmem:s26+$0xE0];
	_ =	sdelay $0x4  }
0xc4: {  	v1 =	vand.u32 $0xFFFF, v1  }
0xc5: {  	[tilespmem:$0x28E0] =	vst v1  }
0xc6: {  	v1 =	vld [tilespmem:s26+$0xF0];
	_ =	sdelay $0x4  }
0xc7: {  	v1 =	vand.u32 $0xFFFF, v1  }
0xc8: {  	[tilespmem:$0x28F0] =	vst v1  }
0xc9: {  	[tilespmem:s18], [sflag:$0x2] =	stream.indirect.gather [hbm4b:s1+s15], $0x40, s17, s15, $0xb8;
	[tilespmem:$0x10A00] =	vst v63  }
0xca: {  	_ =	swait.ge [sflag:s19], $0x2000  }
0xcb: {  	[sflag:s19] =	ssyncset.done $0x0  }
0xcc: {  	[sflag:s19] =	ssyncadd.s32 $0xFFFFE000  }
0xcd: {  	v1 =	vld [tilespmem:s26+$0x0];
	_ =	sdelay $0x4  }
0xce: {  	v1 =	vshra.s32 v1, $0x10  }
0xcf: {  	[tilespmem:$0x2900] =	vst v1  }
0xd0: {  	v1 =	vld [tilespmem:s26+$0x10];
	_ =	sdelay $0x4  }
0xd1: {  	v1 =	vshra.s32 v1, $0x10  }
0xd2: {  	[tilespmem:$0x2910] =	vst v1  }
0xd3: {  	v1 =	vld [tilespmem:s26+$0x20];
	_ =	sdelay $0x4  }
0xd4: {  	v1 =	vshra.s32 v1, $0x10  }
0xd5: {  	[tilespmem:$0x2920] =	vst v1  }
0xd6: {  	v1 =	vld [tilespmem:s26+$0x30];
	_ =	sdelay $0x4  }
0xd7: {  	v1 =	vshra.s32 v1, $0x10  }
0xd8: {  	[tilespmem:$0x2930] =	vst v1  }
0xd9: {  	v1 =	vld [tilespmem:s26+$0x40];
	_ =	sdelay $0x4  }
0xda: {  	v1 =	vshra.s32 v1, $0x10  }
0xdb: {  	[tilespmem:$0x2940] =	vst v1  }
0xdc: {  	v1 =	vld [tilespmem:s26+$0x50];
	_ =	sdelay $0x4  }
0xdd: {  	v1 =	vshra.s32 v1, $0x10  }
0xde: {  	[tilespmem:$0x2950] =	vst v1  }
0xdf: {  	v1 =	vld [tilespmem:s26+$0x60];
	_ =	sdelay $0x4  }
0xe0: {  	v1 =	vshra.s32 v1, $0x10  }
0xe1: {  	[tilespmem:$0x2960] =	vst v1  }
0xe2: {  	v1 =	vld [tilespmem:s26+$0x70];
	_ =	sdelay $0x4  }
0xe3: {  	v1 =	vshra.s32 v1, $0x10  }
0xe4: {  	[tilespmem:$0x2970] =	vst v1  }
0xe5: {  	[spmem:s3] =	stream.indirect.scatter.add.bf16 [tilespmem:s14], [sflag:$0x3], $0x40, s20, s15, $0xb8;
	[tilespmem:$0x10A00] =	vst v63  }
0xe6: {  	_ =	swait.ge [sflag:s13], $0x2000  }
0xe7: {  	p1 =	seq.s32 s24, $0x9C00;
	[sflag:s13] =	ssyncset.done $0x0  }
0xe8: {  	s29 =	sshra.s32 @!p1 s24, $0x2;
	s24 =	smov.u32 s28;
	[sflag:s13] =	ssyncadd.s32 $0xFFFFE000  }
0xe9: {  	v1 =	vld @!p1 [tilespmem:s29+$0x100];
	_ =	sdelay $0x4  }
0xea: {  	v1 =	vand.u32 @!p1 $0xFFFF, v1  }
0xeb: {  	[tilespmem:$0x2800] =	vst @!p1 v1  }
0xec: {  	v1 =	vld @!p1 [tilespmem:s29+$0x110];
	_ =	sdelay $0x4  }
0xed: {  	v1 =	vand.u32 @!p1 $0xFFFF, v1  }
0xee: {  	[tilespmem:$0x2810] =	vst @!p1 v1  }
0xef: {  	v1 =	vld @!p1 [tilespmem:s29+$0x120];
	_ =	sdelay $0x4  }
0xf0: {  	v1 =	vand.u32 @!p1 $0xFFFF, v1  }
0xf1: {  	[tilespmem:$0x2820] =	vst @!p1 v1  }
0xf2: {  	v1 =	vld @!p1 [tilespmem:s29+$0x130];
	_ =	sdelay $0x4  }
0xf3: {  	v1 =	vand.u32 @!p1 $0xFFFF, v1  }
0xf4: {  	[tilespmem:$0x2830] =	vst @!p1 v1  }
0xf5: {  	v1 =	vld @!p1 [tilespmem:s29+$0x140];
	_ =	sdelay $0x4  }
0xf6: {  	v1 =	vand.u32 @!p1 $0xFFFF, v1  }
0xf7: {  	[tilespmem:$0x2840] =	vst @!p1 v1  }
0xf8: {  	v1 =	vld @!p1 [tilespmem:s29+$0x150];
	_ =	sdelay $0x4  }
0xf9: {  	v1 =	vand.u32 @!p1 $0xFFFF, v1  }
0xfa: {  	[tilespmem:$0x2850] =	vst @!p1 v1  }
0xfb: {  	v1 =	vld @!p1 [tilespmem:s29+$0x160];
	_ =	sdelay $0x4  }
0xfc: {  	v1 =	vand.u32 @!p1 $0xFFFF, v1  }
0xfd: {  	[tilespmem:$0x2860] =	vst @!p1 v1  }
0xfe: {  	v1 =	vld @!p1 [tilespmem:s29+$0x170];
	_ =	sdelay $0x4  }
0xff: {  	v1 =	vand.u32 @!p1 $0xFFFF, v1  }
0x100: {  	s28 =	simm.s32 @!p1 $0x80;
	s30 =	simm.s32 @!p1 $0x2A00;
	s29 =	simm.s32 @!p1 $0x2800;
	[tilespmem:$0x2870] =	vst @!p1 v1  }
0x101: {  	[tilespmem:s30], [sflag:$0x1] =	stream.indirect.gather @!p1 [hbm4b:s1+s28], $0x40, s29, s28, $0xb8;
	[tilespmem:$0x10A00] =	vst v63  }
0x102: {  	_ =	swait.ge [sflag:s21], $0x2000  }
0x103: {  	[sflag:s21] =	ssyncset.done $0x0  }
0x104: {  	[sflag:s21] =	ssyncadd.s32 $0xFFFFE000  }
0x105: {  	v1 =	vld [tilespmem:s26+$0x80];
	_ =	sdelay $0x4  }
0x106: {  	v1 =	vshra.s32 v1, $0x10  }
0x107: {  	[tilespmem:$0x2980] =	vst v1  }
0x108: {  	v1 =	vld [tilespmem:s26+$0x90];
	_ =	sdelay $0x4  }
0x109: {  	v1 =	vshra.s32 v1, $0x10  }
0x10a: {  	[tilespmem:$0x2990] =	vst v1  }
0x10b: {  	v1 =	vld [tilespmem:s26+$0xA0];
	_ =	sdelay $0x4  }
0x10c: {  	v1 =	vshra.s32 v1, $0x10  }
0x10d: {  	[tilespmem:$0x29A0] =	vst v1  }
0x10e: {  	v1 =	vld [tilespmem:s26+$0xB0];
	_ =	sdelay $0x4  }
0x10f: {  	v1 =	vshra.s32 v1, $0x10  }
0x110: {  	[tilespmem:$0x29B0] =	vst v1  }
0x111: {  	v1 =	vld [tilespmem:s26+$0xC0];
	_ =	sdelay $0x4  }
0x112: {  	v1 =	vshra.s32 v1, $0x10  }
0x113: {  	[tilespmem:$0x29C0] =	vst v1  }
0x114: {  	v1 =	vld [tilespmem:s26+$0xD0];
	_ =	sdelay $0x4  }
0x115: {  	v1 =	vshra.s32 v1, $0x10  }
0x116: {  	[tilespmem:$0x29D0] =	vst v1  }
0x117: {  	v1 =	vld [tilespmem:s26+$0xE0];
	_ =	sdelay $0x4  }
0x118: {  	v1 =	vshra.s32 v1, $0x10  }
0x119: {  	[tilespmem:$0x29E0] =	vst v1  }
0x11a: {  	v1 =	vld [tilespmem:s26+$0xF0];
	_ =	sdelay $0x4  }
.Ltmp1:
0x11b: {  	v1 =	vshra.s32 v1, $0x10;
	(pc) =	sbr.rel @p0 .LBB2_4-.Ltmp1, $4  }
0x11c: {  	[tilespmem:$0x29F0] =	vst v1  }
0x11d: {  	[spmem:s3] =	stream.indirect.scatter.add.bf16 [tilespmem:s18], [sflag:$0x3], $0x40, s22, s15, $0xb8;
	[tilespmem:$0x10A00] =	vst v63  }
0x11e: {  	_ =	swait.ge [sflag:s13], $0x2000  }
0x11f: {  	[sflag:s13] =	ssyncset.done $0x0  }
0x120: {  	s25 =	sshra.s32 s24, $0x2;
	[sflag:s13] =	ssyncadd.s32 $0xFFFFE000  }
0x121: {  	v1 =	vld [tilespmem:s25+$0x80];
	_ =	sdelay $0x4  }
0x122: {  	v1 =	vand.u32 $0xFFFF, v1  }
0x123: {  	[tilespmem:$0x2880] =	vst v1  }
0x124: {  	v1 =	vld [tilespmem:s25+$0x90];
	_ =	sdelay $0x4  }
0x125: {  	v1 =	vand.u32 $0xFFFF, v1  }
0x126: {  	[tilespmem:$0x2890] =	vst v1  }
0x127: {  	v1 =	vld [tilespmem:s25+$0xA0];
	_ =	sdelay $0x4  }
0x128: {  	v1 =	vand.u32 $0xFFFF, v1  }
0x129: {  	[tilespmem:$0x28A0] =	vst v1  }
0x12a: {  	v1 =	vld [tilespmem:s25+$0xB0];
	_ =	sdelay $0x4  }
0x12b: {  	v1 =	vand.u32 $0xFFFF, v1  }
0x12c: {  	[tilespmem:$0x28B0] =	vst v1  }
0x12d: {  	v1 =	vld [tilespmem:s25+$0xC0];
	_ =	sdelay $0x4  }
0x12e: {  	v1 =	vand.u32 $0xFFFF, v1  }
0x12f: {  	[tilespmem:$0x28C0] =	vst v1  }
0x130: {  	v1 =	vld [tilespmem:s25+$0xD0];
	_ =	sdelay $0x4  }
0x131: {  	v1 =	vand.u32 $0xFFFF, v1  }
0x132: {  	[tilespmem:$0x28D0] =	vst v1  }
0x133: {  	v1 =	vld [tilespmem:s25+$0xE0];
	_ =	sdelay $0x4  }
0x134: {  	v1 =	vand.u32 $0xFFFF, v1  }
0x135: {  	[tilespmem:$0x28E0] =	vst v1  }
0x136: {  	v1 =	vld [tilespmem:s25+$0xF0];
	_ =	sdelay $0x4  }
0x137: {  	v1 =	vand.u32 $0xFFFF, v1  }
0x138: {  	[tilespmem:$0x28F0] =	vst v1  }
0x139: {  	[tilespmem:s18], [sflag:$0x2] =	stream.indirect.gather [hbm4b:s1+s15], $0x40, s17, s15, $0xb8;
	[tilespmem:$0x10A00] =	vst v63  }
0x13a: {  	_ =	swait.ge [sflag:s19], $0x2000  }
0x13b: {  	[sflag:s19] =	ssyncset.done $0x0  }
0x13c: {  	[sflag:s19] =	ssyncadd.s32 $0xFFFFE000  }
0x13d: {  	v1 =	vld [tilespmem:s25+$0x0];
	_ =	sdelay $0x4  }
0x13e: {  	v1 =	vshra.s32 v1, $0x10  }
0x13f: {  	[tilespmem:$0x2900] =	vst v1  }
0x140: {  	v1 =	vld [tilespmem:s25+$0x10];
	_ =	sdelay $0x4  }
0x141: {  	v1 =	vshra.s32 v1, $0x10  }
0x142: {  	[tilespmem:$0x2910] =	vst v1  }
0x143: {  	v1 =	vld [tilespmem:s25+$0x20];
	_ =	sdelay $0x4  }
0x144: {  	v1 =	vshra.s32 v1, $0x10  }
0x145: {  	[tilespmem:$0x2920] =	vst v1  }
0x146: {  	v1 =	vld [tilespmem:s25+$0x30];
	_ =	sdelay $0x4  }
0x147: {  	v1 =	vshra.s32 v1, $0x10  }
0x148: {  	[tilespmem:$0x2930] =	vst v1  }
0x149: {  	v1 =	vld [tilespmem:s25+$0x40];
	_ =	sdelay $0x4  }
0x14a: {  	v1 =	vshra.s32 v1, $0x10  }
0x14b: {  	[tilespmem:$0x2940] =	vst v1  }
0x14c: {  	v1 =	vld [tilespmem:s25+$0x50];
	_ =	sdelay $0x4  }
0x14d: {  	v1 =	vshra.s32 v1, $0x10  }
0x14e: {  	[tilespmem:$0x2950] =	vst v1  }
0x14f: {  	v1 =	vld [tilespmem:s25+$0x60];
	_ =	sdelay $0x4  }
0x150: {  	v1 =	vshra.s32 v1, $0x10  }
0x151: {  	[tilespmem:$0x2960] =	vst v1  }
0x152: {  	v1 =	vld [tilespmem:s25+$0x70];
	_ =	sdelay $0x4  }
0x153: {  	v1 =	vshra.s32 v1, $0x10  }
0x154: {  	[tilespmem:$0x2970] =	vst v1  }
0x155: {  	[spmem:s3] =	stream.indirect.scatter.add.bf16 [tilespmem:s14], [sflag:$0x3], $0x40, s20, s15, $0xb8;
	[tilespmem:$0x10A00] =	vst v63  }
0x156: {  	_ =	swait.ge [sflag:s13], $0x2000  }
0x157: {  	p0 =	seq.s32 s24, $0x9C00;
	[sflag:s13] =	ssyncset.done $0x0  }
0x158: {  	s24 =	sshra.s32 @!p0 s24, $0x2;
	[sflag:s13] =	ssyncadd.s32 $0xFFFFE000  }
0x159: {  	v1 =	vld @!p0 [tilespmem:s24+$0x100];
	_ =	sdelay $0x4  }
0x15a: {  	v1 =	vand.u32 @!p0 $0xFFFF, v1  }
0x15b: {  	[tilespmem:$0x2800] =	vst @!p0 v1  }
0x15c: {  	v1 =	vld @!p0 [tilespmem:s24+$0x110];
	_ =	sdelay $0x4  }
0x15d: {  	v1 =	vand.u32 @!p0 $0xFFFF, v1  }
0x15e: {  	[tilespmem:$0x2810] =	vst @!p0 v1  }
0x15f: {  	v1 =	vld @!p0 [tilespmem:s24+$0x120];
	_ =	sdelay $0x4  }
0x160: {  	v1 =	vand.u32 @!p0 $0xFFFF, v1  }
0x161: {  	[tilespmem:$0x2820] =	vst @!p0 v1  }
0x162: {  	v1 =	vld @!p0 [tilespmem:s24+$0x130];
	_ =	sdelay $0x4  }
0x163: {  	v1 =	vand.u32 @!p0 $0xFFFF, v1  }
0x164: {  	[tilespmem:$0x2830] =	vst @!p0 v1  }
0x165: {  	v1 =	vld @!p0 [tilespmem:s24+$0x140];
	_ =	sdelay $0x4  }
0x166: {  	v1 =	vand.u32 @!p0 $0xFFFF, v1  }
0x167: {  	[tilespmem:$0x2840] =	vst @!p0 v1  }
0x168: {  	v1 =	vld @!p0 [tilespmem:s24+$0x150];
	_ =	sdelay $0x4  }
0x169: {  	v1 =	vand.u32 @!p0 $0xFFFF, v1  }
0x16a: {  	[tilespmem:$0x2850] =	vst @!p0 v1  }
0x16b: {  	v1 =	vld @!p0 [tilespmem:s24+$0x160];
	_ =	sdelay $0x4  }
0x16c: {  	v1 =	vand.u32 @!p0 $0xFFFF, v1  }
0x16d: {  	[tilespmem:$0x2860] =	vst @!p0 v1  }
0x16e: {  	v1 =	vld @!p0 [tilespmem:s24+$0x170];
	_ =	sdelay $0x4  }
0x16f: {  	v1 =	vand.u32 @!p0 $0xFFFF, v1  }
0x170: {  	s26 =	simm.s32 @!p0 $0x2800;
	s28 =	simm.s32 @!p0 $0x2A00;
	s24 =	simm.s32 @!p0 $0x80;
	[tilespmem:$0x2870] =	vst @!p0 v1  }
0x171: {  	[tilespmem:s28], [sflag:$0x1] =	stream.indirect.gather @!p0 [hbm4b:s1+s24], $0x40, s26, s24, $0xb8;
	[tilespmem:$0x10A00] =	vst v63  }
0x172: {  	_ =	swait.ge [sflag:s21], $0x2000  }
0x173: {  	[sflag:s21] =	ssyncset.done $0x0  }
0x174: {  	[sflag:s21] =	ssyncadd.s32 $0xFFFFE000  }
0x175: {  	v1 =	vld [tilespmem:s25+$0x80];
	_ =	sdelay $0x4  }
0x176: {  	v1 =	vshra.s32 v1, $0x10  }
0x177: {  	[tilespmem:$0x2980] =	vst v1  }
0x178: {  	v1 =	vld [tilespmem:s25+$0x90];
	_ =	sdelay $0x4  }
0x179: {  	v1 =	vshra.s32 v1, $0x10  }
0x17a: {  	[tilespmem:$0x2990] =	vst v1  }
0x17b: {  	v1 =	vld [tilespmem:s25+$0xA0];
	_ =	sdelay $0x4  }
0x17c: {  	v1 =	vshra.s32 v1, $0x10  }
0x17d: {  	[tilespmem:$0x29A0] =	vst v1  }
0x17e: {  	v1 =	vld [tilespmem:s25+$0xB0];
	_ =	sdelay $0x4  }
0x17f: {  	v1 =	vshra.s32 v1, $0x10  }
0x180: {  	[tilespmem:$0x29B0] =	vst v1  }
0x181: {  	v1 =	vld [tilespmem:s25+$0xC0];
	_ =	sdelay $0x4  }
0x182: {  	v1 =	vshra.s32 v1, $0x10  }
0x183: {  	[tilespmem:$0x29C0] =	vst v1  }
0x184: {  	v1 =	vld [tilespmem:s25+$0xD0];
	_ =	sdelay $0x4  }
0x185: {  	v1 =	vshra.s32 v1, $0x10  }
0x186: {  	[tilespmem:$0x29D0] =	vst v1  }
0x187: {  	v1 =	vld [tilespmem:s25+$0xE0];
	_ =	sdelay $0x4  }
0x188: {  	v1 =	vshra.s32 v1, $0x10  }
0x189: {  	[tilespmem:$0x29E0] =	vst v1  }
0x18a: {  	v1 =	vld [tilespmem:s25+$0xF0];
	_ =	sdelay $0x4  }
0x18b: {  	v1 =	vshra.s32 v1, $0x10  }
0x18c: {  	[tilespmem:$0x29F0] =	vst v1  }
0x18d: {  	[spmem:s3] =	stream.indirect.scatter.add.bf16 [tilespmem:s18], [sflag:$0x3], $0x40, s22, s15, $0xb8;
	[tilespmem:$0x10A00] =	vst v63  }
0x18e: {  	_ =	swait.ge [sflag:s13], $0x2000  }
0x18f: {  	s30 =	sshll.u32 s2, $0x6;
	s23 =	sadd.s32 $0x1, s23;
	[sflag:s13] =	ssyncset.done $0x0  }
0x190: {  	s31 =	sshrl.u32 s6, $0x3;
	p0 =	sne.s32 s23, s12;
	[sflag:s13] =	ssyncadd.s32 $0xFFFFE000  }
.Ltmp2:
0x191: {  	s24 =	sor.u32 $0x1C03, s30;
	[bflag:$0x0] =	sbarrier.arrive $0xFFFF;
	(pc) =	sbr.rel @p0 .LBB2_1-.Ltmp2, $4  }
0x192: {  	[hbm:s11], [sflag:s24] =	dma.local [spmem:s31], $0x1400  }
0x193: {  	_ =	swait.ge [sflag:s13], $0x1400  }
0x194: {  	[sflag:s13] =	ssyncset.done $0x0  }
0x195: {  	[sflag:s13] =	ssyncadd.s32 $0xFFFFEC00  }
0x196: {  	_ =	sfence.sel $0x180000  }
0x197: {  	[bflag:$0x0] =	sbarrier.arrive $0xFFFF  }
0x198: {  	p0 =	sne.s32 s2, $0x0;
	_ =	strace $0x9000004D  }
0x199: {  	s0 =	sadd.s32 @!p0 $0x100000, s0;
	[bflag:$0x2] =	sbarrier.arrive $0xFFFF  }
0x19a: {  	[sflag:s0] =	ssyncadd.tile.s32 @!p0 $0x1;
	_ =	shalt  }
.Lfunc_end2:
_tile_overlayer_lowered:
.L_overlay_start_2:
0x19b: {  	(tag) =	ssettag $0x2  }
0x19c: {  	s0 =	rddreg [dreg:$0x0];
	s2 =	stileid.u32  }
0x19d: {  	s1 =	rddreg [dreg:$0x1];
	p0 =	sne.s32 s2, $0x0  }
0x19e: {  	s3 =	rddreg [dreg:$0x2];
	[bflag:$0x3] =	sbarrier.arrive $0xFFFF;
	s2 =	simm.s32 @!p0 $0x1C03  }
0x19f: {  	[timem:s3], [sflag:s2] =	dma.local @!p0 [hbm:s0], s1  }
0x1a0: {  	s0 =	simm.s32 @!p0 $0x3  }
0x1a1: {  	_ =	swait.ge @!p0 [sflag:s0], s1  }
0x1a2: {  	s1 =	ssub.s32 @!p0 $0x0, s1;
	[sflag:s0] =	ssyncset.done @!p0 $0x0  }
0x1a3: {  	[sflag:s0] =	ssyncadd.s32 @!p0 s1  }
0x1a4: {  	[bflag:$0x3] =	sbarrier.arrive $0xFFFF  }
0x1a5: {  	_ =	shalt  }

// kernel: kernel.19.cloned.1.call-start
scs
__scs_entry_jumppad:
0x0: {  	(pc) =	sbr.rel $0x88, $3  }
0x1: {  	(tag) =	ssettag $0x0;
	lr =	simm.s32 $0x1  }
0x2: {  	[smem:$0x3F96] =	sst lr;
	_ =	strace $0xD0000000  }
0x3: {  	_ = 	snop  }
0x4: {  	_ = 	snop  }
0x5: {  	_ = 	snop  }
0x6: {  	_ = 	snop  }
0x7: {  	_ = 	snop  }
__scs_overlays_trampoline_lowered:
0x8: {  	[smem:$0x3FA5] =	sst s0  }
0x9: {  	[smem:$0x3FA6] =	sst s1  }
0xa: {  	[smem:$0x3FA7] =	sst s2  }
0xb: {  	[smem:$0x3FA8] =	sst s3  }
0xc: {  	[smem:$0x3FA9] =	sst s4  }
0xd: {  	[smem:$0x3FAA] =	sst s5  }
0xe: {  	[smem:$0x3FAB] =	sst s6  }
0xf: {  	[smem:$0x3FAC] =	sst s7  }
0x10: {  	[smem:$0x3FAD] =	sst s8  }
0x11: {  	[smem:$0x3FAE] =	sst s9;
	s0 =	simm.s32 @!p0 $0x0  }
0x12: {  	s1 =	sld [smem:$0x3F94];
	s0 =	simm.s32 @p0 $0x1  }
0x13: {  	[smem:$0x3FAF] =	sst s0;
	s0 =	simm.s32 @!p1 $0x0  }
0x14: {  	s2 =	sld [smem:$0x3F93];
	s0 =	simm.s32 @p1 $0x1  }
0x15: {  	[smem:$0x3FB0] =	sst s0;
	s0 =	simm.s32 @!p2 $0x0  }
0x16: {  	s3 =	sld [smem:$0x3FDB];
	s0 =	simm.s32 @p2 $0x1  }
0x17: {  	s4 =	simm.s32 $0x1BF5;
	[smem:$0x3FB2] =	sst s0  }
0x18: {  	s0 =	sld [smem:$0x3F95];
	_ =	swait.ge [sflag:s4], $0x0  }
0x19: {  	s7 =	sld [smem:$0x3F96]  }
0x1a: {  	s8 =	sadd.s32 $0xFFFFE003, lr  }
0x1b: {  	s9 =	sadd.s32 $0xFFFFFEF7, lr;
	s5 =	simm.s32 $0xFFFFFFFF;
	p2 =	slt.u32 s8, $0xFFFFF086  }
0x1c: {  	p1 =	slt.u32 s9, $0xF7A;
	s5 =	simm.s32 @!p2 $0x0  }
0x1d: {  	s5 =	simm.s32 @p1 $0x1;
	p0 =	seq.s32 s7, s2  }
0x1e: {  	s7 =	smul.u32 @!p0 $0xF7A, s2;
	p2 =	seq.s32 @!p0 s5, $0x0  }
0x1f: {  	s9 =	smul.u32 $0xF7A, s1;
	s8 =	simm.s32 @!p0 $0x1BF5;
	p2 =	por !p2, p0  }
0x20: {  	[sflag:s8] =	ssyncset.s32 @!p0 $0xFFFFF086;
	s6 =	sadd.s32 @!p0 s3, s7;
	s7 =	simm.s32 @!p0 $0x108  }
0x21: {  	s3 =	sadd.s32 s3, s9;
	s6 =	sadd.s32 @!p0 $0x88, s6;
	s7 =	simm.s32 @p2 $0x1082  }
0x22: {  	[simem:s7], [sflag:s8] =	dma.local @!p0 [hbm:s6], $0xF7A  }
0x23: {  	s9 =	sor.u32 $0xD0000000, s2;
	s6 =	simm.s32 $0x108;
	_ =	swait.ge @!p0 [sflag:s8], $0x0  }
0x24: {  	s3 =	sadd.s32 $0x88, s3;
	s6 =	simm.s32 @!p1 $0x1082;
	[sflag:s4] =	ssyncset.s32 $0xFFFFF086  }
0x25: {  	[simem:s6], [sflag:s4] =	dma.local [hbm:s3], $0xF7A  }
0x26: {  	[smem:$0x3F96] =	sst s1;
	(tag) =	ssettag s2;
	_ =	strace s9  }
0x27: {  	s1 =	sld [smem:$0x3FA6]  }
0x28: {  	s2 =	sld [smem:$0x3FA7]  }
0x29: {  	s4 =	sld [smem:$0x3FA9]  }
0x2a: {  	p0 =	seq.s32 s5, $0x0;
	s5 =	sld [smem:$0x3FAA]  }
0x2b: {  	s6 =	sld [smem:$0x3FAB]  }
0x2c: {  	s7 =	sld [smem:$0x3FAC]  }
0x2d: {  	s3 =	simm.s32 $0x108;
	s8 =	sld [smem:$0x3FAD]  }
0x2e: {  	s3 =	simm.s32 @!p0 $0x1082;
	s9 =	sld [smem:$0x3FAE]  }
0x2f: {  	lr =	sadd.s32 s0, s3;
	s0 =	sld [smem:$0x3FA5]  }
0x30: {  	s3 =	sld [smem:$0x3FA8]  }
0x31: {  	[smem:$0x3FB1] =	sst s10  }
0x32: {  	s10 =	sld [smem:$0x3FAF];
	_ =	sdelay $0x3  }
0x33: {  	p0 =	seq.s32 s10, $0x1;
	s10 =	sld [smem:$0x3FB1];
	_ =	sdelay $0x3  }
0x34: {  	[smem:$0x3FB1] =	sst s10  }
0x35: {  	s10 =	sld [smem:$0x3FB0];
	_ =	sdelay $0x3  }
0x36: {  	p1 =	seq.s32 s10, $0x1;
	s10 =	sld [smem:$0x3FB1];
	_ =	sdelay $0x3  }
0x37: {  	[smem:$0x3FB1] =	sst s10  }
0x38: {  	s10 =	sld [smem:$0x3FB2]  }
0x39: {  	_ = 	snop;
	(pc) =	sbr.ind lr, $3  }
0x3a: {  	_ = 	snop  }
0x3b: {  	_ = 	snop  }
0x3c: {  	p2 =	seq.s32 s10, $0x1;
	s10 =	sld [smem:$0x3FB1]  }
0x3d: {  	_ =	shalt  }
0x3e: {  	_ =	shalt  }
0x3f: {  	_ =	shalt  }
0x40: {  	_ =	shalt  }
0x41: {  	_ =	shalt  }
0x42: {  	_ =	shalt  }
0x43: {  	_ =	shalt  }
0x44: {  	_ =	shalt  }
0x45: {  	_ =	shalt  }
0x46: {  	_ =	shalt  }
0x47: {  	_ =	shalt  }
0x48: {  	_ =	shalt  }
0x49: {  	_ =	shalt  }
0x4a: {  	_ =	shalt  }
0x4b: {  	_ =	shalt  }
0x4c: {  	_ =	shalt  }
0x4d: {  	_ =	shalt  }
0x4e: {  	_ =	shalt  }
0x4f: {  	_ =	shalt  }
0x50: {  	_ =	shalt  }
0x51: {  	_ =	shalt  }
0x52: {  	_ =	shalt  }
0x53: {  	_ =	shalt  }
0x54: {  	_ =	shalt  }
0x55: {  	_ =	shalt  }
0x56: {  	_ =	shalt  }
0x57: {  	_ =	shalt  }
0x58: {  	_ =	shalt  }
0x59: {  	_ =	shalt  }
0x5a: {  	_ =	shalt  }
0x5b: {  	_ =	shalt  }
0x5c: {  	_ =	shalt  }
0x5d: {  	_ =	shalt  }
0x5e: {  	_ =	shalt  }
0x5f: {  	_ =	shalt  }
0x60: {  	_ =	shalt  }
0x61: {  	_ =	shalt  }
0x62: {  	_ =	shalt  }
0x63: {  	_ =	shalt  }
0x64: {  	_ =	shalt  }
0x65: {  	_ =	shalt  }
0x66: {  	_ =	shalt  }
0x67: {  	_ =	shalt  }
0x68: {  	_ =	shalt  }
0x69: {  	_ =	shalt  }
0x6a: {  	_ =	shalt  }
0x6b: {  	_ =	shalt  }
0x6c: {  	_ =	shalt  }
0x6d: {  	_ =	shalt  }
0x6e: {  	_ =	shalt  }
0x6f: {  	_ =	shalt  }
0x70: {  	_ =	shalt  }
0x71: {  	_ =	shalt  }
0x72: {  	_ =	shalt  }
0x73: {  	_ =	shalt  }
0x74: {  	_ =	shalt  }
0x75: {  	_ =	shalt  }
0x76: {  	_ =	shalt  }
0x77: {  	_ =	shalt  }
0x78: {  	_ =	shalt  }
0x79: {  	_ =	shalt  }
0x7a: {  	_ =	shalt  }
0x7b: {  	_ =	shalt  }
0x7c: {  	_ =	shalt  }
0x7d: {  	_ =	shalt  }
0x7e: {  	_ =	shalt  }
0x7f: {  	_ =	shalt  }
0x80: {  	_ =	shalt  }
0x81: {  	_ =	shalt  }
0x82: {  	_ =	shalt  }
0x83: {  	_ =	shalt  }
0x84: {  	_ =	shalt  }
0x85: {  	_ =	shalt  }
0x86: {  	_ =	shalt  }
0x87: {  	_ =	shalt  }
.Lfunc_end0:
.L_simem_size_0:
called_computation.3_lowered:
.L_overlay_start_0:
0x88: {  	s2 =	sld [smem:$0x3FD9]  }
0x89: {  	s3 =	sld [smem:$0x3FFE];
	_ =	sdelay $0x1  }
0x8a: {  	s1 =	srdreg.scid  }
0x8b: {  	s0 =	sand.u32 $0x1, s1  }
0x8c: {  	s17 =	sshll.u32 s0, $0xA;
	s2 =	sadd.s32 s3, s2  }
0x8d: {  	s2 =	sadd.s32 s2, s17  }
0x8e: {  	[smem:$0x3FBD] =	sst s2  }
0x8f: {  	_ = 	snop  }
0x90: {  	s2 =	sld [smem:$0x3FD0];
	(tm) =	ssettm $0x1  }
0x91: {  	s18 =	sld [smem:$0x3FFB];
	_ =	sdelay $0x3  }
0x92: {  	_ =	strace s18  }
0x93: {  	s3 =	sld [smem:$0x3FFC];
	_ =	sdelay $0x3  }
0x94: {  	_ =	strace s3  }
0x95: {  	s3 =	sld [smem:$0x3FFD];
	_ =	sdelay $0x3  }
0x96: {  	_ =	strace s3  }
0x97: {  	_ =	strace $0x8FFFFFFF  }
0x98: {  	s19 =	sld [smem:$0x3FDB];
	_ =	sdelay $0x1  }
0x99: {  	s4 =	simm.s32 $_scs_section_size  }
0x9a: {  	s5 =	simm.s32 $_size__tile_overlayer_lowered;
	s6 =	simm.s32 $_tile_overlayer_lowered  }
0x9b: {  	s22 =	simm.s32 $0x1BFF;
	s21 =	sshll.u32 s6, $0x1;
	s3 =	sadd.s32 s4, s19  }
0x9c: {  	s7 =	simm.s32 $0x0;
	s20 =	sshll.u32 s5, $0x1;
	s5 =	sadd.s32 s21, s3  }
0x9d: {  	[timem:s7], [sflag:s22] =	dma.local [hbm:s5], s20  }
0x9e: {  	_ =	swait.ge [sflag:s22], s20  }
0x9f: {  	s4 =	ssub.s32 $0x0, s20;
	[sflag:s22] =	ssyncset.done $0x0  }
0xa0: {  	[sflag:s22] =	ssyncadd.s32 s4;
	_ =	sdelay $0x1  }
0xa1: {  	s23 =	simm.s32 $0x1B8B  }
0xa2: {  	_ =	swait.ge [sflag:s23], $0x1  }
0xa3: {  	[sflag:s23] =	ssyncset.done $0x0  }
0xa4: {  	s25 =	simm.s32 $0x1B8E;
	s24 =	sld [smem:$0x3FFE];
	[sflag:s23] =	ssyncadd.s32 $0xFFFFFFFF  }
0xa5: {  	s26 =	simm.s32 $execute0_lowered;
	[smem:$0x3FD2] =	sst s25  }
0xa6: {  	s5 =	sshll.u32 s26, $0x1;
	_ =	strace $0x8000004F;
	[dreg:$0x1] =	wrdreg $0xFFFFFFFF  }
0xa7: {  	s28 =	simm.s32 $_size_execute0_lowered;
	s3 =	sadd.s32 s3, s5;
	[dreg:$0x0] =	wrdreg $0x0  }
0xa8: {  	s5 =	sshll.u32 s28, $0x1;
	[dreg:$0x2] =	wrdreg s3  }
0xa9: {  	[dreg:$0x3] =	wrdreg s5  }
0xaa: {  	[dreg:$0x4] =	wrdreg $0xC0  }
0xab: {  	_ =	task [dreg:s7], $0x5FFFF  }
0xac: {  	[dreg:$0x1] =	wrdreg $0xFFFFFFFF  }
0xad: {  	[dreg:$0x0] =	wrdreg $0x60  }
0xae: {  	[dreg:$0x2] =	wrdreg s2  }
0xaf: {  	[dreg:$0x3] =	wrdreg s24  }
0xb0: {  	[dreg:$0x4] =	wrdreg $0x6A000  }
0xb1: {  	[dreg:$0x5] =	wrdreg $0x9  }
0xb2: {  	_ =	task.clear_ibuf [dreg:s7], $0x6FFFF;
	_ =	strace $0x9000004F  }
0xb3: {  	s29 =	simm.s32 $0x9;
	_ =	strace $0x80000051  }
0xb4: {  	_ =	swait.ge [sflag:s29], $0x1  }
0xb5: {  	[sflag:s29] =	ssyncadd.s32 $0xFFFFFFFF  }
0xb6: {  	_ =	strace $0x90000051  }
0xb7: {  	_ =	sfence  }
0xb8: {  	s30 =	sld [smem:$0x0];
	_ =	sdelay $0x2  }
0xb9: {  	s31 =	sshll.u32 s1, $0xD;
	s1 =	sshrl.u32 s1, $0x2  }
0xba: {  	s3 =	sand.u32 $0x4000, s31;
	s1 =	sadd.s32 s1, s30  }
0xbb: {  	s0 =	sor.u32 s3, s0;
	s1 =	sshll.u32 s1, $0x11  }
0xbc: {  	s0 =	sor.u32 s1, s0  }
0xbd: {  	s0 =	sadd.s32 $0x8F2B, s0  }
0xbe: {  	[sflag:s0] =	ssyncadd.remote.s32 $0x1  }
0xbf: {  	_ =	sfence.sel $0xFFFF  }
0xc0: {  	[dreg:$0x0] =	wrdreg $0xFFFFFFFF;
	(pc) =	sbr.abs _section_cstart, $3  }
0xc1: {  	[dreg:$0x1] =	wrdreg $0xFFFFFFFF  }
0xc2: {  	_ =	task.clear_ibuf [dreg:s7], $0x2FFFF;
	_ =	strace $0x9FFFFFFF  }
0xc3: {  	(tm) =	ssettm $0x7FFFFFFF  }
tec
execute0_lowered:
.L_overlay_start_1:
0x0: {  	(tag) =	ssettag $0x1  }
0x1: {  	s1 =	rddreg [dreg:$0x0]  }
0x2: {  	s5 =	rddreg [dreg:$0x1]  }
0x3: {  	s3 =	rddreg [dreg:$0x2];
	s4 =	srdreg.scid  }
0x4: {  	s0 =	rddreg [dreg:$0x3];
	s2 =	stileid.u32  }
0x5: {  	s14 =	simm.s32 $0x2A00;
	s15 =	simm.s32 $0x80;
	s16 =	simm.s32 $0x2800  }
0x6: {  	s17 =	simm.s32 $0x2880;
	s18 =	simm.s32 $0x4A00;
	s19 =	simm.s32 $0x1  }
0x7: {  	s20 =	simm.s32 $0x2900;
	s21 =	simm.s32 $0x2;
	s22 =	simm.s32 $0x2980  }
0x8: {  	s23 =	simm.s32 $0x0;
	s6 =	sand.u32 $0x1, s4;
	s8 =	smul.u32 $0x14000, s2  }
0x9: {  	s4 =	simm.s32 $0x0;
	s10 =	smul.u32 $0x28000, s2;
	s7 =	sshll.u32 s6, $0x4  }
0xa: {  	[smem:$0x7FF] =	sst s4;
	s9 =	smul.u32 $0x140000, s6;
	s6 =	ssub.s32 $0x2, s6  }
0xb: {  	s7 =	sor.u32 s2, s7;
	_ =	strace $0x80000050;
	s11 =	sshrl.u32 s6, $0x1  }
0xc: {  	s30 =	sshrl.u32 s10, $0x2;
	s31 =	sshrl.u32 s8, $0x1;
	s7 =	smul.u32 $0x500, s7  }
0xd: {  	s9 =	sadd.s32 s8, s9;
	s13 =	ssub.s32 s6, s11;
	s10 =	sadd.s32 s30, s3  }
0xe: {  	s6 =	sadd.s32 s31, s3;
	s9 =	sshrl.u32 s9, $0x4;
	s8 =	sadd.s32 $0x4000, s10  }
0xf: {  	s7 =	sadd.s32 s7, s5;
	s12 =	sadd.s32 s9, s5;
	s9 =	sadd.s32 $0x6000, s10  }
0x10: {  	s5 =	sadd.s32 $0x3000, s7;
	s7 =	sadd.s32 $0x2000, s10;
	s10 =	sadd.s32 $0x8000, s10  }
0x11: {  	v0 =	vimm.bf16 $0.0e+00;
	s11 =	sadd.s32 $0xD000, s12;
	s12 =	smax.u32 s13, $0x1;
	s13 =	simm.s32 $0x3  }
.LBB2_1:
0x12: {  	[tilespmem:s4], [sflag:$0x3] =	stream.linear.gather [hbm4b:s5+s4], $0x2800, $0x38;
	[tilespmem:$0x10A00] =	vst v63  }
0x13: {  	_ =	swait.ge [sflag:s13], $0x2800  }
0x14: {  	s25 =	sand.u32 $0x7FC0, s4;
	[sflag:s13] =	ssyncset.done $0x0  }
0x15: {  	s24 =	simm.s32 $0x40;
	s25 =	sshrl.u32 s25, $0x2;
	[sflag:s13] =	ssyncadd.s32 $0xFFFFD800  }
.LBB2_2:
0x16: {  	p0 =	sne.s32 s24, $0x7FC0;
	[tilespmem:s25+$0x2A00] =	vst v0;
	s25 =	smov.u32 s24;
	s24 =	sadd.s32 $0x40, s24  }
.Ltmp0:
0x17: {  	(pc) =	sbr.rel @p0 .LBB2_2-.Ltmp0, $3  }
0x18: {  	_ =	sdelay $0x1  }
0x19: {  	s25 =	sand.u32 $0x7FC0, s25  }
0x1a: {  	s25 =	sshrl.u32 s25, $0x2  }
0x1b: {  	[tilespmem:s25+$0x2A00] =	vst v0  }
0x1c: {  	[spmem:s6] =	stream.linear.scatter [tilespmem:s14], [sflag:$0x3], $0x2000, $0x38;
	[tilespmem:$0x10A00] =	vst v63  }
0x1d: {  	_ =	swait.ge [sflag:s13], $0x2000  }
0x1e: {  	[sflag:s13] =	ssyncset.done $0x0  }
0x1f: {  	[sflag:s13] =	ssyncadd.s32 $0xFFFFE000  }
0x20: {  	[spmem:s7] =	stream.linear.scatter [tilespmem:s14], [sflag:$0x3], $0x2000, $0x38;
	[tilespmem:$0x10A00] =	vst v63  }
0x21: {  	_ =	swait.ge [sflag:s13], $0x2000  }
0x22: {  	[sflag:s13] =	ssyncset.done $0x0  }
0x23: {  	[sflag:s13] =	ssyncadd.s32 $0xFFFFE000  }
0x24: {  	[spmem:s8] =	stream.linear.scatter [tilespmem:s14], [sflag:$0x3], $0x2000, $0x38;
	[tilespmem:$0x10A00] =	vst v63  }
0x25: {  	_ =	swait.ge [sflag:s13], $0x2000  }
0x26: {  	[sflag:s13] =	ssyncset.done $0x0  }
0x27: {  	[sflag:s13] =	ssyncadd.s32 $0xFFFFE000  }
0x28: {  	[spmem:s9] =	stream.linear.scatter [tilespmem:s14], [sflag:$0x3], $0x2000, $0x38;
	[tilespmem:$0x10A00] =	vst v63  }
0x29: {  	_ =	swait.ge [sflag:s13], $0x2000  }
0x2a: {  	[sflag:s13] =	ssyncset.done $0x0  }
0x2b: {  	[sflag:s13] =	ssyncadd.s32 $0xFFFFE000  }
0x2c: {  	[spmem:s10] =	stream.linear.scatter [tilespmem:s14], [sflag:$0x3], $0x2000, $0x38;
	[tilespmem:$0x10A00] =	vst v63  }
0x2d: {  	_ =	swait.ge [sflag:s13], $0x2000  }
0x2e: {  	[sflag:s13] =	ssyncset.done $0x0  }
0x2f: {  	[sflag:s13] =	ssyncadd.s32 $0xFFFFE000  }
0x30: {  	[bflag:$0x0] =	sbarrier.arrive $0xFFFF  }
0x31: {  	v1 =	vld [tilespmem:$0x0]  }
0x32: {  	v2 =	vld [tilespmem:$0x10]  }
0x33: {  	v3 =	vld [tilespmem:$0x20]  }
0x34: {  	v4 =	vld [tilespmem:$0x30]  }
0x35: {  	v5 =	vld [tilespmem:$0x40]  }
0x36: {  	v6 =	vld [tilespmem:$0x50];
	v1 =	vand.u32 $0xFFFF, v1  }
0x37: {  	[tilespmem:$0x2800] =	vst v1;
	v1 =	vand.u32 $0xFFFF, v2;
	v2 =	vld [tilespmem:$0x60]  }
0x38: {  	[tilespmem:$0x2810] =	vst v1;
	v1 =	vand.u32 $0xFFFF, v3;
	v3 =	vld [tilespmem:$0x70]  }
0x39: {  	[tilespmem:$0x2820] =	vst v1;
	v1 =	vand.u32 $0xFFFF, v4  }
0x3a: {  	[tilespmem:$0x2830] =	vst v1;
	v1 =	vand.u32 $0xFFFF, v5  }
0x3b: {  	[tilespmem:$0x2840] =	vst v1;
	v1 =	vand.u32 $0xFFFF, v6  }
0x3c: {  	[tilespmem:$0x2850] =	vst v1;
	v1 =	vand.u32 $0xFFFF, v2  }
0x3d: {  	[tilespmem:$0x2860] =	vst v1;
	v1 =	vand.u32 $0xFFFF, v3  }
0x3e: {  	s24 =	simm.s32 $0x0;
	[tilespmem:$0x2870] =	vst v1  }
0x3f: {  	[tilespmem:s14], [sflag:$0x1] =	stream.indirect.gather [hbm4b:s1+s15], $0x40, s16, s15, $0xb8;
	[tilespmem:$0x10A00] =	vst v63  }
0x40: {  	v1 =	vld [tilespmem:s24+$0x80];
	_ =	sdelay $0x4  }
0x41: {  	v1 =	vand.u32 $0xFFFF, v1  }
0x42: {  	[tilespmem:$0x2880] =	vst v1  }
0x43: {  	v1 =	vld [tilespmem:s24+$0x90];
	_ =	sdelay $0x4  }
0x44: {  	v1 =	vand.u32 $0xFFFF, v1  }
0x45: {  	[tilespmem:$0x2890] =	vst v1  }
0x46: {  	v1 =	vld [tilespmem:s24+$0xA0];
	_ =	sdelay $0x4  }
0x47: {  	v1 =	vand.u32 $0xFFFF, v1  }
0x48: {  	[tilespmem:$0x28A0] =	vst v1  }
0x49: {  	v1 =	vld [tilespmem:s24+$0xB0];
	_ =	sdelay $0x4  }
0x4a: {  	v1 =	vand.u32 $0xFFFF, v1  }
0x4b: {  	[tilespmem:$0x28B0] =	vst v1  }
0x4c: {  	v1 =	vld [tilespmem:s24+$0xC0];
	_ =	sdelay $0x4  }
0x4d: {  	v1 =	vand.u32 $0xFFFF, v1  }
0x4e: {  	[tilespmem:$0x28C0] =	vst v1  }
0x4f: {  	v1 =	vld [tilespmem:s24+$0xD0];
	_ =	sdelay $0x4  }
0x50: {  	v1 =	vand.u32 $0xFFFF, v1  }
0x51: {  	[tilespmem:$0x28D0] =	vst v1  }
0x52: {  	v1 =	vld [tilespmem:s24+$0xE0];
	_ =	sdelay $0x4  }
0x53: {  	v1 =	vand.u32 $0xFFFF, v1  }
0x54: {  	[tilespmem:$0x28E0] =	vst v1  }
0x55: {  	v1 =	vld [tilespmem:s24+$0xF0];
	_ =	sdelay $0x4  }
0x56: {  	v1 =	vand.u32 $0xFFFF, v1  }
0x57: {  	[tilespmem:$0x28F0] =	vst v1  }
0x58: {  	[tilespmem:s18], [sflag:$0x2] =	stream.indirect.gather [hbm4b:s1+s15], $0x40, s17, s15, $0xb8;
	[tilespmem:$0x10A00] =	vst v63  }
0x59: {  	_ =	swait.ge [sflag:s19], $0x2000  }
0x5a: {  	[sflag:s19] =	ssyncset.done $0x0  }
0x5b: {  	[sflag:s19] =	ssyncadd.s32 $0xFFFFE000  }
0x5c: {  	v1 =	vld [tilespmem:s24+$0x0];
	_ =	sdelay $0x4  }
0x5d: {  	v1 =	vshra.s32 v1, $0x10  }
0x5e: {  	[tilespmem:$0x2900] =	vst v1  }
0x5f: {  	v1 =	vld [tilespmem:s24+$0x10];
	_ =	sdelay $0x4  }
0x60: {  	v1 =	vshra.s32 v1, $0x10  }
0x61: {  	[tilespmem:$0x2910] =	vst v1  }
0x62: {  	v1 =	vld [tilespmem:s24+$0x20];
	_ =	sdelay $0x4  }
0x63: {  	v1 =	vshra.s32 v1, $0x10  }
0x64: {  	[tilespmem:$0x2920] =	vst v1  }
0x65: {  	v1 =	vld [tilespmem:s24+$0x30];
	_ =	sdelay $0x4  }
0x66: {  	v1 =	vshra.s32 v1, $0x10  }
0x67: {  	[tilespmem:$0x2930] =	vst v1  }
0x68: {  	v1 =	vld [tilespmem:s24+$0x40];
	_ =	sdelay $0x4  }
0x69: {  	v1 =	vshra.s32 v1, $0x10  }
0x6a: {  	[tilespmem:$0x2940] =	vst v1  }
0x6b: {  	v1 =	vld [tilespmem:s24+$0x50];
	_ =	sdelay $0x4  }
0x6c: {  	v1 =	vshra.s32 v1, $0x10  }
0x6d: {  	[tilespmem:$0x2950] =	vst v1  }
0x6e: {  	v1 =	vld [tilespmem:s24+$0x60];
	_ =	sdelay $0x4  }
0x6f: {  	v1 =	vshra.s32 v1, $0x10  }
0x70: {  	[tilespmem:$0x2960] =	vst v1  }
0x71: {  	v1 =	vld [tilespmem:s24+$0x70];
	_ =	sdelay $0x4  }
0x72: {  	v1 =	vshra.s32 v1, $0x10  }
0x73: {  	[tilespmem:$0x2970] =	vst v1  }
0x74: {  	[spmem:s3] =	stream.indirect.scatter.add.bf16 [tilespmem:s14], [sflag:$0x3], $0x40, s20, s15, $0xb8;
	[tilespmem:$0x10A00] =	vst v63  }
0x75: {  	_ =	swait.ge [sflag:s13], $0x2000  }
0x76: {  	p0 =	por $0x0, $0x0;
	[sflag:s13] =	ssyncset.done $0x0  }
0x77: {  	s25 =	simm.s32 @!p0 $0x0;
	[sflag:s13] =	ssyncadd.s32 $0xFFFFE000  }
0x78: {  	v1 =	vld @!p0 [tilespmem:s25+$0x100];
	_ =	sdelay $0x4  }
0x79: {  	v1 =	vand.u32 @!p0 $0xFFFF, v1  }
0x7a: {  	[tilespmem:$0x2800] =	vst @!p0 v1  }
0x7b: {  	v1 =	vld @!p0 [tilespmem:s25+$0x110];
	_ =	sdelay $0x4  }
0x7c: {  	v1 =	vand.u32 @!p0 $0xFFFF, v1  }
0x7d: {  	[tilespmem:$0x2810] =	vst @!p0 v1  }
0x7e: {  	v1 =	vld @!p0 [tilespmem:s25+$0x120];
	_ =	sdelay $0x4  }
0x7f: {  	v1 =	vand.u32 @!p0 $0xFFFF, v1  }
0x80: {  	[tilespmem:$0x2820] =	vst @!p0 v1  }
0x81: {  	v1 =	vld @!p0 [tilespmem:s25+$0x130];
	_ =	sdelay $0x4  }
0x82: {  	v1 =	vand.u32 @!p0 $0xFFFF, v1  }
0x83: {  	[tilespmem:$0x2830] =	vst @!p0 v1  }
0x84: {  	v1 =	vld @!p0 [tilespmem:s25+$0x140];
	_ =	sdelay $0x4  }
0x85: {  	v1 =	vand.u32 @!p0 $0xFFFF, v1  }
0x86: {  	[tilespmem:$0x2840] =	vst @!p0 v1  }
0x87: {  	v1 =	vld @!p0 [tilespmem:s25+$0x150];
	_ =	sdelay $0x4  }
0x88: {  	v1 =	vand.u32 @!p0 $0xFFFF, v1  }
0x89: {  	[tilespmem:$0x2850] =	vst @!p0 v1  }
0x8a: {  	v1 =	vld @!p0 [tilespmem:s25+$0x160];
	_ =	sdelay $0x4  }
0x8b: {  	v1 =	vand.u32 @!p0 $0xFFFF, v1  }
0x8c: {  	[tilespmem:$0x2860] =	vst @!p0 v1  }
0x8d: {  	v1 =	vld @!p0 [tilespmem:s25+$0x170];
	_ =	sdelay $0x4  }
0x8e: {  	v1 =	vand.u32 @!p0 $0xFFFF, v1  }
0x8f: {  	s26 =	simm.s32 @!p0 $0x2800;
	s28 =	simm.s32 @!p0 $0x2A00;
	s25 =	simm.s32 @!p0 $0x80;
	[tilespmem:$0x2870] =	vst @!p0 v1  }
0x90: {  	[tilespmem:s28], [sflag:$0x1] =	stream.indirect.gather @!p0 [hbm4b:s1+s25], $0x40, s26, s25, $0xb8;
	[tilespmem:$0x10A00] =	vst v63  }
0x91: {  	_ =	swait.ge [sflag:s21], $0x2000  }
0x92: {  	[sflag:s21] =	ssyncset.done $0x0  }
0x93: {  	[sflag:s21] =	ssyncadd.s32 $0xFFFFE000  }
0x94: {  	v1 =	vld [tilespmem:s24+$0x80];
	_ =	sdelay $0x4  }
0x95: {  	v1 =	vshra.s32 v1, $0x10  }
0x96: {  	[tilespmem:$0x2980] =	vst v1  }
0x97: {  	v1 =	vld [tilespmem:s24+$0x90];
	_ =	sdelay $0x4  }
0x98: {  	v1 =	vshra.s32 v1, $0x10  }
0x99: {  	[tilespmem:$0x2990] =	vst v1  }
0x9a: {  	v1 =	vld [tilespmem:s24+$0xA0];
	_ =	sdelay $0x4  }
0x9b: {  	v1 =	vshra.s32 v1, $0x10  }
0x9c: {  	[tilespmem:$0x29A0] =	vst v1  }
0x9d: {  	v1 =	vld [tilespmem:s24+$0xB0];
	_ =	sdelay $0x4  }
0x9e: {  	v1 =	vshra.s32 v1, $0x10  }
0x9f: {  	[tilespmem:$0x29B0] =	vst v1  }
0xa0: {  	v1 =	vld [tilespmem:s24+$0xC0];
	_ =	sdelay $0x4  }
0xa1: {  	v1 =	vshra.s32 v1, $0x10  }
0xa2: {  	[tilespmem:$0x29C0] =	vst v1  }
0xa3: {  	v1 =	vld [tilespmem:s24+$0xD0];
	_ =	sdelay $0x4  }
0xa4: {  	v1 =	vshra.s32 v1, $0x10  }
0xa5: {  	[tilespmem:$0x29D0] =	vst v1  }
0xa6: {  	v1 =	vld [tilespmem:s24+$0xE0];
	_ =	sdelay $0x4  }
0xa7: {  	v1 =	vshra.s32 v1, $0x10  }
0xa8: {  	[tilespmem:$0x29E0] =	vst v1  }
0xa9: {  	v1 =	vld [tilespmem:s24+$0xF0];
	_ =	sdelay $0x4  }
0xaa: {  	v1 =	vshra.s32 v1, $0x10  }
0xab: {  	[tilespmem:$0x29F0] =	vst v1  }
0xac: {  	[spmem:s3] =	stream.indirect.scatter.add.bf16 [tilespmem:s18], [sflag:$0x3], $0x40, s22, s15, $0xb8;
	[tilespmem:$0x10A00] =	vst v63  }
0xad: {  	_ =	swait.ge [sflag:s13], $0x2000  }
0xae: {  	s25 =	simm.s32 $0x800;
	s24 =	simm.s32 $0x400;
	[sflag:s13] =	ssyncset.done $0x0  }
.LBB2_4:
0xaf: {  	s26 =	sshra.s32 s24, $0x2  }
0xb0: {  	[sflag:s13] =	ssyncadd.s32 $0xFFFFE000;
	s28 =	smov.u32 s25;
	s25 =	sadd.s32 $0x400, s25  }
0xb1: {  	p0 =	sne.s32 s25, $0xA000;
	v1 =	vld [tilespmem:s26+$0x80];
	_ =	sdelay $0x4  }
0xb2: {  	v1 =	vand.u32 $0xFFFF, v1  }
0xb3: {  	[tilespmem:$0x2880] =	vst v1  }
0xb4: {  	v1 =	vld [tilespmem:s26+$0x90];
	_ =	sdelay $0x4  }
0xb5: {  	v1 =	vand.u32 $0xFFFF, v1  }
0xb6: {  	[tilespmem:$0x2890] =	vst v1  }
0xb7: {  	v1 =	vld [tilespmem:s26+$0xA0];
	_ =	sdelay $0x4  }
0xb8: {  	v1 =	vand.u32 $0xFFFF, v1  }
0xb9: {  	[tilespmem:$0x28A0] =	vst v1  }
0xba: {  	v1 =	vld [tilespmem:s26+$0xB0];
	_ =	sdelay $0x4  }
0xbb: {  	v1 =	vand.u32 $0xFFFF, v1  }
0xbc: {  	[tilespmem:$0x28B0] =	vst v1  }
0xbd: {  	v1 =	vld [tilespmem:s26+$0xC0];
	_ =	sdelay $0x4  }
0xbe: {  	v1 =	vand.u32 $0xFFFF, v1  }
0xbf: {  	[tilespmem:$0x28C0] =	vst v1  }
0xc0: {  	v1 =	vld [tilespmem:s26+$0xD0];
	_ =	sdelay $0x4  }
0xc1: {  	v1 =	vand.u32 $0xFFFF, v1  }
0xc2: {  	[tilespmem:$0x28D0] =	vst v1  }
0xc3: {  	v1 =	vld [tilespmem:s26+$0xE0];
	_ =	sdelay $0x4  }
0xc4: {  	v1 =	vand.u32 $0xFFFF, v1  }
0xc5: {  	[tilespmem:$0x28E0] =	vst v1  }
0xc6: {  	v1 =	vld [tilespmem:s26+$0xF0];
	_ =	sdelay $0x4  }
0xc7: {  	v1 =	vand.u32 $0xFFFF, v1  }
0xc8: {  	[tilespmem:$0x28F0] =	vst v1  }
0xc9: {  	[tilespmem:s18], [sflag:$0x2] =	stream.indirect.gather [hbm4b:s1+s15], $0x40, s17, s15, $0xb8;
	[tilespmem:$0x10A00] =	vst v63  }
0xca: {  	_ =	swait.ge [sflag:s19], $0x2000  }
0xcb: {  	[sflag:s19] =	ssyncset.done $0x0  }
0xcc: {  	[sflag:s19] =	ssyncadd.s32 $0xFFFFE000  }
0xcd: {  	v1 =	vld [tilespmem:s26+$0x0];
	_ =	sdelay $0x4  }
0xce: {  	v1 =	vshra.s32 v1, $0x10  }
0xcf: {  	[tilespmem:$0x2900] =	vst v1  }
0xd0: {  	v1 =	vld [tilespmem:s26+$0x10];
	_ =	sdelay $0x4  }
0xd1: {  	v1 =	vshra.s32 v1, $0x10  }
0xd2: {  	[tilespmem:$0x2910] =	vst v1  }
0xd3: {  	v1 =	vld [tilespmem:s26+$0x20];
	_ =	sdelay $0x4  }
0xd4: {  	v1 =	vshra.s32 v1, $0x10  }
0xd5: {  	[tilespmem:$0x2920] =	vst v1  }
0xd6: {  	v1 =	vld [tilespmem:s26+$0x30];
	_ =	sdelay $0x4  }
0xd7: {  	v1 =	vshra.s32 v1, $0x10  }
0xd8: {  	[tilespmem:$0x2930] =	vst v1  }
0xd9: {  	v1 =	vld [tilespmem:s26+$0x40];
	_ =	sdelay $0x4  }
0xda: {  	v1 =	vshra.s32 v1, $0x10  }
0xdb: {  	[tilespmem:$0x2940] =	vst v1  }
0xdc: {  	v1 =	vld [tilespmem:s26+$0x50];
	_ =	sdelay $0x4  }
0xdd: {  	v1 =	vshra.s32 v1, $0x10  }
0xde: {  	[tilespmem:$0x2950] =	vst v1  }
0xdf: {  	v1 =	vld [tilespmem:s26+$0x60];
	_ =	sdelay $0x4  }
0xe0: {  	v1 =	vshra.s32 v1, $0x10  }
0xe1: {  	[tilespmem:$0x2960] =	vst v1  }
0xe2: {  	v1 =	vld [tilespmem:s26+$0x70];
	_ =	sdelay $0x4  }
0xe3: {  	v1 =	vshra.s32 v1, $0x10  }
0xe4: {  	[tilespmem:$0x2970] =	vst v1  }
0xe5: {  	[spmem:s3] =	stream.indirect.scatter.add.bf16 [tilespmem:s14], [sflag:$0x3], $0x40, s20, s15, $0xb8;
	[tilespmem:$0x10A00] =	vst v63  }
0xe6: {  	_ =	swait.ge [sflag:s13], $0x2000  }
0xe7: {  	p1 =	seq.s32 s24, $0x9C00;
	[sflag:s13] =	ssyncset.done $0x0  }
0xe8: {  	s29 =	sshra.s32 @!p1 s24, $0x2;
	s24 =	smov.u32 s28;
	[sflag:s13] =	ssyncadd.s32 $0xFFFFE000  }
0xe9: {  	v1 =	vld @!p1 [tilespmem:s29+$0x100];
	_ =	sdelay $0x4  }
0xea: {  	v1 =	vand.u32 @!p1 $0xFFFF, v1  }
0xeb: {  	[tilespmem:$0x2800] =	vst @!p1 v1  }
0xec: {  	v1 =	vld @!p1 [tilespmem:s29+$0x110];
	_ =	sdelay $0x4  }
0xed: {  	v1 =	vand.u32 @!p1 $0xFFFF, v1  }
0xee: {  	[tilespmem:$0x2810] =	vst @!p1 v1  }
0xef: {  	v1 =	vld @!p1 [tilespmem:s29+$0x120];
	_ =	sdelay $0x4  }
0xf0: {  	v1 =	vand.u32 @!p1 $0xFFFF, v1  }
0xf1: {  	[tilespmem:$0x2820] =	vst @!p1 v1  }
0xf2: {  	v1 =	vld @!p1 [tilespmem:s29+$0x130];
	_ =	sdelay $0x4  }
0xf3: {  	v1 =	vand.u32 @!p1 $0xFFFF, v1  }
0xf4: {  	[tilespmem:$0x2830] =	vst @!p1 v1  }
0xf5: {  	v1 =	vld @!p1 [tilespmem:s29+$0x140];
	_ =	sdelay $0x4  }
0xf6: {  	v1 =	vand.u32 @!p1 $0xFFFF, v1  }
0xf7: {  	[tilespmem:$0x2840] =	vst @!p1 v1  }
0xf8: {  	v1 =	vld @!p1 [tilespmem:s29+$0x150];
	_ =	sdelay $0x4  }
0xf9: {  	v1 =	vand.u32 @!p1 $0xFFFF, v1  }
0xfa: {  	[tilespmem:$0x2850] =	vst @!p1 v1  }
0xfb: {  	v1 =	vld @!p1 [tilespmem:s29+$0x160];
	_ =	sdelay $0x4  }
0xfc: {  	v1 =	vand.u32 @!p1 $0xFFFF, v1  }
0xfd: {  	[tilespmem:$0x2860] =	vst @!p1 v1  }
0xfe: {  	v1 =	vld @!p1 [tilespmem:s29+$0x170];
	_ =	sdelay $0x4  }
0xff: {  	v1 =	vand.u32 @!p1 $0xFFFF, v1  }
0x100: {  	s28 =	simm.s32 @!p1 $0x80;
	s30 =	simm.s32 @!p1 $0x2A00;
	s29 =	simm.s32 @!p1 $0x2800;
	[tilespmem:$0x2870] =	vst @!p1 v1  }
0x101: {  	[tilespmem:s30], [sflag:$0x1] =	stream.indirect.gather @!p1 [hbm4b:s1+s28], $0x40, s29, s28, $0xb8;
	[tilespmem:$0x10A00] =	vst v63  }
0x102: {  	_ =	swait.ge [sflag:s21], $0x2000  }
0x103: {  	[sflag:s21] =	ssyncset.done $0x0  }
0x104: {  	[sflag:s21] =	ssyncadd.s32 $0xFFFFE000  }
0x105: {  	v1 =	vld [tilespmem:s26+$0x80];
	_ =	sdelay $0x4  }
0x106: {  	v1 =	vshra.s32 v1, $0x10  }
0x107: {  	[tilespmem:$0x2980] =	vst v1  }
0x108: {  	v1 =	vld [tilespmem:s26+$0x90];
	_ =	sdelay $0x4  }
0x109: {  	v1 =	vshra.s32 v1, $0x10  }
0x10a: {  	[tilespmem:$0x2990] =	vst v1  }
0x10b: {  	v1 =	vld [tilespmem:s26+$0xA0];
	_ =	sdelay $0x4  }
0x10c: {  	v1 =	vshra.s32 v1, $0x10  }
0x10d: {  	[tilespmem:$0x29A0] =	vst v1  }
0x10e: {  	v1 =	vld [tilespmem:s26+$0xB0];
	_ =	sdelay $0x4  }
0x10f: {  	v1 =	vshra.s32 v1, $0x10  }
0x110: {  	[tilespmem:$0x29B0] =	vst v1  }
0x111: {  	v1 =	vld [tilespmem:s26+$0xC0];
	_ =	sdelay $0x4  }
0x112: {  	v1 =	vshra.s32 v1, $0x10  }
0x113: {  	[tilespmem:$0x29C0] =	vst v1  }
0x114: {  	v1 =	vld [tilespmem:s26+$0xD0];
	_ =	sdelay $0x4  }
0x115: {  	v1 =	vshra.s32 v1, $0x10  }
0x116: {  	[tilespmem:$0x29D0] =	vst v1  }
0x117: {  	v1 =	vld [tilespmem:s26+$0xE0];
	_ =	sdelay $0x4  }
0x118: {  	v1 =	vshra.s32 v1, $0x10  }
0x119: {  	[tilespmem:$0x29E0] =	vst v1  }
0x11a: {  	v1 =	vld [tilespmem:s26+$0xF0];
	_ =	sdelay $0x4  }
.Ltmp1:
0x11b: {  	v1 =	vshra.s32 v1, $0x10;
	(pc) =	sbr.rel @p0 .LBB2_4-.Ltmp1, $4  }
0x11c: {  	[tilespmem:$0x29F0] =	vst v1  }
0x11d: {  	[spmem:s3] =	stream.indirect.scatter.add.bf16 [tilespmem:s18], [sflag:$0x3], $0x40, s22, s15, $0xb8;
	[tilespmem:$0x10A00] =	vst v63  }
0x11e: {  	_ =	swait.ge [sflag:s13], $0x2000  }
0x11f: {  	[sflag:s13] =	ssyncset.done $0x0  }
0x120: {  	s25 =	sshra.s32 s24, $0x2;
	[sflag:s13] =	ssyncadd.s32 $0xFFFFE000  }
0x121: {  	v1 =	vld [tilespmem:s25+$0x80];
	_ =	sdelay $0x4  }
0x122: {  	v1 =	vand.u32 $0xFFFF, v1  }
0x123: {  	[tilespmem:$0x2880] =	vst v1  }
0x124: {  	v1 =	vld [tilespmem:s25+$0x90];
	_ =	sdelay $0x4  }
0x125: {  	v1 =	vand.u32 $0xFFFF, v1  }
0x126: {  	[tilespmem:$0x2890] =	vst v1  }
0x127: {  	v1 =	vld [tilespmem:s25+$0xA0];
	_ =	sdelay $0x4  }
0x128: {  	v1 =	vand.u32 $0xFFFF, v1  }
0x129: {  	[tilespmem:$0x28A0] =	vst v1  }
0x12a: {  	v1 =	vld [tilespmem:s25+$0xB0];
	_ =	sdelay $0x4  }
0x12b: {  	v1 =	vand.u32 $0xFFFF, v1  }
0x12c: {  	[tilespmem:$0x28B0] =	vst v1  }
0x12d: {  	v1 =	vld [tilespmem:s25+$0xC0];
	_ =	sdelay $0x4  }
0x12e: {  	v1 =	vand.u32 $0xFFFF, v1  }
0x12f: {  	[tilespmem:$0x28C0] =	vst v1  }
0x130: {  	v1 =	vld [tilespmem:s25+$0xD0];
	_ =	sdelay $0x4  }
0x131: {  	v1 =	vand.u32 $0xFFFF, v1  }
0x132: {  	[tilespmem:$0x28D0] =	vst v1  }
0x133: {  	v1 =	vld [tilespmem:s25+$0xE0];
	_ =	sdelay $0x4  }
0x134: {  	v1 =	vand.u32 $0xFFFF, v1  }
0x135: {  	[tilespmem:$0x28E0] =	vst v1  }
0x136: {  	v1 =	vld [tilespmem:s25+$0xF0];
	_ =	sdelay $0x4  }
0x137: {  	v1 =	vand.u32 $0xFFFF, v1  }
0x138: {  	[tilespmem:$0x28F0] =	vst v1  }
0x139: {  	[tilespmem:s18], [sflag:$0x2] =	stream.indirect.gather [hbm4b:s1+s15], $0x40, s17, s15, $0xb8;
	[tilespmem:$0x10A00] =	vst v63  }
0x13a: {  	_ =	swait.ge [sflag:s19], $0x2000  }
0x13b: {  	[sflag:s19] =	ssyncset.done $0x0  }
0x13c: {  	[sflag:s19] =	ssyncadd.s32 $0xFFFFE000  }
0x13d: {  	v1 =	vld [tilespmem:s25+$0x0];
	_ =	sdelay $0x4  }
0x13e: {  	v1 =	vshra.s32 v1, $0x10  }
0x13f: {  	[tilespmem:$0x2900] =	vst v1  }
0x140: {  	v1 =	vld [tilespmem:s25+$0x10];
	_ =	sdelay $0x4  }
0x141: {  	v1 =	vshra.s32 v1, $0x10  }
0x142: {  	[tilespmem:$0x2910] =	vst v1  }
0x143: {  	v1 =	vld [tilespmem:s25+$0x20];
	_ =	sdelay $0x4  }
0x144: {  	v1 =	vshra.s32 v1, $0x10  }
0x145: {  	[tilespmem:$0x2920] =	vst v1  }
0x146: {  	v1 =	vld [tilespmem:s25+$0x30];
	_ =	sdelay $0x4  }
0x147: {  	v1 =	vshra.s32 v1, $0x10  }
0x148: {  	[tilespmem:$0x2930] =	vst v1  }
0x149: {  	v1 =	vld [tilespmem:s25+$0x40];
	_ =	sdelay $0x4  }
0x14a: {  	v1 =	vshra.s32 v1, $0x10  }
0x14b: {  	[tilespmem:$0x2940] =	vst v1  }
0x14c: {  	v1 =	vld [tilespmem:s25+$0x50];
	_ =	sdelay $0x4  }
0x14d: {  	v1 =	vshra.s32 v1, $0x10  }
0x14e: {  	[tilespmem:$0x2950] =	vst v1  }
0x14f: {  	v1 =	vld [tilespmem:s25+$0x60];
	_ =	sdelay $0x4  }
0x150: {  	v1 =	vshra.s32 v1, $0x10  }
0x151: {  	[tilespmem:$0x2960] =	vst v1  }
0x152: {  	v1 =	vld [tilespmem:s25+$0x70];
	_ =	sdelay $0x4  }
0x153: {  	v1 =	vshra.s32 v1, $0x10  }
0x154: {  	[tilespmem:$0x2970] =	vst v1  }
0x155: {  	[spmem:s3] =	stream.indirect.scatter.add.bf16 [tilespmem:s14], [sflag:$0x3], $0x40, s20, s15, $0xb8;
	[tilespmem:$0x10A00] =	vst v63  }
0x156: {  	_ =	swait.ge [sflag:s13], $0x2000  }
0x157: {  	p0 =	seq.s32 s24, $0x9C00;
	[sflag:s13] =	ssyncset.done $0x0  }
0x158: {  	s24 =	sshra.s32 @!p0 s24, $0x2;
	[sflag:s13] =	ssyncadd.s32 $0xFFFFE000  }
0x159: {  	v1 =	vld @!p0 [tilespmem:s24+$0x100];
	_ =	sdelay $0x4  }
0x15a: {  	v1 =	vand.u32 @!p0 $0xFFFF, v1  }
0x15b: {  	[tilespmem:$0x2800] =	vst @!p0 v1  }
0x15c: {  	v1 =	vld @!p0 [tilespmem:s24+$0x110];
	_ =	sdelay $0x4  }
0x15d: {  	v1 =	vand.u32 @!p0 $0xFFFF, v1  }
0x15e: {  	[tilespmem:$0x2810] =	vst @!p0 v1  }
0x15f: {  	v1 =	vld @!p0 [tilespmem:s24+$0x120];
	_ =	sdelay $0x4  }
0x160: {  	v1 =	vand.u32 @!p0 $0xFFFF, v1  }
0x161: {  	[tilespmem:$0x2820] =	vst @!p0 v1  }
0x162: {  	v1 =	vld @!p0 [tilespmem:s24+$0x130];
	_ =	sdelay $0x4  }
0x163: {  	v1 =	vand.u32 @!p0 $0xFFFF, v1  }
0x164: {  	[tilespmem:$0x2830] =	vst @!p0 v1  }
0x165: {  	v1 =	vld @!p0 [tilespmem:s24+$0x140];
	_ =	sdelay $0x4  }
0x166: {  	v1 =	vand.u32 @!p0 $0xFFFF, v1  }
0x167: {  	[tilespmem:$0x2840] =	vst @!p0 v1  }
0x168: {  	v1 =	vld @!p0 [tilespmem:s24+$0x150];
	_ =	sdelay $0x4  }
0x169: {  	v1 =	vand.u32 @!p0 $0xFFFF, v1  }
0x16a: {  	[tilespmem:$0x2850] =	vst @!p0 v1  }
0x16b: {  	v1 =	vld @!p0 [tilespmem:s24+$0x160];
	_ =	sdelay $0x4  }
0x16c: {  	v1 =	vand.u32 @!p0 $0xFFFF, v1  }
0x16d: {  	[tilespmem:$0x2860] =	vst @!p0 v1  }
0x16e: {  	v1 =	vld @!p0 [tilespmem:s24+$0x170];
	_ =	sdelay $0x4  }
0x16f: {  	v1 =	vand.u32 @!p0 $0xFFFF, v1  }
0x170: {  	s26 =	simm.s32 @!p0 $0x2800;
	s28 =	simm.s32 @!p0 $0x2A00;
	s24 =	simm.s32 @!p0 $0x80;
	[tilespmem:$0x2870] =	vst @!p0 v1  }
0x171: {  	[tilespmem:s28], [sflag:$0x1] =	stream.indirect.gather @!p0 [hbm4b:s1+s24], $0x40, s26, s24, $0xb8;
	[tilespmem:$0x10A00] =	vst v63  }
0x172: {  	_ =	swait.ge [sflag:s21], $0x2000  }
0x173: {  	[sflag:s21] =	ssyncset.done $0x0  }
0x174: {  	[sflag:s21] =	ssyncadd.s32 $0xFFFFE000  }
0x175: {  	v1 =	vld [tilespmem:s25+$0x80];
	_ =	sdelay $0x4  }
0x176: {  	v1 =	vshra.s32 v1, $0x10  }
0x177: {  	[tilespmem:$0x2980] =	vst v1  }
0x178: {  	v1 =	vld [tilespmem:s25+$0x90];
	_ =	sdelay $0x4  }
0x179: {  	v1 =	vshra.s32 v1, $0x10  }
0x17a: {  	[tilespmem:$0x2990] =	vst v1  }
0x17b: {  	v1 =	vld [tilespmem:s25+$0xA0];
	_ =	sdelay $0x4  }
0x17c: {  	v1 =	vshra.s32 v1, $0x10  }
0x17d: {  	[tilespmem:$0x29A0] =	vst v1  }
0x17e: {  	v1 =	vld [tilespmem:s25+$0xB0];
	_ =	sdelay $0x4  }
0x17f: {  	v1 =	vshra.s32 v1, $0x10  }
0x180: {  	[tilespmem:$0x29B0] =	vst v1  }
0x181: {  	v1 =	vld [tilespmem:s25+$0xC0];
	_ =	sdelay $0x4  }
0x182: {  	v1 =	vshra.s32 v1, $0x10  }
0x183: {  	[tilespmem:$0x29C0] =	vst v1  }
0x184: {  	v1 =	vld [tilespmem:s25+$0xD0];
	_ =	sdelay $0x4  }
0x185: {  	v1 =	vshra.s32 v1, $0x10  }
0x186: {  	[tilespmem:$0x29D0] =	vst v1  }
0x187: {  	v1 =	vld [tilespmem:s25+$0xE0];
	_ =	sdelay $0x4  }
0x188: {  	v1 =	vshra.s32 v1, $0x10  }
0x189: {  	[tilespmem:$0x29E0] =	vst v1  }
0x18a: {  	v1 =	vld [tilespmem:s25+$0xF0];
	_ =	sdelay $0x4  }
0x18b: {  	v1 =	vshra.s32 v1, $0x10  }
0x18c: {  	[tilespmem:$0x29F0] =	vst v1  }
0x18d: {  	[spmem:s3] =	stream.indirect.scatter.add.bf16 [tilespmem:s18], [sflag:$0x3], $0x40, s22, s15, $0xb8;
	[tilespmem:$0x10A00] =	vst v63  }
0x18e: {  	_ =	swait.ge [sflag:s13], $0x2000  }
0x18f: {  	s30 =	sshll.u32 s2, $0x6;
	s23 =	sadd.s32 $0x1, s23;
	[sflag:s13] =	ssyncset.done $0x0  }
0x190: {  	s31 =	sshrl.u32 s6, $0x3;
	p0 =	sne.s32 s23, s12;
	[sflag:s13] =	ssyncadd.s32 $0xFFFFE000  }
.Ltmp2:
0x191: {  	s24 =	sor.u32 $0x1C03, s30;
	[bflag:$0x0] =	sbarrier.arrive $0xFFFF;
	(pc) =	sbr.rel @p0 .LBB2_1-.Ltmp2, $4  }
0x192: {  	[hbm:s11], [sflag:s24] =	dma.local [spmem:s31], $0x1400  }
0x193: {  	_ =	swait.ge [sflag:s13], $0x1400  }
0x194: {  	[sflag:s13] =	ssyncset.done $0x0  }
0x195: {  	[sflag:s13] =	ssyncadd.s32 $0xFFFFEC00  }
0x196: {  	_ =	sfence.sel $0x180000  }
0x197: {  	[bflag:$0x0] =	sbarrier.arrive $0xFFFF  }
0x198: {  	p0 =	sne.s32 s2, $0x0;
	_ =	strace $0x90000050  }
0x199: {  	s0 =	sadd.s32 @!p0 $0x100000, s0;
	[bflag:$0x2] =	sbarrier.arrive $0xFFFF  }
0x19a: {  	[sflag:s0] =	ssyncadd.tile.s32 @!p0 $0x1;
	_ =	shalt  }
.Lfunc_end2:
_tile_overlayer_lowered:
.L_overlay_start_2:
0x19b: {  	(tag) =	ssettag $0x2  }
0x19c: {  	s0 =	rddreg [dreg:$0x0];
	s2 =	stileid.u32  }
0x19d: {  	s1 =	rddreg [dreg:$0x1];
	p0 =	sne.s32 s2, $0x0  }
0x19e: {  	s3 =	rddreg [dreg:$0x2];
	[bflag:$0x3] =	sbarrier.arrive $0xFFFF;
	s2 =	simm.s32 @!p0 $0x1C03  }
0x19f: {  	[timem:s3], [sflag:s2] =	dma.local @!p0 [hbm:s0], s1  }
0x1a0: {  	s0 =	simm.s32 @!p0 $0x3  }
0x1a1: {  	_ =	swait.ge @!p0 [sflag:s0], s1  }
0x1a2: {  	s1 =	ssub.s32 @!p0 $0x0, s1;
	[sflag:s0] =	ssyncset.done @!p0 $0x0  }
0x1a3: {  	[sflag:s0] =	ssyncadd.s32 @!p0 s1  }
0x1a4: {  	[bflag:$0x3] =	sbarrier.arrive $0xFFFF  }
0x1a5: {  	_ =	shalt  }

</sc_bundles>
